<compile_context>
chip_gen: v7x
topology: tpu7x:2x2x1
jax: 0.10.2.dev20260603
libtpu: 0.0.44.dev20260713+nightly
codegen_flags: <defaults>
</compile_context>

<pallas_src>
import functools

import jax
import jax.numpy as jnp
from jax import lax
from jax.experimental import pallas as pl
from jax.experimental.pallas import tpu as pltpu
from jax.experimental.pallas import tpu_sc as plsc

N = 10000
NE = 5000
NNZ = 320000
D = 128
DEG_E = 0.5
DEG_V = 0.0625

NC = 2
NS = 16
NW = NC * NS
K = 125
PH = 5
PCH = 16
PHA = 2
PCHA = 40
NE_PAD = 8192
ROWS_B = NE_PAD // NW
ZROWS_A = NE_PAD // NS
N_PAD = 10240
ZROWS_C = N_PAD // NS
CROWS = NE_PAD // D

_mesh = plsc.VectorSubcoreMesh(
    core_axis_name="c", subcore_axis_name="s", num_cores=NC, num_subcores=NS)
_params = pltpu.CompilerParams(needs_layout_passes=False)


@functools.partial(
    pl.kernel,
    out_type=(
        jax.ShapeDtypeStruct((NC, NE_PAD, D), jnp.float32),
        jax.ShapeDtypeStruct((NC, CROWS, D), jnp.float32),
    ),
    mesh=_mesh,
    scratch_types=[
        pltpu.VMEM_SHARED((NE_PAD, D), jnp.float32),
        pltpu.VMEM_SHARED((CROWS, D), jnp.float32),
        pltpu.VMEM((PCHA, K), jnp.int32),
        pltpu.VMEM((PCHA, K), jnp.int32),
        pltpu.VMEM((K, D), jnp.float32),
        pltpu.VMEM((K, D), jnp.float32),
        pltpu.VMEM((CROWS, D), jnp.float32),
        pltpu.VMEM((CROWS,), jnp.int32),
        pltpu.SemaphoreType.DMA,
        pltpu.SemaphoreType.DMA,
        pltpu.SemaphoreType.DMA,
        pltpu.SemaphoreType.DMA,
    ],
    compiler_params=_params,
)
def _edge_accum(x_hbm, v_hbm, e_hbm, z_hbm, out_hbm, cnt_hbm,
                acc, acc_cnt, vidx, eidx, rows_a, rows_b, cnt2, idx_id,
                sem_ga, sem_gb, sem_sa, sem_sb):
    c = lax.axis_index("c")
    s = lax.axis_index("s")
    wid = c * NS + s
    pltpu.sync_copy(v_hbm.at[wid, 0], vidx)
    pltpu.sync_copy(e_hbm.at[wid, 0], eidx)
    pltpu.async_copy(x_hbm.at[vidx.at[0]], rows_a, sem_ga)
    pltpu.sync_copy(z_hbm.at[pl.ds(s * ZROWS_A, ZROWS_A)],
                    acc.at[pl.ds(s * ZROWS_A, ZROWS_A)])
    pltpu.sync_copy(z_hbm.at[pl.ds(0, CROWS)], cnt2)

    @pl.when(s == 0)
    def _():
        pltpu.sync_copy(z_hbm.at[pl.ds(0, CROWS)], acc_cnt)

    def init_idx(g, carry):
        idx_id[pl.ds(g * 16, 16)] = lax.iota(jnp.int32, 16) + g * 16
        return carry

    lax.fori_loop(0, CROWS // 16, init_idx, 0)
    plsc.subcore_barrier()

    ones16 = jnp.ones((16,), jnp.float32)
    tail_mask = lax.iota(jnp.int32, 16) >= (16 - K % 16)

    def count(g):
        for j in range(K // 16):
            ids = eidx[g, pl.ds(j * 16, 16)]
            plsc.addupdate_scatter(cnt2, [ids >> 7, ids & 127], ones16)
        ids = eidx[g, pl.ds(K - 16, 16)]
        plsc.addupdate_scatter(cnt2, [ids >> 7, ids & 127], ones16, mask=tail_mask)

    def phase(p, carry):
        @pl.when(p > 0)
        def _():
            pltpu.sync_copy(v_hbm.at[wid, p], vidx)
            pltpu.sync_copy(e_hbm.at[wid, p], eidx)
            pltpu.async_copy(x_hbm.at[vidx.at[0]], rows_a, sem_ga)

        def pair(t, carry2):
            ga = 2 * t
            gb = 2 * t + 1
            pltpu.make_async_copy(x_hbm.at[vidx.at[ga]], rows_a, sem_ga).wait()

            @pl.when(t > 0)
            def _():
                pltpu.make_async_copy(rows_b, acc.at[eidx.at[ga]], sem_sb).wait()

            pltpu.async_copy(x_hbm.at[vidx.at[gb]], rows_b, sem_gb)
            pltpu.async_copy(rows_a, acc.at[eidx.at[ga]], sem_sa, add=True)
            count(ga)
            pltpu.make_async_copy(x_hbm.at[vidx.at[gb]], rows_b, sem_gb).wait()
            pltpu.make_async_copy(rows_a, acc.at[eidx.at[ga]], sem_sa).wait()
            nxt = jnp.minimum(gb + 1, PCHA - 1)

            @pl.when(gb + 1 < PCHA)
            def _():
                pltpu.async_copy(x_hbm.at[vidx.at[nxt]], rows_a, sem_ga)

            pltpu.async_copy(rows_b, acc.at[eidx.at[gb]], sem_sb, add=True)
            count(gb)
            return carry2

        lax.fori_loop(0, PCHA // 2, pair, 0)
        pltpu.make_async_copy(rows_b, acc.at[eidx.at[PCHA - 1]], sem_sb).wait()
        return carry

    lax.fori_loop(0, PHA, phase, 0)
    pltpu.sync_copy(cnt2, acc_cnt.at[idx_id], add=True)
    plsc.subcore_barrier()
    pltpu.sync_copy(acc.at[pl.ds(s * ZROWS_A, ZROWS_A)],
                    out_hbm.at[c, pl.ds(s * ZROWS_A, ZROWS_A)])

    @pl.when(s == 0)
    def _():
        pltpu.sync_copy(acc_cnt, cnt_hbm.at[c])


@functools.partial(
    pl.kernel,
    out_type=jax.ShapeDtypeStruct((NE_PAD, D), jnp.float32),
    mesh=_mesh,
    scratch_types=[
        pltpu.VMEM((ROWS_B, D), jnp.float32),
        pltpu.VMEM((ROWS_B, D), jnp.float32),
        pltpu.VMEM((CROWS, D), jnp.float32),
        pltpu.VMEM((CROWS, D), jnp.float32),
        pltpu.VMEM((ROWS_B, D), jnp.float32),
        pltpu.SemaphoreType.DMA,
        pltpu.SemaphoreType.DMA,
        pltpu.SemaphoreType.DMA,
        pltpu.SemaphoreType.DMA,
    ],
    compiler_params=_params,
)
def _edge_combine(parts_hbm, cnt_hbm, out_hbm, p0, p1, c0, c1, o,
                  m0, m1, m2, m3):
    c = lax.axis_index("c")
    s = lax.axis_index("s")
    base = (c * NS + s) * ROWS_B
    pltpu.async_copy(parts_hbm.at[0, pl.ds(base, ROWS_B)], p0, m0)
    pltpu.async_copy(parts_hbm.at[1, pl.ds(base, ROWS_B)], p1, m1)
    pltpu.async_copy(cnt_hbm.at[0], c0, m2)
    pltpu.async_copy(cnt_hbm.at[1], c1, m3)
    pltpu.make_async_copy(parts_hbm.at[0, pl.ds(base, ROWS_B)], p0, m0).wait()
    pltpu.make_async_copy(parts_hbm.at[1, pl.ds(base, ROWS_B)], p1, m1).wait()
    pltpu.make_async_copy(cnt_hbm.at[0], c0, m2).wait()
    pltpu.make_async_copy(cnt_hbm.at[1], c1, m3).wait()

    def grp(t, carry):
        fp = base + t * 16
        row = fp >> 7
        col = fp & 127
        cnt16 = c0[row, pl.ds(col, 16)] + c1[row, pl.ds(col, 16)]
        sv16 = DEG_E / jnp.maximum(cnt16, 1.0)
        for j in range(16):
            scale = jnp.full((16,), sv16[j], dtype=jnp.float32)
            r = t * 16 + j
            for cc in range(D // 16):
                slc = pl.ds(cc * 16, 16)
                o[r, slc] = (p0[r, slc] + p1[r, slc]) * scale
        return carry

    lax.fori_loop(0, ROWS_B // 16, grp, 0)
    pltpu.sync_copy(o, out_hbm.at[pl.ds(base, ROWS_B)])


@functools.partial(
    pl.kernel,
    out_type=jax.ShapeDtypeStruct((NC, N_PAD, D), jnp.float32),
    mesh=_mesh,
    scratch_types=[
        pltpu.VMEM_SHARED((N_PAD, D), jnp.float32),
        pltpu.VMEM((PCH, K), jnp.int32),
        pltpu.VMEM((PCH, K), jnp.int32),
        pltpu.VMEM((K, D), jnp.float32),
        pltpu.VMEM((K, D), jnp.float32),
        pltpu.SemaphoreType.DMA,
        pltpu.SemaphoreType.DMA,
        pltpu.SemaphoreType.DMA,
        pltpu.SemaphoreType.DMA,
    ],
    compiler_params=_params,
)
def _node_accum(xe_hbm, v_hbm, e_hbm, z_hbm, out_hbm, acc, vidx, eidx,
                rows_a, rows_b, sem_ga, sem_gb, sem_sa, sem_sb):
    c = lax.axis_index("c")
    s = lax.axis_index("s")
    wid = c * NS + s
    pltpu.sync_copy(v_hbm.at[wid, 0], vidx)
    pltpu.sync_copy(e_hbm.at[wid, 0], eidx)
    pltpu.async_copy(xe_hbm.at[eidx.at[0]], rows_a, sem_ga)
    pltpu.sync_copy(z_hbm.at[pl.ds(s * ZROWS_C, ZROWS_C)],
                    acc.at[pl.ds(s * ZROWS_C, ZROWS_C)])
    plsc.subcore_barrier()

    def phase(p, carry):
        @pl.when(p > 0)
        def _():
            pltpu.sync_copy(v_hbm.at[wid, p], vidx)
            pltpu.sync_copy(e_hbm.at[wid, p], eidx)
            pltpu.async_copy(xe_hbm.at[eidx.at[0]], rows_a, sem_ga)

        def pair(t, carry2):
            ga = 2 * t
            gb = 2 * t + 1
            pltpu.make_async_copy(xe_hbm.at[eidx.at[ga]], rows_a, sem_ga).wait()

            @pl.when(t > 0)
            def _():
                pltpu.make_async_copy(rows_b, acc.at[vidx.at[ga]], sem_sb).wait()

            pltpu.async_copy(xe_hbm.at[eidx.at[gb]], rows_b, sem_gb)
            pltpu.async_copy(rows_a, acc.at[vidx.at[ga]], sem_sa, add=True)
            pltpu.make_async_copy(xe_hbm.at[eidx.at[gb]], rows_b, sem_gb).wait()
            pltpu.make_async_copy(rows_a, acc.at[vidx.at[ga]], sem_sa).wait()
            nxt = jnp.minimum(gb + 1, PCH - 1)

            @pl.when(gb + 1 < PCH)
            def _():
                pltpu.async_copy(xe_hbm.at[eidx.at[nxt]], rows_a, sem_ga)

            pltpu.async_copy(rows_b, acc.at[vidx.at[gb]], sem_sb, add=True)
            return carry2

        lax.fori_loop(0, PCH // 2, pair, 0)
        pltpu.make_async_copy(rows_b, acc.at[vidx.at[PCH - 1]], sem_sb).wait()
        return carry

    lax.fori_loop(0, PH, phase, 0)
    plsc.subcore_barrier()
    pltpu.sync_copy(acc.at[pl.ds(s * ZROWS_C, ZROWS_C)],
                    out_hbm.at[c, pl.ds(s * ZROWS_C, ZROWS_C)])


BLK = 1000


def _dense_body(scal_ref, parts_ref, x0_ref, w_ref, out_ref):
    a = scal_ref[0]
    b = scal_ref[1]
    xv = (parts_ref[0] + parts_ref[1]) * (2.0 * DEG_V)
    xi = (1.0 - a) * xv + a * x0_ref[...]
    out_ref[...] = (1.0 - b) * xi + b * lax.dot_general(
        xi, w_ref[...], (((1,), (1,)), ((), ())),
        preferred_element_type=jnp.float32)


def _dense(parts, x0, w, alpha, beta):
    scal = jnp.stack([alpha, beta]).astype(jnp.float32)
    return pl.pallas_call(
        _dense_body,
        grid=(N // BLK,),
        in_specs=[
            pl.BlockSpec(memory_space=pltpu.SMEM),
            pl.BlockSpec((NC, BLK, D), lambda i: (0, i, 0)),
            pl.BlockSpec((BLK, D), lambda i: (i, 0)),
            pl.BlockSpec((D, D), lambda i: (0, 0)),
        ],
        out_specs=pl.BlockSpec((BLK, D), lambda i: (i, 0)),
        out_shape=jax.ShapeDtypeStruct((N, D), jnp.float32),
        compiler_params=pltpu.CompilerParams(
            dimension_semantics=("arbitrary",)),
    )(scal, parts, x0, w)


def kernel(X, vertex, edges, X0, W, alpha, beta):
    v2a = vertex.reshape(NW, PHA, PCHA, K)
    e2a = edges.reshape(NW, PHA, PCHA, K)
    v2 = vertex.reshape(NW, PH, PCH, K)
    e2 = edges.reshape(NW, PH, PCH, K)
    z_a = jnp.zeros((NE_PAD, D), jnp.float32)
    z_c = jnp.zeros((N_PAD, D), jnp.float32)
    se_parts, cnts = _edge_accum(X, v2a, e2a, z_a)
    xe = _edge_combine(se_parts, cnts)
    xv_parts = _node_accum(xe, v2, e2, z_c)
    return _dense(xv_parts, X0, W, alpha, beta)

# --- scband reference (transcript-rebuilt; emitter-appended) ---
"""Pipeline reference for scband-uni-gcniiconv-67688684585239 (READ-ONLY COPY).

The authoritative reference and input builder live on the scoring server;
editing this copy changes nothing except your own understanding.
"""

import jax, jax.numpy as jnp
import numpy as np

N = 10000
NNZ = 320000
NE = 5000
D = 128
DEG_E = 0.5
DEG_V = 0.0625


def setup_inputs(seed: int = 0) -> dict:
    key = jax.random.key(seed)
    k1, k2, k3, k4, k5 = jax.random.split(key, 5)
    X = jax.random.normal(k1, (N, D), dtype=jnp.float32)
    X0 = jax.random.normal(k2, (N, D), dtype=jnp.float32)
    vertex = jax.random.randint(k3, (NNZ,), 0, N, dtype=jnp.int32)
    edges = jax.random.randint(k4, (NNZ,), 0, NE, dtype=jnp.int32)
    # Linear weight W: [out_features, in_features], xavier-uniform-ish scale
    limit = float(np.sqrt(6.0 / (D + D)))
    W = jax.random.uniform(k5, (D, D), dtype=jnp.float32, minval=-limit, maxval=limit)
    alpha = jnp.asarray(0.1, dtype=jnp.float32)
    beta = jnp.asarray(0.5, dtype=jnp.float32)
    return {"X": X, "vertex": vertex, "edges": edges, "X0": X0,
            "W": W, "alpha": alpha, "beta": beta}


def reference(X, vertex, edges, X0, W, alpha, beta):
    # Xve = X[vertex]  (gather node features to incidences)
    Xve = jnp.take(X, vertex, axis=0)
    # scatter-mean over hyperedges (first_aggregate='mean')
    Xe_sum = jax.ops.segment_sum(Xve, edges, num_segments=NE)
    cnt = jax.ops.segment_sum(jnp.ones((NNZ,), dtype=jnp.float32), edges, num_segments=NE)
    Xe = Xe_sum / jnp.maximum(cnt, 1.0)[:, None]
    Xe = Xe * DEG_E
    # gather hyperedge features back to incidences
    Xev = jnp.take(Xe, edges, axis=0)
    # scatter-sum back to nodes
    Xv = jax.ops.segment_sum(Xev, vertex, num_segments=N)
    Xv = Xv * DEG_V
    # in_features == out_features -> residual = X itself (no res_linear); no norm (use_norm=False)
    Xc = Xv + Xv
    Xi = (1.0 - alpha) * Xc + alpha * X0
    out = (1.0 - beta) * Xi + beta * (Xi @ W.T)
    return out

if __name__ == "__main__":
    import jax
    _d = setup_inputs()
    print(jax.jit(kernel)(*tuple(_d.values())))

</pallas_src>

<mosaic_0001>
#map = affine_map<(d0, d1) -> (0, 0, 0)>
#map1 = affine_map<(d0, d1) -> (0, 0)>
module attributes {stable_mosaic.version = 14 : i64} {
  func.func @_edge_combine(%arg0: i32, %arg1: i32, %arg2: memref<2x8192x128xf32, #tpu.memory_space<hbm>>, %arg3: memref<2x64x128xf32, #tpu.memory_space<hbm>>, %arg4: memref<8192x128xf32, #tpu.memory_space<hbm>>, %arg5: memref<256x128xf32, #tpu.memory_space<vmem>>, %arg6: memref<256x128xf32, #tpu.memory_space<vmem>>, %arg7: memref<64x128xf32, #tpu.memory_space<vmem>>, %arg8: memref<64x128xf32, #tpu.memory_space<vmem>>, %arg9: memref<256x128xf32, #tpu.memory_space<vmem>>, %arg10: memref<!tpu.dma_semaphore, #tpu.memory_space<semaphore_mem>>, %arg11: memref<!tpu.dma_semaphore, #tpu.memory_space<semaphore_mem>>, %arg12: memref<!tpu.dma_semaphore, #tpu.memory_space<semaphore_mem>>, %arg13: memref<!tpu.dma_semaphore, #tpu.memory_space<semaphore_mem>>) attributes {dimension_semantics = [#tpu.dimension_semantics<core_parallel>, #tpu.dimension_semantics<subcore_parallel>], iteration_bounds = array<i64: 2, 16>, scalar_prefetch = 0 : i64, scratch_operands = 9 : i64, tpu.core_type = #tpu.core_type<sc_vector_subcore>, window_params = [{transform_indices = #map}, {transform_indices = #map}, {transform_indices = #map1}]} {
    %mul3A = arith.constant 16 : i32
    %mul3A_0 = arith.muli %arg0, %mul3A : i32
    %add3A = arith.addi %mul3A_0, %arg1 : i32
    %mul3A_1 = arith.constant 256 : i32
    %mul3A_2 = arith.muli %add3A, %mul3A_1 : i32
    %dma_start3A = arith.constant 0 : i32
    %dma_start3A_3 = arith.constant 0 : i32
    %dma_start3A_4 = tpu.memref_slice %arg2[%dma_start3A, %mul3A_2, %dma_start3A_3] : memref<2x8192x128xf32, #tpu.memory_space<hbm>> -> memref<1x256x128xf32, #tpu.memory_space<hbm>>
    %dma_start3A_5 = tpu.memref_squeeze %dma_start3A_4 : memref<1x256x128xf32, #tpu.memory_space<hbm>> -> memref<256x128xf32, #tpu.memory_space<hbm>>
    %dma_start3A_6 = arith.constant 0 : i32
    %dma_start3A_7 = tpu.memref_slice %arg2[%dma_start3A, %mul3A_2, %dma_start3A_6] : memref<2x8192x128xf32, #tpu.memory_space<hbm>> -> memref<1x256x128xf32, #tpu.memory_space<hbm>>
    %dma_start3A_8 = tpu.memref_squeeze %dma_start3A_7 : memref<1x256x128xf32, #tpu.memory_space<hbm>> -> memref<256x128xf32, #tpu.memory_space<hbm>>
    tpu.enqueue_dma source(%dma_start3A_8 : memref<256x128xf32, #tpu.memory_space<hbm>>) target(%arg5 : memref<256x128xf32, #tpu.memory_space<vmem>>) target_semaphore(%arg10 : memref<!tpu.dma_semaphore, #tpu.memory_space<semaphore_mem>>)
    %dma_start3A_9 = arith.constant 1 : i32
    %dma_start3A_10 = arith.constant 0 : i32
    %dma_start3A_11 = tpu.memref_slice %arg2[%dma_start3A_9, %mul3A_2, %dma_start3A_10] : memref<2x8192x128xf32, #tpu.memory_space<hbm>> -> memref<1x256x128xf32, #tpu.memory_space<hbm>>
    %dma_start3A_12 = tpu.memref_squeeze %dma_start3A_11 : memref<1x256x128xf32, #tpu.memory_space<hbm>> -> memref<256x128xf32, #tpu.memory_space<hbm>>
    %dma_start3A_13 = arith.constant 0 : i32
    %dma_start3A_14 = tpu.memref_slice %arg2[%dma_start3A_9, %mul3A_2, %dma_start3A_13] : memref<2x8192x128xf32, #tpu.memory_space<hbm>> -> memref<1x256x128xf32, #tpu.memory_space<hbm>>
    %dma_start3A_15 = tpu.memref_squeeze %dma_start3A_14 : memref<1x256x128xf32, #tpu.memory_space<hbm>> -> memref<256x128xf32, #tpu.memory_space<hbm>>
    tpu.enqueue_dma source(%dma_start3A_15 : memref<256x128xf32, #tpu.memory_space<hbm>>) target(%arg6 : memref<256x128xf32, #tpu.memory_space<vmem>>) target_semaphore(%arg11 : memref<!tpu.dma_semaphore, #tpu.memory_space<semaphore_mem>>)
    %dma_start3A_16 = arith.constant 0 : i32
    %dma_start3A_17 = arith.constant 0 : i32
    %dma_start3A_18 = arith.constant 0 : i32
    %dma_start3A_19 = tpu.memref_slice %arg3[%dma_start3A_16, %dma_start3A_17, %dma_start3A_18] : memref<2x64x128xf32, #tpu.memory_space<hbm>> -> memref<1x64x128xf32, #tpu.memory_space<hbm>>
    %dma_start3A_20 = tpu.memref_squeeze %dma_start3A_19 : memref<1x64x128xf32, #tpu.memory_space<hbm>> -> memref<64x128xf32, #tpu.memory_space<hbm>>
    %dma_start3A_21 = arith.constant 0 : i32
    %dma_start3A_22 = arith.constant 0 : i32
    %dma_start3A_23 = tpu.memref_slice %arg3[%dma_start3A_16, %dma_start3A_21, %dma_start3A_22] : memref<2x64x128xf32, #tpu.memory_space<hbm>> -> memref<1x64x128xf32, #tpu.memory_space<hbm>>
    %dma_start3A_24 = tpu.memref_squeeze %dma_start3A_23 : memref<1x64x128xf32, #tpu.memory_space<hbm>> -> memref<64x128xf32, #tpu.memory_space<hbm>>
    tpu.enqueue_dma source(%dma_start3A_24 : memref<64x128xf32, #tpu.memory_space<hbm>>) target(%arg7 : memref<64x128xf32, #tpu.memory_space<vmem>>) target_semaphore(%arg12 : memref<!tpu.dma_semaphore, #tpu.memory_space<semaphore_mem>>)
    %dma_start3A_25 = arith.constant 1 : i32
    %dma_start3A_26 = arith.constant 0 : i32
    %dma_start3A_27 = arith.constant 0 : i32
    %dma_start3A_28 = tpu.memref_slice %arg3[%dma_start3A_25, %dma_start3A_26, %dma_start3A_27] : memref<2x64x128xf32, #tpu.memory_space<hbm>> -> memref<1x64x128xf32, #tpu.memory_space<hbm>>
    %dma_start3A_29 = tpu.memref_squeeze %dma_start3A_28 : memref<1x64x128xf32, #tpu.memory_space<hbm>> -> memref<64x128xf32, #tpu.memory_space<hbm>>
    %dma_start3A_30 = arith.constant 0 : i32
    %dma_start3A_31 = arith.constant 0 : i32
    %dma_start3A_32 = tpu.memref_slice %arg3[%dma_start3A_25, %dma_start3A_30, %dma_start3A_31] : memref<2x64x128xf32, #tpu.memory_space<hbm>> -> memref<1x64x128xf32, #tpu.memory_space<hbm>>
    %dma_start3A_33 = tpu.memref_squeeze %dma_start3A_32 : memref<1x64x128xf32, #tpu.memory_space<hbm>> -> memref<64x128xf32, #tpu.memory_space<hbm>>
    tpu.enqueue_dma source(%dma_start3A_33 : memref<64x128xf32, #tpu.memory_space<hbm>>) target(%arg8 : memref<64x128xf32, #tpu.memory_space<vmem>>) target_semaphore(%arg13 : memref<!tpu.dma_semaphore, #tpu.memory_space<semaphore_mem>>)
    %dma_wait3A = arith.constant 0 : i32
    %dma_wait3A_34 = arith.constant 0 : i32
    %dma_wait3A_35 = tpu.memref_slice %arg2[%dma_wait3A, %mul3A_2, %dma_wait3A_34] : memref<2x8192x128xf32, #tpu.memory_space<hbm>> -> memref<1x256x128xf32, #tpu.memory_space<hbm>>
    %dma_wait3A_36 = tpu.memref_squeeze %dma_wait3A_35 : memref<1x256x128xf32, #tpu.memory_space<hbm>> -> memref<256x128xf32, #tpu.memory_space<hbm>>
    %dma_wait3A_37 = arith.constant 0 : i32
    %dma_wait3A_38 = tpu.memref_slice %arg2[%dma_wait3A, %mul3A_2, %dma_wait3A_37] : memref<2x8192x128xf32, #tpu.memory_space<hbm>> -> memref<1x256x128xf32, #tpu.memory_space<hbm>>
    %dma_wait3A_39 = tpu.memref_squeeze %dma_wait3A_38 : memref<1x256x128xf32, #tpu.memory_space<hbm>> -> memref<256x128xf32, #tpu.memory_space<hbm>>
    tpu.wait_dma2 semaphore(%arg10 : memref<!tpu.dma_semaphore, #tpu.memory_space<semaphore_mem>>) src(%dma_wait3A_39 : memref<256x128xf32, #tpu.memory_space<hbm>>) dst(%arg5 : memref<256x128xf32, #tpu.memory_space<vmem>>)
    %dma_wait3A_40 = arith.constant 1 : i32
    %dma_wait3A_41 = arith.constant 0 : i32
    %dma_wait3A_42 = tpu.memref_slice %arg2[%dma_wait3A_40, %mul3A_2, %dma_wait3A_41] : memref<2x8192x128xf32, #tpu.memory_space<hbm>> -> memref<1x256x128xf32, #tpu.memory_space<hbm>>
    %dma_wait3A_43 = tpu.memref_squeeze %dma_wait3A_42 : memref<1x256x128xf32, #tpu.memory_space<hbm>> -> memref<256x128xf32, #tpu.memory_space<hbm>>
    %dma_wait3A_44 = arith.constant 0 : i32
    %dma_wait3A_45 = tpu.memref_slice %arg2[%dma_wait3A_40, %mul3A_2, %dma_wait3A_44] : memref<2x8192x128xf32, #tpu.memory_space<hbm>> -> memref<1x256x128xf32, #tpu.memory_space<hbm>>
    %dma_wait3A_46 = tpu.memref_squeeze %dma_wait3A_45 : memref<1x256x128xf32, #tpu.memory_space<hbm>> -> memref<256x128xf32, #tpu.memory_space<hbm>>
    tpu.wait_dma2 semaphore(%arg11 : memref<!tpu.dma_semaphore, #tpu.memory_space<semaphore_mem>>) src(%dma_wait3A_46 : memref<256x128xf32, #tpu.memory_space<hbm>>) dst(%arg6 : memref<256x128xf32, #tpu.memory_space<vmem>>)
    %dma_wait3A_47 = arith.constant 0 : i32
    %dma_wait3A_48 = arith.constant 0 : i32
    %dma_wait3A_49 = arith.constant 0 : i32
    %dma_wait3A_50 = tpu.memref_slice %arg3[%dma_wait3A_47, %dma_wait3A_48, %dma_wait3A_49] : memref<2x64x128xf32, #tpu.memory_space<hbm>> -> memref<1x64x128xf32, #tpu.memory_space<hbm>>
    %dma_wait3A_51 = tpu.memref_squeeze %dma_wait3A_50 : memref<1x64x128xf32, #tpu.memory_space<hbm>> -> memref<64x128xf32, #tpu.memory_space<hbm>>
    %dma_wait3A_52 = arith.constant 0 : i32
    %dma_wait3A_53 = arith.constant 0 : i32
    %dma_wait3A_54 = tpu.memref_slice %arg3[%dma_wait3A_47, %dma_wait3A_52, %dma_wait3A_53] : memref<2x64x128xf32, #tpu.memory_space<hbm>> -> memref<1x64x128xf32, #tpu.memory_space<hbm>>
    %dma_wait3A_55 = tpu.memref_squeeze %dma_wait3A_54 : memref<1x64x128xf32, #tpu.memory_space<hbm>> -> memref<64x128xf32, #tpu.memory_space<hbm>>
    tpu.wait_dma2 semaphore(%arg12 : memref<!tpu.dma_semaphore, #tpu.memory_space<semaphore_mem>>) src(%dma_wait3A_55 : memref<64x128xf32, #tpu.memory_space<hbm>>) dst(%arg7 : memref<64x128xf32, #tpu.memory_space<vmem>>)
    %dma_wait3A_56 = arith.constant 1 : i32
    %dma_wait3A_57 = arith.constant 0 : i32
    %dma_wait3A_58 = arith.constant 0 : i32
    %dma_wait3A_59 = tpu.memref_slice %arg3[%dma_wait3A_56, %dma_wait3A_57, %dma_wait3A_58] : memref<2x64x128xf32, #tpu.memory_space<hbm>> -> memref<1x64x128xf32, #tpu.memory_space<hbm>>
    %dma_wait3A_60 = tpu.memref_squeeze %dma_wait3A_59 : memref<1x64x128xf32, #tpu.memory_space<hbm>> -> memref<64x128xf32, #tpu.memory_space<hbm>>
    %dma_wait3A_61 = arith.constant 0 : i32
    %dma_wait3A_62 = arith.constant 0 : i32
    %dma_wait3A_63 = tpu.memref_slice %arg3[%dma_wait3A_56, %dma_wait3A_61, %dma_wait3A_62] : memref<2x64x128xf32, #tpu.memory_space<hbm>> -> memref<1x64x128xf32, #tpu.memory_space<hbm>>
    %dma_wait3A_64 = tpu.memref_squeeze %dma_wait3A_63 : memref<1x64x128xf32, #tpu.memory_space<hbm>> -> memref<64x128xf32, #tpu.memory_space<hbm>>
    tpu.wait_dma2 semaphore(%arg13 : memref<!tpu.dma_semaphore, #tpu.memory_space<semaphore_mem>>) src(%dma_wait3A_64 : memref<64x128xf32, #tpu.memory_space<hbm>>) dst(%arg8 : memref<64x128xf32, #tpu.memory_space<vmem>>)
    %scan3A = arith.constant 0 : i32
    %scan3A_65 = arith.constant 0 : i32
    %scan3A_66 = arith.constant 16 : i32
    %scan3A_67 = arith.addi %scan3A_65, %scan3A_66 : i32
    %scan3A_68 = arith.constant 1 : i32
    scf.for %scan3A_70 = %scan3A_65 to %scan3A_67 step %scan3A_68  : i32 {
      %mul3A_71 = arith.constant 16 : i32
      %mul3A_72 = arith.muli %scan3A_70, %mul3A_71 : i32
      %add3A_73 = arith.addi %mul3A_2, %mul3A_72 : i32
      %shift_right_arithmetic3A = arith.constant 7 : i32
      %shift_right_arithmetic3A_74 = arith.shrsi %add3A_73, %shift_right_arithmetic3A : i32
      %and3A = arith.constant 127 : i32
      %and3A_75 = arith.andi %add3A_73, %and3A : i32
      %get3A = arith.index_cast %shift_right_arithmetic3A_74 : i32 to index
      %get3A_76 = arith.index_cast %and3A_75 : i32 to index
      %get3A_77 = tpu.vector_load %arg7[%get3A, %get3A_76] {strides = array<i32>} : memref<64x128xf32, #tpu.memory_space<vmem>>, vector<16xf32>,
      %get3A_78 = arith.index_cast %shift_right_arithmetic3A_74 : i32 to index
      %get3A_79 = arith.index_cast %and3A_75 : i32 to index
      %get3A_80 = tpu.vector_load %arg8[%get3A_78, %get3A_79] {strides = array<i32>} : memref<64x128xf32, #tpu.memory_space<vmem>>, vector<16xf32>,
      %add3A_81 = arith.addf %get3A_77, %get3A_80 : vector<16xf32>
      %max3A = arith.constant 1.000000e+00 : f32
      %max3A_82 = vector.broadcast %max3A : f32 to vector<16xf32>
      %max3A_83 = arith.maximumf %add3A_81, %max3A_82 : vector<16xf32>
      %div3A = arith.constant 5.000000e-01 : f32
      %div3A_84 = vector.broadcast %div3A : f32 to vector<16xf32>
      %div3A_85 = arith.divf %div3A_84, %max3A_83 : vector<16xf32>
      %slice3A = vector.extract_strided_slice %div3A_85 {offsets = [0], sizes = [1], strides = [1]} : vector<16xf32> to vector<1xf32>
      %squeeze3A = vector.extract %slice3A[0] : f32 from vector<1xf32>
      %broadcast_in_dim3A = vector.broadcast %squeeze3A : f32 to vector<16xf32>
      %mul3A_86 = arith.constant 16 : i32
      %mul3A_87 = arith.muli %scan3A_70, %mul3A_86 : i32
      %add3A_88 = arith.constant 0 : i32
      %add3A_89 = arith.addi %mul3A_87, %add3A_88 : i32
      %get3A_90 = arith.index_cast %add3A_89 : i32 to index
      %get3A_91 = arith.constant 0 : index
      %get3A_92 = tpu.vector_load %arg5[%get3A_90, %get3A_91] {strides = array<i32>} : memref<256x128xf32, #tpu.memory_space<vmem>>, vector<16xf32>,
      %get3A_93 = arith.index_cast %add3A_89 : i32 to index
      %get3A_94 = arith.constant 0 : index
      %get3A_95 = tpu.vector_load %arg6[%get3A_93, %get3A_94] {strides = array<i32>} : memref<256x128xf32, #tpu.memory_space<vmem>>, vector<16xf32>,
      %add3A_96 = arith.addf %get3A_92, %get3A_95 : vector<16xf32>
      %mul3A_97 = arith.mulf %add3A_96, %broadcast_in_dim3A : vector<16xf32>
      %swap3A = arith.index_cast %add3A_89 : i32 to index
      %swap3A_98 = arith.constant 0 : index
      %swap3A_99 = tpu.vector_load %arg9[%swap3A, %swap3A_98] {strides = array<i32>} : memref<256x128xf32, #tpu.memory_space<vmem>>, vector<16xf32>,
      tpu.vector_store %arg9[%swap3A, %swap3A_98], %mul3A_97 {strides = array<i32>} : memref<256x128xf32, #tpu.memory_space<vmem>>, vector<16xf32>,
      %get3A_100 = arith.index_cast %add3A_89 : i32 to index
      %get3A_101 = arith.constant 16 : index
      %get3A_102 = tpu.vector_load %arg5[%get3A_100, %get3A_101] {strides = array<i32>} : memref<256x128xf32, #tpu.memory_space<vmem>>, vector<16xf32>,
      %get3A_103 = arith.index_cast %add3A_89 : i32 to index
      %get3A_104 = arith.constant 16 : index
      %get3A_105 = tpu.vector_load %arg6[%get3A_103, %get3A_104] {strides = array<i32>} : memref<256x128xf32, #tpu.memory_space<vmem>>, vector<16xf32>,
      %add3A_106 = arith.addf %get3A_102, %get3A_105 : vector<16xf32>
      %mul3A_107 = arith.mulf %add3A_106, %broadcast_in_dim3A : vector<16xf32>
      %swap3A_108 = arith.index_cast %add3A_89 : i32 to index
      %swap3A_109 = arith.constant 16 : index
      %swap3A_110 = tpu.vector_load %arg9[%swap3A_108, %swap3A_109] {strides = array<i32>} : memref<256x128xf32, #tpu.memory_space<vmem>>, vector<16xf32>,
      tpu.vector_store %arg9[%swap3A_108, %swap3A_109], %mul3A_107 {strides = array<i32>} : memref<256x128xf32, #tpu.memory_space<vmem>>, vector<16xf32>,
      %get3A_111 = arith.index_cast %add3A_89 : i32 to index
      %get3A_112 = arith.constant 32 : index
      %get3A_113 = tpu.vector_load %arg5[%get3A_111, %get3A_112] {strides = array<i32>} : memref<256x128xf32, #tpu.memory_space<vmem>>, vector<16xf32>,
      %get3A_114 = arith.index_cast %add3A_89 : i32 to index
      %get3A_115 = arith.constant 32 : index
      %get3A_116 = tpu.vector_load %arg6[%get3A_114, %get3A_115] {strides = array<i32>} : memref<256x128xf32, #tpu.memory_space<vmem>>, vector<16xf32>,
      %add3A_117 = arith.addf %get3A_113, %get3A_116 : vector<16xf32>
      %mul3A_118 = arith.mulf %add3A_117, %broadcast_in_dim3A : vector<16xf32>
      %swap3A_119 = arith.index_cast %add3A_89 : i32 to index
      %swap3A_120 = arith.constant 32 : index
      %swap3A_121 = tpu.vector_load %arg9[%swap3A_119, %swap3A_120] {strides = array<i32>} : memref<256x128xf32, #tpu.memory_space<vmem>>, vector<16xf32>,
      tpu.vector_store %arg9[%swap3A_119, %swap3A_120], %mul3A_118 {strides = array<i32>} : memref<256x128xf32, #tpu.memory_space<vmem>>, vector<16xf32>,
      %get3A_122 = arith.index_cast %add3A_89 : i32 to index
      %get3A_123 = arith.constant 48 : index
      %get3A_124 = tpu.vector_load %arg5[%get3A_122, %get3A_123] {strides = array<i32>} : memref<256x128xf32, #tpu.memory_space<vmem>>, vector<16xf32>,
      %get3A_125 = arith.index_cast %add3A_89 : i32 to index
      %get3A_126 = arith.constant 48 : index
      %get3A_127 = tpu.vector_load %arg6[%get3A_125, %get3A_126] {strides = array<i32>} : memref<256x128xf32, #tpu.memory_space<vmem>>, vector<16xf32>,
      %add3A_128 = arith.addf %get3A_124, %get3A_127 : vector<16xf32>
      %mul3A_129 = arith.mulf %add3A_128, %broadcast_in_dim3A : vector<16xf32>
      %swap3A_130 = arith.index_cast %add3A_89 : i32 to index
      %swap3A_131 = arith.constant 48 : index
      %swap3A_132 = tpu.vector_load %arg9[%swap3A_130, %swap3A_131] {strides = array<i32>} : memref<256x128xf32, #tpu.memory_space<vmem>>, vector<16xf32>,
      tpu.vector_store %arg9[%swap3A_130, %swap3A_131], %mul3A_129 {strides = array<i32>} : memref<256x128xf32, #tpu.memory_space<vmem>>, vector<16xf32>,
      %get3A_133 = arith.index_cast %add3A_89 : i32 to index
      %get3A_134 = arith.constant 64 : index
      %get3A_135 = tpu.vector_load %arg5[%get3A_133, %get3A_134] {strides = array<i32>} : memref<256x128xf32, #tpu.memory_space<vmem>>, vector<16xf32>,
      %get3A_136 = arith.index_cast %add3A_89 : i32 to index
      %get3A_137 = arith.constant 64 : index
      %get3A_138 = tpu.vector_load %arg6[%get3A_136, %get3A_137] {strides = array<i32>} : memref<256x128xf32, #tpu.memory_space<vmem>>, vector<16xf32>,
      %add3A_139 = arith.addf %get3A_135, %get3A_138 : vector<16xf32>
      %mul3A_140 = arith.mulf %add3A_139, %broadcast_in_dim3A : vector<16xf32>
      %swap3A_141 = arith.index_cast %add3A_89 : i32 to index
      %swap3A_142 = arith.constant 64 : index
      %swap3A_143 = tpu.vector_load %arg9[%swap3A_141, %swap3A_142] {strides = array<i32>} : memref<256x128xf32, #tpu.memory_space<vmem>>, vector<16xf32>,
      tpu.vector_store %arg9[%swap3A_141, %swap3A_142], %mul3A_140 {strides = array<i32>} : memref<256x128xf32, #tpu.memory_space<vmem>>, vector<16xf32>,
      %get3A_144 = arith.index_cast %add3A_89 : i32 to index
      %get3A_145 = arith.constant 80 : index
      %get3A_146 = tpu.vector_load %arg5[%get3A_144, %get3A_145] {strides = array<i32>} : memref<256x128xf32, #tpu.memory_space<vmem>>, vector<16xf32>,
      %get3A_147 = arith.index_cast %add3A_89 : i32 to index
      %get3A_148 = arith.constant 80 : index
      %get3A_149 = tpu.vector_load %arg6[%get3A_147, %get3A_148] {strides = array<i32>} : memref<256x128xf32, #tpu.memory_space<vmem>>, vector<16xf32>,
      %add3A_150 = arith.addf %get3A_146, %get3A_149 : vector<16xf32>
      %mul3A_151 = arith.mulf %add3A_150, %broadcast_in_dim3A : vector<16xf32>
      %swap3A_152 = arith.index_cast %add3A_89 : i32 to index
      %swap3A_153 = arith.constant 80 : index
      %swap3A_154 = tpu.vector_load %arg9[%swap3A_152, %swap3A_153] {strides = array<i32>} : memref<256x128xf32, #tpu.memory_space<vmem>>, vector<16xf32>,
      tpu.vector_store %arg9[%swap3A_152, %swap3A_153], %mul3A_151 {strides = array<i32>} : memref<256x128xf32, #tpu.memory_space<vmem>>, vector<16xf32>,
      %get3A_155 = arith.index_cast %add3A_89 : i32 to index
      %get3A_156 = arith.constant 96 : index
      %get3A_157 = tpu.vector_load %arg5[%get3A_155, %get3A_156] {strides = array<i32>} : memref<256x128xf32, #tpu.memory_space<vmem>>, vector<16xf32>,
      %get3A_158 = arith.index_cast %add3A_89 : i32 to index
      %get3A_159 = arith.constant 96 : index
      %get3A_160 = tpu.vector_load %arg6[%get3A_158, %get3A_159] {strides = array<i32>} : memref<256x128xf32, #tpu.memory_space<vmem>>, vector<16xf32>,
      %add3A_161 = arith.addf %get3A_157, %get3A_160 : vector<16xf32>
      %mul3A_162 = arith.mulf %add3A_161, %broadcast_in_dim3A : vector<16xf32>
      %swap3A_163 = arith.index_cast %add3A_89 : i32 to index
      %swap3A_164 = arith.constant 96 : index
      %swap3A_165 = tpu.vector_load %arg9[%swap3A_163, %swap3A_164] {strides = array<i32>} : memref<256x128xf32, #tpu.memory_space<vmem>>, vector<16xf32>,
      tpu.vector_store %arg9[%swap3A_163, %swap3A_164], %mul3A_162 {strides = array<i32>} : memref<256x128xf32, #tpu.memory_space<vmem>>, vector<16xf32>,
      %get3A_166 = arith.index_cast %add3A_89 : i32 to index
      %get3A_167 = arith.constant 112 : index
      %get3A_168 = tpu.vector_load %arg5[%get3A_166, %get3A_167] {strides = array<i32>} : memref<256x128xf32, #tpu.memory_space<vmem>>, vector<16xf32>,
      %get3A_169 = arith.index_cast %add3A_89 : i32 to index
      %get3A_170 = arith.constant 112 : index
      %get3A_171 = tpu.vector_load %arg6[%get3A_169, %get3A_170] {strides = array<i32>} : memref<256x128xf32, #tpu.memory_space<vmem>>, vector<16xf32>,
      %add3A_172 = arith.addf %get3A_168, %get3A_171 : vector<16xf32>
      %mul3A_173 = arith.mulf %add3A_172, %broadcast_in_dim3A : vector<16xf32>
      %swap3A_174 = arith.index_cast %add3A_89 : i32 to index
      %swap3A_175 = arith.constant 112 : index
      %swap3A_176 = tpu.vector_load %arg9[%swap3A_174, %swap3A_175] {strides = array<i32>} : memref<256x128xf32, #tpu.memory_space<vmem>>, vector<16xf32>,
      tpu.vector_store %arg9[%swap3A_174, %swap3A_175], %mul3A_173 {strides = array<i32>} : memref<256x128xf32, #tpu.memory_space<vmem>>, vector<16xf32>,
      %slice3A_177 = vector.extract_strided_slice %div3A_85 {offsets = [1], sizes = [1], strides = [1]} : vector<16xf32> to vector<1xf32>
      %squeeze3A_178 = vector.extract %slice3A_177[0] : f32 from vector<1xf32>
      %broadcast_in_dim3A_179 = vector.broadcast %squeeze3A_178 : f32 to vector<16xf32>
      %mul3A_180 = arith.constant 16 : i32
      %mul3A_181 = arith.muli %scan3A_70, %mul3A_180 : i32
      %add3A_182 = arith.constant 1 : i32
      %add3A_183 = arith.addi %mul3A_181, %add3A_182 : i32
      %get3A_184 = arith.index_cast %add3A_183 : i32 to index
      %get3A_185 = arith.constant 0 : index
      %get3A_186 = tpu.vector_load %arg5[%get3A_184, %get3A_185] {strides = array<i32>} : memref<256x128xf32, #tpu.memory_space<vmem>>, vector<16xf32>,
      %get3A_187 = arith.index_cast %add3A_183 : i32 to index
      %get3A_188 = arith.constant 0 : index
      %get3A_189 = tpu.vector_load %arg6[%get3A_187, %get3A_188] {strides = array<i32>} : memref<256x128xf32, #tpu.memory_space<vmem>>, vector<16xf32>,
      %add3A_190 = arith.addf %get3A_186, %get3A_189 : vector<16xf32>
      %mul3A_191 = arith.mulf %add3A_190, %broadcast_in_dim3A_179 : vector<16xf32>
      %swap3A_192 = arith.index_cast %add3A_183 : i32 to index
      %swap3A_193 = arith.constant 0 : index
      %swap3A_194 = tpu.vector_load %arg9[%swap3A_192, %swap3A_193] {strides = array<i32>} : memref<256x128xf32, #tpu.memory_space<vmem>>, vector<16xf32>,
      tpu.vector_store %arg9[%swap3A_192, %swap3A_193], %mul3A_191 {strides = array<i32>} : memref<256x128xf32, #tpu.memory_space<vmem>>, vector<16xf32>,
      %get3A_195 = arith.index_cast %add3A_183 : i32 to index
      %get3A_196 = arith.constant 16 : index
      %get3A_197 = tpu.vector_load %arg5[%get3A_195, %get3A_196] {strides = array<i32>} : memref<256x128xf32, #tpu.memory_space<vmem>>, vector<16xf32>,
      %get3A_198 = arith.index_cast %add3A_183 : i32 to index
      %get3A_199 = arith.constant 16 : index
      %get3A_200 = tpu.vector_load %arg6[%get3A_198, %get3A_199] {strides = array<i32>} : memref<256x128xf32, #tpu.memory_space<vmem>>, vector<16xf32>,
      %add3A_201 = arith.addf %get3A_197, %get3A_200 : vector<16xf32>
      %mul3A_202 = arith.mulf %add3A_201, %broadcast_in_dim3A_179 : vector<16xf32>
      %swap3A_203 = arith.index_cast %add3A_183 : i32 to index
      %swap3A_204 = arith.constant 16 : index
      %swap3A_205 = tpu.vector_load %arg9[%swap3A_203, %swap3A_204] {strides = array<i32>} : memref<256x128xf32, #tpu.memory_space<vmem>>, vector<16xf32>,
      tpu.vector_store %arg9[%swap3A_203, %swap3A_204], %mul3A_202 {strides = array<i32>} : memref<256x128xf32, #tpu.memory_space<vmem>>, vector<16xf32>,
      %get3A_206 = arith.index_cast %add3A_183 : i32 to index
      %get3A_207 = arith.constant 32 : index
      %get3A_208 = tpu.vector_load %arg5[%get3A_206, %get3A_207] {strides = array<i32>} : memref<256x128xf32, #tpu.memory_space<vmem>>, vector<16xf32>,
      %get3A_209 = arith.index_cast %add3A_183 : i32 to index
      %get3A_210 = arith.constant 32 : index
      %get3A_211 = tpu.vector_load %arg6[%get3A_209, %get3A_210] {strides = array<i32>} : memref<256x128xf32, #tpu.memory_space<vmem>>, vector<16xf32>,
      %add3A_212 = arith.addf %get3A_208, %get3A_211 : vector<16xf32>
      %mul3A_213 = arith.mulf %add3A_212, %broadcast_in_dim3A_179 : vector<16xf32>
      %swap3A_214 = arith.index_cast %add3A_183 : i32 to index
      %swap3A_215 = arith.constant 32 : index
      %swap3A_216 = tpu.vector_load %arg9[%swap3A_214, %swap3A_215] {strides = array<i32>} : memref<256x128xf32, #tpu.memory_space<vmem>>, vector<16xf32>,
      tpu.vector_store %arg9[%swap3A_214, %swap3A_215], %mul3A_213 {strides = array<i32>} : memref<256x128xf32, #tpu.memory_space<vmem>>, vector<16xf32>,
      %get3A_217 = arith.index_cast %add3A_183 : i32 to index
      %get3A_218 = arith.constant 48 : index
      %get3A_219 = tpu.vector_load %arg5[%get3A_217, %get3A_218] {strides = array<i32>} : memref<256x128xf32, #tpu.memory_space<vmem>>, vector<16xf32>,
      %get3A_220 = arith.index_cast %add3A_183 : i32 to index
      %get3A_221 = arith.constant 48 : index
      %get3A_222 = tpu.vector_load %arg6[%get3A_220, %get3A_221] {strides = array<i32>} : memref<256x128xf32, #tpu.memory_space<vmem>>, vector<16xf32>,
      %add3A_223 = arith.addf %get3A_219, %get3A_222 : vector<16xf32>
      %mul3A_224 = arith.mulf %add3A_223, %broadcast_in_dim3A_179 : vector<16xf32>
      %swap3A_225 = arith.index_cast %add3A_183 : i32 to index
      %swap3A_226 = arith.constant 48 : index
      %swap3A_227 = tpu.vector_load %arg9[%swap3A_225, %swap3A_226] {strides = array<i32>} : memref<256x128xf32, #tpu.memory_space<vmem>>, vector<16xf32>,
      tpu.vector_store %arg9[%swap3A_225, %swap3A_226], %mul3A_224 {strides = array<i32>} : memref<256x128xf32, #tpu.memory_space<vmem>>, vector<16xf32>,
      %get3A_228 = arith.index_cast %add3A_183 : i32 to index
      %get3A_229 = arith.constant 64 : index
      %get3A_230 = tpu.vector_load %arg5[%get3A_228, %get3A_229] {strides = array<i32>} : memref<256x128xf32, #tpu.memory_space<vmem>>, vector<16xf32>,
      %get3A_231 = arith.index_cast %add3A_183 : i32 to index
      %get3A_232 = arith.constant 64 : index
      %get3A_233 = tpu.vector_load %arg6[%get3A_231, %get3A_232] {strides = array<i32>} : memref<256x128xf32, #tpu.memory_space<vmem>>, vector<16xf32>,
      %add3A_234 = arith.addf %get3A_230, %get3A_233 : vector<16xf32>
      %mul3A_235 = arith.mulf %add3A_234, %broadcast_in_dim3A_179 : vector<16xf32>
      %swap3A_236 = arith.index_cast %add3A_183 : i32 to index
      %swap3A_237 = arith.constant 64 : index
      %swap3A_238 = tpu.vector_load %arg9[%swap3A_236, %swap3A_237] {strides = array<i32>} : memref<256x128xf32, #tpu.memory_space<vmem>>, vector<16xf32>,
      tpu.vector_store %arg9[%swap3A_236, %swap3A_237], %mul3A_235 {strides = array<i32>} : memref<256x128xf32, #tpu.memory_space<vmem>>, vector<16xf32>,
      %get3A_239 = arith.index_cast %add3A_183 : i32 to index
      %get3A_240 = arith.constant 80 : index
      %get3A_241 = tpu.vector_load %arg5[%get3A_239, %get3A_240] {strides = array<i32>} : memref<256x128xf32, #tpu.memory_space<vmem>>, vector<16xf32>,
      %get3A_242 = arith.index_cast %add3A_183 : i32 to index
      %get3A_243 = arith.constant 80 : index
      %get3A_244 = tpu.vector_load %arg6[%get3A_242, %get3A_243] {strides = array<i32>} : memref<256x128xf32, #tpu.memory_space<vmem>>, vector<16xf32>,
      %add3A_245 = arith.addf %get3A_241, %get3A_244 : vector<16xf32>
      %mul3A_246 = arith.mulf %add3A_245, %broadcast_in_dim3A_179 : vector<16xf32>
      %swap3A_247 = arith.index_cast %add3A_183 : i32 to index
      %swap3A_248 = arith.constant 80 : index
      %swap3A_249 = tpu.vector_load %arg9[%swap3A_247, %swap3A_248] {strides = array<i32>} : memref<256x128xf32, #tpu.memory_space<vmem>>, vector<16xf32>,
      tpu.vector_store %arg9[%swap3A_247, %swap3A_248], %mul3A_246 {strides = array<i32>} : memref<256x128xf32, #tpu.memory_space<vmem>>, vector<16xf32>,
      %get3A_250 = arith.index_cast %add3A_183 : i32 to index
      %get3A_251 = arith.constant 96 : index
      %get3A_252 = tpu.vector_load %arg5[%get3A_250, %get3A_251] {strides = array<i32>} : memref<256x128xf32, #tpu.memory_space<vmem>>, vector<16xf32>,
      %get3A_253 = arith.index_cast %add3A_183 : i32 to index
      %get3A_254 = arith.constant 96 : index
      %get3A_255 = tpu.vector_load %arg6[%get3A_253, %get3A_254] {strides = array<i32>} : memref<256x128xf32, #tpu.memory_space<vmem>>, vector<16xf32>,
      %add3A_256 = arith.addf %get3A_252, %get3A_255 : vector<16xf32>
      %mul3A_257 = arith.mulf %add3A_256, %broadcast_in_dim3A_179 : vector<16xf32>
      %swap3A_258 = arith.index_cast %add3A_183 : i32 to index
      %swap3A_259 = arith.constant 96 : index
      %swap3A_260 = tpu.vector_load %arg9[%swap3A_258, %swap3A_259] {strides = array<i32>} : memref<256x128xf32, #tpu.memory_space<vmem>>, vector<16xf32>,
      tpu.vector_store %arg9[%swap3A_258, %swap3A_259], %mul3A_257 {strides = array<i32>} : memref<256x128xf32, #tpu.memory_space<vmem>>, vector<16xf32>,
      %get3A_261 = arith.index_cast %add3A_183 : i32 to index
      %get3A_262 = arith.constant 112 : index
      %get3A_263 = tpu.vector_load %arg5[%get3A_261, %get3A_262] {strides = array<i32>} : memref<256x128xf32, #tpu.memory_space<vmem>>, vector<16xf32>,
      %get3A_264 = arith.index_cast %add3A_183 : i32 to index
      %get3A_265 = arith.constant 112 : index
      %get3A_266 = tpu.vector_load %arg6[%get3A_264, %get3A_265] {strides = array<i32>} : memref<256x128xf32, #tpu.memory_space<vmem>>, vector<16xf32>,
      %add3A_267 = arith.addf %get3A_263, %get3A_266 : vector<16xf32>
      %mul3A_268 = arith.mulf %add3A_267, %broadcast_in_dim3A_179 : vector<16xf32>
      %swap3A_269 = arith.index_cast %add3A_183 : i32 to index
      %swap3A_270 = arith.constant 112 : index
      %swap3A_271 = tpu.vector_load %arg9[%swap3A_269, %swap3A_270] {strides = array<i32>} : memref<256x128xf32, #tpu.memory_space<vmem>>, vector<16xf32>,
      tpu.vector_store %arg9[%swap3A_269, %swap3A_270], %mul3A_268 {strides = array<i32>} : memref<256x128xf32, #tpu.memory_space<vmem>>, vector<16xf32>,
      %slice3A_272 = vector.extract_strided_slice %div3A_85 {offsets = [2], sizes = [1], strides = [1]} : vector<16xf32> to vector<1xf32>
      %squeeze3A_273 = vector.extract %slice3A_272[0] : f32 from vector<1xf32>
      %broadcast_in_dim3A_274 = vector.broadcast %squeeze3A_273 : f32 to vector<16xf32>
      %mul3A_275 = arith.constant 16 : i32
      %mul3A_276 = arith.muli %scan3A_70, %mul3A_275 : i32
      %add3A_277 = arith.constant 2 : i32
      %add3A_278 = arith.addi %mul3A_276, %add3A_277 : i32
      %get3A_279 = arith.index_cast %add3A_278 : i32 to index
      %get3A_280 = arith.constant 0 : index
      %get3A_281 = tpu.vector_load %arg5[%get3A_279, %get3A_280] {strides = array<i32>} : memref<256x128xf32, #tpu.memory_space<vmem>>, vector<16xf32>,
      %get3A_282 = arith.index_cast %add3A_278 : i32 to index
      %get3A_283 = arith.constant 0 : index
      %get3A_284 = tpu.vector_load %arg6[%get3A_282, %get3A_283] {strides = array<i32>} : memref<256x128xf32, #tpu.memory_space<vmem>>, vector<16xf32>,
      %add3A_285 = arith.addf %get3A_281, %get3A_284 : vector<16xf32>
      %mul3A_286 = arith.mulf %add3A_285, %broadcast_in_dim3A_274 : vector<16xf32>
      %swap3A_287 = arith.index_cast %add3A_278 : i32 to index
      %swap3A_288 = arith.constant 0 : index
      %swap3A_289 = tpu.vector_load %arg9[%swap3A_287, %swap3A_288] {strides = array<i32>} : memref<256x128xf32, #tpu.memory_space<vmem>>, vector<16xf32>,
      tpu.vector_store %arg9[%swap3A_287, %swap3A_288], %mul3A_286 {strides = array<i32>} : memref<256x128xf32, #tpu.memory_space<vmem>>, vector<16xf32>,
      %get3A_290 = arith.index_cast %add3A_278 : i32 to index
      %get3A_291 = arith.constant 16 : index
      %get3A_292 = tpu.vector_load %arg5[%get3A_290, %get3A_291] {strides = array<i32>} : memref<256x128xf32, #tpu.memory_space<vmem>>, vector<16xf32>,
      %get3A_293 = arith.index_cast %add3A_278 : i32 to index
      %get3A_294 = arith.constant 16 : index
      %get3A_295 = tpu.vector_load %arg6[%get3A_293, %get3A_294] {strides = array<i32>} : memref<256x128xf32, #tpu.memory_space<vmem>>, vector<16xf32>,
      %add3A_296 = arith.addf %get3A_292, %get3A_295 : vector<16xf32>
      %mul3A_297 = arith.mulf %add3A_296, %broadcast_in_dim3A_274 : vector<16xf32>
      %swap3A_298 = arith.index_cast %add3A_278 : i32 to index
      %swap3A_299 = arith.constant 16 : index
      %swap3A_300 = tpu.vector_load %arg9[%swap3A_298, %swap3A_299] {strides = array<i32>} : memref<256x128xf32, #tpu.memory_space<vmem>>, vector<16xf32>,
      tpu.vector_store %arg9[%swap3A_298, %swap3A_299], %mul3A_297 {strides = array<i32>} : memref<256x128xf32, #tpu.memory_space<vmem>>, vector<16xf32>,
      %get3A_301 = arith.index_cast %add3A_278 : i32 to index
      %get3A_302 = arith.constant 32 : index
      %get3A_303 = tpu.vector_load %arg5[%get3A_301, %get3A_302] {strides = array<i32>} : memref<256x128xf32, #tpu.memory_space<vmem>>, vector<16xf32>,
      %get3A_304 = arith.index_cast %add3A_278 : i32 to index
      %get3A_305 = arith.constant 32 : index
      %get3A_306 = tpu.vector_load %arg6[%get3A_304, %get3A_305] {strides = array<i32>} : memref<256x128xf32, #tpu.memory_space<vmem>>, vector<16xf32>,
      %add3A_307 = arith.addf %get3A_303, %get3A_306 : vector<16xf32>
      %mul3A_308 = arith.mulf %add3A_307, %broadcast_in_dim3A_274 : vector<16xf32>
      %swap3A_309 = arith.index_cast %add3A_278 : i32 to index
      %swap3A_310 = arith.constant 32 : index
      %swap3A_311 = tpu.vector_load %arg9[%swap3A_309, %swap3A_310] {strides = array<i32>} : memref<256x128xf32, #tpu.memory_space<vmem>>, vector<16xf32>,
      tpu.vector_store %arg9[%swap3A_309, %swap3A_310], %mul3A_308 {strides = array<i32>} : memref<256x128xf32, #tpu.memory_space<vmem>>, vector<16xf32>,
      %get3A_312 = arith.index_cast %add3A_278 : i32 to index
      %get3A_313 = arith.constant 48 : index
      %get3A_314 = tpu.vector_load %arg5[%get3A_312, %get3A_313] {strides = array<i32>} : memref<256x128xf32, #tpu.memory_space<vmem>>, vector<16xf32>,
      %get3A_315 = arith.index_cast %add3A_278 : i32 to index
      %get3A_316 = arith.constant 48 : index
      %get3A_317 = tpu.vector_load %arg6[%get3A_315, %get3A_316] {strides = array<i32>} : memref<256x128xf32, #tpu.memory_space<vmem>>, vector<16xf32>,
      %add3A_318 = arith.addf %get3A_314, %get3A_317 : vector<16xf32>
      %mul3A_319 = arith.mulf %add3A_318, %broadcast_in_dim3A_274 : vector<16xf32>
      %swap3A_320 = arith.index_cast %add3A_278 : i32 to index
      %swap3A_321 = arith.constant 48 : index
      %swap3A_322 = tpu.vector_load %arg9[%swap3A_320, %swap3A_321] {strides = array<i32>} : memref<256x128xf32, #tpu.memory_space<vmem>>, vector<16xf32>,
      tpu.vector_store %arg9[%swap3A_320, %swap3A_321], %mul3A_319 {strides = array<i32>} : memref<256x128xf32, #tpu.memory_space<vmem>>, vector<16xf32>,
      %get3A_323 = arith.index_cast %add3A_278 : i32 to index
      %get3A_324 = arith.constant 64 : index
      %get3A_325 = tpu.vector_load %arg5[%get3A_323, %get3A_324] {strides = array<i32>} : memref<256x128xf32, #tpu.memory_space<vmem>>, vector<16xf32>,
      %get3A_326 = arith.index_cast %add3A_278 : i32 to index
      %get3A_327 = arith.constant 64 : index
      %get3A_328 = tpu.vector_load %arg6[%get3A_326, %get3A_327] {strides = array<i32>} : memref<256x128xf32, #tpu.memory_space<vmem>>, vector<16xf32>,
      %add3A_329 = arith.addf %get3A_325, %get3A_328 : vector<16xf32>
      %mul3A_330 = arith.mulf %add3A_329, %broadcast_in_dim3A_274 : vector<16xf32>
      %swap3A_331 = arith.index_cast %add3A_278 : i32 to index
      %swap3A_332 = arith.constant 64 : index
      %swap3A_333 = tpu.vector_load %arg9[%swap3A_331, %swap3A_332] {strides = array<i32>} : memref<256x128xf32, #tpu.memory_space<vmem>>, vector<16xf32>,
      tpu.vector_store %arg9[%swap3A_331, %swap3A_332], %mul3A_330 {strides = array<i32>} : memref<256x128xf32, #tpu.memory_space<vmem>>, vector<16xf32>,
      %get3A_334 = arith.index_cast %add3A_278 : i32 to index
      %get3A_335 = arith.constant 80 : index
      %get3A_336 = tpu.vector_load %arg5[%get3A_334, %get3A_335] {strides = array<i32>} : memref<256x128xf32, #tpu.memory_space<vmem>>, vector<16xf32>,
      %get3A_337 = arith.index_cast %add3A_278 : i32 to index
      %get3A_338 = arith.constant 80 : index
      %get3A_339 = tpu.vector_load %arg6[%get3A_337, %get3A_338] {strides = array<i32>} : memref<256x128xf32, #tpu.memory_space<vmem>>, vector<16xf32>,
      %add3A_340 = arith.addf %get3A_336, %get3A_339 : vector<16xf32>
      %mul3A_341 = arith.mulf %add3A_340, %broadcast_in_dim3A_274 : vector<16xf32>
      %swap3A_342 = arith.index_cast %add3A_278 : i32 to index
      %swap3A_343 = arith.constant 80 : index
      %swap3A_344 = tpu.vector_load %arg9[%swap3A_342, %swap3A_343] {strides = array<i32>} : memref<256x128xf32, #tpu.memory_space<vmem>>, vector<16xf32>,
      tpu.vector_store %arg9[%swap3A_342, %swap3A_343], %mul3A_341 {strides = array<i32>} : memref<256x128xf32, #tpu.memory_space<vmem>>, vector<16xf32>,
      %get3A_345 = arith.index_cast %add3A_278 : i32 to index
      %get3A_346 = arith.constant 96 : index
      %get3A_347 = tpu.vector_load %arg5[%get3A_345, %get3A_346] {strides = array<i32>} : memref<256x128xf32, #tpu.memory_space<vmem>>, vector<16xf32>,
      %get3A_348 = arith.index_cast %add3A_278 : i32 to index
      %get3A_349 = arith.constant 96 : index
      %get3A_350 = tpu.vector_load %arg6[%get3A_348, %get3A_349] {strides = array<i32>} : memref<256x128xf32, #tpu.memory_space<vmem>>, vector<16xf32>,
      %add3A_351 = arith.addf %get3A_347, %get3A_350 : vector<16xf32>
      %mul3A_352 = arith.mulf %add3A_351, %broadcast_in_dim3A_274 : vector<16xf32>
      %swap3A_353 = arith.index_cast %add3A_278 : i32 to index
      %swap3A_354 = arith.constant 96 : index
      %swap3A_355 = tpu.vector_load %arg9[%swap3A_353, %swap3A_354] {strides = array<i32>} : memref<256x128xf32, #tpu.memory_space<vmem>>, vector<16xf32>,
      tpu.vector_store %arg9[%swap3A_353, %swap3A_354], %mul3A_352 {strides = array<i32>} : memref<256x128xf32, #tpu.memory_space<vmem>>, vector<16xf32>,
      %get3A_356 = arith.index_cast %add3A_278 : i32 to index
      %get3A_357 = arith.constant 112 : index
      %get3A_358 = tpu.vector_load %arg5[%get3A_356, %get3A_357] {strides = array<i32>} : memref<256x128xf32, #tpu.memory_space<vmem>>, vector<16xf32>,
      %get3A_359 = arith.index_cast %add3A_278 : i32 to index
      %get3A_360 = arith.constant 112 : index
      %get3A_361 = tpu.vector_load %arg6[%get3A_359, %get3A_360] {strides = array<i32>} : memref<256x128xf32, #tpu.memory_space<vmem>>, vector<16xf32>,
      %add3A_362 = arith.addf %get3A_358, %get3A_361 : vector<16xf32>
      %mul3A_363 = arith.mulf %add3A_362, %broadcast_in_dim3A_274 : vector<16xf32>
      %swap3A_364 = arith.index_cast %add3A_278 : i32 to index
      %swap3A_365 = arith.constant 112 : index
      %swap3A_366 = tpu.vector_load %arg9[%swap3A_364, %swap3A_365] {strides = array<i32>} : memref<256x128xf32, #tpu.memory_space<vmem>>, vector<16xf32>,
      tpu.vector_store %arg9[%swap3A_364, %swap3A_365], %mul3A_363 {strides = array<i32>} : memref<256x128xf32, #tpu.memory_space<vmem>>, vector<16xf32>,
      %slice3A_367 = vector.extract_strided_slice %div3A_85 {offsets = [3], sizes = [1], strides = [1]} : vector<16xf32> to vector<1xf32>
      %squeeze3A_368 = vector.extract %slice3A_367[0] : f32 from vector<1xf32>
      %broadcast_in_dim3A_369 = vector.broadcast %squeeze3A_368 : f32 to vector<16xf32>
      %mul3A_370 = arith.constant 16 : i32
      %mul3A_371 = arith.muli %scan3A_70, %mul3A_370 : i32
      %add3A_372 = arith.constant 3 : i32
      %add3A_373 = arith.addi %mul3A_371, %add3A_372 : i32
      %get3A_374 = arith.index_cast %add3A_373 : i32 to index
      %get3A_375 = arith.constant 0 : index
      %get3A_376 = tpu.vector_load %arg5[%get3A_374, %get3A_375] {strides = array<i32>} : memref<256x128xf32, #tpu.memory_space<vmem>>, vector<16xf32>,
      %get3A_377 = arith.index_cast %add3A_373 : i32 to index
      %get3A_378 = arith.constant 0 : index
      %get3A_379 = tpu.vector_load %arg6[%get3A_377, %get3A_378] {strides = array<i32>} : memref<256x128xf32, #tpu.memory_space<vmem>>, vector<16xf32>,
      %add3A_380 = arith.addf %get3A_376, %get3A_379 : vector<16xf32>
      %mul3A_381 = arith.mulf %add3A_380, %broadcast_in_dim3A_369 : vector<16xf32>
      %swap3A_382 = arith.index_cast %add3A_373 : i32 to index
      %swap3A_383 = arith.constant 0 : index
      %swap3A_384 = tpu.vector_load %arg9[%swap3A_382, %swap3A_383] {strides = array<i32>} : memref<256x128xf32, #tpu.memory_space<vmem>>, vector<16xf32>,
      tpu.vector_store %arg9[%swap3A_382, %swap3A_383], %mul3A_381 {strides = array<i32>} : memref<256x128xf32, #tpu.memory_space<vmem>>, vector<16xf32>,
      %get3A_385 = arith.index_cast %add3A_373 : i32 to index
      %get3A_386 = arith.constant 16 : index
      %get3A_387 = tpu.vector_load %arg5[%get3A_385, %get3A_386] {strides = array<i32>} : memref<256x128xf32, #tpu.memory_space<vmem>>, vector<16xf32>,
      %get3A_388 = arith.index_cast %add3A_373 : i32 to index
      %get3A_389 = arith.constant 16 : index
      %get3A_390 = tpu.vector_load %arg6[%get3A_388, %get3A_389] {strides = array<i32>} : memref<256x128xf32, #tpu.memory_space<vmem>>, vector<16xf32>,
      %add3A_391 = arith.addf %get3A_387, %get3A_390 : vector<16xf32>
      %mul3A_392 = arith.mulf %add3A_391, %broadcast_in_dim3A_369 : vector<16xf32>
      %swap3A_393 = arith.index_cast %add3A_373 : i32 to index
      %swap3A_394 = arith.constant 16 : index
      %swap3A_395 = tpu.vector_load %arg9[%swap3A_393, %swap3A_394] {strides = array<i32>} : memref<256x128xf32, #tpu.memory_space<vmem>>, vector<16xf32>,
      tpu.vector_store %arg9[%swap3A_393, %swap3A_394], %mul3A_392 {strides = array<i32>} : memref<256x128xf32, #tpu.memory_space<vmem>>, vector<16xf32>,
      %get3A_396 = arith.index_cast %add3A_373 : i32 to index
      %get3A_397 = arith.constant 32 : index
      %get3A_398 = tpu.vector_load %arg5[%get3A_396, %get3A_397] {strides = array<i32>} : memref<256x128xf32, #tpu.memory_space<vmem>>, vector<16xf32>,
      %get3A_399 = arith.index_cast %add3A_373 : i32 to index
      %get3A_400 = arith.constant 32 : index
      %get3A_401 = tpu.vector_load %arg6[%get3A_399, %get3A_400] {strides = array<i32>} : memref<256x128xf32, #tpu.memory_space<vmem>>, vector<16xf32>,
      %add3A_402 = arith.addf %get3A_398, %get3A_401 : vector<16xf32>
      %mul3A_403 = arith.mulf %add3A_402, %broadcast_in_dim3A_369 : vector<16xf32>
      %swap3A_404 = arith.index_cast %add3A_373 : i32 to index
      %swap3A_405 = arith.constant 32 : index
      %swap3A_406 = tpu.vector_load %arg9[%swap3A_404, %swap3A_405] {strides = array<i32>} : memref<256x128xf32, #tpu.memory_space<vmem>>, vector<16xf32>,
      tpu.vector_store %arg9[%swap3A_404, %swap3A_405], %mul3A_403 {strides = array<i32>} : memref<256x128xf32, #tpu.memory_space<vmem>>, vector<16xf32>,
      %get3A_407 = arith.index_cast %add3A_373 : i32 to index
      %get3A_408 = arith.constant 48 : index
      %get3A_409 = tpu.vector_load %arg5[%get3A_407, %get3A_408] {strides = array<i32>} : memref<256x128xf32, #tpu.memory_space<vmem>>, vector<16xf32>,
      %get3A_410 = arith.index_cast %add3A_373 : i32 to index
      %get3A_411 = arith.constant 48 : index
      %get3A_412 = tpu.vector_load %arg6[%get3A_410, %get3A_411] {strides = array<i32>} : memref<256x128xf32, #tpu.memory_space<vmem>>, vector<16xf32>,
      %add3A_413 = arith.addf %get3A_409, %get3A_412 : vector<16xf32>
      %mul3A_414 = arith.mulf %add3A_413, %broadcast_in_dim3A_369 : vector<16xf32>
      %swap3A_415 = arith.index_cast %add3A_373 : i32 to index
      %swap3A_416 = arith.constant 48 : index
      %swap3A_417 = tpu.vector_load %arg9[%swap3A_415, %swap3A_416] {strides = array<i32>} : memref<256x128xf32, #tpu.memory_space<vmem>>, vector<16xf32>,
      tpu.vector_store %arg9[%swap3A_415, %swap3A_416], %mul3A_414 {strides = array<i32>} : memref<256x128xf32, #tpu.memory_space<vmem>>, vector<16xf32>,
      %get3A_418 = arith.index_cast %add3A_373 : i32 to index
      %get3A_419 = arith.constant 64 : index
      %get3A_420 = tpu.vector_load %arg5[%get3A_418, %get3A_419] {strides = array<i32>} : memref<256x128xf32, #tpu.memory_space<vmem>>, vector<16xf32>,
      %get3A_421 = arith.index_cast %add3A_373 : i32 to index
      %get3A_422 = arith.constant 64 : index
      %get3A_423 = tpu.vector_load %arg6[%get3A_421, %get3A_422] {strides = array<i32>} : memref<256x128xf32, #tpu.memory_space<vmem>>, vector<16xf32>,
      %add3A_424 = arith.addf %get3A_420, %get3A_423 : vector<16xf32>
      %mul3A_425 = arith.mulf %add3A_424, %broadcast_in_dim3A_369 : vector<16xf32>
      %swap3A_426 = arith.index_cast %add3A_373 : i32 to index
      %swap3A_427 = arith.constant 64 : index
      %swap3A_428 = tpu.vector_load %arg9[%swap3A_426, %swap3A_427] {strides = array<i32>} : memref<256x128xf32, #tpu.memory_space<vmem>>, vector<16xf32>,
      tpu.vector_store %arg9[%swap3A_426, %swap3A_427], %mul3A_425 {strides = array<i32>} : memref<256x128xf32, #tpu.memory_space<vmem>>, vector<16xf32>,
      %get3A_429 = arith.index_cast %add3A_373 : i32 to index
      %get3A_430 = arith.constant 80 : index
      %get3A_431 = tpu.vector_load %arg5[%get3A_429, %get3A_430] {strides = array<i32>} : memref<256x128xf32, #tpu.memory_space<vmem>>, vector<16xf32>,
      %get3A_432 = arith.index_cast %add3A_373 : i32 to index
      %get3A_433 = arith.constant 80 : index
      %get3A_434 = tpu.vector_load %arg6[%get3A_432, %get3A_433] {strides = array<i32>} : memref<256x128xf32, #tpu.memory_space<vmem>>, vector<16xf32>,
      %add3A_435 = arith.addf %get3A_431, %get3A_434 : vector<16xf32>
      %mul3A_436 = arith.mulf %add3A_435, %broadcast_in_dim3A_369 : vector<16xf32>
      %swap3A_437 = arith.index_cast %add3A_373 : i32 to index
      %swap3A_438 = arith.constant 80 : index
      %swap3A_439 = tpu.vector_load %arg9[%swap3A_437, %swap3A_438] {strides = array<i32>} : memref<256x128xf32, #tpu.memory_space<vmem>>, vector<16xf32>,
      tpu.vector_store %arg9[%swap3A_437, %swap3A_438], %mul3A_436 {strides = array<i32>} : memref<256x128xf32, #tpu.memory_space<vmem>>, vector<16xf32>,
      %get3A_440 = arith.index_cast %add3A_373 : i32 to index
      %get3A_441 = arith.constant 96 : index
      %get3A_442 = tpu.vector_load %arg5[%get3A_440, %get3A_441] {strides = array<i32>} : memref<256x128xf32, #tpu.memory_space<vmem>>, vector<16xf32>,
      %get3A_443 = arith.index_cast %add3A_373 : i32 to index
      %get3A_444 = arith.constant 96 : index
      %get3A_445 = tpu.vector_load %arg6[%get3A_443, %get3A_444] {strides = array<i32>} : memref<256x128xf32, #tpu.memory_space<vmem>>, vector<16xf32>,
      %add3A_446 = arith.addf %get3A_442, %get3A_445 : vector<16xf32>
      %mul3A_447 = arith.mulf %add3A_446, %broadcast_in_dim3A_369 : vector<16xf32>
      %swap3A_448 = arith.index_cast %add3A_373 : i32 to index
      %swap3A_449 = arith.constant 96 : index
      %swap3A_450 = tpu.vector_load %arg9[%swap3A_448, %swap3A_449] {strides = array<i32>} : memref<256x128xf32, #tpu.memory_space<vmem>>, vector<16xf32>,
      tpu.vector_store %arg9[%swap3A_448, %swap3A_449], %mul3A_447 {strides = array<i32>} : memref<256x128xf32, #tpu.memory_space<vmem>>, vector<16xf32>,
      %get3A_451 = arith.index_cast %add3A_373 : i32 to index
      %get3A_452 = arith.constant 112 : index
      %get3A_453 = tpu.vector_load %arg5[%get3A_451, %get3A_452] {strides = array<i32>} : memref<256x128xf32, #tpu.memory_space<vmem>>, vector<16xf32>,
      %get3A_454 = arith.index_cast %add3A_373 : i32 to index
      %get3A_455 = arith.constant 112 : index
      %get3A_456 = tpu.vector_load %arg6[%get3A_454, %get3A_455] {strides = array<i32>} : memref<256x128xf32, #tpu.memory_space<vmem>>, vector<16xf32>,
      %add3A_457 = arith.addf %get3A_453, %get3A_456 : vector<16xf32>
      %mul3A_458 = arith.mulf %add3A_457, %broadcast_in_dim3A_369 : vector<16xf32>
      %swap3A_459 = arith.index_cast %add3A_373 : i32 to index
      %swap3A_460 = arith.constant 112 : index
      %swap3A_461 = tpu.vector_load %arg9[%swap3A_459, %swap3A_460] {strides = array<i32>} : memref<256x128xf32, #tpu.memory_space<vmem>>, vector<16xf32>,
      tpu.vector_store %arg9[%swap3A_459, %swap3A_460], %mul3A_458 {strides = array<i32>} : memref<256x128xf32, #tpu.memory_space<vmem>>, vector<16xf32>,
      %slice3A_462 = vector.extract_strided_slice %div3A_85 {offsets = [4], sizes = [1], strides = [1]} : vector<16xf32> to vector<1xf32>
      %squeeze3A_463 = vector.extract %slice3A_462[0] : f32 from vector<1xf32>
      %broadcast_in_dim3A_464 = vector.broadcast %squeeze3A_463 : f32 to vector<16xf32>
      %mul3A_465 = arith.constant 16 : i32
      %mul3A_466 = arith.muli %scan3A_70, %mul3A_465 : i32
      %add3A_467 = arith.constant 4 : i32
      %add3A_468 = arith.addi %mul3A_466, %add3A_467 : i32
      %get3A_469 = arith.index_cast %add3A_468 : i32 to index
      %get3A_470 = arith.constant 0 : index
      %get3A_471 = tpu.vector_load %arg5[%get3A_469, %get3A_470] {strides = array<i32>} : memref<256x128xf32, #tpu.memory_space<vmem>>, vector<16xf32>,
      %get3A_472 = arith.index_cast %add3A_468 : i32 to index
      %get3A_473 = arith.constant 0 : index
      %get3A_474 = tpu.vector_load %arg6[%get3A_472, %get3A_473] {strides = array<i32>} : memref<256x128xf32, #tpu.memory_space<vmem>>, vector<16xf32>,
      %add3A_475 = arith.addf %get3A_471, %get3A_474 : vector<16xf32>
      %mul3A_476 = arith.mulf %add3A_475, %broadcast_in_dim3A_464 : vector<16xf32>
      %swap3A_477 = arith.index_cast %add3A_468 : i32 to index
      %swap3A_478 = arith.constant 0 : index
      %swap3A_479 = tpu.vector_load %arg9[%swap3A_477, %swap3A_478] {strides = array<i32>} : memref<256x128xf32, #tpu.memory_space<vmem>>, vector<16xf32>,
      tpu.vector_store %arg9[%swap3A_477, %swap3A_478], %mul3A_476 {strides = array<i32>} : memref<256x128xf32, #tpu.memory_space<vmem>>, vector<16xf32>,
      %get3A_480 = arith.index_cast %add3A_468 : i32 to index
      %get3A_481 = arith.constant 16 : index
      %get3A_482 = tpu.vector_load %arg5[%get3A_480, %get3A_481] {strides = array<i32>} : memref<256x128xf32, #tpu.memory_space<vmem>>, vector<16xf32>,
      %get3A_483 = arith.index_cast %add3A_468 : i32 to index
      %get3A_484 = arith.constant 16 : index
      %get3A_485 = tpu.vector_load %arg6[%get3A_483, %get3A_484] {strides = array<i32>} : memref<256x128xf32, #tpu.memory_space<vmem>>, vector<16xf32>,
      %add3A_486 = arith.addf %get3A_482, %get3A_485 : vector<16xf32>
      %mul3A_487 = arith.mulf %add3A_486, %broadcast_in_dim3A_464 : vector<16xf32>
      %swap3A_488 = arith.index_cast %add3A_468 : i32 to index
      %swap3A_489 = arith.constant 16 : index
      %swap3A_490 = tpu.vector_load %arg9[%swap3A_488, %swap3A_489] {strides = array<i32>} : memref<256x128xf32, #tpu.memory_space<vmem>>, vector<16xf32>,
      tpu.vector_store %arg9[%swap3A_488, %swap3A_489], %mul3A_487 {strides = array<i32>} : memref<256x128xf32, #tpu.memory_space<vmem>>, vector<16xf32>,
      %get3A_491 = arith.index_cast %add3A_468 : i32 to index
      %get3A_492 = arith.constant 32 : index
      %get3A_493 = tpu.vector_load %arg5[%get3A_491, %get3A_492] {strides = array<i32>} : memref<256x128xf32, #tpu.memory_space<vmem>>, vector<16xf32>,
      %get3A_494 = arith.index_cast %add3A_468 : i32 to index
      %get3A_495 = arith.constant 32 : index
      %get3A_496 = tpu.vector_load %arg6[%get3A_494, %get3A_495] {strides = array<i32>} : memref<256x128xf32, #tpu.memory_space<vmem>>, vector<16xf32>,
      %add3A_497 = arith.addf %get3A_493, %get3A_496 : vector<16xf32>
      %mul3A_498 = arith.mulf %add3A_497, %broadcast_in_dim3A_464 : vector<16xf32>
      %swap3A_499 = arith.index_cast %add3A_468 : i32 to index
      %swap3A_500 = arith.constant 32 : index
      %swap3A_501 = tpu.vector_load %arg9[%swap3A_499, %swap3A_500] {strides = array<i32>} : memref<256x128xf32, #tpu.memory_space<vmem>>, vector<16xf32>,
      tpu.vector_store %arg9[%swap3A_499, %swap3A_500], %mul3A_498 {strides = array<i32>} : memref<256x128xf32, #tpu.memory_space<vmem>>, vector<16xf32>,
      %get3A_502 = arith.index_cast %add3A_468 : i32 to index
      %get3A_503 = arith.constant 48 : index
      %get3A_504 = tpu.vector_load %arg5[%get3A_502, %get3A_503] {strides = array<i32>} : memref<256x128xf32, #tpu.memory_space<vmem>>, vector<16xf32>,
      %get3A_505 = arith.index_cast %add3A_468 : i32 to index
      %get3A_506 = arith.constant 48 : index
      %get3A_507 = tpu.vector_load %arg6[%get3A_505, %get3A_506] {strides = array<i32>} : memref<256x128xf32, #tpu.memory_space<vmem>>, vector<16xf32>,
      %add3A_508 = arith.addf %get3A_504, %get3A_507 : vector<16xf32>
      %mul3A_509 = arith.mulf %add3A_508, %broadcast_in_dim3A_464 : vector<16xf32>
      %swap3A_510 = arith.index_cast %add3A_468 : i32 to index
      %swap3A_511 = arith.constant 48 : index
      %swap3A_512 = tpu.vector_load %arg9[%swap3A_510, %swap3A_511] {strides = array<i32>} : memref<256x128xf32, #tpu.memory_space<vmem>>, vector<16xf32>,
      tpu.vector_store %arg9[%swap3A_510, %swap3A_511], %mul3A_509 {strides = array<i32>} : memref<256x128xf32, #tpu.memory_space<vmem>>, vector<16xf32>,
      %get3A_513 = arith.index_cast %add3A_468 : i32 to index
      %get3A_514 = arith.constant 64 : index
      %get3A_515 = tpu.vector_load %arg5[%get3A_513, %get3A_514] {strides = array<i32>} : memref<256x128xf32, #tpu.memory_space<vmem>>, vector<16xf32>,
      %get3A_516 = arith.index_cast %add3A_468 : i32 to index
      %get3A_517 = arith.constant 64 : index
      %get3A_518 = tpu.vector_load %arg6[%get3A_516, %get3A_517] {strides = array<i32>} : memref<256x128xf32, #tpu.memory_space<vmem>>, vector<16xf32>,
      %add3A_519 = arith.addf %get3A_515, %get3A_518 : vector<16xf32>
      %mul3A_520 = arith.mulf %add3A_519, %broadcast_in_dim3A_464 : vector<16xf32>
      %swap3A_521 = arith.index_cast %add3A_468 : i32 to index
      %swap3A_522 = arith.constant 64 : index
      %swap3A_523 = tpu.vector_load %arg9[%swap3A_521, %swap3A_522] {strides = array<i32>} : memref<256x128xf32, #tpu.memory_space<vmem>>, vector<16xf32>,
      tpu.vector_store %arg9[%swap3A_521, %swap3A_522], %mul3A_520 {strides = array<i32>} : memref<256x128xf32, #tpu.memory_space<vmem>>, vector<16xf32>,
      %get3A_524 = arith.index_cast %add3A_468 : i32 to index
      %get3A_525 = arith.constant 80 : index
      %get3A_526 = tpu.vector_load %arg5[%get3A_524, %get3A_525] {strides = array<i32>} : memref<256x128xf32, #tpu.memory_space<vmem>>, vector<16xf32>,
      %get3A_527 = arith.index_cast %add3A_468 : i32 to index
      %get3A_528 = arith.constant 80 : index
      %get3A_529 = tpu.vector_load %arg6[%get3A_527, %get3A_528] {strides = array<i32>} : memref<256x128xf32, #tpu.memory_space<vmem>>, vector<16xf32>,
      %add3A_530 = arith.addf %get3A_526, %get3A_529 : vector<16xf32>
      %mul3A_531 = arith.mulf %add3A_530, %broadcast_in_dim3A_464 : vector<16xf32>
      %swap3A_532 = arith.index_cast %add3A_468 : i32 to index
      %swap3A_533 = arith.constant 80 : index
      %swap3A_534 = tpu.vector_load %arg9[%swap3A_532, %swap3A_533] {strides = array<i32>} : memref<256x128xf32, #tpu.memory_space<vmem>>, vector<16xf32>,
      tpu.vector_store %arg9[%swap3A_532, %swap3A_533], %mul3A_531 {strides = array<i32>} : memref<256x128xf32, #tpu.memory_space<vmem>>, vector<16xf32>,
      %get3A_535 = arith.index_cast %add3A_468 : i32 to index
      %get3A_536 = arith.constant 96 : index
      %get3A_537 = tpu.vector_load %arg5[%get3A_535, %get3A_536] {strides = array<i32>} : memref<256x128xf32, #tpu.memory_space<vmem>>, vector<16xf32>,
      %get3A_538 = arith.index_cast %add3A_468 : i32 to index
      %get3A_539 = arith.constant 96 : index
      %get3A_540 = tpu.vector_load %arg6[%get3A_538, %get3A_539] {strides = array<i32>} : memref<256x128xf32, #tpu.memory_space<vmem>>, vector<16xf32>,
      %add3A_541 = arith.addf %get3A_537, %get3A_540 : vector<16xf32>
      %mul3A_542 = arith.mulf %add3A_541, %broadcast_in_dim3A_464 : vector<16xf32>
      %swap3A_543 = arith.index_cast %add3A_468 : i32 to index
      %swap3A_544 = arith.constant 96 : index
      %swap3A_545 = tpu.vector_load %arg9[%swap3A_543, %swap3A_544] {strides = array<i32>} : memref<256x128xf32, #tpu.memory_space<vmem>>, vector<16xf32>,
      tpu.vector_store %arg9[%swap3A_543, %swap3A_544], %mul3A_542 {strides = array<i32>} : memref<256x128xf32, #tpu.memory_space<vmem>>, vector<16xf32>,
      %get3A_546 = arith.index_cast %add3A_468 : i32 to index
      %get3A_547 = arith.constant 112 : index
      %get3A_548 = tpu.vector_load %arg5[%get3A_546, %get3A_547] {strides = array<i32>} : memref<256x128xf32, #tpu.memory_space<vmem>>, vector<16xf32>,
      %get3A_549 = arith.index_cast %add3A_468 : i32 to index
      %get3A_550 = arith.constant 112 : index
      %get3A_551 = tpu.vector_load %arg6[%get3A_549, %get3A_550] {strides = array<i32>} : memref<256x128xf32, #tpu.memory_space<vmem>>, vector<16xf32>,
      %add3A_552 = arith.addf %get3A_548, %get3A_551 : vector<16xf32>
      %mul3A_553 = arith.mulf %add3A_552, %broadcast_in_dim3A_464 : vector<16xf32>
      %swap3A_554 = arith.index_cast %add3A_468 : i32 to index
      %swap3A_555 = arith.constant 112 : index
      %swap3A_556 = tpu.vector_load %arg9[%swap3A_554, %swap3A_555] {strides = array<i32>} : memref<256x128xf32, #tpu.memory_space<vmem>>, vector<16xf32>,
      tpu.vector_store %arg9[%swap3A_554, %swap3A_555], %mul3A_553 {strides = array<i32>} : memref<256x128xf32, #tpu.memory_space<vmem>>, vector<16xf32>,
      %slice3A_557 = vector.extract_strided_slice %div3A_85 {offsets = [5], sizes = [1], strides = [1]} : vector<16xf32> to vector<1xf32>
      %squeeze3A_558 = vector.extract %slice3A_557[0] : f32 from vector<1xf32>
      %broadcast_in_dim3A_559 = vector.broadcast %squeeze3A_558 : f32 to vector<16xf32>
      %mul3A_560 = arith.constant 16 : i32
      %mul3A_561 = arith.muli %scan3A_70, %mul3A_560 : i32
      %add3A_562 = arith.constant 5 : i32
      %add3A_563 = arith.addi %mul3A_561, %add3A_562 : i32
      %get3A_564 = arith.index_cast %add3A_563 : i32 to index
      %get3A_565 = arith.constant 0 : index
      %get3A_566 = tpu.vector_load %arg5[%get3A_564, %get3A_565] {strides = array<i32>} : memref<256x128xf32, #tpu.memory_space<vmem>>, vector<16xf32>,
      %get3A_567 = arith.index_cast %add3A_563 : i32 to index
      %get3A_568 = arith.constant 0 : index
      %get3A_569 = tpu.vector_load %arg6[%get3A_567, %get3A_568] {strides = array<i32>} : memref<256x128xf32, #tpu.memory_space<vmem>>, vector<16xf32>,
      %add3A_570 = arith.addf %get3A_566, %get3A_569 : vector<16xf32>
      %mul3A_571 = arith.mulf %add3A_570, %broadcast_in_dim3A_559 : vector<16xf32>
      %swap3A_572 = arith.index_cast %add3A_563 : i32 to index
      %swap3A_573 = arith.constant 0 : index
      %swap3A_574 = tpu.vector_load %arg9[%swap3A_572, %swap3A_573] {strides = array<i32>} : memref<256x128xf32, #tpu.memory_space<vmem>>, vector<16xf32>,
      tpu.vector_store %arg9[%swap3A_572, %swap3A_573], %mul3A_571 {strides = array<i32>} : memref<256x128xf32, #tpu.memory_space<vmem>>, vector<16xf32>,
      %get3A_575 = arith.index_cast %add3A_563 : i32 to index
      %get3A_576 = arith.constant 16 : index
      %get3A_577 = tpu.vector_load %arg5[%get3A_575, %get3A_576] {strides = array<i32>} : memref<256x128xf32, #tpu.memory_space<vmem>>, vector<16xf32>,
      %get3A_578 = arith.index_cast %add3A_563 : i32 to index
      %get3A_579 = arith.constant 16 : index
      %get3A_580 = tpu.vector_load %arg6[%get3A_578, %get3A_579] {strides = array<i32>} : memref<256x128xf32, #tpu.memory_space<vmem>>, vector<16xf32>,
      %add3A_581 = arith.addf %get3A_577, %get3A_580 : vector<16xf32>
      %mul3A_582 = arith.mulf %add3A_581, %broadcast_in_dim3A_559 : vector<16xf32>
      %swap3A_583 = arith.index_cast %add3A_563 : i32 to index
      %swap3A_584 = arith.constant 16 : index
      %swap3A_585 = tpu.vector_load %arg9[%swap3A_583, %swap3A_584] {strides = array<i32>} : memref<256x128xf32, #tpu.memory_space<vmem>>, vector<16xf32>,
      tpu.vector_store %arg9[%swap3A_583, %swap3A_584], %mul3A_582 {strides = array<i32>} : memref<256x128xf32, #tpu.memory_space<vmem>>, vector<16xf32>,
      %get3A_586 = arith.index_cast %add3A_563 : i32 to index
      %get3A_587 = arith.constant 32 : index
      %get3A_588 = tpu.vector_load %arg5[%get3A_586, %get3A_587] {strides = array<i32>} : memref<256x128xf32, #tpu.memory_space<vmem>>, vector<16xf32>,
      %get3A_589 = arith.index_cast %add3A_563 : i32 to index
      %get3A_590 = arith.constant 32 : index
      %get3A_591 = tpu.vector_load %arg6[%get3A_589, %get3A_590] {strides = array<i32>} : memref<256x128xf32, #tpu.memory_space<vmem>>, vector<16xf32>,
      %add3A_592 = arith.addf %get3A_588, %get3A_591 : vector<16xf32>
      %mul3A_593 = arith.mulf %add3A_592, %broadcast_in_dim3A_559 : vector<16xf32>
      %swap3A_594 = arith.index_cast %add3A_563 : i32 to index
      %swap3A_595 = arith.constant 32 : index
      %swap3A_596 = tpu.vector_load %arg9[%swap3A_594, %swap3A_595] {strides = array<i32>} : memref<256x128xf32, #tpu.memory_space<vmem>>, vector<16xf32>,
      tpu.vector_store %arg9[%swap3A_594, %swap3A_595], %mul3A_593 {strides = array<i32>} : memref<256x128xf32, #tpu.memory_space<vmem>>, vector<16xf32>,
      %get3A_597 = arith.index_cast %add3A_563 : i32 to index
      %get3A_598 = arith.constant 48 : index
      %get3A_599 = tpu.vector_load %arg5[%get3A_597, %get3A_598] {strides = array<i32>} : memref<256x128xf32, #tpu.memory_space<vmem>>, vector<16xf32>,
      %get3A_600 = arith.index_cast %add3A_563 : i32 to index
      %get3A_601 = arith.constant 48 : index
      %get3A_602 = tpu.vector_load %arg6[%get3A_600, %get3A_601] {strides = array<i32>} : memref<256x128xf32, #tpu.memory_space<vmem>>, vector<16xf32>,
      %add3A_603 = arith.addf %get3A_599, %get3A_602 : vector<16xf32>
      %mul3A_604 = arith.mulf %add3A_603, %broadcast_in_dim3A_559 : vector<16xf32>
      %swap3A_605 = arith.index_cast %add3A_563 : i32 to index
      %swap3A_606 = arith.constant 48 : index
      %swap3A_607 = tpu.vector_load %arg9[%swap3A_605, %swap3A_606] {strides = array<i32>} : memref<256x128xf32, #tpu.memory_space<vmem>>, vector<16xf32>,
      tpu.vector_store %arg9[%swap3A_605, %swap3A_606], %mul3A_604 {strides = array<i32>} : memref<256x128xf32, #tpu.memory_space<vmem>>, vector<16xf32>,
      %get3A_608 = arith.index_cast %add3A_563 : i32 to index
      %get3A_609 = arith.constant 64 : index
      %get3A_610 = tpu.vector_load %arg5[%get3A_608, %get3A_609] {strides = array<i32>} : memref<256x128xf32, #tpu.memory_space<vmem>>, vector<16xf32>,
      %get3A_611 = arith.index_cast %add3A_563 : i32 to index
      %get3A_612 = arith.constant 64 : index
      %get3A_613 = tpu.vector_load %arg6[%get3A_611, %get3A_612] {strides = array<i32>} : memref<256x128xf32, #tpu.memory_space<vmem>>, vector<16xf32>,
      %add3A_614 = arith.addf %get3A_610, %get3A_613 : vector<16xf32>
      %mul3A_615 = arith.mulf %add3A_614, %broadcast_in_dim3A_559 : vector<16xf32>
      %swap3A_616 = arith.index_cast %add3A_563 : i32 to index
      %swap3A_617 = arith.constant 64 : index
      %swap3A_618 = tpu.vector_load %arg9[%swap3A_616, %swap3A_617] {strides = array<i32>} : memref<256x128xf32, #tpu.memory_space<vmem>>, vector<16xf32>,
      tpu.vector_store %arg9[%swap3A_616, %swap3A_617], %mul3A_615 {strides = array<i32>} : memref<256x128xf32, #tpu.memory_space<vmem>>, vector<16xf32>,
      %get3A_619 = arith.index_cast %add3A_563 : i32 to index
      %get3A_620 = arith.constant 80 : index
      %get3A_621 = tpu.vector_load %arg5[%get3A_619, %get3A_620] {strides = array<i32>} : memref<256x128xf32, #tpu.memory_space<vmem>>, vector<16xf32>,
      %get3A_622 = arith.index_cast %add3A_563 : i32 to index
      %get3A_623 = arith.constant 80 : index
      %get3A_624 = tpu.vector_load %arg6[%get3A_622, %get3A_623] {strides = array<i32>} : memref<256x128xf32, #tpu.memory_space<vmem>>, vector<16xf32>,
      %add3A_625 = arith.addf %get3A_621, %get3A_624 : vector<16xf32>
      %mul3A_626 = arith.mulf %add3A_625, %broadcast_in_dim3A_559 : vector<16xf32>
      %swap3A_627 = arith.index_cast %add3A_563 : i32 to index
      %swap3A_628 = arith.constant 80 : index
      %swap3A_629 = tpu.vector_load %arg9[%swap3A_627, %swap3A_628] {strides = array<i32>} : memref<256x128xf32, #tpu.memory_space<vmem>>, vector<16xf32>,
      tpu.vector_store %arg9[%swap3A_627, %swap3A_628], %mul3A_626 {strides = array<i32>} : memref<256x128xf32, #tpu.memory_space<vmem>>, vector<16xf32>,
      %get3A_630 = arith.index_cast %add3A_563 : i32 to index
      %get3A_631 = arith.constant 96 : index
      %get3A_632 = tpu.vector_load %arg5[%get3A_630, %get3A_631] {strides = array<i32>} : memref<256x128xf32, #tpu.memory_space<vmem>>, vector<16xf32>,
      %get3A_633 = arith.index_cast %add3A_563 : i32 to index
      %get3A_634 = arith.constant 96 : index
      %get3A_635 = tpu.vector_load %arg6[%get3A_633, %get3A_634] {strides = array<i32>} : memref<256x128xf32, #tpu.memory_space<vmem>>, vector<16xf32>,
      %add3A_636 = arith.addf %get3A_632, %get3A_635 : vector<16xf32>
      %mul3A_637 = arith.mulf %add3A_636, %broadcast_in_dim3A_559 : vector<16xf32>
      %swap3A_638 = arith.index_cast %add3A_563 : i32 to index
      %swap3A_639 = arith.constant 96 : index
      %swap3A_640 = tpu.vector_load %arg9[%swap3A_638, %swap3A_639] {strides = array<i32>} : memref<256x128xf32, #tpu.memory_space<vmem>>, vector<16xf32>,
      tpu.vector_store %arg9[%swap3A_638, %swap3A_639], %mul3A_637 {strides = array<i32>} : memref<256x128xf32, #tpu.memory_space<vmem>>, vector<16xf32>,
      %get3A_641 = arith.index_cast %add3A_563 : i32 to index
      %get3A_642 = arith.constant 112 : index
      %get3A_643 = tpu.vector_load %arg5[%get3A_641, %get3A_642] {strides = array<i32>} : memref<256x128xf32, #tpu.memory_space<vmem>>, vector<16xf32>,
      %get3A_644 = arith.index_cast %add3A_563 : i32 to index
      %get3A_645 = arith.constant 112 : index
      %get3A_646 = tpu.vector_load %arg6[%get3A_644, %get3A_645] {strides = array<i32>} : memref<256x128xf32, #tpu.memory_space<vmem>>, vector<16xf32>,
      %add3A_647 = arith.addf %get3A_643, %get3A_646 : vector<16xf32>
      %mul3A_648 = arith.mulf %add3A_647, %broadcast_in_dim3A_559 : vector<16xf32>
      %swap3A_649 = arith.index_cast %add3A_563 : i32 to index
      %swap3A_650 = arith.constant 112 : index
      %swap3A_651 = tpu.vector_load %arg9[%swap3A_649, %swap3A_650] {strides = array<i32>} : memref<256x128xf32, #tpu.memory_space<vmem>>, vector<16xf32>,
      tpu.vector_store %arg9[%swap3A_649, %swap3A_650], %mul3A_648 {strides = array<i32>} : memref<256x128xf32, #tpu.memory_space<vmem>>, vector<16xf32>,
      %slice3A_652 = vector.extract_strided_slice %div3A_85 {offsets = [6], sizes = [1], strides = [1]} : vector<16xf32> to vector<1xf32>
      %squeeze3A_653 = vector.extract %slice3A_652[0] : f32 from vector<1xf32>
      %broadcast_in_dim3A_654 = vector.broadcast %squeeze3A_653 : f32 to vector<16xf32>
      %mul3A_655 = arith.constant 16 : i32
      %mul3A_656 = arith.muli %scan3A_70, %mul3A_655 : i32
      %add3A_657 = arith.constant 6 : i32
      %add3A_658 = arith.addi %mul3A_656, %add3A_657 : i32
      %get3A_659 = arith.index_cast %add3A_658 : i32 to index
      %get3A_660 = arith.constant 0 : index
      %get3A_661 = tpu.vector_load %arg5[%get3A_659, %get3A_660] {strides = array<i32>} : memref<256x128xf32, #tpu.memory_space<vmem>>, vector<16xf32>,
      %get3A_662 = arith.index_cast %add3A_658 : i32 to index
      %get3A_663 = arith.constant 0 : index
      %get3A_664 = tpu.vector_load %arg6[%get3A_662, %get3A_663] {strides = array<i32>} : memref<256x128xf32, #tpu.memory_space<vmem>>, vector<16xf32>,
      %add3A_665 = arith.addf %get3A_661, %get3A_664 : vector<16xf32>
      %mul3A_666 = arith.mulf %add3A_665, %broadcast_in_dim3A_654 : vector<16xf32>
      %swap3A_667 = arith.index_cast %add3A_658 : i32 to index
      %swap3A_668 = arith.constant 0 : index
      %swap3A_669 = tpu.vector_load %arg9[%swap3A_667, %swap3A_668] {strides = array<i32>} : memref<256x128xf32, #tpu.memory_space<vmem>>, vector<16xf32>,
      tpu.vector_store %arg9[%swap3A_667, %swap3A_668], %mul3A_666 {strides = array<i32>} : memref<256x128xf32, #tpu.memory_space<vmem>>, vector<16xf32>,
      %get3A_670 = arith.index_cast %add3A_658 : i32 to index
      %get3A_671 = arith.constant 16 : index
      %get3A_672 = tpu.vector_load %arg5[%get3A_670, %get3A_671] {strides = array<i32>} : memref<256x128xf32, #tpu.memory_space<vmem>>, vector<16xf32>,
      %get3A_673 = arith.index_cast %add3A_658 : i32 to index
      %get3A_674 = arith.constant 16 : index
      %get3A_675 = tpu.vector_load %arg6[%get3A_673, %get3A_674] {strides = array<i32>} : memref<256x128xf32, #tpu.memory_space<vmem>>, vector<16xf32>,
      %add3A_676 = arith.addf %get3A_672, %get3A_675 : vector<16xf32>
      %mul3A_677 = arith.mulf %add3A_676, %broadcast_in_dim3A_654 : vector<16xf32>
      %swap3A_678 = arith.index_cast %add3A_658 : i32 to index
      %swap3A_679 = arith.constant 16 : index
      %swap3A_680 = tpu.vector_load %arg9[%swap3A_678, %swap3A_679] {strides = array<i32>} : memref<256x128xf32, #tpu.memory_space<vmem>>, vector<16xf32>,
      tpu.vector_store %arg9[%swap3A_678, %swap3A_679], %mul3A_677 {strides = array<i32>} : memref<256x128xf32, #tpu.memory_space<vmem>>, vector<16xf32>,
      %get3A_681 = arith.index_cast %add3A_658 : i32 to index
      %get3A_682 = arith.constant 32 : index
      %get3A_683 = tpu.vector_load %arg5[%get3A_681, %get3A_682] {strides = array<i32>} : memref<256x128xf32, #tpu.memory_space<vmem>>, vector<16xf32>,
      %get3A_684 = arith.index_cast %add3A_658 : i32 to index
      %get3A_685 = arith.constant 32 : index
      %get3A_686 = tpu.vector_load %arg6[%get3A_684, %get3A_685] {strides = array<i32>} : memref<256x128xf32, #tpu.memory_space<vmem>>, vector<16xf32>,
      %add3A_687 = arith.addf %get3A_683, %get3A_686 : vector<16xf32>
      %mul3A_688 = arith.mulf %add3A_687, %broadcast_in_dim3A_654 : vector<16xf32>
      %swap3A_689 = arith.index_cast %add3A_658 : i32 to index
      %swap3A_690 = arith.constant 32 : index
      %swap3A_691 = tpu.vector_load %arg9[%swap3A_689, %swap3A_690] {strides = array<i32>} : memref<256x128xf32, #tpu.memory_space<vmem>>, vector<16xf32>,
      tpu.vector_store %arg9[%swap3A_689, %swap3A_690], %mul3A_688 {strides = array<i32>} : memref<256x128xf32, #tpu.memory_space<vmem>>, vector<16xf32>,
      %get3A_692 = arith.index_cast %add3A_658 : i32 to index
      %get3A_693 = arith.constant 48 : index
      %get3A_694 = tpu.vector_load %arg5[%get3A_692, %get3A_693] {strides = array<i32>} : memref<256x128xf32, #tpu.memory_space<vmem>>, vector<16xf32>,
      %get3A_695 = arith.index_cast %add3A_658 : i32 to index
      %get3A_696 = arith.constant 48 : index
      %get3A_697 = tpu.vector_load %arg6[%get3A_695, %get3A_696] {strides = array<i32>} : memref<256x128xf32, #tpu.memory_space<vmem>>, vector<16xf32>,
      %add3A_698 = arith.addf %get3A_694, %get3A_697 : vector<16xf32>
      %mul3A_699 = arith.mulf %add3A_698, %broadcast_in_dim3A_654 : vector<16xf32>
      %swap3A_700 = arith.index_cast %add3A_658 : i32 to index
      %swap3A_701 = arith.constant 48 : index
      %swap3A_702 = tpu.vector_load %arg9[%swap3A_700, %swap3A_701] {strides = array<i32>} : memref<256x128xf32, #tpu.memory_space<vmem>>, vector<16xf32>,
      tpu.vector_store %arg9[%swap3A_700, %swap3A_701], %mul3A_699 {strides = array<i32>} : memref<256x128xf32, #tpu.memory_space<vmem>>, vector<16xf32>,
      %get3A_703 = arith.index_cast %add3A_658 : i32 to index
      %get3A_704 = arith.constant 64 : index
      %get3A_705 = tpu.vector_load %arg5[%get3A_703, %get3A_704] {strides = array<i32>} : memref<256x128xf32, #tpu.memory_space<vmem>>, vector<16xf32>,
      %get3A_706 = arith.index_cast %add3A_658 : i32 to index
      %get3A_707 = arith.constant 64 : index
      %get3A_708 = tpu.vector_load %arg6[%get3A_706, %get3A_707] {strides = array<i32>} : memref<256x128xf32, #tpu.memory_space<vmem>>, vector<16xf32>,
      %add3A_709 = arith.addf %get3A_705, %get3A_708 : vector<16xf32>
      %mul3A_710 = arith.mulf %add3A_709, %broadcast_in_dim3A_654 : vector<16xf32>
      %swap3A_711 = arith.index_cast %add3A_658 : i32 to index
      %swap3A_712 = arith.constant 64 : index
      %swap3A_713 = tpu.vector_load %arg9[%swap3A_711, %swap3A_712] {strides = array<i32>} : memref<256x128xf32, #tpu.memory_space<vmem>>, vector<16xf32>,
      tpu.vector_store %arg9[%swap3A_711, %swap3A_712], %mul3A_710 {strides = array<i32>} : memref<256x128xf32, #tpu.memory_space<vmem>>, vector<16xf32>,
      %get3A_714 = arith.index_cast %add3A_658 : i32 to index
      %get3A_715 = arith.constant 80 : index
      %get3A_716 = tpu.vector_load %arg5[%get3A_714, %get3A_715] {strides = array<i32>} : memref<256x128xf32, #tpu.memory_space<vmem>>, vector<16xf32>,
      %get3A_717 = arith.index_cast %add3A_658 : i32 to index
      %get3A_718 = arith.constant 80 : index
      %get3A_719 = tpu.vector_load %arg6[%get3A_717, %get3A_718] {strides = array<i32>} : memref<256x128xf32, #tpu.memory_space<vmem>>, vector<16xf32>,
      %add3A_720 = arith.addf %get3A_716, %get3A_719 : vector<16xf32>
      %mul3A_721 = arith.mulf %add3A_720, %broadcast_in_dim3A_654 : vector<16xf32>
      %swap3A_722 = arith.index_cast %add3A_658 : i32 to index
      %swap3A_723 = arith.constant 80 : index
      %swap3A_724 = tpu.vector_load %arg9[%swap3A_722, %swap3A_723] {strides = array<i32>} : memref<256x128xf32, #tpu.memory_space<vmem>>, vector<16xf32>,
      tpu.vector_store %arg9[%swap3A_722, %swap3A_723], %mul3A_721 {strides = array<i32>} : memref<256x128xf32, #tpu.memory_space<vmem>>, vector<16xf32>,
      %get3A_725 = arith.index_cast %add3A_658 : i32 to index
      %get3A_726 = arith.constant 96 : index
      %get3A_727 = tpu.vector_load %arg5[%get3A_725, %get3A_726] {strides = array<i32>} : memref<256x128xf32, #tpu.memory_space<vmem>>, vector<16xf32>,
      %get3A_728 = arith.index_cast %add3A_658 : i32 to index
      %get3A_729 = arith.constant 96 : index
      %get3A_730 = tpu.vector_load %arg6[%get3A_728, %get3A_729] {strides = array<i32>} : memref<256x128xf32, #tpu.memory_space<vmem>>, vector<16xf32>,
      %add3A_731 = arith.addf %get3A_727, %get3A_730 : vector<16xf32>
      %mul3A_732 = arith.mulf %add3A_731, %broadcast_in_dim3A_654 : vector<16xf32>
      %swap3A_733 = arith.index_cast %add3A_658 : i32 to index
      %swap3A_734 = arith.constant 96 : index
      %swap3A_735 = tpu.vector_load %arg9[%swap3A_733, %swap3A_734] {strides = array<i32>} : memref<256x128xf32, #tpu.memory_space<vmem>>, vector<16xf32>,
      tpu.vector_store %arg9[%swap3A_733, %swap3A_734], %mul3A_732 {strides = array<i32>} : memref<256x128xf32, #tpu.memory_space<vmem>>, vector<16xf32>,
      %get3A_736 = arith.index_cast %add3A_658 : i32 to index
      %get3A_737 = arith.constant 112 : index
      %get3A_738 = tpu.vector_load %arg5[%get3A_736, %get3A_737] {strides = array<i32>} : memref<256x128xf32, #tpu.memory_space<vmem>>, vector<16xf32>,
      %get3A_739 = arith.index_cast %add3A_658 : i32 to index
      %get3A_740 = arith.constant 112 : index
      %get3A_741 = tpu.vector_load %arg6[%get3A_739, %get3A_740] {strides = array<i32>} : memref<256x128xf32, #tpu.memory_space<vmem>>, vector<16xf32>,
      %add3A_742 = arith.addf %get3A_738, %get3A_741 : vector<16xf32>
      %mul3A_743 = arith.mulf %add3A_742, %broadcast_in_dim3A_654 : vector<16xf32>
      %swap3A_744 = arith.index_cast %add3A_658 : i32 to index
      %swap3A_745 = arith.constant 112 : index
      %swap3A_746 = tpu.vector_load %arg9[%swap3A_744, %swap3A_745] {strides = array<i32>} : memref<256x128xf32, #tpu.memory_space<vmem>>, vector<16xf32>,
      tpu.vector_store %arg9[%swap3A_744, %swap3A_745], %mul3A_743 {strides = array<i32>} : memref<256x128xf32, #tpu.memory_space<vmem>>, vector<16xf32>,
      %slice3A_747 = vector.extract_strided_slice %div3A_85 {offsets = [7], sizes = [1], strides = [1]} : vector<16xf32> to vector<1xf32>
      %squeeze3A_748 = vector.extract %slice3A_747[0] : f32 from vector<1xf32>
      %broadcast_in_dim3A_749 = vector.broadcast %squeeze3A_748 : f32 to vector<16xf32>
      %mul3A_750 = arith.constant 16 : i32
      %mul3A_751 = arith.muli %scan3A_70, %mul3A_750 : i32
      %add3A_752 = arith.constant 7 : i32
      %add3A_753 = arith.addi %mul3A_751, %add3A_752 : i32
      %get3A_754 = arith.index_cast %add3A_753 : i32 to index
      %get3A_755 = arith.constant 0 : index
      %get3A_756 = tpu.vector_load %arg5[%get3A_754, %get3A_755] {strides = array<i32>} : memref<256x128xf32, #tpu.memory_space<vmem>>, vector<16xf32>,
      %get3A_757 = arith.index_cast %add3A_753 : i32 to index
      %get3A_758 = arith.constant 0 : index
      %get3A_759 = tpu.vector_load %arg6[%get3A_757, %get3A_758] {strides = array<i32>} : memref<256x128xf32, #tpu.memory_space<vmem>>, vector<16xf32>,
      %add3A_760 = arith.addf %get3A_756, %get3A_759 : vector<16xf32>
      %mul3A_761 = arith.mulf %add3A_760, %broadcast_in_dim3A_749 : vector<16xf32>
      %swap3A_762 = arith.index_cast %add3A_753 : i32 to index
      %swap3A_763 = arith.constant 0 : index
      %swap3A_764 = tpu.vector_load %arg9[%swap3A_762, %swap3A_763] {strides = array<i32>} : memref<256x128xf32, #tpu.memory_space<vmem>>, vector<16xf32>,
      tpu.vector_store %arg9[%swap3A_762, %swap3A_763], %mul3A_761 {strides = array<i32>} : memref<256x128xf32, #tpu.memory_space<vmem>>, vector<16xf32>,
      %get3A_765 = arith.index_cast %add3A_753 : i32 to index
      %get3A_766 = arith.constant 16 : index
      %get3A_767 = tpu.vector_load %arg5[%get3A_765, %get3A_766] {strides = array<i32>} : memref<256x128xf32, #tpu.memory_space<vmem>>, vector<16xf32>,
      %get3A_768 = arith.index_cast %add3A_753 : i32 to index
      %get3A_769 = arith.constant 16 : index
      %get3A_770 = tpu.vector_load %arg6[%get3A_768, %get3A_769] {strides = array<i32>} : memref<256x128xf32, #tpu.memory_space<vmem>>, vector<16xf32>,
      %add3A_771 = arith.addf %get3A_767, %get3A_770 : vector<16xf32>
      %mul3A_772 = arith.mulf %add3A_771, %broadcast_in_dim3A_749 : vector<16xf32>
      %swap3A_773 = arith.index_cast %add3A_753 : i32 to index
      %swap3A_774 = arith.constant 16 : index
      %swap3A_775 = tpu.vector_load %arg9[%swap3A_773, %swap3A_774] {strides = array<i32>} : memref<256x128xf32, #tpu.memory_space<vmem>>, vector<16xf32>,
      tpu.vector_store %arg9[%swap3A_773, %swap3A_774], %mul3A_772 {strides = array<i32>} : memref<256x128xf32, #tpu.memory_space<vmem>>, vector<16xf32>,
      %get3A_776 = arith.index_cast %add3A_753 : i32 to index
      %get3A_777 = arith.constant 32 : index
      %get3A_778 = tpu.vector_load %arg5[%get3A_776, %get3A_777] {strides = array<i32>} : memref<256x128xf32, #tpu.memory_space<vmem>>, vector<16xf32>,
      %get3A_779 = arith.index_cast %add3A_753 : i32 to index
      %get3A_780 = arith.constant 32 : index
      %get3A_781 = tpu.vector_load %arg6[%get3A_779, %get3A_780] {strides = array<i32>} : memref<256x128xf32, #tpu.memory_space<vmem>>, vector<16xf32>,
      %add3A_782 = arith.addf %get3A_778, %get3A_781 : vector<16xf32>
      %mul3A_783 = arith.mulf %add3A_782, %broadcast_in_dim3A_749 : vector<16xf32>
      %swap3A_784 = arith.index_cast %add3A_753 : i32 to index
      %swap3A_785 = arith.constant 32 : index
      %swap3A_786 = tpu.vector_load %arg9[%swap3A_784, %swap3A_785] {strides = array<i32>} : memref<256x128xf32, #tpu.memory_space<vmem>>, vector<16xf32>,
      tpu.vector_store %arg9[%swap3A_784, %swap3A_785], %mul3A_783 {strides = array<i32>} : memref<256x128xf32, #tpu.memory_space<vmem>>, vector<16xf32>,
      %get3A_787 = arith.index_cast %add3A_753 : i32 to index
      %get3A_788 = arith.constant 48 : index
      %get3A_789 = tpu.vector_load %arg5[%get3A_787, %get3A_788] {strides = array<i32>} : memref<256x128xf32, #tpu.memory_space<vmem>>, vector<16xf32>,
      %get3A_790 = arith.index_cast %add3A_753 : i32 to index
      %get3A_791 = arith.constant 48 : index
      %get3A_792 = tpu.vector_load %arg6[%get3A_790, %get3A_791] {strides = array<i32>} : memref<256x128xf32, #tpu.memory_space<vmem>>, vector<16xf32>,
      %add3A_793 = arith.addf %get3A_789, %get3A_792 : vector<16xf32>
      %mul3A_794 = arith.mulf %add3A_793, %broadcast_in_dim3A_749 : vector<16xf32>
      %swap3A_795 = arith.index_cast %add3A_753 : i32 to index
      %swap3A_796 = arith.constant 48 : index
      %swap3A_797 = tpu.vector_load %arg9[%swap3A_795, %swap3A_796] {strides = array<i32>} : memref<256x128xf32, #tpu.memory_space<vmem>>, vector<16xf32>,
      tpu.vector_store %arg9[%swap3A_795, %swap3A_796], %mul3A_794 {strides = array<i32>} : memref<256x128xf32, #tpu.memory_space<vmem>>, vector<16xf32>,
      %get3A_798 = arith.index_cast %add3A_753 : i32 to index
      %get3A_799 = arith.constant 64 : index
      %get3A_800 = tpu.vector_load %arg5[%get3A_798, %get3A_799] {strides = array<i32>} : memref<256x128xf32, #tpu.memory_space<vmem>>, vector<16xf32>,
      %get3A_801 = arith.index_cast %add3A_753 : i32 to index
      %get3A_802 = arith.constant 64 : index
      %get3A_803 = tpu.vector_load %arg6[%get3A_801, %get3A_802] {strides = array<i32>} : memref<256x128xf32, #tpu.memory_space<vmem>>, vector<16xf32>,
      %add3A_804 = arith.addf %get3A_800, %get3A_803 : vector<16xf32>
      %mul3A_805 = arith.mulf %add3A_804, %broadcast_in_dim3A_749 : vector<16xf32>
      %swap3A_806 = arith.index_cast %add3A_753 : i32 to index
      %swap3A_807 = arith.constant 64 : index
      %swap3A_808 = tpu.vector_load %arg9[%swap3A_806, %swap3A_807] {strides = array<i32>} : memref<256x128xf32, #tpu.memory_space<vmem>>, vector<16xf32>,
      tpu.vector_store %arg9[%swap3A_806, %swap3A_807], %mul3A_805 {strides = array<i32>} : memref<256x128xf32, #tpu.memory_space<vmem>>, vector<16xf32>,
      %get3A_809 = arith.index_cast %add3A_753 : i32 to index
      %get3A_810 = arith.constant 80 : index
      %get3A_811 = tpu.vector_load %arg5[%get3A_809, %get3A_810] {strides = array<i32>} : memref<256x128xf32, #tpu.memory_space<vmem>>, vector<16xf32>,
      %get3A_812 = arith.index_cast %add3A_753 : i32 to index
      %get3A_813 = arith.constant 80 : index
      %get3A_814 = tpu.vector_load %arg6[%get3A_812, %get3A_813] {strides = array<i32>} : memref<256x128xf32, #tpu.memory_space<vmem>>, vector<16xf32>,
      %add3A_815 = arith.addf %get3A_811, %get3A_814 : vector<16xf32>
      %mul3A_816 = arith.mulf %add3A_815, %broadcast_in_dim3A_749 : vector<16xf32>
      %swap3A_817 = arith.index_cast %add3A_753 : i32 to index
      %swap3A_818 = arith.constant 80 : index
      %swap3A_819 = tpu.vector_load %arg9[%swap3A_817, %swap3A_818] {strides = array<i32>} : memref<256x128xf32, #tpu.memory_space<vmem>>, vector<16xf32>,
      tpu.vector_store %arg9[%swap3A_817, %swap3A_818], %mul3A_816 {strides = array<i32>} : memref<256x128xf32, #tpu.memory_space<vmem>>, vector<16xf32>,
      %get3A_820 = arith.index_cast %add3A_753 : i32 to index
      %get3A_821 = arith.constant 96 : index
      %get3A_822 = tpu.vector_load %arg5[%get3A_820, %get3A_821] {strides = array<i32>} : memref<256x128xf32, #tpu.memory_space<vmem>>, vector<16xf32>,
      %get3A_823 = arith.index_cast %add3A_753 : i32 to index
      %get3A_824 = arith.constant 96 : index
      %get3A_825 = tpu.vector_load %arg6[%get3A_823, %get3A_824] {strides = array<i32>} : memref<256x128xf32, #tpu.memory_space<vmem>>, vector<16xf32>,
      %add3A_826 = arith.addf %get3A_822, %get3A_825 : vector<16xf32>
      %mul3A_827 = arith.mulf %add3A_826, %broadcast_in_dim3A_749 : vector<16xf32>
      %swap3A_828 = arith.index_cast %add3A_753 : i32 to index
      %swap3A_829 = arith.constant 96 : index
      %swap3A_830 = tpu.vector_load %arg9[%swap3A_828, %swap3A_829] {strides = array<i32>} : memref<256x128xf32, #tpu.memory_space<vmem>>, vector<16xf32>,
      tpu.vector_store %arg9[%swap3A_828, %swap3A_829], %mul3A_827 {strides = array<i32>} : memref<256x128xf32, #tpu.memory_space<vmem>>, vector<16xf32>,
      %get3A_831 = arith.index_cast %add3A_753 : i32 to index
      %get3A_832 = arith.constant 112 : index
      %get3A_833 = tpu.vector_load %arg5[%get3A_831, %get3A_832] {strides = array<i32>} : memref<256x128xf32, #tpu.memory_space<vmem>>, vector<16xf32>,
      %get3A_834 = arith.index_cast %add3A_753 : i32 to index
      %get3A_835 = arith.constant 112 : index
      %get3A_836 = tpu.vector_load %arg6[%get3A_834, %get3A_835] {strides = array<i32>} : memref<256x128xf32, #tpu.memory_space<vmem>>, vector<16xf32>,
      %add3A_837 = arith.addf %get3A_833, %get3A_836 : vector<16xf32>
      %mul3A_838 = arith.mulf %add3A_837, %broadcast_in_dim3A_749 : vector<16xf32>
      %swap3A_839 = arith.index_cast %add3A_753 : i32 to index
      %swap3A_840 = arith.constant 112 : index
      %swap3A_841 = tpu.vector_load %arg9[%swap3A_839, %swap3A_840] {strides = array<i32>} : memref<256x128xf32, #tpu.memory_space<vmem>>, vector<16xf32>,
      tpu.vector_store %arg9[%swap3A_839, %swap3A_840], %mul3A_838 {strides = array<i32>} : memref<256x128xf32, #tpu.memory_space<vmem>>, vector<16xf32>,
      %slice3A_842 = vector.extract_strided_slice %div3A_85 {offsets = [8], sizes = [1], strides = [1]} : vector<16xf32> to vector<1xf32>
      %squeeze3A_843 = vector.extract %slice3A_842[0] : f32 from vector<1xf32>
      %broadcast_in_dim3A_844 = vector.broadcast %squeeze3A_843 : f32 to vector<16xf32>
      %mul3A_845 = arith.constant 16 : i32
      %mul3A_846 = arith.muli %scan3A_70, %mul3A_845 : i32
      %add3A_847 = arith.constant 8 : i32
      %add3A_848 = arith.addi %mul3A_846, %add3A_847 : i32
      %get3A_849 = arith.index_cast %add3A_848 : i32 to index
      %get3A_850 = arith.constant 0 : index
      %get3A_851 = tpu.vector_load %arg5[%get3A_849, %get3A_850] {strides = array<i32>} : memref<256x128xf32, #tpu.memory_space<vmem>>, vector<16xf32>,
      %get3A_852 = arith.index_cast %add3A_848 : i32 to index
      %get3A_853 = arith.constant 0 : index
      %get3A_854 = tpu.vector_load %arg6[%get3A_852, %get3A_853] {strides = array<i32>} : memref<256x128xf32, #tpu.memory_space<vmem>>, vector<16xf32>,
      %add3A_855 = arith.addf %get3A_851, %get3A_854 : vector<16xf32>
      %mul3A_856 = arith.mulf %add3A_855, %broadcast_in_dim3A_844 : vector<16xf32>
      %swap3A_857 = arith.index_cast %add3A_848 : i32 to index
      %swap3A_858 = arith.constant 0 : index
      %swap3A_859 = tpu.vector_load %arg9[%swap3A_857, %swap3A_858] {strides = array<i32>} : memref<256x128xf32, #tpu.memory_space<vmem>>, vector<16xf32>,
      tpu.vector_store %arg9[%swap3A_857, %swap3A_858], %mul3A_856 {strides = array<i32>} : memref<256x128xf32, #tpu.memory_space<vmem>>, vector<16xf32>,
      %get3A_860 = arith.index_cast %add3A_848 : i32 to index
      %get3A_861 = arith.constant 16 : index
      %get3A_862 = tpu.vector_load %arg5[%get3A_860, %get3A_861] {strides = array<i32>} : memref<256x128xf32, #tpu.memory_space<vmem>>, vector<16xf32>,
      %get3A_863 = arith.index_cast %add3A_848 : i32 to index
      %get3A_864 = arith.constant 16 : index
      %get3A_865 = tpu.vector_load %arg6[%get3A_863, %get3A_864] {strides = array<i32>} : memref<256x128xf32, #tpu.memory_space<vmem>>, vector<16xf32>,
      %add3A_866 = arith.addf %get3A_862, %get3A_865 : vector<16xf32>
      %mul3A_867 = arith.mulf %add3A_866, %broadcast_in_dim3A_844 : vector<16xf32>
      %swap3A_868 = arith.index_cast %add3A_848 : i32 to index
      %swap3A_869 = arith.constant 16 : index
      %swap3A_870 = tpu.vector_load %arg9[%swap3A_868, %swap3A_869] {strides = array<i32>} : memref<256x128xf32, #tpu.memory_space<vmem>>, vector<16xf32>,
      tpu.vector_store %arg9[%swap3A_868, %swap3A_869], %mul3A_867 {strides = array<i32>} : memref<256x128xf32, #tpu.memory_space<vmem>>, vector<16xf32>,
      %get3A_871 = arith.index_cast %add3A_848 : i32 to index
      %get3A_872 = arith.constant 32 : index
      %get3A_873 = tpu.vector_load %arg5[%get3A_871, %get3A_872] {strides = array<i32>} : memref<256x128xf32, #tpu.memory_space<vmem>>, vector<16xf32>,
      %get3A_874 = arith.index_cast %add3A_848 : i32 to index
      %get3A_875 = arith.constant 32 : index
      %get3A_876 = tpu.vector_load %arg6[%get3A_874, %get3A_875] {strides = array<i32>} : memref<256x128xf32, #tpu.memory_space<vmem>>, vector<16xf32>,
      %add3A_877 = arith.addf %get3A_873, %get3A_876 : vector<16xf32>
      %mul3A_878 = arith.mulf %add3A_877, %broadcast_in_dim3A_844 : vector<16xf32>
      %swap3A_879 = arith.index_cast %add3A_848 : i32 to index
      %swap3A_880 = arith.constant 32 : index
      %swap3A_881 = tpu.vector_load %arg9[%swap3A_879, %swap3A_880] {strides = array<i32>} : memref<256x128xf32, #tpu.memory_space<vmem>>, vector<16xf32>,
      tpu.vector_store %arg9[%swap3A_879, %swap3A_880], %mul3A_878 {strides = array<i32>} : memref<256x128xf32, #tpu.memory_space<vmem>>, vector<16xf32>,
      %get3A_882 = arith.index_cast %add3A_848 : i32 to index
      %get3A_883 = arith.constant 48 : index
      %get3A_884 = tpu.vector_load %arg5[%get3A_882, %get3A_883] {strides = array<i32>} : memref<256x128xf32, #tpu.memory_space<vmem>>, vector<16xf32>,
      %get3A_885 = arith.index_cast %add3A_848 : i32 to index
      %get3A_886 = arith.constant 48 : index
      %get3A_887 = tpu.vector_load %arg6[%get3A_885, %get3A_886] {strides = array<i32>} : memref<256x128xf32, #tpu.memory_space<vmem>>, vector<16xf32>,
      %add3A_888 = arith.addf %get3A_884, %get3A_887 : vector<16xf32>
      %mul3A_889 = arith.mulf %add3A_888, %broadcast_in_dim3A_844 : vector<16xf32>
      %swap3A_890 = arith.index_cast %add3A_848 : i32 to index
      %swap3A_891 = arith.constant 48 : index
      %swap3A_892 = tpu.vector_load %arg9[%swap3A_890, %swap3A_891] {strides = array<i32>} : memref<256x128xf32, #tpu.memory_space<vmem>>, vector<16xf32>,
      tpu.vector_store %arg9[%swap3A_890, %swap3A_891], %mul3A_889 {strides = array<i32>} : memref<256x128xf32, #tpu.memory_space<vmem>>, vector<16xf32>,
      %get3A_893 = arith.index_cast %add3A_848 : i32 to index
      %get3A_894 = arith.constant 64 : index
      %get3A_895 = tpu.vector_load %arg5[%get3A_893, %get3A_894] {strides = array<i32>} : memref<256x128xf32, #tpu.memory_space<vmem>>, vector<16xf32>,
      %get3A_896 = arith.index_cast %add3A_848 : i32 to index
      %get3A_897 = arith.constant 64 : index
      %get3A_898 = tpu.vector_load %arg6[%get3A_896, %get3A_897] {strides = array<i32>} : memref<256x128xf32, #tpu.memory_space<vmem>>, vector<16xf32>,
      %add3A_899 = arith.addf %get3A_895, %get3A_898 : vector<16xf32>
      %mul3A_900 = arith.mulf %add3A_899, %broadcast_in_dim3A_844 : vector<16xf32>
      %swap3A_901 = arith.index_cast %add3A_848 : i32 to index
      %swap3A_902 = arith.constant 64 : index
      %swap3A_903 = tpu.vector_load %arg9[%swap3A_901, %swap3A_902] {strides = array<i32>} : memref<256x128xf32, #tpu.memory_space<vmem>>, vector<16xf32>,
      tpu.vector_store %arg9[%swap3A_901, %swap3A_902], %mul3A_900 {strides = array<i32>} : memref<256x128xf32, #tpu.memory_space<vmem>>, vector<16xf32>,
      %get3A_904 = arith.index_cast %add3A_848 : i32 to index
      %get3A_905 = arith.constant 80 : index
      %get3A_906 = tpu.vector_load %arg5[%get3A_904, %get3A_905] {strides = array<i32>} : memref<256x128xf32, #tpu.memory_space<vmem>>, vector<16xf32>,
      %get3A_907 = arith.index_cast %add3A_848 : i32 to index
      %get3A_908 = arith.constant 80 : index
      %get3A_909 = tpu.vector_load %arg6[%get3A_907, %get3A_908] {strides = array<i32>} : memref<256x128xf32, #tpu.memory_space<vmem>>, vector<16xf32>,
      %add3A_910 = arith.addf %get3A_906, %get3A_909 : vector<16xf32>
      %mul3A_911 = arith.mulf %add3A_910, %broadcast_in_dim3A_844 : vector<16xf32>
      %swap3A_912 = arith.index_cast %add3A_848 : i32 to index
      %swap3A_913 = arith.constant 80 : index
      %swap3A_914 = tpu.vector_load %arg9[%swap3A_912, %swap3A_913] {strides = array<i32>} : memref<256x128xf32, #tpu.memory_space<vmem>>, vector<16xf32>,
      tpu.vector_store %arg9[%swap3A_912, %swap3A_913], %mul3A_911 {strides = array<i32>} : memref<256x128xf32, #tpu.memory_space<vmem>>, vector<16xf32>,
      %get3A_915 = arith.index_cast %add3A_848 : i32 to index
      %get3A_916 = arith.constant 96 : index
      %get3A_917 = tpu.vector_load %arg5[%get3A_915, %get3A_916] {strides = array<i32>} : memref<256x128xf32, #tpu.memory_space<vmem>>, vector<16xf32>,
      %get3A_918 = arith.index_cast %add3A_848 : i32 to index
      %get3A_919 = arith.constant 96 : index
      %get3A_920 = tpu.vector_load %arg6[%get3A_918, %get3A_919] {strides = array<i32>} : memref<256x128xf32, #tpu.memory_space<vmem>>, vector<16xf32>,
      %add3A_921 = arith.addf %get3A_917, %get3A_920 : vector<16xf32>
      %mul3A_922 = arith.mulf %add3A_921, %broadcast_in_dim3A_844 : vector<16xf32>
      %swap3A_923 = arith.index_cast %add3A_848 : i32 to index
      %swap3A_924 = arith.constant 96 : index
      %swap3A_925 = tpu.vector_load %arg9[%swap3A_923, %swap3A_924] {strides = array<i32>} : memref<256x128xf32, #tpu.memory_space<vmem>>, vector<16xf32>,
      tpu.vector_store %arg9[%swap3A_923, %swap3A_924], %mul3A_922 {strides = array<i32>} : memref<256x128xf32, #tpu.memory_space<vmem>>, vector<16xf32>,
      %get3A_926 = arith.index_cast %add3A_848 : i32 to index
      %get3A_927 = arith.constant 112 : index
      %get3A_928 = tpu.vector_load %arg5[%get3A_926, %get3A_927] {strides = array<i32>} : memref<256x128xf32, #tpu.memory_space<vmem>>, vector<16xf32>,
      %get3A_929 = arith.index_cast %add3A_848 : i32 to index
      %get3A_930 = arith.constant 112 : index
      %get3A_931 = tpu.vector_load %arg6[%get3A_929, %get3A_930] {strides = array<i32>} : memref<256x128xf32, #tpu.memory_space<vmem>>, vector<16xf32>,
      %add3A_932 = arith.addf %get3A_928, %get3A_931 : vector<16xf32>
      %mul3A_933 = arith.mulf %add3A_932, %broadcast_in_dim3A_844 : vector<16xf32>
      %swap3A_934 = arith.index_cast %add3A_848 : i32 to index
      %swap3A_935 = arith.constant 112 : index
      %swap3A_936 = tpu.vector_load %arg9[%swap3A_934, %swap3A_935] {strides = array<i32>} : memref<256x128xf32, #tpu.memory_space<vmem>>, vector<16xf32>,
      tpu.vector_store %arg9[%swap3A_934, %swap3A_935], %mul3A_933 {strides = array<i32>} : memref<256x128xf32, #tpu.memory_space<vmem>>, vector<16xf32>,
      %slice3A_937 = vector.extract_strided_slice %div3A_85 {offsets = [9], sizes = [1], strides = [1]} : vector<16xf32> to vector<1xf32>
      %squeeze3A_938 = vector.extract %slice3A_937[0] : f32 from vector<1xf32>
      %broadcast_in_dim3A_939 = vector.broadcast %squeeze3A_938 : f32 to vector<16xf32>
      %mul3A_940 = arith.constant 16 : i32
      %mul3A_941 = arith.muli %scan3A_70, %mul3A_940 : i32
      %add3A_942 = arith.constant 9 : i32
      %add3A_943 = arith.addi %mul3A_941, %add3A_942 : i32
      %get3A_944 = arith.index_cast %add3A_943 : i32 to index
      %get3A_945 = arith.constant 0 : index
      %get3A_946 = tpu.vector_load %arg5[%get3A_944, %get3A_945] {strides = array<i32>} : memref<256x128xf32, #tpu.memory_space<vmem>>, vector<16xf32>,
      %get3A_947 = arith.index_cast %add3A_943 : i32 to index
      %get3A_948 = arith.constant 0 : index
      %get3A_949 = tpu.vector_load %arg6[%get3A_947, %get3A_948] {strides = array<i32>} : memref<256x128xf32, #tpu.memory_space<vmem>>, vector<16xf32>,
      %add3A_950 = arith.addf %get3A_946, %get3A_949 : vector<16xf32>
      %mul3A_951 = arith.mulf %add3A_950, %broadcast_in_dim3A_939 : vector<16xf32>
      %swap3A_952 = arith.index_cast %add3A_943 : i32 to index
      %swap3A_953 = arith.constant 0 : index
      %swap3A_954 = tpu.vector_load %arg9[%swap3A_952, %swap3A_953] {strides = array<i32>} : memref<256x128xf32, #tpu.memory_space<vmem>>, vector<16xf32>,
      tpu.vector_store %arg9[%swap3A_952, %swap3A_953], %mul3A_951 {strides = array<i32>} : memref<256x128xf32, #tpu.memory_space<vmem>>, vector<16xf32>,
      %get3A_955 = arith.index_cast %add3A_943 : i32 to index
      %get3A_956 = arith.constant 16 : index
      %get3A_957 = tpu.vector_load %arg5[%get3A_955, %get3A_956] {strides = array<i32>} : memref<256x128xf32, #tpu.memory_space<vmem>>, vector<16xf32>,
      %get3A_958 = arith.index_cast %add3A_943 : i32 to index
      %get3A_959 = arith.constant 16 : index
      %get3A_960 = tpu.vector_load %arg6[%get3A_958, %get3A_959] {strides = array<i32>} : memref<256x128xf32, #tpu.memory_space<vmem>>, vector<16xf32>,
      %add3A_961 = arith.addf %get3A_957, %get3A_960 : vector<16xf32>
      %mul3A_962 = arith.mulf %add3A_961, %broadcast_in_dim3A_939 : vector<16xf32>
      %swap3A_963 = arith.index_cast %add3A_943 : i32 to index
      %swap3A_964 = arith.constant 16 : index
      %swap3A_965 = tpu.vector_load %arg9[%swap3A_963, %swap3A_964] {strides = array<i32>} : memref<256x128xf32, #tpu.memory_space<vmem>>, vector<16xf32>,
      tpu.vector_store %arg9[%swap3A_963, %swap3A_964], %mul3A_962 {strides = array<i32>} : memref<256x128xf32, #tpu.memory_space<vmem>>, vector<16xf32>,
      %get3A_966 = arith.index_cast %add3A_943 : i32 to index
      %get3A_967 = arith.constant 32 : index
      %get3A_968 = tpu.vector_load %arg5[%get3A_966, %get3A_967] {strides = array<i32>} : memref<256x128xf32, #tpu.memory_space<vmem>>, vector<16xf32>,
      %get3A_969 = arith.index_cast %add3A_943 : i32 to index
      %get3A_970 = arith.constant 32 : index
      %get3A_971 = tpu.vector_load %arg6[%get3A_969, %get3A_970] {strides = array<i32>} : memref<256x128xf32, #tpu.memory_space<vmem>>, vector<16xf32>,
      %add3A_972 = arith.addf %get3A_968, %get3A_971 : vector<16xf32>
      %mul3A_973 = arith.mulf %add3A_972, %broadcast_in_dim3A_939 : vector<16xf32>
      %swap3A_974 = arith.index_cast %add3A_943 : i32 to index
      %swap3A_975 = arith.constant 32 : index
      %swap3A_976 = tpu.vector_load %arg9[%swap3A_974, %swap3A_975] {strides = array<i32>} : memref<256x128xf32, #tpu.memory_space<vmem>>, vector<16xf32>,
      tpu.vector_store %arg9[%swap3A_974, %swap3A_975], %mul3A_973 {strides = array<i32>} : memref<256x128xf32, #tpu.memory_space<vmem>>, vector<16xf32>,
      %get3A_977 = arith.index_cast %add3A_943 : i32 to index
      %get3A_978 = arith.constant 48 : index
      %get3A_979 = tpu.vector_load %arg5[%get3A_977, %get3A_978] {strides = array<i32>} : memref<256x128xf32, #tpu.memory_space<vmem>>, vector<16xf32>,
      %get3A_980 = arith.index_cast %add3A_943 : i32 to index
      %get3A_981 = arith.constant 48 : index
      %get3A_982 = tpu.vector_load %arg6[%get3A_980, %get3A_981] {strides = array<i32>} : memref<256x128xf32, #tpu.memory_space<vmem>>, vector<16xf32>,
      %add3A_983 = arith.addf %get3A_979, %get3A_982 : vector<16xf32>
      %mul3A_984 = arith.mulf %add3A_983, %broadcast_in_dim3A_939 : vector<16xf32>
      %swap3A_985 = arith.index_cast %add3A_943 : i32 to index
      %swap3A_986 = arith.constant 48 : index
      %swap3A_987 = tpu.vector_load %arg9[%swap3A_985, %swap3A_986] {strides = array<i32>} : memref<256x128xf32, #tpu.memory_space<vmem>>, vector<16xf32>,
      tpu.vector_store %arg9[%swap3A_985, %swap3A_986], %mul3A_984 {strides = array<i32>} : memref<256x128xf32, #tpu.memory_space<vmem>>, vector<16xf32>,
      %get3A_988 = arith.index_cast %add3A_943 : i32 to index
      %get3A_989 = arith.constant 64 : index
      %get3A_990 = tpu.vector_load %arg5[%get3A_988, %get3A_989] {strides = array<i32>} : memref<256x128xf32, #tpu.memory_space<vmem>>, vector<16xf32>,
      %get3A_991 = arith.index_cast %add3A_943 : i32 to index
      %get3A_992 = arith.constant 64 : index
      %get3A_993 = tpu.vector_load %arg6[%get3A_991, %get3A_992] {strides = array<i32>} : memref<256x128xf32, #tpu.memory_space<vmem>>, vector<16xf32>,
      %add3A_994 = arith.addf %get3A_990, %get3A_993 : vector<16xf32>
      %mul3A_995 = arith.mulf %add3A_994, %broadcast_in_dim3A_939 : vector<16xf32>
      %swap3A_996 = arith.index_cast %add3A_943 : i32 to index
      %swap3A_997 = arith.constant 64 : index
      %swap3A_998 = tpu.vector_load %arg9[%swap3A_996, %swap3A_997] {strides = array<i32>} : memref<256x128xf32, #tpu.memory_space<vmem>>, vector<16xf32>,
      tpu.vector_store %arg9[%swap3A_996, %swap3A_997], %mul3A_995 {strides = array<i32>} : memref<256x128xf32, #tpu.memory_space<vmem>>, vector<16xf32>,
      %get3A_999 = arith.index_cast %add3A_943 : i32 to index
      %get3A_1000 = arith.constant 80 : index
      %get3A_1001 = tpu.vector_load %arg5[%get3A_999, %get3A_1000] {strides = array<i32>} : memref<256x128xf32, #tpu.memory_space<vmem>>, vector<16xf32>,
      %get3A_1002 = arith.index_cast %add3A_943 : i32 to index
      %get3A_1003 = arith.constant 80 : index
      %get3A_1004 = tpu.vector_load %arg6[%get3A_1002, %get3A_1003] {strides = array<i32>} : memref<256x128xf32, #tpu.memory_space<vmem>>, vector<16xf32>,
      %add3A_1005 = arith.addf %get3A_1001, %get3A_1004 : vector<16xf32>
      %mul3A_1006 = arith.mulf %add3A_1005, %broadcast_in_dim3A_939 : vector<16xf32>
      %swap3A_1007 = arith.index_cast %add3A_943 : i32 to index
      %swap3A_1008 = arith.constant 80 : index
      %swap3A_1009 = tpu.vector_load %arg9[%swap3A_1007, %swap3A_1008] {strides = array<i32>} : memref<256x128xf32, #tpu.memory_space<vmem>>, vector<16xf32>,
      tpu.vector_store %arg9[%swap3A_1007, %swap3A_1008], %mul3A_1006 {strides = array<i32>} : memref<256x128xf32, #tpu.memory_space<vmem>>, vector<16xf32>,
      %get3A_1010 = arith.index_cast %add3A_943 : i32 to index
      %get3A_1011 = arith.constant 96 : index
      %get3A_1012 = tpu.vector_load %arg5[%get3A_1010, %get3A_1011] {strides = array<i32>} : memref<256x128xf32, #tpu.memory_space<vmem>>, vector<16xf32>,
      %get3A_1013 = arith.index_cast %add3A_943 : i32 to index
      %get3A_1014 = arith.constant 96 : index
      %get3A_1015 = tpu.vector_load %arg6[%get3A_1013, %get3A_1014] {strides = array<i32>} : memref<256x128xf32, #tpu.memory_space<vmem>>, vector<16xf32>,
      %add3A_1016 = arith.addf %get3A_1012, %get3A_1015 : vector<16xf32>
      %mul3A_1017 = arith.mulf %add3A_1016, %broadcast_in_dim3A_939 : vector<16xf32>
      %swap3A_1018 = arith.index_cast %add3A_943 : i32 to index
      %swap3A_1019 = arith.constant 96 : index
      %swap3A_1020 = tpu.vector_load %arg9[%swap3A_1018, %swap3A_1019] {strides = array<i32>} : memref<256x128xf32, #tpu.memory_space<vmem>>, vector<16xf32>,
      tpu.vector_store %arg9[%swap3A_1018, %swap3A_1019], %mul3A_1017 {strides = array<i32>} : memref<256x128xf32, #tpu.memory_space<vmem>>, vector<16xf32>,
      %get3A_1021 = arith.index_cast %add3A_943 : i32 to index
      %get3A_1022 = arith.constant 112 : index
      %get3A_1023 = tpu.vector_load %arg5[%get3A_1021, %get3A_1022] {strides = array<i32>} : memref<256x128xf32, #tpu.memory_space<vmem>>, vector<16xf32>,
      %get3A_1024 = arith.index_cast %add3A_943 : i32 to index
      %get3A_1025 = arith.constant 112 : index
      %get3A_1026 = tpu.vector_load %arg6[%get3A_1024, %get3A_1025] {strides = array<i32>} : memref<256x128xf32, #tpu.memory_space<vmem>>, vector<16xf32>,
      %add3A_1027 = arith.addf %get3A_1023, %get3A_1026 : vector<16xf32>
      %mul3A_1028 = arith.mulf %add3A_1027, %broadcast_in_dim3A_939 : vector<16xf32>
      %swap3A_1029 = arith.index_cast %add3A_943 : i32 to index
      %swap3A_1030 = arith.constant 112 : index
      %swap3A_1031 = tpu.vector_load %arg9[%swap3A_1029, %swap3A_1030] {strides = array<i32>} : memref<256x128xf32, #tpu.memory_space<vmem>>, vector<16xf32>,
      tpu.vector_store %arg9[%swap3A_1029, %swap3A_1030], %mul3A_1028 {strides = array<i32>} : memref<256x128xf32, #tpu.memory_space<vmem>>, vector<16xf32>,
      %slice3A_1032 = vector.extract_strided_slice %div3A_85 {offsets = [10], sizes = [1], strides = [1]} : vector<16xf32> to vector<1xf32>
      %squeeze3A_1033 = vector.extract %slice3A_1032[0] : f32 from vector<1xf32>
      %broadcast_in_dim3A_1034 = vector.broadcast %squeeze3A_1033 : f32 to vector<16xf32>
      %mul3A_1035 = arith.constant 16 : i32
      %mul3A_1036 = arith.muli %scan3A_70, %mul3A_1035 : i32
      %add3A_1037 = arith.constant 10 : i32
      %add3A_1038 = arith.addi %mul3A_1036, %add3A_1037 : i32
      %get3A_1039 = arith.index_cast %add3A_1038 : i32 to index
      %get3A_1040 = arith.constant 0 : index
      %get3A_1041 = tpu.vector_load %arg5[%get3A_1039, %get3A_1040] {strides = array<i32>} : memref<256x128xf32, #tpu.memory_space<vmem>>, vector<16xf32>,
      %get3A_1042 = arith.index_cast %add3A_1038 : i32 to index
      %get3A_1043 = arith.constant 0 : index
      %get3A_1044 = tpu.vector_load %arg6[%get3A_1042, %get3A_1043] {strides = array<i32>} : memref<256x128xf32, #tpu.memory_space<vmem>>, vector<16xf32>,
      %add3A_1045 = arith.addf %get3A_1041, %get3A_1044 : vector<16xf32>
      %mul3A_1046 = arith.mulf %add3A_1045, %broadcast_in_dim3A_1034 : vector<16xf32>
      %swap3A_1047 = arith.index_cast %add3A_1038 : i32 to index
      %swap3A_1048 = arith.constant 0 : index
      %swap3A_1049 = tpu.vector_load %arg9[%swap3A_1047, %swap3A_1048] {strides = array<i32>} : memref<256x128xf32, #tpu.memory_space<vmem>>, vector<16xf32>,
      tpu.vector_store %arg9[%swap3A_1047, %swap3A_1048], %mul3A_1046 {strides = array<i32>} : memref<256x128xf32, #tpu.memory_space<vmem>>, vector<16xf32>,
      %get3A_1050 = arith.index_cast %add3A_1038 : i32 to index
      %get3A_1051 = arith.constant 16 : index
      %get3A_1052 = tpu.vector_load %arg5[%get3A_1050, %get3A_1051] {strides = array<i32>} : memref<256x128xf32, #tpu.memory_space<vmem>>, vector<16xf32>,
      %get3A_1053 = arith.index_cast %add3A_1038 : i32 to index
      %get3A_1054 = arith.constant 16 : index
      %get3A_1055 = tpu.vector_load %arg6[%get3A_1053, %get3A_1054] {strides = array<i32>} : memref<256x128xf32, #tpu.memory_space<vmem>>, vector<16xf32>,
      %add3A_1056 = arith.addf %get3A_1052, %get3A_1055 : vector<16xf32>
      %mul3A_1057 = arith.mulf %add3A_1056, %broadcast_in_dim3A_1034 : vector<16xf32>
      %swap3A_1058 = arith.index_cast %add3A_1038 : i32 to index
      %swap3A_1059 = arith.constant 16 : index
      %swap3A_1060 = tpu.vector_load %arg9[%swap3A_1058, %swap3A_1059] {strides = array<i32>} : memref<256x128xf32, #tpu.memory_space<vmem>>, vector<16xf32>,
      tpu.vector_store %arg9[%swap3A_1058, %swap3A_1059], %mul3A_1057 {strides = array<i32>} : memref<256x128xf32, #tpu.memory_space<vmem>>, vector<16xf32>,
      %get3A_1061 = arith.index_cast %add3A_1038 : i32 to index
      %get3A_1062 = arith.constant 32 : index
      %get3A_1063 = tpu.vector_load %arg5[%get3A_1061, %get3A_1062] {strides = array<i32>} : memref<256x128xf32, #tpu.memory_space<vmem>>, vector<16xf32>,
      %get3A_1064 = arith.index_cast %add3A_1038 : i32 to index
      %get3A_1065 = arith.constant 32 : index
      %get3A_1066 = tpu.vector_load %arg6[%get3A_1064, %get3A_1065] {strides = array<i32>} : memref<256x128xf32, #tpu.memory_space<vmem>>, vector<16xf32>,
      %add3A_1067 = arith.addf %get3A_1063, %get3A_1066 : vector<16xf32>
      %mul3A_1068 = arith.mulf %add3A_1067, %broadcast_in_dim3A_1034 : vector<16xf32>
      %swap3A_1069 = arith.index_cast %add3A_1038 : i32 to index
      %swap3A_1070 = arith.constant 32 : index
      %swap3A_1071 = tpu.vector_load %arg9[%swap3A_1069, %swap3A_1070] {strides = array<i32>} : memref<256x128xf32, #tpu.memory_space<vmem>>, vector<16xf32>,
      tpu.vector_store %arg9[%swap3A_1069, %swap3A_1070], %mul3A_1068 {strides = array<i32>} : memref<256x128xf32, #tpu.memory_space<vmem>>, vector<16xf32>,
      %get3A_1072 = arith.index_cast %add3A_1038 : i32 to index
      %get3A_1073 = arith.constant 48 : index
      %get3A_1074 = tpu.vector_load %arg5[%get3A_1072, %get3A_1073] {strides = array<i32>} : memref<256x128xf32, #tpu.memory_space<vmem>>, vector<16xf32>,
      %get3A_1075 = arith.index_cast %add3A_1038 : i32 to index
      %get3A_1076 = arith.constant 48 : index
      %get3A_1077 = tpu.vector_load %arg6[%get3A_1075, %get3A_1076] {strides = array<i32>} : memref<256x128xf32, #tpu.memory_space<vmem>>, vector<16xf32>,
      %add3A_1078 = arith.addf %get3A_1074, %get3A_1077 : vector<16xf32>
      %mul3A_1079 = arith.mulf %add3A_1078, %broadcast_in_dim3A_1034 : vector<16xf32>
      %swap3A_1080 = arith.index_cast %add3A_1038 : i32 to index
      %swap3A_1081 = arith.constant 48 : index
      %swap3A_1082 = tpu.vector_load %arg9[%swap3A_1080, %swap3A_1081] {strides = array<i32>} : memref<256x128xf32, #tpu.memory_space<vmem>>, vector<16xf32>,
      tpu.vector_store %arg9[%swap3A_1080, %swap3A_1081], %mul3A_1079 {strides = array<i32>} : memref<256x128xf32, #tpu.memory_space<vmem>>, vector<16xf32>,
      %get3A_1083 = arith.index_cast %add3A_1038 : i32 to index
      %get3A_1084 = arith.constant 64 : index
      %get3A_1085 = tpu.vector_load %arg5[%get3A_1083, %get3A_1084] {strides = array<i32>} : memref<256x128xf32, #tpu.memory_space<vmem>>, vector<16xf32>,
      %get3A_1086 = arith.index_cast %add3A_1038 : i32 to index
      %get3A_1087 = arith.constant 64 : index
      %get3A_1088 = tpu.vector_load %arg6[%get3A_1086, %get3A_1087] {strides = array<i32>} : memref<256x128xf32, #tpu.memory_space<vmem>>, vector<16xf32>,
      %add3A_1089 = arith.addf %get3A_1085, %get3A_1088 : vector<16xf32>
      %mul3A_1090 = arith.mulf %add3A_1089, %broadcast_in_dim3A_1034 : vector<16xf32>
      %swap3A_1091 = arith.index_cast %add3A_1038 : i32 to index
      %swap3A_1092 = arith.constant 64 : index
      %swap3A_1093 = tpu.vector_load %arg9[%swap3A_1091, %swap3A_1092] {strides = array<i32>} : memref<256x128xf32, #tpu.memory_space<vmem>>, vector<16xf32>,
      tpu.vector_store %arg9[%swap3A_1091, %swap3A_1092], %mul3A_1090 {strides = array<i32>} : memref<256x128xf32, #tpu.memory_space<vmem>>, vector<16xf32>,
      %get3A_1094 = arith.index_cast %add3A_1038 : i32 to index
      %get3A_1095 = arith.constant 80 : index
      %get3A_1096 = tpu.vector_load %arg5[%get3A_1094, %get3A_1095] {strides = array<i32>} : memref<256x128xf32, #tpu.memory_space<vmem>>, vector<16xf32>,
      %get3A_1097 = arith.index_cast %add3A_1038 : i32 to index
      %get3A_1098 = arith.constant 80 : index
      %get3A_1099 = tpu.vector_load %arg6[%get3A_1097, %get3A_1098] {strides = array<i32>} : memref<256x128xf32, #tpu.memory_space<vmem>>, vector<16xf32>,
      %add3A_1100 = arith.addf %get3A_1096, %get3A_1099 : vector<16xf32>
      %mul3A_1101 = arith.mulf %add3A_1100, %broadcast_in_dim3A_1034 : vector<16xf32>
      %swap3A_1102 = arith.index_cast %add3A_1038 : i32 to index
      %swap3A_1103 = arith.constant 80 : index
      %swap3A_1104 = tpu.vector_load %arg9[%swap3A_1102, %swap3A_1103] {strides = array<i32>} : memref<256x128xf32, #tpu.memory_space<vmem>>, vector<16xf32>,
      tpu.vector_store %arg9[%swap3A_1102, %swap3A_1103], %mul3A_1101 {strides = array<i32>} : memref<256x128xf32, #tpu.memory_space<vmem>>, vector<16xf32>,
      %get3A_1105 = arith.index_cast %add3A_1038 : i32 to index
      %get3A_1106 = arith.constant 96 : index
      %get3A_1107 = tpu.vector_load %arg5[%get3A_1105, %get3A_1106] {strides = array<i32>} : memref<256x128xf32, #tpu.memory_space<vmem>>, vector<16xf32>,
      %get3A_1108 = arith.index_cast %add3A_1038 : i32 to index
      %get3A_1109 = arith.constant 96 : index
      %get3A_1110 = tpu.vector_load %arg6[%get3A_1108, %get3A_1109] {strides = array<i32>} : memref<256x128xf32, #tpu.memory_space<vmem>>, vector<16xf32>,
      %add3A_1111 = arith.addf %get3A_1107, %get3A_1110 : vector<16xf32>
      %mul3A_1112 = arith.mulf %add3A_1111, %broadcast_in_dim3A_1034 : vector<16xf32>
      %swap3A_1113 = arith.index_cast %add3A_1038 : i32 to index
      %swap3A_1114 = arith.constant 96 : index
      %swap3A_1115 = tpu.vector_load %arg9[%swap3A_1113, %swap3A_1114] {strides = array<i32>} : memref<256x128xf32, #tpu.memory_space<vmem>>, vector<16xf32>,
      tpu.vector_store %arg9[%swap3A_1113, %swap3A_1114], %mul3A_1112 {strides = array<i32>} : memref<256x128xf32, #tpu.memory_space<vmem>>, vector<16xf32>,
      %get3A_1116 = arith.index_cast %add3A_1038 : i32 to index
      %get3A_1117 = arith.constant 112 : index
      %get3A_1118 = tpu.vector_load %arg5[%get3A_1116, %get3A_1117] {strides = array<i32>} : memref<256x128xf32, #tpu.memory_space<vmem>>, vector<16xf32>,
      %get3A_1119 = arith.index_cast %add3A_1038 : i32 to index
      %get3A_1120 = arith.constant 112 : index
      %get3A_1121 = tpu.vector_load %arg6[%get3A_1119, %get3A_1120] {strides = array<i32>} : memref<256x128xf32, #tpu.memory_space<vmem>>, vector<16xf32>,
      %add3A_1122 = arith.addf %get3A_1118, %get3A_1121 : vector<16xf32>
      %mul3A_1123 = arith.mulf %add3A_1122, %broadcast_in_dim3A_1034 : vector<16xf32>
      %swap3A_1124 = arith.index_cast %add3A_1038 : i32 to index
      %swap3A_1125 = arith.constant 112 : index
      %swap3A_1126 = tpu.vector_load %arg9[%swap3A_1124, %swap3A_1125] {strides = array<i32>} : memref<256x128xf32, #tpu.memory_space<vmem>>, vector<16xf32>,
      tpu.vector_store %arg9[%swap3A_1124, %swap3A_1125], %mul3A_1123 {strides = array<i32>} : memref<256x128xf32, #tpu.memory_space<vmem>>, vector<16xf32>,
      %slice3A_1127 = vector.extract_strided_slice %div3A_85 {offsets = [11], sizes = [1], strides = [1]} : vector<16xf32> to vector<1xf32>
      %squeeze3A_1128 = vector.extract %slice3A_1127[0] : f32 from vector<1xf32>
      %broadcast_in_dim3A_1129 = vector.broadcast %squeeze3A_1128 : f32 to vector<16xf32>
      %mul3A_1130 = arith.constant 16 : i32
      %mul3A_1131 = arith.muli %scan3A_70, %mul3A_1130 : i32
      %add3A_1132 = arith.constant 11 : i32
      %add3A_1133 = arith.addi %mul3A_1131, %add3A_1132 : i32
      %get3A_1134 = arith.index_cast %add3A_1133 : i32 to index
      %get3A_1135 = arith.constant 0 : index
      %get3A_1136 = tpu.vector_load %arg5[%get3A_1134, %get3A_1135] {strides = array<i32>} : memref<256x128xf32, #tpu.memory_space<vmem>>, vector<16xf32>,
      %get3A_1137 = arith.index_cast %add3A_1133 : i32 to index
      %get3A_1138 = arith.constant 0 : index
      %get3A_1139 = tpu.vector_load %arg6[%get3A_1137, %get3A_1138] {strides = array<i32>} : memref<256x128xf32, #tpu.memory_space<vmem>>, vector<16xf32>,
      %add3A_1140 = arith.addf %get3A_1136, %get3A_1139 : vector<16xf32>
      %mul3A_1141 = arith.mulf %add3A_1140, %broadcast_in_dim3A_1129 : vector<16xf32>
      %swap3A_1142 = arith.index_cast %add3A_1133 : i32 to index
      %swap3A_1143 = arith.constant 0 : index
      %swap3A_1144 = tpu.vector_load %arg9[%swap3A_1142, %swap3A_1143] {strides = array<i32>} : memref<256x128xf32, #tpu.memory_space<vmem>>, vector<16xf32>,
      tpu.vector_store %arg9[%swap3A_1142, %swap3A_1143], %mul3A_1141 {strides = array<i32>} : memref<256x128xf32, #tpu.memory_space<vmem>>, vector<16xf32>,
      %get3A_1145 = arith.index_cast %add3A_1133 : i32 to index
      %get3A_1146 = arith.constant 16 : index
      %get3A_1147 = tpu.vector_load %arg5[%get3A_1145, %get3A_1146] {strides = array<i32>} : memref<256x128xf32, #tpu.memory_space<vmem>>, vector<16xf32>,
      %get3A_1148 = arith.index_cast %add3A_1133 : i32 to index
      %get3A_1149 = arith.constant 16 : index
      %get3A_1150 = tpu.vector_load %arg6[%get3A_1148, %get3A_1149] {strides = array<i32>} : memref<256x128xf32, #tpu.memory_space<vmem>>, vector<16xf32>,
      %add3A_1151 = arith.addf %get3A_1147, %get3A_1150 : vector<16xf32>
      %mul3A_1152 = arith.mulf %add3A_1151, %broadcast_in_dim3A_1129 : vector<16xf32>
      %swap3A_1153 = arith.index_cast %add3A_1133 : i32 to index
      %swap3A_1154 = arith.constant 16 : index
      %swap3A_1155 = tpu.vector_load %arg9[%swap3A_1153, %swap3A_1154] {strides = array<i32>} : memref<256x128xf32, #tpu.memory_space<vmem>>, vector<16xf32>,
      tpu.vector_store %arg9[%swap3A_1153, %swap3A_1154], %mul3A_1152 {strides = array<i32>} : memref<256x128xf32, #tpu.memory_space<vmem>>, vector<16xf32>,
      %get3A_1156 = arith.index_cast %add3A_1133 : i32 to index
      %get3A_1157 = arith.constant 32 : index
      %get3A_1158 = tpu.vector_load %arg5[%get3A_1156, %get3A_1157] {strides = array<i32>} : memref<256x128xf32, #tpu.memory_space<vmem>>, vector<16xf32>,
      %get3A_1159 = arith.index_cast %add3A_1133 : i32 to index
      %get3A_1160 = arith.constant 32 : index
      %get3A_1161 = tpu.vector_load %arg6[%get3A_1159, %get3A_1160] {strides = array<i32>} : memref<256x128xf32, #tpu.memory_space<vmem>>, vector<16xf32>,
      %add3A_1162 = arith.addf %get3A_1158, %get3A_1161 : vector<16xf32>
      %mul3A_1163 = arith.mulf %add3A_1162, %broadcast_in_dim3A_1129 : vector<16xf32>
      %swap3A_1164 = arith.index_cast %add3A_1133 : i32 to index
      %swap3A_1165 = arith.constant 32 : index
      %swap3A_1166 = tpu.vector_load %arg9[%swap3A_1164, %swap3A_1165] {strides = array<i32>} : memref<256x128xf32, #tpu.memory_space<vmem>>, vector<16xf32>,
      tpu.vector_store %arg9[%swap3A_1164, %swap3A_1165], %mul3A_1163 {strides = array<i32>} : memref<256x128xf32, #tpu.memory_space<vmem>>, vector<16xf32>,
      %get3A_1167 = arith.index_cast %add3A_1133 : i32 to index
      %get3A_1168 = arith.constant 48 : index
      %get3A_1169 = tpu.vector_load %arg5[%get3A_1167, %get3A_1168] {strides = array<i32>} : memref<256x128xf32, #tpu.memory_space<vmem>>, vector<16xf32>,
      %get3A_1170 = arith.index_cast %add3A_1133 : i32 to index
      %get3A_1171 = arith.constant 48 : index
      %get3A_1172 = tpu.vector_load %arg6[%get3A_1170, %get3A_1171] {strides = array<i32>} : memref<256x128xf32, #tpu.memory_space<vmem>>, vector<16xf32>,
      %add3A_1173 = arith.addf %get3A_1169, %get3A_1172 : vector<16xf32>
      %mul3A_1174 = arith.mulf %add3A_1173, %broadcast_in_dim3A_1129 : vector<16xf32>
      %swap3A_1175 = arith.index_cast %add3A_1133 : i32 to index
      %swap3A_1176 = arith.constant 48 : index
      %swap3A_1177 = tpu.vector_load %arg9[%swap3A_1175, %swap3A_1176] {strides = array<i32>} : memref<256x128xf32, #tpu.memory_space<vmem>>, vector<16xf32>,
      tpu.vector_store %arg9[%swap3A_1175, %swap3A_1176], %mul3A_1174 {strides = array<i32>} : memref<256x128xf32, #tpu.memory_space<vmem>>, vector<16xf32>,
      %get3A_1178 = arith.index_cast %add3A_1133 : i32 to index
      %get3A_1179 = arith.constant 64 : index
      %get3A_1180 = tpu.vector_load %arg5[%get3A_1178, %get3A_1179] {strides = array<i32>} : memref<256x128xf32, #tpu.memory_space<vmem>>, vector<16xf32>,
      %get3A_1181 = arith.index_cast %add3A_1133 : i32 to index
      %get3A_1182 = arith.constant 64 : index
      %get3A_1183 = tpu.vector_load %arg6[%get3A_1181, %get3A_1182] {strides = array<i32>} : memref<256x128xf32, #tpu.memory_space<vmem>>, vector<16xf32>,
      %add3A_1184 = arith.addf %get3A_1180, %get3A_1183 : vector<16xf32>
      %mul3A_1185 = arith.mulf %add3A_1184, %broadcast_in_dim3A_1129 : vector<16xf32>
      %swap3A_1186 = arith.index_cast %add3A_1133 : i32 to index
      %swap3A_1187 = arith.constant 64 : index
      %swap3A_1188 = tpu.vector_load %arg9[%swap3A_1186, %swap3A_1187] {strides = array<i32>} : memref<256x128xf32, #tpu.memory_space<vmem>>, vector<16xf32>,
      tpu.vector_store %arg9[%swap3A_1186, %swap3A_1187], %mul3A_1185 {strides = array<i32>} : memref<256x128xf32, #tpu.memory_space<vmem>>, vector<16xf32>,
      %get3A_1189 = arith.index_cast %add3A_1133 : i32 to index
      %get3A_1190 = arith.constant 80 : index
      %get3A_1191 = tpu.vector_load %arg5[%get3A_1189, %get3A_1190] {strides = array<i32>} : memref<256x128xf32, #tpu.memory_space<vmem>>, vector<16xf32>,
      %get3A_1192 = arith.index_cast %add3A_1133 : i32 to index
      %get3A_1193 = arith.constant 80 : index
      %get3A_1194 = tpu.vector_load %arg6[%get3A_1192, %get3A_1193] {strides = array<i32>} : memref<256x128xf32, #tpu.memory_space<vmem>>, vector<16xf32>,
      %add3A_1195 = arith.addf %get3A_1191, %get3A_1194 : vector<16xf32>
      %mul3A_1196 = arith.mulf %add3A_1195, %broadcast_in_dim3A_1129 : vector<16xf32>
      %swap3A_1197 = arith.index_cast %add3A_1133 : i32 to index
      %swap3A_1198 = arith.constant 80 : index
      %swap3A_1199 = tpu.vector_load %arg9[%swap3A_1197, %swap3A_1198] {strides = array<i32>} : memref<256x128xf32, #tpu.memory_space<vmem>>, vector<16xf32>,
      tpu.vector_store %arg9[%swap3A_1197, %swap3A_1198], %mul3A_1196 {strides = array<i32>} : memref<256x128xf32, #tpu.memory_space<vmem>>, vector<16xf32>,
      %get3A_1200 = arith.index_cast %add3A_1133 : i32 to index
      %get3A_1201 = arith.constant 96 : index
      %get3A_1202 = tpu.vector_load %arg5[%get3A_1200, %get3A_1201] {strides = array<i32>} : memref<256x128xf32, #tpu.memory_space<vmem>>, vector<16xf32>,
      %get3A_1203 = arith.index_cast %add3A_1133 : i32 to index
      %get3A_1204 = arith.constant 96 : index
      %get3A_1205 = tpu.vector_load %arg6[%get3A_1203, %get3A_1204] {strides = array<i32>} : memref<256x128xf32, #tpu.memory_space<vmem>>, vector<16xf32>,
      %add3A_1206 = arith.addf %get3A_1202, %get3A_1205 : vector<16xf32>
      %mul3A_1207 = arith.mulf %add3A_1206, %broadcast_in_dim3A_1129 : vector<16xf32>
      %swap3A_1208 = arith.index_cast %add3A_1133 : i32 to index
      %swap3A_1209 = arith.constant 96 : index
      %swap3A_1210 = tpu.vector_load %arg9[%swap3A_1208, %swap3A_1209] {strides = array<i32>} : memref<256x128xf32, #tpu.memory_space<vmem>>, vector<16xf32>,
      tpu.vector_store %arg9[%swap3A_1208, %swap3A_1209], %mul3A_1207 {strides = array<i32>} : memref<256x128xf32, #tpu.memory_space<vmem>>, vector<16xf32>,
      %get3A_1211 = arith.index_cast %add3A_1133 : i32 to index
      %get3A_1212 = arith.constant 112 : index
      %get3A_1213 = tpu.vector_load %arg5[%get3A_1211, %get3A_1212] {strides = array<i32>} : memref<256x128xf32, #tpu.memory_space<vmem>>, vector<16xf32>,
      %get3A_1214 = arith.index_cast %add3A_1133 : i32 to index
      %get3A_1215 = arith.constant 112 : index
      %get3A_1216 = tpu.vector_load %arg6[%get3A_1214, %get3A_1215] {strides = array<i32>} : memref<256x128xf32, #tpu.memory_space<vmem>>, vector<16xf32>,
      %add3A_1217 = arith.addf %get3A_1213, %get3A_1216 : vector<16xf32>
      %mul3A_1218 = arith.mulf %add3A_1217, %broadcast_in_dim3A_1129 : vector<16xf32>
      %swap3A_1219 = arith.index_cast %add3A_1133 : i32 to index
      %swap3A_1220 = arith.constant 112 : index
      %swap3A_1221 = tpu.vector_load %arg9[%swap3A_1219, %swap3A_1220] {strides = array<i32>} : memref<256x128xf32, #tpu.memory_space<vmem>>, vector<16xf32>,
      tpu.vector_store %arg9[%swap3A_1219, %swap3A_1220], %mul3A_1218 {strides = array<i32>} : memref<256x128xf32, #tpu.memory_space<vmem>>, vector<16xf32>,
      %slice3A_1222 = vector.extract_strided_slice %div3A_85 {offsets = [12], sizes = [1], strides = [1]} : vector<16xf32> to vector<1xf32>
      %squeeze3A_1223 = vector.extract %slice3A_1222[0] : f32 from vector<1xf32>
      %broadcast_in_dim3A_1224 = vector.broadcast %squeeze3A_1223 : f32 to vector<16xf32>
      %mul3A_1225 = arith.constant 16 : i32
      %mul3A_1226 = arith.muli %scan3A_70, %mul3A_1225 : i32
      %add3A_1227 = arith.constant 12 : i32
      %add3A_1228 = arith.addi %mul3A_1226, %add3A_1227 : i32
      %get3A_1229 = arith.index_cast %add3A_1228 : i32 to index
      %get3A_1230 = arith.constant 0 : index
      %get3A_1231 = tpu.vector_load %arg5[%get3A_1229, %get3A_1230] {strides = array<i32>} : memref<256x128xf32, #tpu.memory_space<vmem>>, vector<16xf32>,
      %get3A_1232 = arith.index_cast %add3A_1228 : i32 to index
      %get3A_1233 = arith.constant 0 : index
      %get3A_1234 = tpu.vector_load %arg6[%get3A_1232, %get3A_1233] {strides = array<i32>} : memref<256x128xf32, #tpu.memory_space<vmem>>, vector<16xf32>,
      %add3A_1235 = arith.addf %get3A_1231, %get3A_1234 : vector<16xf32>
      %mul3A_1236 = arith.mulf %add3A_1235, %broadcast_in_dim3A_1224 : vector<16xf32>
      %swap3A_1237 = arith.index_cast %add3A_1228 : i32 to index
      %swap3A_1238 = arith.constant 0 : index
      %swap3A_1239 = tpu.vector_load %arg9[%swap3A_1237, %swap3A_1238] {strides = array<i32>} : memref<256x128xf32, #tpu.memory_space<vmem>>, vector<16xf32>,
      tpu.vector_store %arg9[%swap3A_1237, %swap3A_1238], %mul3A_1236 {strides = array<i32>} : memref<256x128xf32, #tpu.memory_space<vmem>>, vector<16xf32>,
      %get3A_1240 = arith.index_cast %add3A_1228 : i32 to index
      %get3A_1241 = arith.constant 16 : index
      %get3A_1242 = tpu.vector_load %arg5[%get3A_1240, %get3A_1241] {strides = array<i32>} : memref<256x128xf32, #tpu.memory_space<vmem>>, vector<16xf32>,
      %get3A_1243 = arith.index_cast %add3A_1228 : i32 to index
      %get3A_1244 = arith.constant 16 : index
      %get3A_1245 = tpu.vector_load %arg6[%get3A_1243, %get3A_1244] {strides = array<i32>} : memref<256x128xf32, #tpu.memory_space<vmem>>, vector<16xf32>,
      %add3A_1246 = arith.addf %get3A_1242, %get3A_1245 : vector<16xf32>
      %mul3A_1247 = arith.mulf %add3A_1246, %broadcast_in_dim3A_1224 : vector<16xf32>
      %swap3A_1248 = arith.index_cast %add3A_1228 : i32 to index
      %swap3A_1249 = arith.constant 16 : index
      %swap3A_1250 = tpu.vector_load %arg9[%swap3A_1248, %swap3A_1249] {strides = array<i32>} : memref<256x128xf32, #tpu.memory_space<vmem>>, vector<16xf32>,
      tpu.vector_store %arg9[%swap3A_1248, %swap3A_1249], %mul3A_1247 {strides = array<i32>} : memref<256x128xf32, #tpu.memory_space<vmem>>, vector<16xf32>,
      %get3A_1251 = arith.index_cast %add3A_1228 : i32 to index
      %get3A_1252 = arith.constant 32 : index
      %get3A_1253 = tpu.vector_load %arg5[%get3A_1251, %get3A_1252] {strides = array<i32>} : memref<256x128xf32, #tpu.memory_space<vmem>>, vector<16xf32>,
      %get3A_1254 = arith.index_cast %add3A_1228 : i32 to index
      %get3A_1255 = arith.constant 32 : index
      %get3A_1256 = tpu.vector_load %arg6[%get3A_1254, %get3A_1255] {strides = array<i32>} : memref<256x128xf32, #tpu.memory_space<vmem>>, vector<16xf32>,
      %add3A_1257 = arith.addf %get3A_1253, %get3A_1256 : vector<16xf32>
      %mul3A_1258 = arith.mulf %add3A_1257, %broadcast_in_dim3A_1224 : vector<16xf32>
      %swap3A_1259 = arith.index_cast %add3A_1228 : i32 to index
      %swap3A_1260 = arith.constant 32 : index
      %swap3A_1261 = tpu.vector_load %arg9[%swap3A_1259, %swap3A_1260] {strides = array<i32>} : memref<256x128xf32, #tpu.memory_space<vmem>>, vector<16xf32>,
      tpu.vector_store %arg9[%swap3A_1259, %swap3A_1260], %mul3A_1258 {strides = array<i32>} : memref<256x128xf32, #tpu.memory_space<vmem>>, vector<16xf32>,
      %get3A_1262 = arith.index_cast %add3A_1228 : i32 to index
      %get3A_1263 = arith.constant 48 : index
      %get3A_1264 = tpu.vector_load %arg5[%get3A_1262, %get3A_1263] {strides = array<i32>} : memref<256x128xf32, #tpu.memory_space<vmem>>, vector<16xf32>,
      %get3A_1265 = arith.index_cast %add3A_1228 : i32 to index
      %get3A_1266 = arith.constant 48 : index
      %get3A_1267 = tpu.vector_load %arg6[%get3A_1265, %get3A_1266] {strides = array<i32>} : memref<256x128xf32, #tpu.memory_space<vmem>>, vector<16xf32>,
      %add3A_1268 = arith.addf %get3A_1264, %get3A_1267 : vector<16xf32>
      %mul3A_1269 = arith.mulf %add3A_1268, %broadcast_in_dim3A_1224 : vector<16xf32>
      %swap3A_1270 = arith.index_cast %add3A_1228 : i32 to index
      %swap3A_1271 = arith.constant 48 : index
      %swap3A_1272 = tpu.vector_load %arg9[%swap3A_1270, %swap3A_1271] {strides = array<i32>} : memref<256x128xf32, #tpu.memory_space<vmem>>, vector<16xf32>,
      tpu.vector_store %arg9[%swap3A_1270, %swap3A_1271], %mul3A_1269 {strides = array<i32>} : memref<256x128xf32, #tpu.memory_space<vmem>>, vector<16xf32>,
      %get3A_1273 = arith.index_cast %add3A_1228 : i32 to index
      %get3A_1274 = arith.constant 64 : index
      %get3A_1275 = tpu.vector_load %arg5[%get3A_1273, %get3A_1274] {strides = array<i32>} : memref<256x128xf32, #tpu.memory_space<vmem>>, vector<16xf32>,
      %get3A_1276 = arith.index_cast %add3A_1228 : i32 to index
      %get3A_1277 = arith.constant 64 : index
      %get3A_1278 = tpu.vector_load %arg6[%get3A_1276, %get3A_1277] {strides = array<i32>} : memref<256x128xf32, #tpu.memory_space<vmem>>, vector<16xf32>,
      %add3A_1279 = arith.addf %get3A_1275, %get3A_1278 : vector<16xf32>
      %mul3A_1280 = arith.mulf %add3A_1279, %broadcast_in_dim3A_1224 : vector<16xf32>
      %swap3A_1281 = arith.index_cast %add3A_1228 : i32 to index
      %swap3A_1282 = arith.constant 64 : index
      %swap3A_1283 = tpu.vector_load %arg9[%swap3A_1281, %swap3A_1282] {strides = array<i32>} : memref<256x128xf32, #tpu.memory_space<vmem>>, vector<16xf32>,
      tpu.vector_store %arg9[%swap3A_1281, %swap3A_1282], %mul3A_1280 {strides = array<i32>} : memref<256x128xf32, #tpu.memory_space<vmem>>, vector<16xf32>,
      %get3A_1284 = arith.index_cast %add3A_1228 : i32 to index
      %get3A_1285 = arith.constant 80 : index
      %get3A_1286 = tpu.vector_load %arg5[%get3A_1284, %get3A_1285] {strides = array<i32>} : memref<256x128xf32, #tpu.memory_space<vmem>>, vector<16xf32>,
      %get3A_1287 = arith.index_cast %add3A_1228 : i32 to index
      %get3A_1288 = arith.constant 80 : index
      %get3A_1289 = tpu.vector_load %arg6[%get3A_1287, %get3A_1288] {strides = array<i32>} : memref<256x128xf32, #tpu.memory_space<vmem>>, vector<16xf32>,
      %add3A_1290 = arith.addf %get3A_1286, %get3A_1289 : vector<16xf32>
      %mul3A_1291 = arith.mulf %add3A_1290, %broadcast_in_dim3A_1224 : vector<16xf32>
      %swap3A_1292 = arith.index_cast %add3A_1228 : i32 to index
      %swap3A_1293 = arith.constant 80 : index
      %swap3A_1294 = tpu.vector_load %arg9[%swap3A_1292, %swap3A_1293] {strides = array<i32>} : memref<256x128xf32, #tpu.memory_space<vmem>>, vector<16xf32>,
      tpu.vector_store %arg9[%swap3A_1292, %swap3A_1293], %mul3A_1291 {strides = array<i32>} : memref<256x128xf32, #tpu.memory_space<vmem>>, vector<16xf32>,
      %get3A_1295 = arith.index_cast %add3A_1228 : i32 to index
      %get3A_1296 = arith.constant 96 : index
      %get3A_1297 = tpu.vector_load %arg5[%get3A_1295, %get3A_1296] {strides = array<i32>} : memref<256x128xf32, #tpu.memory_space<vmem>>, vector<16xf32>,
      %get3A_1298 = arith.index_cast %add3A_1228 : i32 to index
      %get3A_1299 = arith.constant 96 : index
      %get3A_1300 = tpu.vector_load %arg6[%get3A_1298, %get3A_1299] {strides = array<i32>} : memref<256x128xf32, #tpu.memory_space<vmem>>, vector<16xf32>,
      %add3A_1301 = arith.addf %get3A_1297, %get3A_1300 : vector<16xf32>
      %mul3A_1302 = arith.mulf %add3A_1301, %broadcast_in_dim3A_1224 : vector<16xf32>
      %swap3A_1303 = arith.index_cast %add3A_1228 : i32 to index
      %swap3A_1304 = arith.constant 96 : index
      %swap3A_1305 = tpu.vector_load %arg9[%swap3A_1303, %swap3A_1304] {strides = array<i32>} : memref<256x128xf32, #tpu.memory_space<vmem>>, vector<16xf32>,
      tpu.vector_store %arg9[%swap3A_1303, %swap3A_1304], %mul3A_1302 {strides = array<i32>} : memref<256x128xf32, #tpu.memory_space<vmem>>, vector<16xf32>,
      %get3A_1306 = arith.index_cast %add3A_1228 : i32 to index
      %get3A_1307 = arith.constant 112 : index
      %get3A_1308 = tpu.vector_load %arg5[%get3A_1306, %get3A_1307] {strides = array<i32>} : memref<256x128xf32, #tpu.memory_space<vmem>>, vector<16xf32>,
      %get3A_1309 = arith.index_cast %add3A_1228 : i32 to index
      %get3A_1310 = arith.constant 112 : index
      %get3A_1311 = tpu.vector_load %arg6[%get3A_1309, %get3A_1310] {strides = array<i32>} : memref<256x128xf32, #tpu.memory_space<vmem>>, vector<16xf32>,
      %add3A_1312 = arith.addf %get3A_1308, %get3A_1311 : vector<16xf32>
      %mul3A_1313 = arith.mulf %add3A_1312, %broadcast_in_dim3A_1224 : vector<16xf32>
      %swap3A_1314 = arith.index_cast %add3A_1228 : i32 to index
      %swap3A_1315 = arith.constant 112 : index
      %swap3A_1316 = tpu.vector_load %arg9[%swap3A_1314, %swap3A_1315] {strides = array<i32>} : memref<256x128xf32, #tpu.memory_space<vmem>>, vector<16xf32>,
      tpu.vector_store %arg9[%swap3A_1314, %swap3A_1315], %mul3A_1313 {strides = array<i32>} : memref<256x128xf32, #tpu.memory_space<vmem>>, vector<16xf32>,
      %slice3A_1317 = vector.extract_strided_slice %div3A_85 {offsets = [13], sizes = [1], strides = [1]} : vector<16xf32> to vector<1xf32>
      %squeeze3A_1318 = vector.extract %slice3A_1317[0] : f32 from vector<1xf32>
      %broadcast_in_dim3A_1319 = vector.broadcast %squeeze3A_1318 : f32 to vector<16xf32>
      %mul3A_1320 = arith.constant 16 : i32
      %mul3A_1321 = arith.muli %scan3A_70, %mul3A_1320 : i32
      %add3A_1322 = arith.constant 13 : i32
      %add3A_1323 = arith.addi %mul3A_1321, %add3A_1322 : i32
      %get3A_1324 = arith.index_cast %add3A_1323 : i32 to index
      %get3A_1325 = arith.constant 0 : index
      %get3A_1326 = tpu.vector_load %arg5[%get3A_1324, %get3A_1325] {strides = array<i32>} : memref<256x128xf32, #tpu.memory_space<vmem>>, vector<16xf32>,
      %get3A_1327 = arith.index_cast %add3A_1323 : i32 to index
      %get3A_1328 = arith.constant 0 : index
      %get3A_1329 = tpu.vector_load %arg6[%get3A_1327, %get3A_1328] {strides = array<i32>} : memref<256x128xf32, #tpu.memory_space<vmem>>, vector<16xf32>,
      %add3A_1330 = arith.addf %get3A_1326, %get3A_1329 : vector<16xf32>
      %mul3A_1331 = arith.mulf %add3A_1330, %broadcast_in_dim3A_1319 : vector<16xf32>
      %swap3A_1332 = arith.index_cast %add3A_1323 : i32 to index
      %swap3A_1333 = arith.constant 0 : index
      %swap3A_1334 = tpu.vector_load %arg9[%swap3A_1332, %swap3A_1333] {strides = array<i32>} : memref<256x128xf32, #tpu.memory_space<vmem>>, vector<16xf32>,
      tpu.vector_store %arg9[%swap3A_1332, %swap3A_1333], %mul3A_1331 {strides = array<i32>} : memref<256x128xf32, #tpu.memory_space<vmem>>, vector<16xf32>,
      %get3A_1335 = arith.index_cast %add3A_1323 : i32 to index
      %get3A_1336 = arith.constant 16 : index
      %get3A_1337 = tpu.vector_load %arg5[%get3A_1335, %get3A_1336] {strides = array<i32>} : memref<256x128xf32, #tpu.memory_space<vmem>>, vector<16xf32>,
      %get3A_1338 = arith.index_cast %add3A_1323 : i32 to index
      %get3A_1339 = arith.constant 16 : index
      %get3A_1340 = tpu.vector_load %arg6[%get3A_1338, %get3A_1339] {strides = array<i32>} : memref<256x128xf32, #tpu.memory_space<vmem>>, vector<16xf32>,
      %add3A_1341 = arith.addf %get3A_1337, %get3A_1340 : vector<16xf32>
      %mul3A_1342 = arith.mulf %add3A_1341, %broadcast_in_dim3A_1319 : vector<16xf32>
      %swap3A_1343 = arith.index_cast %add3A_1323 : i32 to index
      %swap3A_1344 = arith.constant 16 : index
      %swap3A_1345 = tpu.vector_load %arg9[%swap3A_1343, %swap3A_1344] {strides = array<i32>} : memref<256x128xf32, #tpu.memory_space<vmem>>, vector<16xf32>,
      tpu.vector_store %arg9[%swap3A_1343, %swap3A_1344], %mul3A_1342 {strides = array<i32>} : memref<256x128xf32, #tpu.memory_space<vmem>>, vector<16xf32>,
      %get3A_1346 = arith.index_cast %add3A_1323 : i32 to index
      %get3A_1347 = arith.constant 32 : index
      %get3A_1348 = tpu.vector_load %arg5[%get3A_1346, %get3A_1347] {strides = array<i32>} : memref<256x128xf32, #tpu.memory_space<vmem>>, vector<16xf32>,
      %get3A_1349 = arith.index_cast %add3A_1323 : i32 to index
      %get3A_1350 = arith.constant 32 : index
      %get3A_1351 = tpu.vector_load %arg6[%get3A_1349, %get3A_1350] {strides = array<i32>} : memref<256x128xf32, #tpu.memory_space<vmem>>, vector<16xf32>,
      %add3A_1352 = arith.addf %get3A_1348, %get3A_1351 : vector<16xf32>
      %mul3A_1353 = arith.mulf %add3A_1352, %broadcast_in_dim3A_1319 : vector<16xf32>
      %swap3A_1354 = arith.index_cast %add3A_1323 : i32 to index
      %swap3A_1355 = arith.constant 32 : index
      %swap3A_1356 = tpu.vector_load %arg9[%swap3A_1354, %swap3A_1355] {strides = array<i32>} : memref<256x128xf32, #tpu.memory_space<vmem>>, vector<16xf32>,
      tpu.vector_store %arg9[%swap3A_1354, %swap3A_1355], %mul3A_1353 {strides = array<i32>} : memref<256x128xf32, #tpu.memory_space<vmem>>, vector<16xf32>,
      %get3A_1357 = arith.index_cast %add3A_1323 : i32 to index
      %get3A_1358 = arith.constant 48 : index
      %get3A_1359 = tpu.vector_load %arg5[%get3A_1357, %get3A_1358] {strides = array<i32>} : memref<256x128xf32, #tpu.memory_space<vmem>>, vector<16xf32>,
      %get3A_1360 = arith.index_cast %add3A_1323 : i32 to index
      %get3A_1361 = arith.constant 48 : index
      %get3A_1362 = tpu.vector_load %arg6[%get3A_1360, %get3A_1361] {strides = array<i32>} : memref<256x128xf32, #tpu.memory_space<vmem>>, vector<16xf32>,
      %add3A_1363 = arith.addf %get3A_1359, %get3A_1362 : vector<16xf32>
      %mul3A_1364 = arith.mulf %add3A_1363, %broadcast_in_dim3A_1319 : vector<16xf32>
      %swap3A_1365 = arith.index_cast %add3A_1323 : i32 to index
      %swap3A_1366 = arith.constant 48 : index
      %swap3A_1367 = tpu.vector_load %arg9[%swap3A_1365, %swap3A_1366] {strides = array<i32>} : memref<256x128xf32, #tpu.memory_space<vmem>>, vector<16xf32>,
      tpu.vector_store %arg9[%swap3A_1365, %swap3A_1366], %mul3A_1364 {strides = array<i32>} : memref<256x128xf32, #tpu.memory_space<vmem>>, vector<16xf32>,
      %get3A_1368 = arith.index_cast %add3A_1323 : i32 to index
      %get3A_1369 = arith.constant 64 : index
      %get3A_1370 = tpu.vector_load %arg5[%get3A_1368, %get3A_1369] {strides = array<i32>} : memref<256x128xf32, #tpu.memory_space<vmem>>, vector<16xf32>,
      %get3A_1371 = arith.index_cast %add3A_1323 : i32 to index
      %get3A_1372 = arith.constant 64 : index
      %get3A_1373 = tpu.vector_load %arg6[%get3A_1371, %get3A_1372] {strides = array<i32>} : memref<256x128xf32, #tpu.memory_space<vmem>>, vector<16xf32>,
      %add3A_1374 = arith.addf %get3A_1370, %get3A_1373 : vector<16xf32>
      %mul3A_1375 = arith.mulf %add3A_1374, %broadcast_in_dim3A_1319 : vector<16xf32>
      %swap3A_1376 = arith.index_cast %add3A_1323 : i32 to index
      %swap3A_1377 = arith.constant 64 : index
      %swap3A_1378 = tpu.vector_load %arg9[%swap3A_1376, %swap3A_1377] {strides = array<i32>} : memref<256x128xf32, #tpu.memory_space<vmem>>, vector<16xf32>,
      tpu.vector_store %arg9[%swap3A_1376, %swap3A_1377], %mul3A_1375 {strides = array<i32>} : memref<256x128xf32, #tpu.memory_space<vmem>>, vector<16xf32>,
      %get3A_1379 = arith.index_cast %add3A_1323 : i32 to index
      %get3A_1380 = arith.constant 80 : index
      %get3A_1381 = tpu.vector_load %arg5[%get3A_1379, %get3A_1380] {strides = array<i32>} : memref<256x128xf32, #tpu.memory_space<vmem>>, vector<16xf32>,
      %get3A_1382 = arith.index_cast %add3A_1323 : i32 to index
      %get3A_1383 = arith.constant 80 : index
      %get3A_1384 = tpu.vector_load %arg6[%get3A_1382, %get3A_1383] {strides = array<i32>} : memref<256x128xf32, #tpu.memory_space<vmem>>, vector<16xf32>,
      %add3A_1385 = arith.addf %get3A_1381, %get3A_1384 : vector<16xf32>
      %mul3A_1386 = arith.mulf %add3A_1385, %broadcast_in_dim3A_1319 : vector<16xf32>
      %swap3A_1387 = arith.index_cast %add3A_1323 : i32 to index
      %swap3A_1388 = arith.constant 80 : index
      %swap3A_1389 = tpu.vector_load %arg9[%swap3A_1387, %swap3A_1388] {strides = array<i32>} : memref<256x128xf32, #tpu.memory_space<vmem>>, vector<16xf32>,
      tpu.vector_store %arg9[%swap3A_1387, %swap3A_1388], %mul3A_1386 {strides = array<i32>} : memref<256x128xf32, #tpu.memory_space<vmem>>, vector<16xf32>,
      %get3A_1390 = arith.index_cast %add3A_1323 : i32 to index
      %get3A_1391 = arith.constant 96 : index
      %get3A_1392 = tpu.vector_load %arg5[%get3A_1390, %get3A_1391] {strides = array<i32>} : memref<256x128xf32, #tpu.memory_space<vmem>>, vector<16xf32>,
      %get3A_1393 = arith.index_cast %add3A_1323 : i32 to index
      %get3A_1394 = arith.constant 96 : index
      %get3A_1395 = tpu.vector_load %arg6[%get3A_1393, %get3A_1394] {strides = array<i32>} : memref<256x128xf32, #tpu.memory_space<vmem>>, vector<16xf32>,
      %add3A_1396 = arith.addf %get3A_1392, %get3A_1395 : vector<16xf32>
      %mul3A_1397 = arith.mulf %add3A_1396, %broadcast_in_dim3A_1319 : vector<16xf32>
      %swap3A_1398 = arith.index_cast %add3A_1323 : i32 to index
      %swap3A_1399 = arith.constant 96 : index
      %swap3A_1400 = tpu.vector_load %arg9[%swap3A_1398, %swap3A_1399] {strides = array<i32>} : memref<256x128xf32, #tpu.memory_space<vmem>>, vector<16xf32>,
      tpu.vector_store %arg9[%swap3A_1398, %swap3A_1399], %mul3A_1397 {strides = array<i32>} : memref<256x128xf32, #tpu.memory_space<vmem>>, vector<16xf32>,
      %get3A_1401 = arith.index_cast %add3A_1323 : i32 to index
      %get3A_1402 = arith.constant 112 : index
      %get3A_1403 = tpu.vector_load %arg5[%get3A_1401, %get3A_1402] {strides = array<i32>} : memref<256x128xf32, #tpu.memory_space<vmem>>, vector<16xf32>,
      %get3A_1404 = arith.index_cast %add3A_1323 : i32 to index
      %get3A_1405 = arith.constant 112 : index
      %get3A_1406 = tpu.vector_load %arg6[%get3A_1404, %get3A_1405] {strides = array<i32>} : memref<256x128xf32, #tpu.memory_space<vmem>>, vector<16xf32>,
      %add3A_1407 = arith.addf %get3A_1403, %get3A_1406 : vector<16xf32>
      %mul3A_1408 = arith.mulf %add3A_1407, %broadcast_in_dim3A_1319 : vector<16xf32>
      %swap3A_1409 = arith.index_cast %add3A_1323 : i32 to index
      %swap3A_1410 = arith.constant 112 : index
      %swap3A_1411 = tpu.vector_load %arg9[%swap3A_1409, %swap3A_1410] {strides = array<i32>} : memref<256x128xf32, #tpu.memory_space<vmem>>, vector<16xf32>,
      tpu.vector_store %arg9[%swap3A_1409, %swap3A_1410], %mul3A_1408 {strides = array<i32>} : memref<256x128xf32, #tpu.memory_space<vmem>>, vector<16xf32>,
      %slice3A_1412 = vector.extract_strided_slice %div3A_85 {offsets = [14], sizes = [1], strides = [1]} : vector<16xf32> to vector<1xf32>
      %squeeze3A_1413 = vector.extract %slice3A_1412[0] : f32 from vector<1xf32>
      %broadcast_in_dim3A_1414 = vector.broadcast %squeeze3A_1413 : f32 to vector<16xf32>
      %mul3A_1415 = arith.constant 16 : i32
      %mul3A_1416 = arith.muli %scan3A_70, %mul3A_1415 : i32
      %add3A_1417 = arith.constant 14 : i32
      %add3A_1418 = arith.addi %mul3A_1416, %add3A_1417 : i32
      %get3A_1419 = arith.index_cast %add3A_1418 : i32 to index
      %get3A_1420 = arith.constant 0 : index
      %get3A_1421 = tpu.vector_load %arg5[%get3A_1419, %get3A_1420] {strides = array<i32>} : memref<256x128xf32, #tpu.memory_space<vmem>>, vector<16xf32>,
      %get3A_1422 = arith.index_cast %add3A_1418 : i32 to index
      %get3A_1423 = arith.constant 0 : index
      %get3A_1424 = tpu.vector_load %arg6[%get3A_1422, %get3A_1423] {strides = array<i32>} : memref<256x128xf32, #tpu.memory_space<vmem>>, vector<16xf32>,
      %add3A_1425 = arith.addf %get3A_1421, %get3A_1424 : vector<16xf32>
      %mul3A_1426 = arith.mulf %add3A_1425, %broadcast_in_dim3A_1414 : vector<16xf32>
      %swap3A_1427 = arith.index_cast %add3A_1418 : i32 to index
      %swap3A_1428 = arith.constant 0 : index
      %swap3A_1429 = tpu.vector_load %arg9[%swap3A_1427, %swap3A_1428] {strides = array<i32>} : memref<256x128xf32, #tpu.memory_space<vmem>>, vector<16xf32>,
      tpu.vector_store %arg9[%swap3A_1427, %swap3A_1428], %mul3A_1426 {strides = array<i32>} : memref<256x128xf32, #tpu.memory_space<vmem>>, vector<16xf32>,
      %get3A_1430 = arith.index_cast %add3A_1418 : i32 to index
      %get3A_1431 = arith.constant 16 : index
      %get3A_1432 = tpu.vector_load %arg5[%get3A_1430, %get3A_1431] {strides = array<i32>} : memref<256x128xf32, #tpu.memory_space<vmem>>, vector<16xf32>,
      %get3A_1433 = arith.index_cast %add3A_1418 : i32 to index
      %get3A_1434 = arith.constant 16 : index
      %get3A_1435 = tpu.vector_load %arg6[%get3A_1433, %get3A_1434] {strides = array<i32>} : memref<256x128xf32, #tpu.memory_space<vmem>>, vector<16xf32>,
      %add3A_1436 = arith.addf %get3A_1432, %get3A_1435 : vector<16xf32>
      %mul3A_1437 = arith.mulf %add3A_1436, %broadcast_in_dim3A_1414 : vector<16xf32>
      %swap3A_1438 = arith.index_cast %add3A_1418 : i32 to index
      %swap3A_1439 = arith.constant 16 : index
      %swap3A_1440 = tpu.vector_load %arg9[%swap3A_1438, %swap3A_1439] {strides = array<i32>} : memref<256x128xf32, #tpu.memory_space<vmem>>, vector<16xf32>,
      tpu.vector_store %arg9[%swap3A_1438, %swap3A_1439], %mul3A_1437 {strides = array<i32>} : memref<256x128xf32, #tpu.memory_space<vmem>>, vector<16xf32>,
      %get3A_1441 = arith.index_cast %add3A_1418 : i32 to index
      %get3A_1442 = arith.constant 32 : index
      %get3A_1443 = tpu.vector_load %arg5[%get3A_1441, %get3A_1442] {strides = array<i32>} : memref<256x128xf32, #tpu.memory_space<vmem>>, vector<16xf32>,
      %get3A_1444 = arith.index_cast %add3A_1418 : i32 to index
      %get3A_1445 = arith.constant 32 : index
      %get3A_1446 = tpu.vector_load %arg6[%get3A_1444, %get3A_1445] {strides = array<i32>} : memref<256x128xf32, #tpu.memory_space<vmem>>, vector<16xf32>,
      %add3A_1447 = arith.addf %get3A_1443, %get3A_1446 : vector<16xf32>
      %mul3A_1448 = arith.mulf %add3A_1447, %broadcast_in_dim3A_1414 : vector<16xf32>
      %swap3A_1449 = arith.index_cast %add3A_1418 : i32 to index
      %swap3A_1450 = arith.constant 32 : index
      %swap3A_1451 = tpu.vector_load %arg9[%swap3A_1449, %swap3A_1450] {strides = array<i32>} : memref<256x128xf32, #tpu.memory_space<vmem>>, vector<16xf32>,
      tpu.vector_store %arg9[%swap3A_1449, %swap3A_1450], %mul3A_1448 {strides = array<i32>} : memref<256x128xf32, #tpu.memory_space<vmem>>, vector<16xf32>,
      %get3A_1452 = arith.index_cast %add3A_1418 : i32 to index
      %get3A_1453 = arith.constant 48 : index
      %get3A_1454 = tpu.vector_load %arg5[%get3A_1452, %get3A_1453] {strides = array<i32>} : memref<256x128xf32, #tpu.memory_space<vmem>>, vector<16xf32>,
      %get3A_1455 = arith.index_cast %add3A_1418 : i32 to index
      %get3A_1456 = arith.constant 48 : index
      %get3A_1457 = tpu.vector_load %arg6[%get3A_1455, %get3A_1456] {strides = array<i32>} : memref<256x128xf32, #tpu.memory_space<vmem>>, vector<16xf32>,
      %add3A_1458 = arith.addf %get3A_1454, %get3A_1457 : vector<16xf32>
      %mul3A_1459 = arith.mulf %add3A_1458, %broadcast_in_dim3A_1414 : vector<16xf32>
      %swap3A_1460 = arith.index_cast %add3A_1418 : i32 to index
      %swap3A_1461 = arith.constant 48 : index
      %swap3A_1462 = tpu.vector_load %arg9[%swap3A_1460, %swap3A_1461] {strides = array<i32>} : memref<256x128xf32, #tpu.memory_space<vmem>>, vector<16xf32>,
      tpu.vector_store %arg9[%swap3A_1460, %swap3A_1461], %mul3A_1459 {strides = array<i32>} : memref<256x128xf32, #tpu.memory_space<vmem>>, vector<16xf32>,
      %get3A_1463 = arith.index_cast %add3A_1418 : i32 to index
      %get3A_1464 = arith.constant 64 : index
      %get3A_1465 = tpu.vector_load %arg5[%get3A_1463, %get3A_1464] {strides = array<i32>} : memref<256x128xf32, #tpu.memory_space<vmem>>, vector<16xf32>,
      %get3A_1466 = arith.index_cast %add3A_1418 : i32 to index
      %get3A_1467 = arith.constant 64 : index
      %get3A_1468 = tpu.vector_load %arg6[%get3A_1466, %get3A_1467] {strides = array<i32>} : memref<256x128xf32, #tpu.memory_space<vmem>>, vector<16xf32>,
      %add3A_1469 = arith.addf %get3A_1465, %get3A_1468 : vector<16xf32>
      %mul3A_1470 = arith.mulf %add3A_1469, %broadcast_in_dim3A_1414 : vector<16xf32>
      %swap3A_1471 = arith.index_cast %add3A_1418 : i32 to index
      %swap3A_1472 = arith.constant 64 : index
      %swap3A_1473 = tpu.vector_load %arg9[%swap3A_1471, %swap3A_1472] {strides = array<i32>} : memref<256x128xf32, #tpu.memory_space<vmem>>, vector<16xf32>,
      tpu.vector_store %arg9[%swap3A_1471, %swap3A_1472], %mul3A_1470 {strides = array<i32>} : memref<256x128xf32, #tpu.memory_space<vmem>>, vector<16xf32>,
      %get3A_1474 = arith.index_cast %add3A_1418 : i32 to index
      %get3A_1475 = arith.constant 80 : index
      %get3A_1476 = tpu.vector_load %arg5[%get3A_1474, %get3A_1475] {strides = array<i32>} : memref<256x128xf32, #tpu.memory_space<vmem>>, vector<16xf32>,
      %get3A_1477 = arith.index_cast %add3A_1418 : i32 to index
      %get3A_1478 = arith.constant 80 : index
      %get3A_1479 = tpu.vector_load %arg6[%get3A_1477, %get3A_1478] {strides = array<i32>} : memref<256x128xf32, #tpu.memory_space<vmem>>, vector<16xf32>,
      %add3A_1480 = arith.addf %get3A_1476, %get3A_1479 : vector<16xf32>
      %mul3A_1481 = arith.mulf %add3A_1480, %broadcast_in_dim3A_1414 : vector<16xf32>
      %swap3A_1482 = arith.index_cast %add3A_1418 : i32 to index
      %swap3A_1483 = arith.constant 80 : index
      %swap3A_1484 = tpu.vector_load %arg9[%swap3A_1482, %swap3A_1483] {strides = array<i32>} : memref<256x128xf32, #tpu.memory_space<vmem>>, vector<16xf32>,
      tpu.vector_store %arg9[%swap3A_1482, %swap3A_1483], %mul3A_1481 {strides = array<i32>} : memref<256x128xf32, #tpu.memory_space<vmem>>, vector<16xf32>,
      %get3A_1485 = arith.index_cast %add3A_1418 : i32 to index
      %get3A_1486 = arith.constant 96 : index
      %get3A_1487 = tpu.vector_load %arg5[%get3A_1485, %get3A_1486] {strides = array<i32>} : memref<256x128xf32, #tpu.memory_space<vmem>>, vector<16xf32>,
      %get3A_1488 = arith.index_cast %add3A_1418 : i32 to index
      %get3A_1489 = arith.constant 96 : index
      %get3A_1490 = tpu.vector_load %arg6[%get3A_1488, %get3A_1489] {strides = array<i32>} : memref<256x128xf32, #tpu.memory_space<vmem>>, vector<16xf32>,
      %add3A_1491 = arith.addf %get3A_1487, %get3A_1490 : vector<16xf32>
      %mul3A_1492 = arith.mulf %add3A_1491, %broadcast_in_dim3A_1414 : vector<16xf32>
      %swap3A_1493 = arith.index_cast %add3A_1418 : i32 to index
      %swap3A_1494 = arith.constant 96 : index
      %swap3A_1495 = tpu.vector_load %arg9[%swap3A_1493, %swap3A_1494] {strides = array<i32>} : memref<256x128xf32, #tpu.memory_space<vmem>>, vector<16xf32>,
      tpu.vector_store %arg9[%swap3A_1493, %swap3A_1494], %mul3A_1492 {strides = array<i32>} : memref<256x128xf32, #tpu.memory_space<vmem>>, vector<16xf32>,
      %get3A_1496 = arith.index_cast %add3A_1418 : i32 to index
      %get3A_1497 = arith.constant 112 : index
      %get3A_1498 = tpu.vector_load %arg5[%get3A_1496, %get3A_1497] {strides = array<i32>} : memref<256x128xf32, #tpu.memory_space<vmem>>, vector<16xf32>,
      %get3A_1499 = arith.index_cast %add3A_1418 : i32 to index
      %get3A_1500 = arith.constant 112 : index
      %get3A_1501 = tpu.vector_load %arg6[%get3A_1499, %get3A_1500] {strides = array<i32>} : memref<256x128xf32, #tpu.memory_space<vmem>>, vector<16xf32>,
      %add3A_1502 = arith.addf %get3A_1498, %get3A_1501 : vector<16xf32>
      %mul3A_1503 = arith.mulf %add3A_1502, %broadcast_in_dim3A_1414 : vector<16xf32>
      %swap3A_1504 = arith.index_cast %add3A_1418 : i32 to index
      %swap3A_1505 = arith.constant 112 : index
      %swap3A_1506 = tpu.vector_load %arg9[%swap3A_1504, %swap3A_1505] {strides = array<i32>} : memref<256x128xf32, #tpu.memory_space<vmem>>, vector<16xf32>,
      tpu.vector_store %arg9[%swap3A_1504, %swap3A_1505], %mul3A_1503 {strides = array<i32>} : memref<256x128xf32, #tpu.memory_space<vmem>>, vector<16xf32>,
      %slice3A_1507 = vector.extract_strided_slice %div3A_85 {offsets = [15], sizes = [1], strides = [1]} : vector<16xf32> to vector<1xf32>
      %squeeze3A_1508 = vector.extract %slice3A_1507[0] : f32 from vector<1xf32>
      %broadcast_in_dim3A_1509 = vector.broadcast %squeeze3A_1508 : f32 to vector<16xf32>
      %mul3A_1510 = arith.constant 16 : i32
      %mul3A_1511 = arith.muli %scan3A_70, %mul3A_1510 : i32
      %add3A_1512 = arith.constant 15 : i32
      %add3A_1513 = arith.addi %mul3A_1511, %add3A_1512 : i32
      %get3A_1514 = arith.index_cast %add3A_1513 : i32 to index
      %get3A_1515 = arith.constant 0 : index
      %get3A_1516 = tpu.vector_load %arg5[%get3A_1514, %get3A_1515] {strides = array<i32>} : memref<256x128xf32, #tpu.memory_space<vmem>>, vector<16xf32>,
      %get3A_1517 = arith.index_cast %add3A_1513 : i32 to index
      %get3A_1518 = arith.constant 0 : index
      %get3A_1519 = tpu.vector_load %arg6[%get3A_1517, %get3A_1518] {strides = array<i32>} : memref<256x128xf32, #tpu.memory_space<vmem>>, vector<16xf32>,
      %add3A_1520 = arith.addf %get3A_1516, %get3A_1519 : vector<16xf32>
      %mul3A_1521 = arith.mulf %add3A_1520, %broadcast_in_dim3A_1509 : vector<16xf32>
      %swap3A_1522 = arith.index_cast %add3A_1513 : i32 to index
      %swap3A_1523 = arith.constant 0 : index
      %swap3A_1524 = tpu.vector_load %arg9[%swap3A_1522, %swap3A_1523] {strides = array<i32>} : memref<256x128xf32, #tpu.memory_space<vmem>>, vector<16xf32>,
      tpu.vector_store %arg9[%swap3A_1522, %swap3A_1523], %mul3A_1521 {strides = array<i32>} : memref<256x128xf32, #tpu.memory_space<vmem>>, vector<16xf32>,
      %get3A_1525 = arith.index_cast %add3A_1513 : i32 to index
      %get3A_1526 = arith.constant 16 : index
      %get3A_1527 = tpu.vector_load %arg5[%get3A_1525, %get3A_1526] {strides = array<i32>} : memref<256x128xf32, #tpu.memory_space<vmem>>, vector<16xf32>,
      %get3A_1528 = arith.index_cast %add3A_1513 : i32 to index
      %get3A_1529 = arith.constant 16 : index
      %get3A_1530 = tpu.vector_load %arg6[%get3A_1528, %get3A_1529] {strides = array<i32>} : memref<256x128xf32, #tpu.memory_space<vmem>>, vector<16xf32>,
      %add3A_1531 = arith.addf %get3A_1527, %get3A_1530 : vector<16xf32>
      %mul3A_1532 = arith.mulf %add3A_1531, %broadcast_in_dim3A_1509 : vector<16xf32>
      %swap3A_1533 = arith.index_cast %add3A_1513 : i32 to index
      %swap3A_1534 = arith.constant 16 : index
      %swap3A_1535 = tpu.vector_load %arg9[%swap3A_1533, %swap3A_1534] {strides = array<i32>} : memref<256x128xf32, #tpu.memory_space<vmem>>, vector<16xf32>,
      tpu.vector_store %arg9[%swap3A_1533, %swap3A_1534], %mul3A_1532 {strides = array<i32>} : memref<256x128xf32, #tpu.memory_space<vmem>>, vector<16xf32>,
      %get3A_1536 = arith.index_cast %add3A_1513 : i32 to index
      %get3A_1537 = arith.constant 32 : index
      %get3A_1538 = tpu.vector_load %arg5[%get3A_1536, %get3A_1537] {strides = array<i32>} : memref<256x128xf32, #tpu.memory_space<vmem>>, vector<16xf32>,
      %get3A_1539 = arith.index_cast %add3A_1513 : i32 to index
      %get3A_1540 = arith.constant 32 : index
      %get3A_1541 = tpu.vector_load %arg6[%get3A_1539, %get3A_1540] {strides = array<i32>} : memref<256x128xf32, #tpu.memory_space<vmem>>, vector<16xf32>,
      %add3A_1542 = arith.addf %get3A_1538, %get3A_1541 : vector<16xf32>
      %mul3A_1543 = arith.mulf %add3A_1542, %broadcast_in_dim3A_1509 : vector<16xf32>
      %swap3A_1544 = arith.index_cast %add3A_1513 : i32 to index
      %swap3A_1545 = arith.constant 32 : index
      %swap3A_1546 = tpu.vector_load %arg9[%swap3A_1544, %swap3A_1545] {strides = array<i32>} : memref<256x128xf32, #tpu.memory_space<vmem>>, vector<16xf32>,
      tpu.vector_store %arg9[%swap3A_1544, %swap3A_1545], %mul3A_1543 {strides = array<i32>} : memref<256x128xf32, #tpu.memory_space<vmem>>, vector<16xf32>,
      %get3A_1547 = arith.index_cast %add3A_1513 : i32 to index
      %get3A_1548 = arith.constant 48 : index
      %get3A_1549 = tpu.vector_load %arg5[%get3A_1547, %get3A_1548] {strides = array<i32>} : memref<256x128xf32, #tpu.memory_space<vmem>>, vector<16xf32>,
      %get3A_1550 = arith.index_cast %add3A_1513 : i32 to index
      %get3A_1551 = arith.constant 48 : index
      %get3A_1552 = tpu.vector_load %arg6[%get3A_1550, %get3A_1551] {strides = array<i32>} : memref<256x128xf32, #tpu.memory_space<vmem>>, vector<16xf32>,
      %add3A_1553 = arith.addf %get3A_1549, %get3A_1552 : vector<16xf32>
      %mul3A_1554 = arith.mulf %add3A_1553, %broadcast_in_dim3A_1509 : vector<16xf32>
      %swap3A_1555 = arith.index_cast %add3A_1513 : i32 to index
      %swap3A_1556 = arith.constant 48 : index
      %swap3A_1557 = tpu.vector_load %arg9[%swap3A_1555, %swap3A_1556] {strides = array<i32>} : memref<256x128xf32, #tpu.memory_space<vmem>>, vector<16xf32>,
      tpu.vector_store %arg9[%swap3A_1555, %swap3A_1556], %mul3A_1554 {strides = array<i32>} : memref<256x128xf32, #tpu.memory_space<vmem>>, vector<16xf32>,
      %get3A_1558 = arith.index_cast %add3A_1513 : i32 to index
      %get3A_1559 = arith.constant 64 : index
      %get3A_1560 = tpu.vector_load %arg5[%get3A_1558, %get3A_1559] {strides = array<i32>} : memref<256x128xf32, #tpu.memory_space<vmem>>, vector<16xf32>,
      %get3A_1561 = arith.index_cast %add3A_1513 : i32 to index
      %get3A_1562 = arith.constant 64 : index
      %get3A_1563 = tpu.vector_load %arg6[%get3A_1561, %get3A_1562] {strides = array<i32>} : memref<256x128xf32, #tpu.memory_space<vmem>>, vector<16xf32>,
      %add3A_1564 = arith.addf %get3A_1560, %get3A_1563 : vector<16xf32>
      %mul3A_1565 = arith.mulf %add3A_1564, %broadcast_in_dim3A_1509 : vector<16xf32>
      %swap3A_1566 = arith.index_cast %add3A_1513 : i32 to index
      %swap3A_1567 = arith.constant 64 : index
      %swap3A_1568 = tpu.vector_load %arg9[%swap3A_1566, %swap3A_1567] {strides = array<i32>} : memref<256x128xf32, #tpu.memory_space<vmem>>, vector<16xf32>,
      tpu.vector_store %arg9[%swap3A_1566, %swap3A_1567], %mul3A_1565 {strides = array<i32>} : memref<256x128xf32, #tpu.memory_space<vmem>>, vector<16xf32>,
      %get3A_1569 = arith.index_cast %add3A_1513 : i32 to index
      %get3A_1570 = arith.constant 80 : index
      %get3A_1571 = tpu.vector_load %arg5[%get3A_1569, %get3A_1570] {strides = array<i32>} : memref<256x128xf32, #tpu.memory_space<vmem>>, vector<16xf32>,
      %get3A_1572 = arith.index_cast %add3A_1513 : i32 to index
      %get3A_1573 = arith.constant 80 : index
      %get3A_1574 = tpu.vector_load %arg6[%get3A_1572, %get3A_1573] {strides = array<i32>} : memref<256x128xf32, #tpu.memory_space<vmem>>, vector<16xf32>,
      %add3A_1575 = arith.addf %get3A_1571, %get3A_1574 : vector<16xf32>
      %mul3A_1576 = arith.mulf %add3A_1575, %broadcast_in_dim3A_1509 : vector<16xf32>
      %swap3A_1577 = arith.index_cast %add3A_1513 : i32 to index
      %swap3A_1578 = arith.constant 80 : index
      %swap3A_1579 = tpu.vector_load %arg9[%swap3A_1577, %swap3A_1578] {strides = array<i32>} : memref<256x128xf32, #tpu.memory_space<vmem>>, vector<16xf32>,
      tpu.vector_store %arg9[%swap3A_1577, %swap3A_1578], %mul3A_1576 {strides = array<i32>} : memref<256x128xf32, #tpu.memory_space<vmem>>, vector<16xf32>,
      %get3A_1580 = arith.index_cast %add3A_1513 : i32 to index
      %get3A_1581 = arith.constant 96 : index
      %get3A_1582 = tpu.vector_load %arg5[%get3A_1580, %get3A_1581] {strides = array<i32>} : memref<256x128xf32, #tpu.memory_space<vmem>>, vector<16xf32>,
      %get3A_1583 = arith.index_cast %add3A_1513 : i32 to index
      %get3A_1584 = arith.constant 96 : index
      %get3A_1585 = tpu.vector_load %arg6[%get3A_1583, %get3A_1584] {strides = array<i32>} : memref<256x128xf32, #tpu.memory_space<vmem>>, vector<16xf32>,
      %add3A_1586 = arith.addf %get3A_1582, %get3A_1585 : vector<16xf32>
      %mul3A_1587 = arith.mulf %add3A_1586, %broadcast_in_dim3A_1509 : vector<16xf32>
      %swap3A_1588 = arith.index_cast %add3A_1513 : i32 to index
      %swap3A_1589 = arith.constant 96 : index
      %swap3A_1590 = tpu.vector_load %arg9[%swap3A_1588, %swap3A_1589] {strides = array<i32>} : memref<256x128xf32, #tpu.memory_space<vmem>>, vector<16xf32>,
      tpu.vector_store %arg9[%swap3A_1588, %swap3A_1589], %mul3A_1587 {strides = array<i32>} : memref<256x128xf32, #tpu.memory_space<vmem>>, vector<16xf32>,
      %get3A_1591 = arith.index_cast %add3A_1513 : i32 to index
      %get3A_1592 = arith.constant 112 : index
      %get3A_1593 = tpu.vector_load %arg5[%get3A_1591, %get3A_1592] {strides = array<i32>} : memref<256x128xf32, #tpu.memory_space<vmem>>, vector<16xf32>,
      %get3A_1594 = arith.index_cast %add3A_1513 : i32 to index
      %get3A_1595 = arith.constant 112 : index
      %get3A_1596 = tpu.vector_load %arg6[%get3A_1594, %get3A_1595] {strides = array<i32>} : memref<256x128xf32, #tpu.memory_space<vmem>>, vector<16xf32>,
      %add3A_1597 = arith.addf %get3A_1593, %get3A_1596 : vector<16xf32>
      %mul3A_1598 = arith.mulf %add3A_1597, %broadcast_in_dim3A_1509 : vector<16xf32>
      %swap3A_1599 = arith.index_cast %add3A_1513 : i32 to index
      %swap3A_1600 = arith.constant 112 : index
      %swap3A_1601 = tpu.vector_load %arg9[%swap3A_1599, %swap3A_1600] {strides = array<i32>} : memref<256x128xf32, #tpu.memory_space<vmem>>, vector<16xf32>,
      tpu.vector_store %arg9[%swap3A_1599, %swap3A_1600], %mul3A_1598 {strides = array<i32>} : memref<256x128xf32, #tpu.memory_space<vmem>>, vector<16xf32>,
    }
    %scan3A_69 = arith.constant 16 : i32
    "tpu.region"() ({
      %run_scoped3A = tpu.sem_alloc : memref<!tpu.dma_semaphore, #tpu.memory_space<semaphore_mem>>
      %dma_start3A_70 = arith.constant 0 : i32
      %dma_start3A_71 = tpu.memref_slice %arg4[%mul3A_2, %dma_start3A_70] : memref<8192x128xf32, #tpu.memory_space<hbm>> -> memref<256x128xf32, #tpu.memory_space<hbm>>
      %dma_start3A_72 = arith.constant 0 : i32
      %dma_start3A_73 = tpu.memref_slice %arg4[%mul3A_2, %dma_start3A_72] : memref<8192x128xf32, #tpu.memory_space<hbm>> -> memref<256x128xf32, #tpu.memory_space<hbm>>
      tpu.enqueue_dma source(%arg9 : memref<256x128xf32, #tpu.memory_space<vmem>>) target(%dma_start3A_73 : memref<256x128xf32, #tpu.memory_space<hbm>>) target_semaphore(%run_scoped3A : memref<!tpu.dma_semaphore, #tpu.memory_space<semaphore_mem>>)
      %dma_wait3A_74 = arith.constant 0 : i32
      %dma_wait3A_75 = tpu.memref_slice %arg4[%mul3A_2, %dma_wait3A_74] : memref<8192x128xf32, #tpu.memory_space<hbm>> -> memref<256x128xf32, #tpu.memory_space<hbm>>
      %dma_wait3A_76 = arith.constant 0 : i32
      %dma_wait3A_77 = tpu.memref_slice %arg4[%mul3A_2, %dma_wait3A_76] : memref<8192x128xf32, #tpu.memory_space<hbm>> -> memref<256x128xf32, #tpu.memory_space<hbm>>
      tpu.wait_dma2 semaphore(%run_scoped3A : memref<!tpu.dma_semaphore, #tpu.memory_space<semaphore_mem>>) src(%arg9 : memref<256x128xf32, #tpu.memory_space<vmem>>) dst(%dma_wait3A_77 : memref<256x128xf32, #tpu.memory_space<hbm>>)
      tpu.yield
    }) : () -> ()
    return
  }
}

#map = affine_map<(d0, d1) -> (0, 0)>
#map1 = affine_map<(d0, d1) -> (0, 0, 0, 0)>
#map2 = affine_map<(d0, d1) -> (0, 0, 0)>
module attributes {stable_mosaic.version = 14 : i64} {
  func.func @_node_accum(%arg0: i32, %arg1: i32, %arg2: memref<8192x128xf32, #tpu.memory_space<hbm>>, %arg3: memref<32x5x16x125xi32, #tpu.memory_space<hbm>>, %arg4: memref<32x5x16x125xi32, #tpu.memory_space<hbm>>, %arg5: memref<10240x128xf32, #tpu.memory_space<hbm>>, %arg6: memref<2x10240x128xf32, #tpu.memory_space<hbm>>, %arg7: memref<10240x128xf32, #tpu.memory_space<vmem_shared>>, %arg8: memref<16x125xi32, #tpu.memory_space<vmem>>, %arg9: memref<16x125xi32, #tpu.memory_space<vmem>>, %arg10: memref<125x128xf32, #tpu.memory_space<vmem>>, %arg11: memref<125x128xf32, #tpu.memory_space<vmem>>, %arg12: memref<!tpu.dma_semaphore, #tpu.memory_space<semaphore_mem>>, %arg13: memref<!tpu.dma_semaphore, #tpu.memory_space<semaphore_mem>>, %arg14: memref<!tpu.dma_semaphore, #tpu.memory_space<semaphore_mem>>, %arg15: memref<!tpu.dma_semaphore, #tpu.memory_space<semaphore_mem>>) attributes {dimension_semantics = [#tpu.dimension_semantics<core_parallel>, #tpu.dimension_semantics<subcore_parallel>], iteration_bounds = array<i64: 2, 16>, scalar_prefetch = 0 : i64, scratch_operands = 9 : i64, tpu.core_type = #tpu.core_type<sc_vector_subcore>, window_params = [{transform_indices = #map}, {transform_indices = #map1}, {transform_indices = #map1}, {transform_indices = #map}, {transform_indices = #map2}]} {
    %mul3A = arith.constant 16 : i32
    %mul3A_0 = arith.muli %arg0, %mul3A : i32
    %add3A = arith.addi %mul3A_0, %arg1 : i32
    %run_scoped3A = arith.constant 0 : i32
    "tpu.region"() ({
      %run_scoped3A_22 = tpu.sem_alloc : memref<!tpu.dma_semaphore, #tpu.memory_space<semaphore_mem>>
      %dma_start3A_23 = arith.constant 0 : i32
      %dma_start3A_24 = arith.constant 0 : i32
      %dma_start3A_25 = tpu.memref_slice %arg3[%add3A, %run_scoped3A, %dma_start3A_23, %dma_start3A_24] : memref<32x5x16x125xi32, #tpu.memory_space<hbm>> -> memref<1x1x16x125xi32, #tpu.memory_space<hbm>>
      %dma_start3A_26 = tpu.memref_squeeze %dma_start3A_25 : memref<1x1x16x125xi32, #tpu.memory_space<hbm>> -> memref<16x125xi32, #tpu.memory_space<hbm>>
      %dma_start3A_27 = arith.constant 0 : i32
      %dma_start3A_28 = arith.constant 0 : i32
      %dma_start3A_29 = tpu.memref_slice %arg3[%add3A, %run_scoped3A, %dma_start3A_27, %dma_start3A_28] : memref<32x5x16x125xi32, #tpu.memory_space<hbm>> -> memref<1x1x16x125xi32, #tpu.memory_space<hbm>>
      %dma_start3A_30 = tpu.memref_squeeze %dma_start3A_29 : memref<1x1x16x125xi32, #tpu.memory_space<hbm>> -> memref<16x125xi32, #tpu.memory_space<hbm>>
      tpu.enqueue_dma source(%dma_start3A_30 : memref<16x125xi32, #tpu.memory_space<hbm>>) target(%arg8 : memref<16x125xi32, #tpu.memory_space<vmem>>) target_semaphore(%run_scoped3A_22 : memref<!tpu.dma_semaphore, #tpu.memory_space<semaphore_mem>>)
      %dma_wait3A = arith.constant 0 : i32
      %dma_wait3A_31 = arith.constant 0 : i32
      %dma_wait3A_32 = tpu.memref_slice %arg3[%add3A, %run_scoped3A, %dma_wait3A, %dma_wait3A_31] : memref<32x5x16x125xi32, #tpu.memory_space<hbm>> -> memref<1x1x16x125xi32, #tpu.memory_space<hbm>>
      %dma_wait3A_33 = tpu.memref_squeeze %dma_wait3A_32 : memref<1x1x16x125xi32, #tpu.memory_space<hbm>> -> memref<16x125xi32, #tpu.memory_space<hbm>>
      %dma_wait3A_34 = arith.constant 0 : i32
      %dma_wait3A_35 = arith.constant 0 : i32
      %dma_wait3A_36 = tpu.memref_slice %arg3[%add3A, %run_scoped3A, %dma_wait3A_34, %dma_wait3A_35] : memref<32x5x16x125xi32, #tpu.memory_space<hbm>> -> memref<1x1x16x125xi32, #tpu.memory_space<hbm>>
      %dma_wait3A_37 = tpu.memref_squeeze %dma_wait3A_36 : memref<1x1x16x125xi32, #tpu.memory_space<hbm>> -> memref<16x125xi32, #tpu.memory_space<hbm>>
      tpu.wait_dma2 semaphore(%run_scoped3A_22 : memref<!tpu.dma_semaphore, #tpu.memory_space<semaphore_mem>>) src(%dma_wait3A_37 : memref<16x125xi32, #tpu.memory_space<hbm>>) dst(%arg8 : memref<16x125xi32, #tpu.memory_space<vmem>>)
      tpu.yield
    }) : () -> ()
    %run_scoped3A_1 = arith.constant 0 : i32
    "tpu.region"() ({
      %run_scoped3A_22 = tpu.sem_alloc : memref<!tpu.dma_semaphore, #tpu.memory_space<semaphore_mem>>
      %dma_start3A_23 = arith.constant 0 : i32
      %dma_start3A_24 = arith.constant 0 : i32
      %dma_start3A_25 = tpu.memref_slice %arg4[%add3A, %run_scoped3A_1, %dma_start3A_23, %dma_start3A_24] : memref<32x5x16x125xi32, #tpu.memory_space<hbm>> -> memref<1x1x16x125xi32, #tpu.memory_space<hbm>>
      %dma_start3A_26 = tpu.memref_squeeze %dma_start3A_25 : memref<1x1x16x125xi32, #tpu.memory_space<hbm>> -> memref<16x125xi32, #tpu.memory_space<hbm>>
      %dma_start3A_27 = arith.constant 0 : i32
      %dma_start3A_28 = arith.constant 0 : i32
      %dma_start3A_29 = tpu.memref_slice %arg4[%add3A, %run_scoped3A_1, %dma_start3A_27, %dma_start3A_28] : memref<32x5x16x125xi32, #tpu.memory_space<hbm>> -> memref<1x1x16x125xi32, #tpu.memory_space<hbm>>
      %dma_start3A_30 = tpu.memref_squeeze %dma_start3A_29 : memref<1x1x16x125xi32, #tpu.memory_space<hbm>> -> memref<16x125xi32, #tpu.memory_space<hbm>>
      tpu.enqueue_dma source(%dma_start3A_30 : memref<16x125xi32, #tpu.memory_space<hbm>>) target(%arg9 : memref<16x125xi32, #tpu.memory_space<vmem>>) target_semaphore(%run_scoped3A_22 : memref<!tpu.dma_semaphore, #tpu.memory_space<semaphore_mem>>)
      %dma_wait3A = arith.constant 0 : i32
      %dma_wait3A_31 = arith.constant 0 : i32
      %dma_wait3A_32 = tpu.memref_slice %arg4[%add3A, %run_scoped3A_1, %dma_wait3A, %dma_wait3A_31] : memref<32x5x16x125xi32, #tpu.memory_space<hbm>> -> memref<1x1x16x125xi32, #tpu.memory_space<hbm>>
      %dma_wait3A_33 = tpu.memref_squeeze %dma_wait3A_32 : memref<1x1x16x125xi32, #tpu.memory_space<hbm>> -> memref<16x125xi32, #tpu.memory_space<hbm>>
      %dma_wait3A_34 = arith.constant 0 : i32
      %dma_wait3A_35 = arith.constant 0 : i32
      %dma_wait3A_36 = tpu.memref_slice %arg4[%add3A, %run_scoped3A_1, %dma_wait3A_34, %dma_wait3A_35] : memref<32x5x16x125xi32, #tpu.memory_space<hbm>> -> memref<1x1x16x125xi32, #tpu.memory_space<hbm>>
      %dma_wait3A_37 = tpu.memref_squeeze %dma_wait3A_36 : memref<1x1x16x125xi32, #tpu.memory_space<hbm>> -> memref<16x125xi32, #tpu.memory_space<hbm>>
      tpu.wait_dma2 semaphore(%run_scoped3A_22 : memref<!tpu.dma_semaphore, #tpu.memory_space<semaphore_mem>>) src(%dma_wait3A_37 : memref<16x125xi32, #tpu.memory_space<hbm>>) dst(%arg9 : memref<16x125xi32, #tpu.memory_space<vmem>>)
      tpu.yield
    }) : () -> ()
    %dma_start3A = arith.constant 0 : i32
    %dma_start3A_2 = arith.constant 0 : i32
    %dma_start3A_3 = tpu.memref_slice %arg9[%dma_start3A, %dma_start3A_2] : memref<16x125xi32, #tpu.memory_space<vmem>> -> memref<1x125xi32, #tpu.memory_space<vmem>>
    %dma_start3A_4 = tpu.memref_squeeze %dma_start3A_3 : memref<1x125xi32, #tpu.memory_space<vmem>> -> memref<125xi32, #tpu.memory_space<vmem>>
    %dma_start3A_5 = arith.constant 0 : i32
    %dma_start3A_6 = arith.constant 0 : i32
    %dma_start3A_7 = tpu.memref_slice %arg2[%dma_start3A_5, %dma_start3A_6] : memref<8192x128xf32, #tpu.memory_space<hbm>> -> memref<8192x128xf32, #tpu.memory_space<hbm>>
    tpu.enqueue_indirect_dma source(%dma_start3A_7 : memref<8192x128xf32, #tpu.memory_space<hbm>>) target(%arg10 : memref<125x128xf32, #tpu.memory_space<vmem>>) offsets(%dma_start3A_4 : memref<125xi32, #tpu.memory_space<vmem>>) semaphore(%arg12 : memref<!tpu.dma_semaphore, #tpu.memory_space<semaphore_mem>>)
    %mul3A_8 = arith.constant 640 : i32
    %mul3A_9 = arith.muli %arg1, %mul3A_8 : i32
    %mul3A_10 = arith.constant 640 : i32
    %mul3A_11 = arith.muli %arg1, %mul3A_10 : i32
    "tpu.region"() ({
      %run_scoped3A_22 = tpu.sem_alloc : memref<!tpu.dma_semaphore, #tpu.memory_space<semaphore_mem>>
      %dma_start3A_23 = arith.constant 0 : i32
      %dma_start3A_24 = tpu.memref_slice %arg7[%mul3A_11, %dma_start3A_23] : memref<10240x128xf32, #tpu.memory_space<vmem_shared>> -> memref<640x128xf32, #tpu.memory_space<vmem_shared>>
      %dma_start3A_25 = arith.constant 0 : i32
      %dma_start3A_26 = tpu.memref_slice %arg5[%mul3A_9, %dma_start3A_25] : memref<10240x128xf32, #tpu.memory_space<hbm>> -> memref<640x128xf32, #tpu.memory_space<hbm>>
      tpu.enqueue_dma source(%dma_start3A_26 : memref<640x128xf32, #tpu.memory_space<hbm>>) target(%dma_start3A_24 : memref<640x128xf32, #tpu.memory_space<vmem_shared>>) target_semaphore(%run_scoped3A_22 : memref<!tpu.dma_semaphore, #tpu.memory_space<semaphore_mem>>)
      %dma_wait3A = arith.constant 0 : i32
      %dma_wait3A_27 = tpu.memref_slice %arg7[%mul3A_11, %dma_wait3A] : memref<10240x128xf32, #tpu.memory_space<vmem_shared>> -> memref<640x128xf32, #tpu.memory_space<vmem_shared>>
      %dma_wait3A_28 = arith.constant 0 : i32
      %dma_wait3A_29 = tpu.memref_slice %arg5[%mul3A_9, %dma_wait3A_28] : memref<10240x128xf32, #tpu.memory_space<hbm>> -> memref<640x128xf32, #tpu.memory_space<hbm>>
      tpu.wait_dma2 semaphore(%run_scoped3A_22 : memref<!tpu.dma_semaphore, #tpu.memory_space<semaphore_mem>>) src(%dma_wait3A_29 : memref<640x128xf32, #tpu.memory_space<hbm>>) dst(%dma_wait3A_27 : memref<640x128xf32, #tpu.memory_space<vmem_shared>>)
      tpu.yield
    }) : () -> ()
    %barrier3A = arith.constant 0 : index
    tpu.barrier barrier_id(%barrier3A)
    %scan3A = arith.constant 0 : i32
    %scan3A_12 = arith.constant 0 : i32
    %scan3A_13 = arith.constant 5 : i32
    %scan3A_14 = arith.addi %scan3A_12, %scan3A_13 : i32
    %scan3A_15 = arith.constant 1 : i32
    scf.for %scan3A_22 = %scan3A_12 to %scan3A_14 step %scan3A_15  : i32 {
      %gt3A = arith.constant 0 : i32
      %gt3A_23 = arith.cmpi sgt, %scan3A_22, %gt3A : i32
      %convert_element_type3A = arith.extui %gt3A_23 : i1 to i32
      %cond3A = arith.constant 0 : i32
      %cond3A_24 = arith.cmpi ne, %convert_element_type3A, %cond3A : i32
      scf.if %cond3A_24 {
        "tpu.region"() ({
          %run_scoped3A_44 = tpu.sem_alloc : memref<!tpu.dma_semaphore, #tpu.memory_space<semaphore_mem>>
          %dma_start3A_45 = arith.constant 0 : i32
          %dma_start3A_46 = arith.constant 0 : i32
          %dma_start3A_47 = tpu.memref_slice %arg3[%add3A, %scan3A_22, %dma_start3A_45, %dma_start3A_46] : memref<32x5x16x125xi32, #tpu.memory_space<hbm>> -> memref<1x1x16x125xi32, #tpu.memory_space<hbm>>
          %dma_start3A_48 = tpu.memref_squeeze %dma_start3A_47 : memref<1x1x16x125xi32, #tpu.memory_space<hbm>> -> memref<16x125xi32, #tpu.memory_space<hbm>>
          %dma_start3A_49 = arith.constant 0 : i32
          %dma_start3A_50 = arith.constant 0 : i32
          %dma_start3A_51 = tpu.memref_slice %arg3[%add3A, %scan3A_22, %dma_start3A_49, %dma_start3A_50] : memref<32x5x16x125xi32, #tpu.memory_space<hbm>> -> memref<1x1x16x125xi32, #tpu.memory_space<hbm>>
          %dma_start3A_52 = tpu.memref_squeeze %dma_start3A_51 : memref<1x1x16x125xi32, #tpu.memory_space<hbm>> -> memref<16x125xi32, #tpu.memory_space<hbm>>
          tpu.enqueue_dma source(%dma_start3A_52 : memref<16x125xi32, #tpu.memory_space<hbm>>) target(%arg8 : memref<16x125xi32, #tpu.memory_space<vmem>>) target_semaphore(%run_scoped3A_44 : memref<!tpu.dma_semaphore, #tpu.memory_space<semaphore_mem>>)
          %dma_wait3A_53 = arith.constant 0 : i32
          %dma_wait3A_54 = arith.constant 0 : i32
          %dma_wait3A_55 = tpu.memref_slice %arg3[%add3A, %scan3A_22, %dma_wait3A_53, %dma_wait3A_54] : memref<32x5x16x125xi32, #tpu.memory_space<hbm>> -> memref<1x1x16x125xi32, #tpu.memory_space<hbm>>
          %dma_wait3A_56 = tpu.memref_squeeze %dma_wait3A_55 : memref<1x1x16x125xi32, #tpu.memory_space<hbm>> -> memref<16x125xi32, #tpu.memory_space<hbm>>
          %dma_wait3A_57 = arith.constant 0 : i32
          %dma_wait3A_58 = arith.constant 0 : i32
          %dma_wait3A_59 = tpu.memref_slice %arg3[%add3A, %scan3A_22, %dma_wait3A_57, %dma_wait3A_58] : memref<32x5x16x125xi32, #tpu.memory_space<hbm>> -> memref<1x1x16x125xi32, #tpu.memory_space<hbm>>
          %dma_wait3A_60 = tpu.memref_squeeze %dma_wait3A_59 : memref<1x1x16x125xi32, #tpu.memory_space<hbm>> -> memref<16x125xi32, #tpu.memory_space<hbm>>
          tpu.wait_dma2 semaphore(%run_scoped3A_44 : memref<!tpu.dma_semaphore, #tpu.memory_space<semaphore_mem>>) src(%dma_wait3A_60 : memref<16x125xi32, #tpu.memory_space<hbm>>) dst(%arg8 : memref<16x125xi32, #tpu.memory_space<vmem>>)
          tpu.yield
        }) : () -> ()
        "tpu.region"() ({
          %run_scoped3A_44 = tpu.sem_alloc : memref<!tpu.dma_semaphore, #tpu.memory_space<semaphore_mem>>
          %dma_start3A_45 = arith.constant 0 : i32
          %dma_start3A_46 = arith.constant 0 : i32
          %dma_start3A_47 = tpu.memref_slice %arg4[%add3A, %scan3A_22, %dma_start3A_45, %dma_start3A_46] : memref<32x5x16x125xi32, #tpu.memory_space<hbm>> -> memref<1x1x16x125xi32, #tpu.memory_space<hbm>>
          %dma_start3A_48 = tpu.memref_squeeze %dma_start3A_47 : memref<1x1x16x125xi32, #tpu.memory_space<hbm>> -> memref<16x125xi32, #tpu.memory_space<hbm>>
          %dma_start3A_49 = arith.constant 0 : i32
          %dma_start3A_50 = arith.constant 0 : i32
          %dma_start3A_51 = tpu.memref_slice %arg4[%add3A, %scan3A_22, %dma_start3A_49, %dma_start3A_50] : memref<32x5x16x125xi32, #tpu.memory_space<hbm>> -> memref<1x1x16x125xi32, #tpu.memory_space<hbm>>
          %dma_start3A_52 = tpu.memref_squeeze %dma_start3A_51 : memref<1x1x16x125xi32, #tpu.memory_space<hbm>> -> memref<16x125xi32, #tpu.memory_space<hbm>>
          tpu.enqueue_dma source(%dma_start3A_52 : memref<16x125xi32, #tpu.memory_space<hbm>>) target(%arg9 : memref<16x125xi32, #tpu.memory_space<vmem>>) target_semaphore(%run_scoped3A_44 : memref<!tpu.dma_semaphore, #tpu.memory_space<semaphore_mem>>)
          %dma_wait3A_53 = arith.constant 0 : i32
          %dma_wait3A_54 = arith.constant 0 : i32
          %dma_wait3A_55 = tpu.memref_slice %arg4[%add3A, %scan3A_22, %dma_wait3A_53, %dma_wait3A_54] : memref<32x5x16x125xi32, #tpu.memory_space<hbm>> -> memref<1x1x16x125xi32, #tpu.memory_space<hbm>>
          %dma_wait3A_56 = tpu.memref_squeeze %dma_wait3A_55 : memref<1x1x16x125xi32, #tpu.memory_space<hbm>> -> memref<16x125xi32, #tpu.memory_space<hbm>>
          %dma_wait3A_57 = arith.constant 0 : i32
          %dma_wait3A_58 = arith.constant 0 : i32
          %dma_wait3A_59 = tpu.memref_slice %arg4[%add3A, %scan3A_22, %dma_wait3A_57, %dma_wait3A_58] : memref<32x5x16x125xi32, #tpu.memory_space<hbm>> -> memref<1x1x16x125xi32, #tpu.memory_space<hbm>>
          %dma_wait3A_60 = tpu.memref_squeeze %dma_wait3A_59 : memref<1x1x16x125xi32, #tpu.memory_space<hbm>> -> memref<16x125xi32, #tpu.memory_space<hbm>>
          tpu.wait_dma2 semaphore(%run_scoped3A_44 : memref<!tpu.dma_semaphore, #tpu.memory_space<semaphore_mem>>) src(%dma_wait3A_60 : memref<16x125xi32, #tpu.memory_space<hbm>>) dst(%arg9 : memref<16x125xi32, #tpu.memory_space<vmem>>)
          tpu.yield
        }) : () -> ()
        %dma_start3A_37 = arith.constant 0 : i32
        %dma_start3A_38 = arith.constant 0 : i32
        %dma_start3A_39 = tpu.memref_slice %arg9[%dma_start3A_37, %dma_start3A_38] : memref<16x125xi32, #tpu.memory_space<vmem>> -> memref<1x125xi32, #tpu.memory_space<vmem>>
        %dma_start3A_40 = tpu.memref_squeeze %dma_start3A_39 : memref<1x125xi32, #tpu.memory_space<vmem>> -> memref<125xi32, #tpu.memory_space<vmem>>
        %dma_start3A_41 = arith.constant 0 : i32
        %dma_start3A_42 = arith.constant 0 : i32
        %dma_start3A_43 = tpu.memref_slice %arg2[%dma_start3A_41, %dma_start3A_42] : memref<8192x128xf32, #tpu.memory_space<hbm>> -> memref<8192x128xf32, #tpu.memory_space<hbm>>
        tpu.enqueue_indirect_dma source(%dma_start3A_43 : memref<8192x128xf32, #tpu.memory_space<hbm>>) target(%arg10 : memref<125x128xf32, #tpu.memory_space<vmem>>) offsets(%dma_start3A_40 : memref<125xi32, #tpu.memory_space<vmem>>) semaphore(%arg12 : memref<!tpu.dma_semaphore, #tpu.memory_space<semaphore_mem>>)
      } else {
      }
      %scan3A_25 = arith.constant 0 : i32
      %scan3A_26 = arith.constant 0 : i32
      %scan3A_27 = arith.constant 8 : i32
      %scan3A_28 = arith.addi %scan3A_26, %scan3A_27 : i32
      %scan3A_29 = arith.constant 1 : i32
      scf.for %scan3A_37 = %scan3A_26 to %scan3A_28 step %scan3A_29  : i32 {
        %mul3A_38 = arith.constant 2 : i32
        %mul3A_39 = arith.muli %mul3A_38, %scan3A_37 : i32
        %mul3A_40 = arith.constant 2 : i32
        %mul3A_41 = arith.muli %mul3A_40, %scan3A_37 : i32
        %add3A_42 = arith.constant 1 : i32
        %add3A_43 = arith.addi %mul3A_41, %add3A_42 : i32
        %dma_wait3A_44 = arith.constant 0 : i32
        %dma_wait3A_45 = tpu.memref_slice %arg9[%mul3A_39, %dma_wait3A_44] : memref<16x125xi32, #tpu.memory_space<vmem>> -> memref<1x125xi32, #tpu.memory_space<vmem>>
        %dma_wait3A_46 = tpu.memref_squeeze %dma_wait3A_45 : memref<1x125xi32, #tpu.memory_space<vmem>> -> memref<125xi32, #tpu.memory_space<vmem>>
        %dma_wait3A_47 = arith.constant 0 : i32
        %dma_wait3A_48 = arith.constant 0 : i32
        %dma_wait3A_49 = tpu.memref_slice %arg2[%dma_wait3A_47, %dma_wait3A_48] : memref<8192x128xf32, #tpu.memory_space<hbm>> -> memref<8192x128xf32, #tpu.memory_space<hbm>>
        tpu.wait_indirect_dma semaphore(%arg12 : memref<!tpu.dma_semaphore, #tpu.memory_space<semaphore_mem>>) src(%dma_wait3A_49 : memref<8192x128xf32, #tpu.memory_space<hbm>>) dst(%arg10 : memref<125x128xf32, #tpu.memory_space<vmem>>)
        %gt3A_50 = arith.constant 0 : i32
        %gt3A_51 = arith.cmpi sgt, %scan3A_37, %gt3A_50 : i32
        %convert_element_type3A_52 = arith.extui %gt3A_51 : i1 to i32
        %cond3A_53 = arith.constant 0 : i32
        %cond3A_54 = arith.cmpi ne, %convert_element_type3A_52, %cond3A_53 : i32
        scf.if %cond3A_54 {
          %dma_wait3A_94 = arith.constant 0 : i32
          %dma_wait3A_95 = tpu.memref_slice %arg8[%mul3A_39, %dma_wait3A_94] : memref<16x125xi32, #tpu.memory_space<vmem>> -> memref<1x125xi32, #tpu.memory_space<vmem>>
          %dma_wait3A_96 = tpu.memref_squeeze %dma_wait3A_95 : memref<1x125xi32, #tpu.memory_space<vmem>> -> memref<125xi32, #tpu.memory_space<vmem>>
          %dma_wait3A_97 = arith.constant 0 : i32
          %dma_wait3A_98 = arith.constant 0 : i32
          %dma_wait3A_99 = tpu.memref_slice %arg7[%dma_wait3A_97, %dma_wait3A_98] : memref<10240x128xf32, #tpu.memory_space<vmem_shared>> -> memref<10240x128xf32, #tpu.memory_space<vmem_shared>>
          tpu.wait_indirect_dma semaphore(%arg15 : memref<!tpu.dma_semaphore, #tpu.memory_space<semaphore_mem>>) src(%arg11 : memref<125x128xf32, #tpu.memory_space<vmem>>) dst(%dma_wait3A_99 : memref<10240x128xf32, #tpu.memory_space<vmem_shared>>)
        } else {
        }
        %dma_start3A_55 = arith.constant 0 : i32
        %dma_start3A_56 = tpu.memref_slice %arg9[%add3A_43, %dma_start3A_55] : memref<16x125xi32, #tpu.memory_space<vmem>> -> memref<1x125xi32, #tpu.memory_space<vmem>>
        %dma_start3A_57 = tpu.memref_squeeze %dma_start3A_56 : memref<1x125xi32, #tpu.memory_space<vmem>> -> memref<125xi32, #tpu.memory_space<vmem>>
        %dma_start3A_58 = arith.constant 0 : i32
        %dma_start3A_59 = arith.constant 0 : i32
        %dma_start3A_60 = tpu.memref_slice %arg2[%dma_start3A_58, %dma_start3A_59] : memref<8192x128xf32, #tpu.memory_space<hbm>> -> memref<8192x128xf32, #tpu.memory_space<hbm>>
        tpu.enqueue_indirect_dma source(%dma_start3A_60 : memref<8192x128xf32, #tpu.memory_space<hbm>>) target(%arg11 : memref<125x128xf32, #tpu.memory_space<vmem>>) offsets(%dma_start3A_57 : memref<125xi32, #tpu.memory_space<vmem>>) semaphore(%arg13 : memref<!tpu.dma_semaphore, #tpu.memory_space<semaphore_mem>>)
        %dma_start3A_61 = arith.constant 0 : i32
        %dma_start3A_62 = tpu.memref_slice %arg8[%mul3A_39, %dma_start3A_61] : memref<16x125xi32, #tpu.memory_space<vmem>> -> memref<1x125xi32, #tpu.memory_space<vmem>>
        %dma_start3A_63 = tpu.memref_squeeze %dma_start3A_62 : memref<1x125xi32, #tpu.memory_space<vmem>> -> memref<125xi32, #tpu.memory_space<vmem>>
        %dma_start3A_64 = arith.constant 0 : i32
        %dma_start3A_65 = arith.constant 0 : i32
        %dma_start3A_66 = tpu.memref_slice %arg7[%dma_start3A_64, %dma_start3A_65] : memref<10240x128xf32, #tpu.memory_space<vmem_shared>> -> memref<10240x128xf32, #tpu.memory_space<vmem_shared>>
        tpu.enqueue_indirect_dma source(%arg10 : memref<125x128xf32, #tpu.memory_space<vmem>>) target(%dma_start3A_66 : memref<10240x128xf32, #tpu.memory_space<vmem_shared>>) offsets(%dma_start3A_63 : memref<125xi32, #tpu.memory_space<vmem>>) semaphore(%arg14 : memref<!tpu.dma_semaphore, #tpu.memory_space<semaphore_mem>>) {add = true}
        %dma_wait3A_67 = arith.constant 0 : i32
        %dma_wait3A_68 = tpu.memref_slice %arg9[%add3A_43, %dma_wait3A_67] : memref<16x125xi32, #tpu.memory_space<vmem>> -> memref<1x125xi32, #tpu.memory_space<vmem>>
        %dma_wait3A_69 = tpu.memref_squeeze %dma_wait3A_68 : memref<1x125xi32, #tpu.memory_space<vmem>> -> memref<125xi32, #tpu.memory_space<vmem>>
        %dma_wait3A_70 = arith.constant 0 : i32
        %dma_wait3A_71 = arith.constant 0 : i32
        %dma_wait3A_72 = tpu.memref_slice %arg2[%dma_wait3A_70, %dma_wait3A_71] : memref<8192x128xf32, #tpu.memory_space<hbm>> -> memref<8192x128xf32, #tpu.memory_space<hbm>>
        tpu.wait_indirect_dma semaphore(%arg13 : memref<!tpu.dma_semaphore, #tpu.memory_space<semaphore_mem>>) src(%dma_wait3A_72 : memref<8192x128xf32, #tpu.memory_space<hbm>>) dst(%arg11 : memref<125x128xf32, #tpu.memory_space<vmem>>)
        %dma_wait3A_73 = arith.constant 0 : i32
        %dma_wait3A_74 = tpu.memref_slice %arg8[%mul3A_39, %dma_wait3A_73] : memref<16x125xi32, #tpu.memory_space<vmem>> -> memref<1x125xi32, #tpu.memory_space<vmem>>
        %dma_wait3A_75 = tpu.memref_squeeze %dma_wait3A_74 : memref<1x125xi32, #tpu.memory_space<vmem>> -> memref<125xi32, #tpu.memory_space<vmem>>
        %dma_wait3A_76 = arith.constant 0 : i32
        %dma_wait3A_77 = arith.constant 0 : i32
        %dma_wait3A_78 = tpu.memref_slice %arg7[%dma_wait3A_76, %dma_wait3A_77] : memref<10240x128xf32, #tpu.memory_space<vmem_shared>> -> memref<10240x128xf32, #tpu.memory_space<vmem_shared>>
        tpu.wait_indirect_dma semaphore(%arg14 : memref<!tpu.dma_semaphore, #tpu.memory_space<semaphore_mem>>) src(%arg10 : memref<125x128xf32, #tpu.memory_space<vmem>>) dst(%dma_wait3A_78 : memref<10240x128xf32, #tpu.memory_space<vmem_shared>>)
        %add3A_79 = arith.constant 1 : i32
        %add3A_80 = arith.addi %add3A_43, %add3A_79 : i32
        %min3A = arith.constant 15 : i32
        %min3A_81 = arith.minsi %add3A_80, %min3A : i32
        %add3A_82 = arith.constant 1 : i32
        %add3A_83 = arith.addi %add3A_43, %add3A_82 : i32
        %lt3A = arith.constant 16 : i32
        %lt3A_84 = arith.cmpi slt, %add3A_83, %lt3A : i32
        %convert_element_type3A_85 = arith.extui %lt3A_84 : i1 to i32
        %cond3A_86 = arith.constant 0 : i32
        %cond3A_87 = arith.cmpi ne, %convert_element_type3A_85, %cond3A_86 : i32
        scf.if %cond3A_87 {
          %dma_start3A_94 = arith.constant 0 : i32
          %dma_start3A_95 = tpu.memref_slice %arg9[%min3A_81, %dma_start3A_94] : memref<16x125xi32, #tpu.memory_space<vmem>> -> memref<1x125xi32, #tpu.memory_space<vmem>>
          %dma_start3A_96 = tpu.memref_squeeze %dma_start3A_95 : memref<1x125xi32, #tpu.memory_space<vmem>> -> memref<125xi32, #tpu.memory_space<vmem>>
          %dma_start3A_97 = arith.constant 0 : i32
          %dma_start3A_98 = arith.constant 0 : i32
          %dma_start3A_99 = tpu.memref_slice %arg2[%dma_start3A_97, %dma_start3A_98] : memref<8192x128xf32, #tpu.memory_space<hbm>> -> memref<8192x128xf32, #tpu.memory_space<hbm>>
          tpu.enqueue_indirect_dma source(%dma_start3A_99 : memref<8192x128xf32, #tpu.memory_space<hbm>>) target(%arg10 : memref<125x128xf32, #tpu.memory_space<vmem>>) offsets(%dma_start3A_96 : memref<125xi32, #tpu.memory_space<vmem>>) semaphore(%arg12 : memref<!tpu.dma_semaphore, #tpu.memory_space<semaphore_mem>>)
        } else {
        }
        %dma_start3A_88 = arith.constant 0 : i32
        %dma_start3A_89 = tpu.memref_slice %arg8[%add3A_43, %dma_start3A_88] : memref<16x125xi32, #tpu.memory_space<vmem>> -> memref<1x125xi32, #tpu.memory_space<vmem>>
        %dma_start3A_90 = tpu.memref_squeeze %dma_start3A_89 : memref<1x125xi32, #tpu.memory_space<vmem>> -> memref<125xi32, #tpu.memory_space<vmem>>
        %dma_start3A_91 = arith.constant 0 : i32
        %dma_start3A_92 = arith.constant 0 : i32
        %dma_start3A_93 = tpu.memref_slice %arg7[%dma_start3A_91, %dma_start3A_92] : memref<10240x128xf32, #tpu.memory_space<vmem_shared>> -> memref<10240x128xf32, #tpu.memory_space<vmem_shared>>
        tpu.enqueue_indirect_dma source(%arg11 : memref<125x128xf32, #tpu.memory_space<vmem>>) target(%dma_start3A_93 : memref<10240x128xf32, #tpu.memory_space<vmem_shared>>) offsets(%dma_start3A_90 : memref<125xi32, #tpu.memory_space<vmem>>) semaphore(%arg15 : memref<!tpu.dma_semaphore, #tpu.memory_space<semaphore_mem>>) {add = true}
      }
      %scan3A_30 = arith.constant 8 : i32
      %dma_wait3A = arith.constant 15 : i32
      %dma_wait3A_31 = arith.constant 0 : i32
      %dma_wait3A_32 = tpu.memref_slice %arg8[%dma_wait3A, %dma_wait3A_31] : memref<16x125xi32, #tpu.memory_space<vmem>> -> memref<1x125xi32, #tpu.memory_space<vmem>>
      %dma_wait3A_33 = tpu.memref_squeeze %dma_wait3A_32 : memref<1x125xi32, #tpu.memory_space<vmem>> -> memref<125xi32, #tpu.memory_space<vmem>>
      %dma_wait3A_34 = arith.constant 0 : i32
      %dma_wait3A_35 = arith.constant 0 : i32
      %dma_wait3A_36 = tpu.memref_slice %arg7[%dma_wait3A_34, %dma_wait3A_35] : memref<10240x128xf32, #tpu.memory_space<vmem_shared>> -> memref<10240x128xf32, #tpu.memory_space<vmem_shared>>
      tpu.wait_indirect_dma semaphore(%arg15 : memref<!tpu.dma_semaphore, #tpu.memory_space<semaphore_mem>>) src(%arg11 : memref<125x128xf32, #tpu.memory_space<vmem>>) dst(%dma_wait3A_36 : memref<10240x128xf32, #tpu.memory_space<vmem_shared>>)
    }
    %scan3A_16 = arith.constant 5 : i32
    %barrier3A_17 = arith.constant 0 : index
    tpu.barrier barrier_id(%barrier3A_17)
    %mul3A_18 = arith.constant 640 : i32
    %mul3A_19 = arith.muli %arg1, %mul3A_18 : i32
    %mul3A_20 = arith.constant 640 : i32
    %mul3A_21 = arith.muli %arg1, %mul3A_20 : i32
    "tpu.region"() ({
      %run_scoped3A_22 = tpu.sem_alloc : memref<!tpu.dma_semaphore, #tpu.memory_space<semaphore_mem>>
      %dma_start3A_23 = arith.constant 0 : i32
      %dma_start3A_24 = tpu.memref_slice %arg6[%arg0, %mul3A_21, %dma_start3A_23] : memref<2x10240x128xf32, #tpu.memory_space<hbm>> -> memref<1x640x128xf32, #tpu.memory_space<hbm>>
      %dma_start3A_25 = tpu.memref_squeeze %dma_start3A_24 : memref<1x640x128xf32, #tpu.memory_space<hbm>> -> memref<640x128xf32, #tpu.memory_space<hbm>>
      %dma_start3A_26 = arith.constant 0 : i32
      %dma_start3A_27 = tpu.memref_slice %arg7[%mul3A_19, %dma_start3A_26] : memref<10240x128xf32, #tpu.memory_space<vmem_shared>> -> memref<640x128xf32, #tpu.memory_space<vmem_shared>>
      tpu.enqueue_dma source(%dma_start3A_27 : memref<640x128xf32, #tpu.memory_space<vmem_shared>>) target(%dma_start3A_25 : memref<640x128xf32, #tpu.memory_space<hbm>>) target_semaphore(%run_scoped3A_22 : memref<!tpu.dma_semaphore, #tpu.memory_space<semaphore_mem>>)
      %dma_wait3A = arith.constant 0 : i32
      %dma_wait3A_28 = tpu.memref_slice %arg6[%arg0, %mul3A_21, %dma_wait3A] : memref<2x10240x128xf32, #tpu.memory_space<hbm>> -> memref<1x640x128xf32, #tpu.memory_space<hbm>>
      %dma_wait3A_29 = tpu.memref_squeeze %dma_wait3A_28 : memref<1x640x128xf32, #tpu.memory_space<hbm>> -> memref<640x128xf32, #tpu.memory_space<hbm>>
      %dma_wait3A_30 = arith.constant 0 : i32
      %dma_wait3A_31 = tpu.memref_slice %arg7[%mul3A_19, %dma_wait3A_30] : memref<10240x128xf32, #tpu.memory_space<vmem_shared>> -> memref<640x128xf32, #tpu.memory_space<vmem_shared>>
      tpu.wait_dma2 semaphore(%run_scoped3A_22 : memref<!tpu.dma_semaphore, #tpu.memory_space<semaphore_mem>>) src(%dma_wait3A_31 : memref<640x128xf32, #tpu.memory_space<vmem_shared>>) dst(%dma_wait3A_29 : memref<640x128xf32, #tpu.memory_space<hbm>>)
      tpu.yield
    }) : () -> ()
    return
  }
}

#map = affine_map<(d0, d1) -> (0, 0)>
#map1 = affine_map<(d0, d1) -> (0, 0, 0, 0)>
#map2 = affine_map<(d0, d1) -> (0, 0, 0)>
module attributes {stable_mosaic.version = 14 : i64} {
  func.func @_edge_accum(%arg0: i32, %arg1: i32, %arg2: memref<10000x128xf32, #tpu.memory_space<hbm>>, %arg3: memref<32x2x40x125xi32, #tpu.memory_space<hbm>>, %arg4: memref<32x2x40x125xi32, #tpu.memory_space<hbm>>, %arg5: memref<8192x128xf32, #tpu.memory_space<hbm>>, %arg6: memref<2x8192x128xf32, #tpu.memory_space<hbm>>, %arg7: memref<2x64x128xf32, #tpu.memory_space<hbm>>, %arg8: memref<8192x128xf32, #tpu.memory_space<vmem_shared>>, %arg9: memref<64x128xf32, #tpu.memory_space<vmem_shared>>, %arg10: memref<40x125xi32, #tpu.memory_space<vmem>>, %arg11: memref<40x125xi32, #tpu.memory_space<vmem>>, %arg12: memref<125x128xf32, #tpu.memory_space<vmem>>, %arg13: memref<125x128xf32, #tpu.memory_space<vmem>>, %arg14: memref<64x128xf32, #tpu.memory_space<vmem>>, %arg15: memref<64xi32, #tpu.memory_space<vmem>>, %arg16: memref<!tpu.dma_semaphore, #tpu.memory_space<semaphore_mem>>, %arg17: memref<!tpu.dma_semaphore, #tpu.memory_space<semaphore_mem>>, %arg18: memref<!tpu.dma_semaphore, #tpu.memory_space<semaphore_mem>>, %arg19: memref<!tpu.dma_semaphore, #tpu.memory_space<semaphore_mem>>) attributes {dimension_semantics = [#tpu.dimension_semantics<core_parallel>, #tpu.dimension_semantics<subcore_parallel>], iteration_bounds = array<i64: 2, 16>, scalar_prefetch = 0 : i64, scratch_operands = 12 : i64, tpu.core_type = #tpu.core_type<sc_vector_subcore>, window_params = [{transform_indices = #map}, {transform_indices = #map1}, {transform_indices = #map1}, {transform_indices = #map}, {transform_indices = #map2}, {transform_indices = #map2}]} {
    %mul3A = arith.constant 16 : i32
    %mul3A_0 = arith.muli %arg0, %mul3A : i32
    %add3A = arith.addi %mul3A_0, %arg1 : i32
    %run_scoped3A = arith.constant 0 : i32
    "tpu.region"() ({
      %run_scoped3A_38 = tpu.sem_alloc : memref<!tpu.dma_semaphore, #tpu.memory_space<semaphore_mem>>
      %dma_start3A_39 = arith.constant 0 : i32
      %dma_start3A_40 = arith.constant 0 : i32
      %dma_start3A_41 = tpu.memref_slice %arg3[%add3A, %run_scoped3A, %dma_start3A_39, %dma_start3A_40] : memref<32x2x40x125xi32, #tpu.memory_space<hbm>> -> memref<1x1x40x125xi32, #tpu.memory_space<hbm>>
      %dma_start3A_42 = tpu.memref_squeeze %dma_start3A_41 : memref<1x1x40x125xi32, #tpu.memory_space<hbm>> -> memref<40x125xi32, #tpu.memory_space<hbm>>
      %dma_start3A_43 = arith.constant 0 : i32
      %dma_start3A_44 = arith.constant 0 : i32
      %dma_start3A_45 = tpu.memref_slice %arg3[%add3A, %run_scoped3A, %dma_start3A_43, %dma_start3A_44] : memref<32x2x40x125xi32, #tpu.memory_space<hbm>> -> memref<1x1x40x125xi32, #tpu.memory_space<hbm>>
      %dma_start3A_46 = tpu.memref_squeeze %dma_start3A_45 : memref<1x1x40x125xi32, #tpu.memory_space<hbm>> -> memref<40x125xi32, #tpu.memory_space<hbm>>
      tpu.enqueue_dma source(%dma_start3A_46 : memref<40x125xi32, #tpu.memory_space<hbm>>) target(%arg10 : memref<40x125xi32, #tpu.memory_space<vmem>>) target_semaphore(%run_scoped3A_38 : memref<!tpu.dma_semaphore, #tpu.memory_space<semaphore_mem>>)
      %dma_wait3A = arith.constant 0 : i32
      %dma_wait3A_47 = arith.constant 0 : i32
      %dma_wait3A_48 = tpu.memref_slice %arg3[%add3A, %run_scoped3A, %dma_wait3A, %dma_wait3A_47] : memref<32x2x40x125xi32, #tpu.memory_space<hbm>> -> memref<1x1x40x125xi32, #tpu.memory_space<hbm>>
      %dma_wait3A_49 = tpu.memref_squeeze %dma_wait3A_48 : memref<1x1x40x125xi32, #tpu.memory_space<hbm>> -> memref<40x125xi32, #tpu.memory_space<hbm>>
      %dma_wait3A_50 = arith.constant 0 : i32
      %dma_wait3A_51 = arith.constant 0 : i32
      %dma_wait3A_52 = tpu.memref_slice %arg3[%add3A, %run_scoped3A, %dma_wait3A_50, %dma_wait3A_51] : memref<32x2x40x125xi32, #tpu.memory_space<hbm>> -> memref<1x1x40x125xi32, #tpu.memory_space<hbm>>
      %dma_wait3A_53 = tpu.memref_squeeze %dma_wait3A_52 : memref<1x1x40x125xi32, #tpu.memory_space<hbm>> -> memref<40x125xi32, #tpu.memory_space<hbm>>
      tpu.wait_dma2 semaphore(%run_scoped3A_38 : memref<!tpu.dma_semaphore, #tpu.memory_space<semaphore_mem>>) src(%dma_wait3A_53 : memref<40x125xi32, #tpu.memory_space<hbm>>) dst(%arg10 : memref<40x125xi32, #tpu.memory_space<vmem>>)
      tpu.yield
    }) : () -> ()
    %run_scoped3A_1 = arith.constant 0 : i32
    "tpu.region"() ({
      %run_scoped3A_38 = tpu.sem_alloc : memref<!tpu.dma_semaphore, #tpu.memory_space<semaphore_mem>>
      %dma_start3A_39 = arith.constant 0 : i32
      %dma_start3A_40 = arith.constant 0 : i32
      %dma_start3A_41 = tpu.memref_slice %arg4[%add3A, %run_scoped3A_1, %dma_start3A_39, %dma_start3A_40] : memref<32x2x40x125xi32, #tpu.memory_space<hbm>> -> memref<1x1x40x125xi32, #tpu.memory_space<hbm>>
      %dma_start3A_42 = tpu.memref_squeeze %dma_start3A_41 : memref<1x1x40x125xi32, #tpu.memory_space<hbm>> -> memref<40x125xi32, #tpu.memory_space<hbm>>
      %dma_start3A_43 = arith.constant 0 : i32
      %dma_start3A_44 = arith.constant 0 : i32
      %dma_start3A_45 = tpu.memref_slice %arg4[%add3A, %run_scoped3A_1, %dma_start3A_43, %dma_start3A_44] : memref<32x2x40x125xi32, #tpu.memory_space<hbm>> -> memref<1x1x40x125xi32, #tpu.memory_space<hbm>>
      %dma_start3A_46 = tpu.memref_squeeze %dma_start3A_45 : memref<1x1x40x125xi32, #tpu.memory_space<hbm>> -> memref<40x125xi32, #tpu.memory_space<hbm>>
      tpu.enqueue_dma source(%dma_start3A_46 : memref<40x125xi32, #tpu.memory_space<hbm>>) target(%arg11 : memref<40x125xi32, #tpu.memory_space<vmem>>) target_semaphore(%run_scoped3A_38 : memref<!tpu.dma_semaphore, #tpu.memory_space<semaphore_mem>>)
      %dma_wait3A = arith.constant 0 : i32
      %dma_wait3A_47 = arith.constant 0 : i32
      %dma_wait3A_48 = tpu.memref_slice %arg4[%add3A, %run_scoped3A_1, %dma_wait3A, %dma_wait3A_47] : memref<32x2x40x125xi32, #tpu.memory_space<hbm>> -> memref<1x1x40x125xi32, #tpu.memory_space<hbm>>
      %dma_wait3A_49 = tpu.memref_squeeze %dma_wait3A_48 : memref<1x1x40x125xi32, #tpu.memory_space<hbm>> -> memref<40x125xi32, #tpu.memory_space<hbm>>
      %dma_wait3A_50 = arith.constant 0 : i32
      %dma_wait3A_51 = arith.constant 0 : i32
      %dma_wait3A_52 = tpu.memref_slice %arg4[%add3A, %run_scoped3A_1, %dma_wait3A_50, %dma_wait3A_51] : memref<32x2x40x125xi32, #tpu.memory_space<hbm>> -> memref<1x1x40x125xi32, #tpu.memory_space<hbm>>
      %dma_wait3A_53 = tpu.memref_squeeze %dma_wait3A_52 : memref<1x1x40x125xi32, #tpu.memory_space<hbm>> -> memref<40x125xi32, #tpu.memory_space<hbm>>
      tpu.wait_dma2 semaphore(%run_scoped3A_38 : memref<!tpu.dma_semaphore, #tpu.memory_space<semaphore_mem>>) src(%dma_wait3A_53 : memref<40x125xi32, #tpu.memory_space<hbm>>) dst(%arg11 : memref<40x125xi32, #tpu.memory_space<vmem>>)
      tpu.yield
    }) : () -> ()
    %dma_start3A = arith.constant 0 : i32
    %dma_start3A_2 = arith.constant 0 : i32
    %dma_start3A_3 = tpu.memref_slice %arg10[%dma_start3A, %dma_start3A_2] : memref<40x125xi32, #tpu.memory_space<vmem>> -> memref<1x125xi32, #tpu.memory_space<vmem>>
    %dma_start3A_4 = tpu.memref_squeeze %dma_start3A_3 : memref<1x125xi32, #tpu.memory_space<vmem>> -> memref<125xi32, #tpu.memory_space<vmem>>
    %dma_start3A_5 = arith.constant 0 : i32
    %dma_start3A_6 = arith.constant 0 : i32
    %dma_start3A_7 = tpu.memref_slice %arg2[%dma_start3A_5, %dma_start3A_6] : memref<10000x128xf32, #tpu.memory_space<hbm>> -> memref<10000x128xf32, #tpu.memory_space<hbm>>
    tpu.enqueue_indirect_dma source(%dma_start3A_7 : memref<10000x128xf32, #tpu.memory_space<hbm>>) target(%arg12 : memref<125x128xf32, #tpu.memory_space<vmem>>) offsets(%dma_start3A_4 : memref<125xi32, #tpu.memory_space<vmem>>) semaphore(%arg16 : memref<!tpu.dma_semaphore, #tpu.memory_space<semaphore_mem>>)
    %mul3A_8 = arith.constant 512 : i32
    %mul3A_9 = arith.muli %arg1, %mul3A_8 : i32
    %mul3A_10 = arith.constant 512 : i32
    %mul3A_11 = arith.muli %arg1, %mul3A_10 : i32
    "tpu.region"() ({
      %run_scoped3A_38 = tpu.sem_alloc : memref<!tpu.dma_semaphore, #tpu.memory_space<semaphore_mem>>
      %dma_start3A_39 = arith.constant 0 : i32
      %dma_start3A_40 = tpu.memref_slice %arg8[%mul3A_11, %dma_start3A_39] : memref<8192x128xf32, #tpu.memory_space<vmem_shared>> -> memref<512x128xf32, #tpu.memory_space<vmem_shared>>
      %dma_start3A_41 = arith.constant 0 : i32
      %dma_start3A_42 = tpu.memref_slice %arg5[%mul3A_9, %dma_start3A_41] : memref<8192x128xf32, #tpu.memory_space<hbm>> -> memref<512x128xf32, #tpu.memory_space<hbm>>
      tpu.enqueue_dma source(%dma_start3A_42 : memref<512x128xf32, #tpu.memory_space<hbm>>) target(%dma_start3A_40 : memref<512x128xf32, #tpu.memory_space<vmem_shared>>) target_semaphore(%run_scoped3A_38 : memref<!tpu.dma_semaphore, #tpu.memory_space<semaphore_mem>>)
      %dma_wait3A = arith.constant 0 : i32
      %dma_wait3A_43 = tpu.memref_slice %arg8[%mul3A_11, %dma_wait3A] : memref<8192x128xf32, #tpu.memory_space<vmem_shared>> -> memref<512x128xf32, #tpu.memory_space<vmem_shared>>
      %dma_wait3A_44 = arith.constant 0 : i32
      %dma_wait3A_45 = tpu.memref_slice %arg5[%mul3A_9, %dma_wait3A_44] : memref<8192x128xf32, #tpu.memory_space<hbm>> -> memref<512x128xf32, #tpu.memory_space<hbm>>
      tpu.wait_dma2 semaphore(%run_scoped3A_38 : memref<!tpu.dma_semaphore, #tpu.memory_space<semaphore_mem>>) src(%dma_wait3A_45 : memref<512x128xf32, #tpu.memory_space<hbm>>) dst(%dma_wait3A_43 : memref<512x128xf32, #tpu.memory_space<vmem_shared>>)
      tpu.yield
    }) : () -> ()
    "tpu.region"() ({
      %run_scoped3A_38 = tpu.sem_alloc : memref<!tpu.dma_semaphore, #tpu.memory_space<semaphore_mem>>
      %dma_start3A_39 = arith.constant 0 : i32
      %dma_start3A_40 = arith.constant 0 : i32
      %dma_start3A_41 = tpu.memref_slice %arg5[%dma_start3A_39, %dma_start3A_40] : memref<8192x128xf32, #tpu.memory_space<hbm>> -> memref<64x128xf32, #tpu.memory_space<hbm>>
      %dma_start3A_42 = arith.constant 0 : i32
      %dma_start3A_43 = arith.constant 0 : i32
      %dma_start3A_44 = tpu.memref_slice %arg5[%dma_start3A_42, %dma_start3A_43] : memref<8192x128xf32, #tpu.memory_space<hbm>> -> memref<64x128xf32, #tpu.memory_space<hbm>>
      tpu.enqueue_dma source(%dma_start3A_44 : memref<64x128xf32, #tpu.memory_space<hbm>>) target(%arg14 : memref<64x128xf32, #tpu.memory_space<vmem>>) target_semaphore(%run_scoped3A_38 : memref<!tpu.dma_semaphore, #tpu.memory_space<semaphore_mem>>)
      %dma_wait3A = arith.constant 0 : i32
      %dma_wait3A_45 = arith.constant 0 : i32
      %dma_wait3A_46 = tpu.memref_slice %arg5[%dma_wait3A, %dma_wait3A_45] : memref<8192x128xf32, #tpu.memory_space<hbm>> -> memref<64x128xf32, #tpu.memory_space<hbm>>
      %dma_wait3A_47 = arith.constant 0 : i32
      %dma_wait3A_48 = arith.constant 0 : i32
      %dma_wait3A_49 = tpu.memref_slice %arg5[%dma_wait3A_47, %dma_wait3A_48] : memref<8192x128xf32, #tpu.memory_space<hbm>> -> memref<64x128xf32, #tpu.memory_space<hbm>>
      tpu.wait_dma2 semaphore(%run_scoped3A_38 : memref<!tpu.dma_semaphore, #tpu.memory_space<semaphore_mem>>) src(%dma_wait3A_49 : memref<64x128xf32, #tpu.memory_space<hbm>>) dst(%arg14 : memref<64x128xf32, #tpu.memory_space<vmem>>)
      tpu.yield
    }) : () -> ()
    %eq3A = arith.constant 0 : i32
    %eq3A_12 = arith.cmpi eq, %arg1, %eq3A : i32
    %convert_element_type3A = arith.extui %eq3A_12 : i1 to i32
    %cond3A = arith.constant 0 : i32
    %cond3A_13 = arith.cmpi ne, %convert_element_type3A, %cond3A : i32
    scf.if %cond3A_13 {
      "tpu.region"() ({
        %run_scoped3A_38 = tpu.sem_alloc : memref<!tpu.dma_semaphore, #tpu.memory_space<semaphore_mem>>
        %dma_start3A_39 = arith.constant 0 : i32
        %dma_start3A_40 = arith.constant 0 : i32
        %dma_start3A_41 = tpu.memref_slice %arg5[%dma_start3A_39, %dma_start3A_40] : memref<8192x128xf32, #tpu.memory_space<hbm>> -> memref<64x128xf32, #tpu.memory_space<hbm>>
        tpu.enqueue_dma source(%dma_start3A_41 : memref<64x128xf32, #tpu.memory_space<hbm>>) target(%arg9 : memref<64x128xf32, #tpu.memory_space<vmem_shared>>) target_semaphore(%run_scoped3A_38 : memref<!tpu.dma_semaphore, #tpu.memory_space<semaphore_mem>>)
        %dma_wait3A = arith.constant 0 : i32
        %dma_wait3A_42 = arith.constant 0 : i32
        %dma_wait3A_43 = tpu.memref_slice %arg5[%dma_wait3A, %dma_wait3A_42] : memref<8192x128xf32, #tpu.memory_space<hbm>> -> memref<64x128xf32, #tpu.memory_space<hbm>>
        tpu.wait_dma2 semaphore(%run_scoped3A_38 : memref<!tpu.dma_semaphore, #tpu.memory_space<semaphore_mem>>) src(%dma_wait3A_43 : memref<64x128xf32, #tpu.memory_space<hbm>>) dst(%arg9 : memref<64x128xf32, #tpu.memory_space<vmem_shared>>)
        tpu.yield
      }) : () -> ()
    } else {
    }
    %scan3A = arith.constant 0 : i32
    %scan3A_14 = arith.constant 0 : i32
    %scan3A_15 = arith.constant 4 : i32
    %scan3A_16 = arith.addi %scan3A_14, %scan3A_15 : i32
    %scan3A_17 = arith.constant 1 : i32
    scf.for %scan3A_38 = %scan3A_14 to %scan3A_16 step %scan3A_17  : i32 {
      %iota3A_39 = tpu.iota {dimensions = array<i32: 0>} : vector<16xi32>
      %mul3A_40 = arith.constant 16 : i32
      %mul3A_41 = arith.muli %scan3A_38, %mul3A_40 : i32
      %add3A_42 = vector.broadcast %mul3A_41 : i32 to vector<16xi32>
      %add3A_43 = arith.addi %iota3A_39, %add3A_42 : vector<16xi32>
      %mul3A_44 = arith.constant 16 : i32
      %mul3A_45 = arith.muli %scan3A_38, %mul3A_44 : i32
      %swap3A = arith.index_cast %mul3A_45 : i32 to index
      %swap3A_46 = tpu.vector_load %arg15[%swap3A] {strides = array<i32>} : memref<64xi32, #tpu.memory_space<vmem>>, vector<16xi32>,
      tpu.vector_store %arg15[%swap3A], %add3A_43 {strides = array<i32>} : memref<64xi32, #tpu.memory_space<vmem>>, vector<16xi32>,
    }
    %scan3A_18 = arith.constant 4 : i32
    %barrier3A = arith.constant 0 : index
    tpu.barrier barrier_id(%barrier3A)
    %broadcast_in_dim3A = arith.constant 1.000000e+00 : f32
    %broadcast_in_dim3A_19 = vector.broadcast %broadcast_in_dim3A : f32 to vector<16xf32>
    %iota3A = tpu.iota {dimensions = array<i32: 0>} : vector<16xi32>
    %ge3A = arith.constant 3 : i32
    %ge3A_20 = vector.broadcast %ge3A : i32 to vector<16xi32>
    %ge3A_21 = arith.cmpi sge, %iota3A, %ge3A_20 : vector<16xi32>
    %scan3A_22 = arith.constant 0 : i32
    %scan3A_23 = arith.constant 0 : i32
    %scan3A_24 = arith.constant 2 : i32
    %scan3A_25 = arith.addi %scan3A_23, %scan3A_24 : i32
    %scan3A_26 = arith.constant 1 : i32
    scf.for %scan3A_38 = %scan3A_23 to %scan3A_25 step %scan3A_26  : i32 {
      %gt3A = arith.constant 0 : i32
      %gt3A_39 = arith.cmpi sgt, %scan3A_38, %gt3A : i32
      %convert_element_type3A_40 = arith.extui %gt3A_39 : i1 to i32
      %cond3A_41 = arith.constant 0 : i32
      %cond3A_42 = arith.cmpi ne, %convert_element_type3A_40, %cond3A_41 : i32
      scf.if %cond3A_42 {
        "tpu.region"() ({
          %run_scoped3A_62 = tpu.sem_alloc : memref<!tpu.dma_semaphore, #tpu.memory_space<semaphore_mem>>
          %dma_start3A_63 = arith.constant 0 : i32
          %dma_start3A_64 = arith.constant 0 : i32
          %dma_start3A_65 = tpu.memref_slice %arg3[%add3A, %scan3A_38, %dma_start3A_63, %dma_start3A_64] : memref<32x2x40x125xi32, #tpu.memory_space<hbm>> -> memref<1x1x40x125xi32, #tpu.memory_space<hbm>>
          %dma_start3A_66 = tpu.memref_squeeze %dma_start3A_65 : memref<1x1x40x125xi32, #tpu.memory_space<hbm>> -> memref<40x125xi32, #tpu.memory_space<hbm>>
          %dma_start3A_67 = arith.constant 0 : i32
          %dma_start3A_68 = arith.constant 0 : i32
          %dma_start3A_69 = tpu.memref_slice %arg3[%add3A, %scan3A_38, %dma_start3A_67, %dma_start3A_68] : memref<32x2x40x125xi32, #tpu.memory_space<hbm>> -> memref<1x1x40x125xi32, #tpu.memory_space<hbm>>
          %dma_start3A_70 = tpu.memref_squeeze %dma_start3A_69 : memref<1x1x40x125xi32, #tpu.memory_space<hbm>> -> memref<40x125xi32, #tpu.memory_space<hbm>>
          tpu.enqueue_dma source(%dma_start3A_70 : memref<40x125xi32, #tpu.memory_space<hbm>>) target(%arg10 : memref<40x125xi32, #tpu.memory_space<vmem>>) target_semaphore(%run_scoped3A_62 : memref<!tpu.dma_semaphore, #tpu.memory_space<semaphore_mem>>)
          %dma_wait3A_71 = arith.constant 0 : i32
          %dma_wait3A_72 = arith.constant 0 : i32
          %dma_wait3A_73 = tpu.memref_slice %arg3[%add3A, %scan3A_38, %dma_wait3A_71, %dma_wait3A_72] : memref<32x2x40x125xi32, #tpu.memory_space<hbm>> -> memref<1x1x40x125xi32, #tpu.memory_space<hbm>>
          %dma_wait3A_74 = tpu.memref_squeeze %dma_wait3A_73 : memref<1x1x40x125xi32, #tpu.memory_space<hbm>> -> memref<40x125xi32, #tpu.memory_space<hbm>>
          %dma_wait3A_75 = arith.constant 0 : i32
          %dma_wait3A_76 = arith.constant 0 : i32
          %dma_wait3A_77 = tpu.memref_slice %arg3[%add3A, %scan3A_38, %dma_wait3A_75, %dma_wait3A_76] : memref<32x2x40x125xi32, #tpu.memory_space<hbm>> -> memref<1x1x40x125xi32, #tpu.memory_space<hbm>>
          %dma_wait3A_78 = tpu.memref_squeeze %dma_wait3A_77 : memref<1x1x40x125xi32, #tpu.memory_space<hbm>> -> memref<40x125xi32, #tpu.memory_space<hbm>>
          tpu.wait_dma2 semaphore(%run_scoped3A_62 : memref<!tpu.dma_semaphore, #tpu.memory_space<semaphore_mem>>) src(%dma_wait3A_78 : memref<40x125xi32, #tpu.memory_space<hbm>>) dst(%arg10 : memref<40x125xi32, #tpu.memory_space<vmem>>)
          tpu.yield
        }) : () -> ()
        "tpu.region"() ({
          %run_scoped3A_62 = tpu.sem_alloc : memref<!tpu.dma_semaphore, #tpu.memory_space<semaphore_mem>>
          %dma_start3A_63 = arith.constant 0 : i32
          %dma_start3A_64 = arith.constant 0 : i32
          %dma_start3A_65 = tpu.memref_slice %arg4[%add3A, %scan3A_38, %dma_start3A_63, %dma_start3A_64] : memref<32x2x40x125xi32, #tpu.memory_space<hbm>> -> memref<1x1x40x125xi32, #tpu.memory_space<hbm>>
          %dma_start3A_66 = tpu.memref_squeeze %dma_start3A_65 : memref<1x1x40x125xi32, #tpu.memory_space<hbm>> -> memref<40x125xi32, #tpu.memory_space<hbm>>
          %dma_start3A_67 = arith.constant 0 : i32
          %dma_start3A_68 = arith.constant 0 : i32
          %dma_start3A_69 = tpu.memref_slice %arg4[%add3A, %scan3A_38, %dma_start3A_67, %dma_start3A_68] : memref<32x2x40x125xi32, #tpu.memory_space<hbm>> -> memref<1x1x40x125xi32, #tpu.memory_space<hbm>>
          %dma_start3A_70 = tpu.memref_squeeze %dma_start3A_69 : memref<1x1x40x125xi32, #tpu.memory_space<hbm>> -> memref<40x125xi32, #tpu.memory_space<hbm>>
          tpu.enqueue_dma source(%dma_start3A_70 : memref<40x125xi32, #tpu.memory_space<hbm>>) target(%arg11 : memref<40x125xi32, #tpu.memory_space<vmem>>) target_semaphore(%run_scoped3A_62 : memref<!tpu.dma_semaphore, #tpu.memory_space<semaphore_mem>>)
          %dma_wait3A_71 = arith.constant 0 : i32
          %dma_wait3A_72 = arith.constant 0 : i32
          %dma_wait3A_73 = tpu.memref_slice %arg4[%add3A, %scan3A_38, %dma_wait3A_71, %dma_wait3A_72] : memref<32x2x40x125xi32, #tpu.memory_space<hbm>> -> memref<1x1x40x125xi32, #tpu.memory_space<hbm>>
          %dma_wait3A_74 = tpu.memref_squeeze %dma_wait3A_73 : memref<1x1x40x125xi32, #tpu.memory_space<hbm>> -> memref<40x125xi32, #tpu.memory_space<hbm>>
          %dma_wait3A_75 = arith.constant 0 : i32
          %dma_wait3A_76 = arith.constant 0 : i32
          %dma_wait3A_77 = tpu.memref_slice %arg4[%add3A, %scan3A_38, %dma_wait3A_75, %dma_wait3A_76] : memref<32x2x40x125xi32, #tpu.memory_space<hbm>> -> memref<1x1x40x125xi32, #tpu.memory_space<hbm>>
          %dma_wait3A_78 = tpu.memref_squeeze %dma_wait3A_77 : memref<1x1x40x125xi32, #tpu.memory_space<hbm>> -> memref<40x125xi32, #tpu.memory_space<hbm>>
          tpu.wait_dma2 semaphore(%run_scoped3A_62 : memref<!tpu.dma_semaphore, #tpu.memory_space<semaphore_mem>>) src(%dma_wait3A_78 : memref<40x125xi32, #tpu.memory_space<hbm>>) dst(%arg11 : memref<40x125xi32, #tpu.memory_space<vmem>>)
          tpu.yield
        }) : () -> ()
        %dma_start3A_55 = arith.constant 0 : i32
        %dma_start3A_56 = arith.constant 0 : i32
        %dma_start3A_57 = tpu.memref_slice %arg10[%dma_start3A_55, %dma_start3A_56] : memref<40x125xi32, #tpu.memory_space<vmem>> -> memref<1x125xi32, #tpu.memory_space<vmem>>
        %dma_start3A_58 = tpu.memref_squeeze %dma_start3A_57 : memref<1x125xi32, #tpu.memory_space<vmem>> -> memref<125xi32, #tpu.memory_space<vmem>>
        %dma_start3A_59 = arith.constant 0 : i32
        %dma_start3A_60 = arith.constant 0 : i32
        %dma_start3A_61 = tpu.memref_slice %arg2[%dma_start3A_59, %dma_start3A_60] : memref<10000x128xf32, #tpu.memory_space<hbm>> -> memref<10000x128xf32, #tpu.memory_space<hbm>>
        tpu.enqueue_indirect_dma source(%dma_start3A_61 : memref<10000x128xf32, #tpu.memory_space<hbm>>) target(%arg12 : memref<125x128xf32, #tpu.memory_space<vmem>>) offsets(%dma_start3A_58 : memref<125xi32, #tpu.memory_space<vmem>>) semaphore(%arg16 : memref<!tpu.dma_semaphore, #tpu.memory_space<semaphore_mem>>)
      } else {
      }
      %scan3A_43 = arith.constant 0 : i32
      %scan3A_44 = arith.constant 0 : i32
      %scan3A_45 = arith.constant 20 : i32
      %scan3A_46 = arith.addi %scan3A_44, %scan3A_45 : i32
      %scan3A_47 = arith.constant 1 : i32
      scf.for %scan3A_55 = %scan3A_44 to %scan3A_46 step %scan3A_47  : i32 {
        %mul3A_56 = arith.constant 2 : i32
        %mul3A_57 = arith.muli %mul3A_56, %scan3A_55 : i32
        %mul3A_58 = arith.constant 2 : i32
        %mul3A_59 = arith.muli %mul3A_58, %scan3A_55 : i32
        %add3A_60 = arith.constant 1 : i32
        %add3A_61 = arith.addi %mul3A_59, %add3A_60 : i32
        %dma_wait3A_62 = arith.constant 0 : i32
        %dma_wait3A_63 = tpu.memref_slice %arg10[%mul3A_57, %dma_wait3A_62] : memref<40x125xi32, #tpu.memory_space<vmem>> -> memref<1x125xi32, #tpu.memory_space<vmem>>
        %dma_wait3A_64 = tpu.memref_squeeze %dma_wait3A_63 : memref<1x125xi32, #tpu.memory_space<vmem>> -> memref<125xi32, #tpu.memory_space<vmem>>
        %dma_wait3A_65 = arith.constant 0 : i32
        %dma_wait3A_66 = arith.constant 0 : i32
        %dma_wait3A_67 = tpu.memref_slice %arg2[%dma_wait3A_65, %dma_wait3A_66] : memref<10000x128xf32, #tpu.memory_space<hbm>> -> memref<10000x128xf32, #tpu.memory_space<hbm>>
        tpu.wait_indirect_dma semaphore(%arg16 : memref<!tpu.dma_semaphore, #tpu.memory_space<semaphore_mem>>) src(%dma_wait3A_67 : memref<10000x128xf32, #tpu.memory_space<hbm>>) dst(%arg12 : memref<125x128xf32, #tpu.memory_space<vmem>>)
        %gt3A_68 = arith.constant 0 : i32
        %gt3A_69 = arith.cmpi sgt, %scan3A_55, %gt3A_68 : i32
        %convert_element_type3A_70 = arith.extui %gt3A_69 : i1 to i32
        %cond3A_71 = arith.constant 0 : i32
        %cond3A_72 = arith.cmpi ne, %convert_element_type3A_70, %cond3A_71 : i32
        scf.if %cond3A_72 {
          %dma_wait3A_253 = arith.constant 0 : i32
          %dma_wait3A_254 = tpu.memref_slice %arg11[%mul3A_57, %dma_wait3A_253] : memref<40x125xi32, #tpu.memory_space<vmem>> -> memref<1x125xi32, #tpu.memory_space<vmem>>
          %dma_wait3A_255 = tpu.memref_squeeze %dma_wait3A_254 : memref<1x125xi32, #tpu.memory_space<vmem>> -> memref<125xi32, #tpu.memory_space<vmem>>
          %dma_wait3A_256 = arith.constant 0 : i32
          %dma_wait3A_257 = arith.constant 0 : i32
          %dma_wait3A_258 = tpu.memref_slice %arg8[%dma_wait3A_256, %dma_wait3A_257] : memref<8192x128xf32, #tpu.memory_space<vmem_shared>> -> memref<8192x128xf32, #tpu.memory_space<vmem_shared>>
          tpu.wait_indirect_dma semaphore(%arg19 : memref<!tpu.dma_semaphore, #tpu.memory_space<semaphore_mem>>) src(%arg13 : memref<125x128xf32, #tpu.memory_space<vmem>>) dst(%dma_wait3A_258 : memref<8192x128xf32, #tpu.memory_space<vmem_shared>>)
        } else {
        }
        %dma_start3A_73 = arith.constant 0 : i32
        %dma_start3A_74 = tpu.memref_slice %arg10[%add3A_61, %dma_start3A_73] : memref<40x125xi32, #tpu.memory_space<vmem>> -> memref<1x125xi32, #tpu.memory_space<vmem>>
        %dma_start3A_75 = tpu.memref_squeeze %dma_start3A_74 : memref<1x125xi32, #tpu.memory_space<vmem>> -> memref<125xi32, #tpu.memory_space<vmem>>
        %dma_start3A_76 = arith.constant 0 : i32
        %dma_start3A_77 = arith.constant 0 : i32
        %dma_start3A_78 = tpu.memref_slice %arg2[%dma_start3A_76, %dma_start3A_77] : memref<10000x128xf32, #tpu.memory_space<hbm>> -> memref<10000x128xf32, #tpu.memory_space<hbm>>
        tpu.enqueue_indirect_dma source(%dma_start3A_78 : memref<10000x128xf32, #tpu.memory_space<hbm>>) target(%arg13 : memref<125x128xf32, #tpu.memory_space<vmem>>) offsets(%dma_start3A_75 : memref<125xi32, #tpu.memory_space<vmem>>) semaphore(%arg17 : memref<!tpu.dma_semaphore, #tpu.memory_space<semaphore_mem>>)
        %dma_start3A_79 = arith.constant 0 : i32
        %dma_start3A_80 = tpu.memref_slice %arg11[%mul3A_57, %dma_start3A_79] : memref<40x125xi32, #tpu.memory_space<vmem>> -> memref<1x125xi32, #tpu.memory_space<vmem>>
        %dma_start3A_81 = tpu.memref_squeeze %dma_start3A_80 : memref<1x125xi32, #tpu.memory_space<vmem>> -> memref<125xi32, #tpu.memory_space<vmem>>
        %dma_start3A_82 = arith.constant 0 : i32
        %dma_start3A_83 = arith.constant 0 : i32
        %dma_start3A_84 = tpu.memref_slice %arg8[%dma_start3A_82, %dma_start3A_83] : memref<8192x128xf32, #tpu.memory_space<vmem_shared>> -> memref<8192x128xf32, #tpu.memory_space<vmem_shared>>
        tpu.enqueue_indirect_dma source(%arg12 : memref<125x128xf32, #tpu.memory_space<vmem>>) target(%dma_start3A_84 : memref<8192x128xf32, #tpu.memory_space<vmem_shared>>) offsets(%dma_start3A_81 : memref<125xi32, #tpu.memory_space<vmem>>) semaphore(%arg18 : memref<!tpu.dma_semaphore, #tpu.memory_space<semaphore_mem>>) {add = true}
        %get3A = arith.index_cast %mul3A_57 : i32 to index
        %get3A_85 = arith.constant 0 : index
        %get3A_86 = tpu.vector_load %arg11[%get3A, %get3A_85] {strides = array<i32>} : memref<40x125xi32, #tpu.memory_space<vmem>>, vector<16xi32>,
        %shift_right_arithmetic3A = arith.constant 7 : i32
        %shift_right_arithmetic3A_87 = vector.broadcast %shift_right_arithmetic3A : i32 to vector<16xi32>
        %shift_right_arithmetic3A_88 = arith.shrsi %get3A_86, %shift_right_arithmetic3A_87 : vector<16xi32>
        %and3A = arith.constant 127 : i32
        %and3A_89 = vector.broadcast %and3A : i32 to vector<16xi32>
        %and3A_90 = arith.andi %get3A_86, %and3A_89 : vector<16xi32>
        tpu.vector_store_idx %arg14[%shift_right_arithmetic3A_88, %and3A_90], %broadcast_in_dim3A_19 {add = true} : memref<64x128xf32, #tpu.memory_space<vmem>>[vector<16xi32>, vector<16xi32>], vector<16xf32>,
        %get3A_91 = arith.index_cast %mul3A_57 : i32 to index
        %get3A_92 = arith.constant 16 : index
        %get3A_93 = tpu.vector_load %arg11[%get3A_91, %get3A_92] {strides = array<i32>} : memref<40x125xi32, #tpu.memory_space<vmem>>, vector<16xi32>,
        %shift_right_arithmetic3A_94 = arith.constant 7 : i32
        %shift_right_arithmetic3A_95 = vector.broadcast %shift_right_arithmetic3A_94 : i32 to vector<16xi32>
        %shift_right_arithmetic3A_96 = arith.shrsi %get3A_93, %shift_right_arithmetic3A_95 : vector<16xi32>
        %and3A_97 = arith.constant 127 : i32
        %and3A_98 = vector.broadcast %and3A_97 : i32 to vector<16xi32>
        %and3A_99 = arith.andi %get3A_93, %and3A_98 : vector<16xi32>
        tpu.vector_store_idx %arg14[%shift_right_arithmetic3A_96, %and3A_99], %broadcast_in_dim3A_19 {add = true} : memref<64x128xf32, #tpu.memory_space<vmem>>[vector<16xi32>, vector<16xi32>], vector<16xf32>,
        %get3A_100 = arith.index_cast %mul3A_57 : i32 to index
        %get3A_101 = arith.constant 32 : index
        %get3A_102 = tpu.vector_load %arg11[%get3A_100, %get3A_101] {strides = array<i32>} : memref<40x125xi32, #tpu.memory_space<vmem>>, vector<16xi32>,
        %shift_right_arithmetic3A_103 = arith.constant 7 : i32
        %shift_right_arithmetic3A_104 = vector.broadcast %shift_right_arithmetic3A_103 : i32 to vector<16xi32>
        %shift_right_arithmetic3A_105 = arith.shrsi %get3A_102, %shift_right_arithmetic3A_104 : vector<16xi32>
        %and3A_106 = arith.constant 127 : i32
        %and3A_107 = vector.broadcast %and3A_106 : i32 to vector<16xi32>
        %and3A_108 = arith.andi %get3A_102, %and3A_107 : vector<16xi32>
        tpu.vector_store_idx %arg14[%shift_right_arithmetic3A_105, %and3A_108], %broadcast_in_dim3A_19 {add = true} : memref<64x128xf32, #tpu.memory_space<vmem>>[vector<16xi32>, vector<16xi32>], vector<16xf32>,
        %get3A_109 = arith.index_cast %mul3A_57 : i32 to index
        %get3A_110 = arith.constant 48 : index
        %get3A_111 = tpu.vector_load %arg11[%get3A_109, %get3A_110] {strides = array<i32>} : memref<40x125xi32, #tpu.memory_space<vmem>>, vector<16xi32>,
        %shift_right_arithmetic3A_112 = arith.constant 7 : i32
        %shift_right_arithmetic3A_113 = vector.broadcast %shift_right_arithmetic3A_112 : i32 to vector<16xi32>
        %shift_right_arithmetic3A_114 = arith.shrsi %get3A_111, %shift_right_arithmetic3A_113 : vector<16xi32>
        %and3A_115 = arith.constant 127 : i32
        %and3A_116 = vector.broadcast %and3A_115 : i32 to vector<16xi32>
        %and3A_117 = arith.andi %get3A_111, %and3A_116 : vector<16xi32>
        tpu.vector_store_idx %arg14[%shift_right_arithmetic3A_114, %and3A_117], %broadcast_in_dim3A_19 {add = true} : memref<64x128xf32, #tpu.memory_space<vmem>>[vector<16xi32>, vector<16xi32>], vector<16xf32>,
        %get3A_118 = arith.index_cast %mul3A_57 : i32 to index
        %get3A_119 = arith.constant 64 : index
        %get3A_120 = tpu.vector_load %arg11[%get3A_118, %get3A_119] {strides = array<i32>} : memref<40x125xi32, #tpu.memory_space<vmem>>, vector<16xi32>,
        %shift_right_arithmetic3A_121 = arith.constant 7 : i32
        %shift_right_arithmetic3A_122 = vector.broadcast %shift_right_arithmetic3A_121 : i32 to vector<16xi32>
        %shift_right_arithmetic3A_123 = arith.shrsi %get3A_120, %shift_right_arithmetic3A_122 : vector<16xi32>
        %and3A_124 = arith.constant 127 : i32
        %and3A_125 = vector.broadcast %and3A_124 : i32 to vector<16xi32>
        %and3A_126 = arith.andi %get3A_120, %and3A_125 : vector<16xi32>
        tpu.vector_store_idx %arg14[%shift_right_arithmetic3A_123, %and3A_126], %broadcast_in_dim3A_19 {add = true} : memref<64x128xf32, #tpu.memory_space<vmem>>[vector<16xi32>, vector<16xi32>], vector<16xf32>,
        %get3A_127 = arith.index_cast %mul3A_57 : i32 to index
        %get3A_128 = arith.constant 80 : index
        %get3A_129 = tpu.vector_load %arg11[%get3A_127, %get3A_128] {strides = array<i32>} : memref<40x125xi32, #tpu.memory_space<vmem>>, vector<16xi32>,
        %shift_right_arithmetic3A_130 = arith.constant 7 : i32
        %shift_right_arithmetic3A_131 = vector.broadcast %shift_right_arithmetic3A_130 : i32 to vector<16xi32>
        %shift_right_arithmetic3A_132 = arith.shrsi %get3A_129, %shift_right_arithmetic3A_131 : vector<16xi32>
        %and3A_133 = arith.constant 127 : i32
        %and3A_134 = vector.broadcast %and3A_133 : i32 to vector<16xi32>
        %and3A_135 = arith.andi %get3A_129, %and3A_134 : vector<16xi32>
        tpu.vector_store_idx %arg14[%shift_right_arithmetic3A_132, %and3A_135], %broadcast_in_dim3A_19 {add = true} : memref<64x128xf32, #tpu.memory_space<vmem>>[vector<16xi32>, vector<16xi32>], vector<16xf32>,
        %get3A_136 = arith.index_cast %mul3A_57 : i32 to index
        %get3A_137 = arith.constant 96 : index
        %get3A_138 = tpu.vector_load %arg11[%get3A_136, %get3A_137] {strides = array<i32>} : memref<40x125xi32, #tpu.memory_space<vmem>>, vector<16xi32>,
        %shift_right_arithmetic3A_139 = arith.constant 7 : i32
        %shift_right_arithmetic3A_140 = vector.broadcast %shift_right_arithmetic3A_139 : i32 to vector<16xi32>
        %shift_right_arithmetic3A_141 = arith.shrsi %get3A_138, %shift_right_arithmetic3A_140 : vector<16xi32>
        %and3A_142 = arith.constant 127 : i32
        %and3A_143 = vector.broadcast %and3A_142 : i32 to vector<16xi32>
        %and3A_144 = arith.andi %get3A_138, %and3A_143 : vector<16xi32>
        tpu.vector_store_idx %arg14[%shift_right_arithmetic3A_141, %and3A_144], %broadcast_in_dim3A_19 {add = true} : memref<64x128xf32, #tpu.memory_space<vmem>>[vector<16xi32>, vector<16xi32>], vector<16xf32>,
        %get3A_145 = arith.index_cast %mul3A_57 : i32 to index
        %get3A_146 = arith.constant 109 : index
        %get3A_147 = tpu.vector_load %arg11[%get3A_145, %get3A_146] {strides = array<i32>} : memref<40x125xi32, #tpu.memory_space<vmem>>, vector<16xi32>,
        %shift_right_arithmetic3A_148 = arith.constant 7 : i32
        %shift_right_arithmetic3A_149 = vector.broadcast %shift_right_arithmetic3A_148 : i32 to vector<16xi32>
        %shift_right_arithmetic3A_150 = arith.shrsi %get3A_147, %shift_right_arithmetic3A_149 : vector<16xi32>
        %and3A_151 = arith.constant 127 : i32
        %and3A_152 = vector.broadcast %and3A_151 : i32 to vector<16xi32>
        %and3A_153 = arith.andi %get3A_147, %and3A_152 : vector<16xi32>
        tpu.vector_store_idx %arg14[%shift_right_arithmetic3A_150, %and3A_153], %broadcast_in_dim3A_19 masked %ge3A_21 {add = true} : memref<64x128xf32, #tpu.memory_space<vmem>>[vector<16xi32>, vector<16xi32>], vector<16xf32>, vector<16xi1>
        %dma_wait3A_154 = arith.constant 0 : i32
        %dma_wait3A_155 = tpu.memref_slice %arg10[%add3A_61, %dma_wait3A_154] : memref<40x125xi32, #tpu.memory_space<vmem>> -> memref<1x125xi32, #tpu.memory_space<vmem>>
        %dma_wait3A_156 = tpu.memref_squeeze %dma_wait3A_155 : memref<1x125xi32, #tpu.memory_space<vmem>> -> memref<125xi32, #tpu.memory_space<vmem>>
        %dma_wait3A_157 = arith.constant 0 : i32
        %dma_wait3A_158 = arith.constant 0 : i32
        %dma_wait3A_159 = tpu.memref_slice %arg2[%dma_wait3A_157, %dma_wait3A_158] : memref<10000x128xf32, #tpu.memory_space<hbm>> -> memref<10000x128xf32, #tpu.memory_space<hbm>>
        tpu.wait_indirect_dma semaphore(%arg17 : memref<!tpu.dma_semaphore, #tpu.memory_space<semaphore_mem>>) src(%dma_wait3A_159 : memref<10000x128xf32, #tpu.memory_space<hbm>>) dst(%arg13 : memref<125x128xf32, #tpu.memory_space<vmem>>)
        %dma_wait3A_160 = arith.constant 0 : i32
        %dma_wait3A_161 = tpu.memref_slice %arg11[%mul3A_57, %dma_wait3A_160] : memref<40x125xi32, #tpu.memory_space<vmem>> -> memref<1x125xi32, #tpu.memory_space<vmem>>
        %dma_wait3A_162 = tpu.memref_squeeze %dma_wait3A_161 : memref<1x125xi32, #tpu.memory_space<vmem>> -> memref<125xi32, #tpu.memory_space<vmem>>
        %dma_wait3A_163 = arith.constant 0 : i32
        %dma_wait3A_164 = arith.constant 0 : i32
        %dma_wait3A_165 = tpu.memref_slice %arg8[%dma_wait3A_163, %dma_wait3A_164] : memref<8192x128xf32, #tpu.memory_space<vmem_shared>> -> memref<8192x128xf32, #tpu.memory_space<vmem_shared>>
        tpu.wait_indirect_dma semaphore(%arg18 : memref<!tpu.dma_semaphore, #tpu.memory_space<semaphore_mem>>) src(%arg12 : memref<125x128xf32, #tpu.memory_space<vmem>>) dst(%dma_wait3A_165 : memref<8192x128xf32, #tpu.memory_space<vmem_shared>>)
        %add3A_166 = arith.constant 1 : i32
        %add3A_167 = arith.addi %add3A_61, %add3A_166 : i32
        %min3A = arith.constant 39 : i32
        %min3A_168 = arith.minsi %add3A_167, %min3A : i32
        %add3A_169 = arith.constant 1 : i32
        %add3A_170 = arith.addi %add3A_61, %add3A_169 : i32
        %lt3A = arith.constant 40 : i32
        %lt3A_171 = arith.cmpi slt, %add3A_170, %lt3A : i32
        %convert_element_type3A_172 = arith.extui %lt3A_171 : i1 to i32
        %cond3A_173 = arith.constant 0 : i32
        %cond3A_174 = arith.cmpi ne, %convert_element_type3A_172, %cond3A_173 : i32
        scf.if %cond3A_174 {
          %dma_start3A_253 = arith.constant 0 : i32
          %dma_start3A_254 = tpu.memref_slice %arg10[%min3A_168, %dma_start3A_253] : memref<40x125xi32, #tpu.memory_space<vmem>> -> memref<1x125xi32, #tpu.memory_space<vmem>>
          %dma_start3A_255 = tpu.memref_squeeze %dma_start3A_254 : memref<1x125xi32, #tpu.memory_space<vmem>> -> memref<125xi32, #tpu.memory_space<vmem>>
          %dma_start3A_256 = arith.constant 0 : i32
          %dma_start3A_257 = arith.constant 0 : i32
          %dma_start3A_258 = tpu.memref_slice %arg2[%dma_start3A_256, %dma_start3A_257] : memref<10000x128xf32, #tpu.memory_space<hbm>> -> memref<10000x128xf32, #tpu.memory_space<hbm>>
          tpu.enqueue_indirect_dma source(%dma_start3A_258 : memref<10000x128xf32, #tpu.memory_space<hbm>>) target(%arg12 : memref<125x128xf32, #tpu.memory_space<vmem>>) offsets(%dma_start3A_255 : memref<125xi32, #tpu.memory_space<vmem>>) semaphore(%arg16 : memref<!tpu.dma_semaphore, #tpu.memory_space<semaphore_mem>>)
        } else {
        }
        %dma_start3A_175 = arith.constant 0 : i32
        %dma_start3A_176 = tpu.memref_slice %arg11[%add3A_61, %dma_start3A_175] : memref<40x125xi32, #tpu.memory_space<vmem>> -> memref<1x125xi32, #tpu.memory_space<vmem>>
        %dma_start3A_177 = tpu.memref_squeeze %dma_start3A_176 : memref<1x125xi32, #tpu.memory_space<vmem>> -> memref<125xi32, #tpu.memory_space<vmem>>
        %dma_start3A_178 = arith.constant 0 : i32
        %dma_start3A_179 = arith.constant 0 : i32
        %dma_start3A_180 = tpu.memref_slice %arg8[%dma_start3A_178, %dma_start3A_179] : memref<8192x128xf32, #tpu.memory_space<vmem_shared>> -> memref<8192x128xf32, #tpu.memory_space<vmem_shared>>
        tpu.enqueue_indirect_dma source(%arg13 : memref<125x128xf32, #tpu.memory_space<vmem>>) target(%dma_start3A_180 : memref<8192x128xf32, #tpu.memory_space<vmem_shared>>) offsets(%dma_start3A_177 : memref<125xi32, #tpu.memory_space<vmem>>) semaphore(%arg19 : memref<!tpu.dma_semaphore, #tpu.memory_space<semaphore_mem>>) {add = true}
        %get3A_181 = arith.index_cast %add3A_61 : i32 to index
        %get3A_182 = arith.constant 0 : index
        %get3A_183 = tpu.vector_load %arg11[%get3A_181, %get3A_182] {strides = array<i32>} : memref<40x125xi32, #tpu.memory_space<vmem>>, vector<16xi32>,
        %shift_right_arithmetic3A_184 = arith.constant 7 : i32
        %shift_right_arithmetic3A_185 = vector.broadcast %shift_right_arithmetic3A_184 : i32 to vector<16xi32>
        %shift_right_arithmetic3A_186 = arith.shrsi %get3A_183, %shift_right_arithmetic3A_185 : vector<16xi32>
        %and3A_187 = arith.constant 127 : i32
        %and3A_188 = vector.broadcast %and3A_187 : i32 to vector<16xi32>
        %and3A_189 = arith.andi %get3A_183, %and3A_188 : vector<16xi32>
        tpu.vector_store_idx %arg14[%shift_right_arithmetic3A_186, %and3A_189], %broadcast_in_dim3A_19 {add = true} : memref<64x128xf32, #tpu.memory_space<vmem>>[vector<16xi32>, vector<16xi32>], vector<16xf32>,
        %get3A_190 = arith.index_cast %add3A_61 : i32 to index
        %get3A_191 = arith.constant 16 : index
        %get3A_192 = tpu.vector_load %arg11[%get3A_190, %get3A_191] {strides = array<i32>} : memref<40x125xi32, #tpu.memory_space<vmem>>, vector<16xi32>,
        %shift_right_arithmetic3A_193 = arith.constant 7 : i32
        %shift_right_arithmetic3A_194 = vector.broadcast %shift_right_arithmetic3A_193 : i32 to vector<16xi32>
        %shift_right_arithmetic3A_195 = arith.shrsi %get3A_192, %shift_right_arithmetic3A_194 : vector<16xi32>
        %and3A_196 = arith.constant 127 : i32
        %and3A_197 = vector.broadcast %and3A_196 : i32 to vector<16xi32>
        %and3A_198 = arith.andi %get3A_192, %and3A_197 : vector<16xi32>
        tpu.vector_store_idx %arg14[%shift_right_arithmetic3A_195, %and3A_198], %broadcast_in_dim3A_19 {add = true} : memref<64x128xf32, #tpu.memory_space<vmem>>[vector<16xi32>, vector<16xi32>], vector<16xf32>,
        %get3A_199 = arith.index_cast %add3A_61 : i32 to index
        %get3A_200 = arith.constant 32 : index
        %get3A_201 = tpu.vector_load %arg11[%get3A_199, %get3A_200] {strides = array<i32>} : memref<40x125xi32, #tpu.memory_space<vmem>>, vector<16xi32>,
        %shift_right_arithmetic3A_202 = arith.constant 7 : i32
        %shift_right_arithmetic3A_203 = vector.broadcast %shift_right_arithmetic3A_202 : i32 to vector<16xi32>
        %shift_right_arithmetic3A_204 = arith.shrsi %get3A_201, %shift_right_arithmetic3A_203 : vector<16xi32>
        %and3A_205 = arith.constant 127 : i32
        %and3A_206 = vector.broadcast %and3A_205 : i32 to vector<16xi32>
        %and3A_207 = arith.andi %get3A_201, %and3A_206 : vector<16xi32>
        tpu.vector_store_idx %arg14[%shift_right_arithmetic3A_204, %and3A_207], %broadcast_in_dim3A_19 {add = true} : memref<64x128xf32, #tpu.memory_space<vmem>>[vector<16xi32>, vector<16xi32>], vector<16xf32>,
        %get3A_208 = arith.index_cast %add3A_61 : i32 to index
        %get3A_209 = arith.constant 48 : index
        %get3A_210 = tpu.vector_load %arg11[%get3A_208, %get3A_209] {strides = array<i32>} : memref<40x125xi32, #tpu.memory_space<vmem>>, vector<16xi32>,
        %shift_right_arithmetic3A_211 = arith.constant 7 : i32
        %shift_right_arithmetic3A_212 = vector.broadcast %shift_right_arithmetic3A_211 : i32 to vector<16xi32>
        %shift_right_arithmetic3A_213 = arith.shrsi %get3A_210, %shift_right_arithmetic3A_212 : vector<16xi32>
        %and3A_214 = arith.constant 127 : i32
        %and3A_215 = vector.broadcast %and3A_214 : i32 to vector<16xi32>
        %and3A_216 = arith.andi %get3A_210, %and3A_215 : vector<16xi32>
        tpu.vector_store_idx %arg14[%shift_right_arithmetic3A_213, %and3A_216], %broadcast_in_dim3A_19 {add = true} : memref<64x128xf32, #tpu.memory_space<vmem>>[vector<16xi32>, vector<16xi32>], vector<16xf32>,
        %get3A_217 = arith.index_cast %add3A_61 : i32 to index
        %get3A_218 = arith.constant 64 : index
        %get3A_219 = tpu.vector_load %arg11[%get3A_217, %get3A_218] {strides = array<i32>} : memref<40x125xi32, #tpu.memory_space<vmem>>, vector<16xi32>,
        %shift_right_arithmetic3A_220 = arith.constant 7 : i32
        %shift_right_arithmetic3A_221 = vector.broadcast %shift_right_arithmetic3A_220 : i32 to vector<16xi32>
        %shift_right_arithmetic3A_222 = arith.shrsi %get3A_219, %shift_right_arithmetic3A_221 : vector<16xi32>
        %and3A_223 = arith.constant 127 : i32
        %and3A_224 = vector.broadcast %and3A_223 : i32 to vector<16xi32>
        %and3A_225 = arith.andi %get3A_219, %and3A_224 : vector<16xi32>
        tpu.vector_store_idx %arg14[%shift_right_arithmetic3A_222, %and3A_225], %broadcast_in_dim3A_19 {add = true} : memref<64x128xf32, #tpu.memory_space<vmem>>[vector<16xi32>, vector<16xi32>], vector<16xf32>,
        %get3A_226 = arith.index_cast %add3A_61 : i32 to index
        %get3A_227 = arith.constant 80 : index
        %get3A_228 = tpu.vector_load %arg11[%get3A_226, %get3A_227] {strides = array<i32>} : memref<40x125xi32, #tpu.memory_space<vmem>>, vector<16xi32>,
        %shift_right_arithmetic3A_229 = arith.constant 7 : i32
        %shift_right_arithmetic3A_230 = vector.broadcast %shift_right_arithmetic3A_229 : i32 to vector<16xi32>
        %shift_right_arithmetic3A_231 = arith.shrsi %get3A_228, %shift_right_arithmetic3A_230 : vector<16xi32>
        %and3A_232 = arith.constant 127 : i32
        %and3A_233 = vector.broadcast %and3A_232 : i32 to vector<16xi32>
        %and3A_234 = arith.andi %get3A_228, %and3A_233 : vector<16xi32>
        tpu.vector_store_idx %arg14[%shift_right_arithmetic3A_231, %and3A_234], %broadcast_in_dim3A_19 {add = true} : memref<64x128xf32, #tpu.memory_space<vmem>>[vector<16xi32>, vector<16xi32>], vector<16xf32>,
        %get3A_235 = arith.index_cast %add3A_61 : i32 to index
        %get3A_236 = arith.constant 96 : index
        %get3A_237 = tpu.vector_load %arg11[%get3A_235, %get3A_236] {strides = array<i32>} : memref<40x125xi32, #tpu.memory_space<vmem>>, vector<16xi32>,
        %shift_right_arithmetic3A_238 = arith.constant 7 : i32
        %shift_right_arithmetic3A_239 = vector.broadcast %shift_right_arithmetic3A_238 : i32 to vector<16xi32>
        %shift_right_arithmetic3A_240 = arith.shrsi %get3A_237, %shift_right_arithmetic3A_239 : vector<16xi32>
        %and3A_241 = arith.constant 127 : i32
        %and3A_242 = vector.broadcast %and3A_241 : i32 to vector<16xi32>
        %and3A_243 = arith.andi %get3A_237, %and3A_242 : vector<16xi32>
        tpu.vector_store_idx %arg14[%shift_right_arithmetic3A_240, %and3A_243], %broadcast_in_dim3A_19 {add = true} : memref<64x128xf32, #tpu.memory_space<vmem>>[vector<16xi32>, vector<16xi32>], vector<16xf32>,
        %get3A_244 = arith.index_cast %add3A_61 : i32 to index
        %get3A_245 = arith.constant 109 : index
        %get3A_246 = tpu.vector_load %arg11[%get3A_244, %get3A_245] {strides = array<i32>} : memref<40x125xi32, #tpu.memory_space<vmem>>, vector<16xi32>,
        %shift_right_arithmetic3A_247 = arith.constant 7 : i32
        %shift_right_arithmetic3A_248 = vector.broadcast %shift_right_arithmetic3A_247 : i32 to vector<16xi32>
        %shift_right_arithmetic3A_249 = arith.shrsi %get3A_246, %shift_right_arithmetic3A_248 : vector<16xi32>
        %and3A_250 = arith.constant 127 : i32
        %and3A_251 = vector.broadcast %and3A_250 : i32 to vector<16xi32>
        %and3A_252 = arith.andi %get3A_246, %and3A_251 : vector<16xi32>
        tpu.vector_store_idx %arg14[%shift_right_arithmetic3A_249, %and3A_252], %broadcast_in_dim3A_19 masked %ge3A_21 {add = true} : memref<64x128xf32, #tpu.memory_space<vmem>>[vector<16xi32>, vector<16xi32>], vector<16xf32>, vector<16xi1>
      }
      %scan3A_48 = arith.constant 20 : i32
      %dma_wait3A = arith.constant 39 : i32
      %dma_wait3A_49 = arith.constant 0 : i32
      %dma_wait3A_50 = tpu.memref_slice %arg11[%dma_wait3A, %dma_wait3A_49] : memref<40x125xi32, #tpu.memory_space<vmem>> -> memref<1x125xi32, #tpu.memory_space<vmem>>
      %dma_wait3A_51 = tpu.memref_squeeze %dma_wait3A_50 : memref<1x125xi32, #tpu.memory_space<vmem>> -> memref<125xi32, #tpu.memory_space<vmem>>
      %dma_wait3A_52 = arith.constant 0 : i32
      %dma_wait3A_53 = arith.constant 0 : i32
      %dma_wait3A_54 = tpu.memref_slice %arg8[%dma_wait3A_52, %dma_wait3A_53] : memref<8192x128xf32, #tpu.memory_space<vmem_shared>> -> memref<8192x128xf32, #tpu.memory_space<vmem_shared>>
      tpu.wait_indirect_dma semaphore(%arg19 : memref<!tpu.dma_semaphore, #tpu.memory_space<semaphore_mem>>) src(%arg13 : memref<125x128xf32, #tpu.memory_space<vmem>>) dst(%dma_wait3A_54 : memref<8192x128xf32, #tpu.memory_space<vmem_shared>>)
    }
    %scan3A_27 = arith.constant 2 : i32
    "tpu.region"() ({
      %run_scoped3A_38 = tpu.sem_alloc : memref<!tpu.dma_semaphore, #tpu.memory_space<semaphore_mem>>
      %dma_start3A_39 = arith.constant 0 : i32
      %dma_start3A_40 = arith.constant 0 : i32
      %dma_start3A_41 = tpu.memref_slice %arg9[%dma_start3A_39, %dma_start3A_40] : memref<64x128xf32, #tpu.memory_space<vmem_shared>> -> memref<64x128xf32, #tpu.memory_space<vmem_shared>>
      tpu.enqueue_indirect_dma source(%arg14 : memref<64x128xf32, #tpu.memory_space<vmem>>) target(%dma_start3A_41 : memref<64x128xf32, #tpu.memory_space<vmem_shared>>) offsets(%arg15 : memref<64xi32, #tpu.memory_space<vmem>>) semaphore(%run_scoped3A_38 : memref<!tpu.dma_semaphore, #tpu.memory_space<semaphore_mem>>) {add = true}
      %dma_wait3A = arith.constant 0 : i32
      %dma_wait3A_42 = arith.constant 0 : i32
      %dma_wait3A_43 = tpu.memref_slice %arg9[%dma_wait3A, %dma_wait3A_42] : memref<64x128xf32, #tpu.memory_space<vmem_shared>> -> memref<64x128xf32, #tpu.memory_space<vmem_shared>>
      tpu.wait_indirect_dma semaphore(%run_scoped3A_38 : memref<!tpu.dma_semaphore, #tpu.memory_space<semaphore_mem>>) src(%arg14 : memref<64x128xf32, #tpu.memory_space<vmem>>) dst(%dma_wait3A_43 : memref<64x128xf32, #tpu.memory_space<vmem_shared>>)
      tpu.yield
    }) : () -> ()
    %barrier3A_28 = arith.constant 0 : index
    tpu.barrier barrier_id(%barrier3A_28)
    %mul3A_29 = arith.constant 512 : i32
    %mul3A_30 = arith.muli %arg1, %mul3A_29 : i32
    %mul3A_31 = arith.constant 512 : i32
    %mul3A_32 = arith.muli %arg1, %mul3A_31 : i32
    "tpu.region"() ({
      %run_scoped3A_38 = tpu.sem_alloc : memref<!tpu.dma_semaphore, #tpu.memory_space<semaphore_mem>>
      %dma_start3A_39 = arith.constant 0 : i32
      %dma_start3A_40 = tpu.memref_slice %arg6[%arg0, %mul3A_32, %dma_start3A_39] : memref<2x8192x128xf32, #tpu.memory_space<hbm>> -> memref<1x512x128xf32, #tpu.memory_space<hbm>>
      %dma_start3A_41 = tpu.memref_squeeze %dma_start3A_40 : memref<1x512x128xf32, #tpu.memory_space<hbm>> -> memref<512x128xf32, #tpu.memory_space<hbm>>
      %dma_start3A_42 = arith.constant 0 : i32
      %dma_start3A_43 = tpu.memref_slice %arg8[%mul3A_30, %dma_start3A_42] : memref<8192x128xf32, #tpu.memory_space<vmem_shared>> -> memref<512x128xf32, #tpu.memory_space<vmem_shared>>
      tpu.enqueue_dma source(%dma_start3A_43 : memref<512x128xf32, #tpu.memory_space<vmem_shared>>) target(%dma_start3A_41 : memref<512x128xf32, #tpu.memory_space<hbm>>) target_semaphore(%run_scoped3A_38 : memref<!tpu.dma_semaphore, #tpu.memory_space<semaphore_mem>>)
      %dma_wait3A = arith.constant 0 : i32
      %dma_wait3A_44 = tpu.memref_slice %arg6[%arg0, %mul3A_32, %dma_wait3A] : memref<2x8192x128xf32, #tpu.memory_space<hbm>> -> memref<1x512x128xf32, #tpu.memory_space<hbm>>
      %dma_wait3A_45 = tpu.memref_squeeze %dma_wait3A_44 : memref<1x512x128xf32, #tpu.memory_space<hbm>> -> memref<512x128xf32, #tpu.memory_space<hbm>>
      %dma_wait3A_46 = arith.constant 0 : i32
      %dma_wait3A_47 = tpu.memref_slice %arg8[%mul3A_30, %dma_wait3A_46] : memref<8192x128xf32, #tpu.memory_space<vmem_shared>> -> memref<512x128xf32, #tpu.memory_space<vmem_shared>>
      tpu.wait_dma2 semaphore(%run_scoped3A_38 : memref<!tpu.dma_semaphore, #tpu.memory_space<semaphore_mem>>) src(%dma_wait3A_47 : memref<512x128xf32, #tpu.memory_space<vmem_shared>>) dst(%dma_wait3A_45 : memref<512x128xf32, #tpu.memory_space<hbm>>)
      tpu.yield
    }) : () -> ()
    %eq3A_33 = arith.constant 0 : i32
    %eq3A_34 = arith.cmpi eq, %arg1, %eq3A_33 : i32
    %convert_element_type3A_35 = arith.extui %eq3A_34 : i1 to i32
    %cond3A_36 = arith.constant 0 : i32
    %cond3A_37 = arith.cmpi ne, %convert_element_type3A_35, %cond3A_36 : i32
    scf.if %cond3A_37 {
      "tpu.region"() ({
        %run_scoped3A_38 = tpu.sem_alloc : memref<!tpu.dma_semaphore, #tpu.memory_space<semaphore_mem>>
        %dma_start3A_39 = arith.constant 0 : i32
        %dma_start3A_40 = arith.constant 0 : i32
        %dma_start3A_41 = tpu.memref_slice %arg7[%arg0, %dma_start3A_39, %dma_start3A_40] : memref<2x64x128xf32, #tpu.memory_space<hbm>> -> memref<1x64x128xf32, #tpu.memory_space<hbm>>
        %dma_start3A_42 = tpu.memref_squeeze %dma_start3A_41 : memref<1x64x128xf32, #tpu.memory_space<hbm>> -> memref<64x128xf32, #tpu.memory_space<hbm>>
        tpu.enqueue_dma source(%arg9 : memref<64x128xf32, #tpu.memory_space<vmem_shared>>) target(%dma_start3A_42 : memref<64x128xf32, #tpu.memory_space<hbm>>) target_semaphore(%run_scoped3A_38 : memref<!tpu.dma_semaphore, #tpu.memory_space<semaphore_mem>>)
        %dma_wait3A = arith.constant 0 : i32
        %dma_wait3A_43 = arith.constant 0 : i32
        %dma_wait3A_44 = tpu.memref_slice %arg7[%arg0, %dma_wait3A, %dma_wait3A_43] : memref<2x64x128xf32, #tpu.memory_space<hbm>> -> memref<1x64x128xf32, #tpu.memory_space<hbm>>
        %dma_wait3A_45 = tpu.memref_squeeze %dma_wait3A_44 : memref<1x64x128xf32, #tpu.memory_space<hbm>> -> memref<64x128xf32, #tpu.memory_space<hbm>>
        tpu.wait_dma2 semaphore(%run_scoped3A_38 : memref<!tpu.dma_semaphore, #tpu.memory_space<semaphore_mem>>) src(%arg9 : memref<64x128xf32, #tpu.memory_space<vmem_shared>>) dst(%dma_wait3A_45 : memref<64x128xf32, #tpu.memory_space<hbm>>)
        tpu.yield
      }) : () -> ()
    } else {
    }
    return
  }
}

module attributes {stable_mosaic.version = 14 : i64} {
  func.func @_dense_body(%arg0: i32, %arg1: memref<2xf32, #tpu.memory_space<smem>>, %arg2: memref<2x1000x128xf32, #tpu.memory_space<vmem>>, %arg3: memref<1000x128xf32, #tpu.memory_space<vmem>>, %arg4: memref<128x128xf32, #tpu.memory_space<vmem>>, %arg5: memref<1000x128xf32, #tpu.memory_space<vmem>>) attributes {dimension_semantics = [#tpu.dimension_semantics<arbitrary>], iteration_bounds = array<i64: 10>, scalar_prefetch = 0 : i64, scratch_operands = 0 : i64, tpu.core_type = #tpu.core_type<tc>, window_params = [{transform_indices = @transform_0, window_bounds = array<i64: 2>}, {transform_indices = @transform_1, window_bounds = array<i64: 2, 1000, 128>}, {transform_indices = @transform_2, window_bounds = array<i64: 1000, 128>}, {pipeline_mode = #tpu.pipeline_mode<synchronous>, transform_indices = @transform_3, window_bounds = array<i64: 128, 128>}, {transform_indices = @transform_4, window_bounds = array<i64: 1000, 128>}]} {
    %get3A = arith.constant 0 : index
    %get3A_0 = memref.load %arg1[%get3A] : memref<2xf32, #tpu.memory_space<smem>>
    %get3A_1 = arith.constant 1 : index
    %get3A_2 = memref.load %arg1[%get3A_1] : memref<2xf32, #tpu.memory_space<smem>>
    %get3A_3 = arith.constant 0 : index
    %get3A_4 = arith.constant 0 : index
    %get3A_5 = arith.constant 0 : index
    %get3A_6 = vector.load %arg2[%get3A_3, %get3A_4, %get3A_5] : memref<2x1000x128xf32, #tpu.memory_space<vmem>>, vector<1x1000x128xf32>
    %get3A_7 = vector.shape_cast %get3A_6 : vector<1x1000x128xf32> to vector<1000x128xf32>
    %get3A_8 = arith.constant 1 : index
    %get3A_9 = arith.constant 0 : index
    %get3A_10 = arith.constant 0 : index
    %get3A_11 = vector.load %arg2[%get3A_8, %get3A_9, %get3A_10] : memref<2x1000x128xf32, #tpu.memory_space<vmem>>, vector<1x1000x128xf32>
    %get3A_12 = vector.shape_cast %get3A_11 : vector<1x1000x128xf32> to vector<1000x128xf32>
    %add3A = arith.addf %get3A_7, %get3A_12 : vector<1000x128xf32>
    %mul3A = arith.constant 1.250000e-01 : f32
    %mul3A_13 = vector.broadcast %mul3A : f32 to vector<1000x128xf32>
    %mul3A_14 = arith.mulf %add3A, %mul3A_13 : vector<1000x128xf32>
    %sub3A = arith.constant 1.000000e+00 : f32
    %sub3A_15 = arith.subf %sub3A, %get3A_0 : f32
    %mul3A_16 = vector.broadcast %sub3A_15 : f32 to vector<1000x128xf32>
    %mul3A_17 = arith.mulf %mul3A_16, %mul3A_14 : vector<1000x128xf32>
    %get3A_18 = arith.constant 0 : index
    %get3A_19 = arith.constant 0 : index
    %get3A_20 = vector.load %arg3[%get3A_18, %get3A_19] : memref<1000x128xf32, #tpu.memory_space<vmem>>, vector<1000x128xf32>
    %mul3A_21 = vector.broadcast %get3A_0 : f32 to vector<1000x128xf32>
    %mul3A_22 = arith.mulf %mul3A_21, %get3A_20 : vector<1000x128xf32>
    %add3A_23 = arith.addf %mul3A_17, %mul3A_22 : vector<1000x128xf32>
    %sub3A_24 = arith.constant 1.000000e+00 : f32
    %sub3A_25 = arith.subf %sub3A_24, %get3A_2 : f32
    %mul3A_26 = vector.broadcast %sub3A_25 : f32 to vector<1000x128xf32>
    %mul3A_27 = arith.mulf %mul3A_26, %add3A_23 : vector<1000x128xf32>
    %get3A_28 = arith.constant 0 : index
    %get3A_29 = arith.constant 0 : index
    %get3A_30 = vector.load %arg4[%get3A_28, %get3A_29] : memref<128x128xf32, #tpu.memory_space<vmem>>, vector<128x128xf32>
    %dot_general3A = arith.constant dense<0.000000e+00> : vector<1000x128xf32>
    %dot_general3A_31 = tpu.matmul %add3A_23, %get3A_30, %dot_general3A {dimension_numbers = #tpu.dot_dimension_numbers<[1], [1], [0], [0], [0, 0, 1, 0], [], []>, transpose_lhs_hint = false} : vector<1000x128xf32>, vector<128x128xf32>, vector<1000x128xf32> -> vector<1000x128xf32>
    %mul3A_32 = vector.broadcast %get3A_2 : f32 to vector<1000x128xf32>
    %mul3A_33 = arith.mulf %mul3A_32, %dot_general3A_31 : vector<1000x128xf32>
    %add3A_34 = arith.addf %mul3A_27, %mul3A_33 : vector<1000x128xf32>
    %swap3A = arith.constant 0 : index
    %swap3A_35 = arith.constant 0 : index
    %swap3A_36 = vector.load %arg5[%swap3A, %swap3A_35] : memref<1000x128xf32, #tpu.memory_space<vmem>>, vector<1000x128xf32>
    tpu.vector_store %arg5[%swap3A, %swap3A_35], %add3A_34 {strides = array<i32>} : memref<1000x128xf32, #tpu.memory_space<vmem>>, vector<1000x128xf32>,
    return
  }
  func.func @transform_0(%arg0: i32) -> i32 {
    %c0_i32 = arith.constant 0 : i32
    %c0_i32_0 = arith.constant 0 : i32
    return %c0_i32 : i32
  }
  func.func @transform_1(%arg0: i32) -> (i32, i32, i32) {
    %c0_i32 = arith.constant 0 : i32
    %c0_i32_0 = arith.constant 0 : i32
    %c0_i32_1 = arith.constant 0 : i32
    return %c0_i32, %arg0, %c0_i32_0 : i32, i32, i32
  }
  func.func @transform_2(%arg0: i32) -> (i32, i32) {
    %c0_i32 = arith.constant 0 : i32
    %c0_i32_0 = arith.constant 0 : i32
    return %arg0, %c0_i32 : i32, i32
  }
  func.func @transform_3(%arg0: i32) -> (i32, i32) {
    %c0_i32 = arith.constant 0 : i32
    %c0_i32_0 = arith.constant 0 : i32
    %c0_i32_1 = arith.constant 0 : i32
    return %c0_i32, %c0_i32_0 : i32, i32
  }
  func.func @transform_4(%arg0: i32) -> (i32, i32) {
    %c0_i32 = arith.constant 0 : i32
    %c0_i32_0 = arith.constant 0 : i32
    return %arg0, %c0_i32 : i32, i32
  }
}

</mosaic_0001>

<sc_bundles>
// kernel: kernel.12.cloned.1.call-start
scs
__scs_entry_jumppad:
0x0: {  	(pc) =	sbr.rel $0x88, $3  }
0x1: {  	(tag) =	ssettag $0x0;
	lr =	simm.s32 $0x1  }
0x2: {  	[smem:$0x3F9A] =	sst lr;
	_ =	strace $0xD0000000  }
0x3: {  	_ = 	snop  }
0x4: {  	_ = 	snop  }
0x5: {  	_ = 	snop  }
0x6: {  	_ = 	snop  }
0x7: {  	_ = 	snop  }
__scs_overlays_trampoline_lowered:
0x8: {  	[smem:$0x3FA9] =	sst s0  }
0x9: {  	[smem:$0x3FAA] =	sst s1  }
0xa: {  	[smem:$0x3FAB] =	sst s2  }
0xb: {  	[smem:$0x3FAC] =	sst s3  }
0xc: {  	[smem:$0x3FAD] =	sst s4  }
0xd: {  	[smem:$0x3FAE] =	sst s5  }
0xe: {  	[smem:$0x3FAF] =	sst s6  }
0xf: {  	[smem:$0x3FB0] =	sst s7  }
0x10: {  	[smem:$0x3FB1] =	sst s8  }
0x11: {  	[smem:$0x3FB2] =	sst s9;
	s0 =	simm.s32 @!p0 $0x0  }
0x12: {  	s1 =	sld [smem:$0x3F98];
	s0 =	simm.s32 @p0 $0x1  }
0x13: {  	[smem:$0x3FB3] =	sst s0;
	s0 =	simm.s32 @!p1 $0x0  }
0x14: {  	s2 =	sld [smem:$0x3F97];
	s0 =	simm.s32 @p1 $0x1  }
0x15: {  	[smem:$0x3FB4] =	sst s0;
	s0 =	simm.s32 @!p2 $0x0  }
0x16: {  	s3 =	sld [smem:$0x3FDB];
	s0 =	simm.s32 @p2 $0x1  }
0x17: {  	s4 =	simm.s32 $0x1BF5;
	[smem:$0x3FB6] =	sst s0  }
0x18: {  	s0 =	sld [smem:$0x3F99];
	_ =	swait.ge [sflag:s4], $0x0  }
0x19: {  	s7 =	sld [smem:$0x3F9A]  }
0x1a: {  	s8 =	sadd.s32 $0xFFFFE003, lr  }
0x1b: {  	s9 =	sadd.s32 $0xFFFFFEF7, lr;
	s5 =	simm.s32 $0xFFFFFFFF;
	p2 =	slt.u32 s8, $0xFFFFF086  }
0x1c: {  	p1 =	slt.u32 s9, $0xF7A;
	s5 =	simm.s32 @!p2 $0x0  }
0x1d: {  	s5 =	simm.s32 @p1 $0x1;
	p0 =	seq.s32 s7, s2  }
0x1e: {  	s7 =	smul.u32 @!p0 $0xF7A, s2;
	p2 =	seq.s32 @!p0 s5, $0x0  }
0x1f: {  	s9 =	smul.u32 $0xF7A, s1;
	s8 =	simm.s32 @!p0 $0x1BF5;
	p2 =	por !p2, p0  }
0x20: {  	[sflag:s8] =	ssyncset.s32 @!p0 $0xFFFFF086;
	s6 =	sadd.s32 @!p0 s3, s7;
	s7 =	simm.s32 @!p0 $0x108  }
0x21: {  	s3 =	sadd.s32 s3, s9;
	s6 =	sadd.s32 @!p0 $0x88, s6;
	s7 =	simm.s32 @p2 $0x1082  }
0x22: {  	[simem:s7], [sflag:s8] =	dma.local @!p0 [hbm:s6], $0xF7A  }
0x23: {  	s9 =	sor.u32 $0xD0000000, s2;
	s6 =	simm.s32 $0x108;
	_ =	swait.ge @!p0 [sflag:s8], $0x0  }
0x24: {  	s3 =	sadd.s32 $0x88, s3;
	s6 =	simm.s32 @!p1 $0x1082;
	[sflag:s4] =	ssyncset.s32 $0xFFFFF086  }
0x25: {  	[simem:s6], [sflag:s4] =	dma.local [hbm:s3], $0xF7A  }
0x26: {  	[smem:$0x3F9A] =	sst s1;
	(tag) =	ssettag s2;
	_ =	strace s9  }
0x27: {  	s1 =	sld [smem:$0x3FAA]  }
0x28: {  	s2 =	sld [smem:$0x3FAB]  }
0x29: {  	s4 =	sld [smem:$0x3FAD]  }
0x2a: {  	p0 =	seq.s32 s5, $0x0;
	s5 =	sld [smem:$0x3FAE]  }
0x2b: {  	s6 =	sld [smem:$0x3FAF]  }
0x2c: {  	s7 =	sld [smem:$0x3FB0]  }
0x2d: {  	s3 =	simm.s32 $0x108;
	s8 =	sld [smem:$0x3FB1]  }
0x2e: {  	s3 =	simm.s32 @!p0 $0x1082;
	s9 =	sld [smem:$0x3FB2]  }
0x2f: {  	lr =	sadd.s32 s0, s3;
	s0 =	sld [smem:$0x3FA9]  }
0x30: {  	s3 =	sld [smem:$0x3FAC]  }
0x31: {  	[smem:$0x3FB5] =	sst s10  }
0x32: {  	s10 =	sld [smem:$0x3FB3];
	_ =	sdelay $0x3  }
0x33: {  	p0 =	seq.s32 s10, $0x1;
	s10 =	sld [smem:$0x3FB5];
	_ =	sdelay $0x3  }
0x34: {  	[smem:$0x3FB5] =	sst s10  }
0x35: {  	s10 =	sld [smem:$0x3FB4];
	_ =	sdelay $0x3  }
0x36: {  	p1 =	seq.s32 s10, $0x1;
	s10 =	sld [smem:$0x3FB5];
	_ =	sdelay $0x3  }
0x37: {  	[smem:$0x3FB5] =	sst s10  }
0x38: {  	s10 =	sld [smem:$0x3FB6]  }
0x39: {  	_ = 	snop;
	(pc) =	sbr.ind lr, $3  }
0x3a: {  	_ = 	snop  }
0x3b: {  	_ = 	snop  }
0x3c: {  	p2 =	seq.s32 s10, $0x1;
	s10 =	sld [smem:$0x3FB5]  }
0x3d: {  	_ =	shalt  }
0x3e: {  	_ =	shalt  }
0x3f: {  	_ =	shalt  }
0x40: {  	_ =	shalt  }
0x41: {  	_ =	shalt  }
0x42: {  	_ =	shalt  }
0x43: {  	_ =	shalt  }
0x44: {  	_ =	shalt  }
0x45: {  	_ =	shalt  }
0x46: {  	_ =	shalt  }
0x47: {  	_ =	shalt  }
0x48: {  	_ =	shalt  }
0x49: {  	_ =	shalt  }
0x4a: {  	_ =	shalt  }
0x4b: {  	_ =	shalt  }
0x4c: {  	_ =	shalt  }
0x4d: {  	_ =	shalt  }
0x4e: {  	_ =	shalt  }
0x4f: {  	_ =	shalt  }
0x50: {  	_ =	shalt  }
0x51: {  	_ =	shalt  }
0x52: {  	_ =	shalt  }
0x53: {  	_ =	shalt  }
0x54: {  	_ =	shalt  }
0x55: {  	_ =	shalt  }
0x56: {  	_ =	shalt  }
0x57: {  	_ =	shalt  }
0x58: {  	_ =	shalt  }
0x59: {  	_ =	shalt  }
0x5a: {  	_ =	shalt  }
0x5b: {  	_ =	shalt  }
0x5c: {  	_ =	shalt  }
0x5d: {  	_ =	shalt  }
0x5e: {  	_ =	shalt  }
0x5f: {  	_ =	shalt  }
0x60: {  	_ =	shalt  }
0x61: {  	_ =	shalt  }
0x62: {  	_ =	shalt  }
0x63: {  	_ =	shalt  }
0x64: {  	_ =	shalt  }
0x65: {  	_ =	shalt  }
0x66: {  	_ =	shalt  }
0x67: {  	_ =	shalt  }
0x68: {  	_ =	shalt  }
0x69: {  	_ =	shalt  }
0x6a: {  	_ =	shalt  }
0x6b: {  	_ =	shalt  }
0x6c: {  	_ =	shalt  }
0x6d: {  	_ =	shalt  }
0x6e: {  	_ =	shalt  }
0x6f: {  	_ =	shalt  }
0x70: {  	_ =	shalt  }
0x71: {  	_ =	shalt  }
0x72: {  	_ =	shalt  }
0x73: {  	_ =	shalt  }
0x74: {  	_ =	shalt  }
0x75: {  	_ =	shalt  }
0x76: {  	_ =	shalt  }
0x77: {  	_ =	shalt  }
0x78: {  	_ =	shalt  }
0x79: {  	_ =	shalt  }
0x7a: {  	_ =	shalt  }
0x7b: {  	_ =	shalt  }
0x7c: {  	_ =	shalt  }
0x7d: {  	_ =	shalt  }
0x7e: {  	_ =	shalt  }
0x7f: {  	_ =	shalt  }
0x80: {  	_ =	shalt  }
0x81: {  	_ =	shalt  }
0x82: {  	_ =	shalt  }
0x83: {  	_ =	shalt  }
0x84: {  	_ =	shalt  }
0x85: {  	_ =	shalt  }
0x86: {  	_ =	shalt  }
0x87: {  	_ =	shalt  }
.Lfunc_end0:
.L_simem_size_0:
called_computation.2_lowered:
.L_overlay_start_0:
0x88: {  	s2 =	sld [smem:$0x3FD9]  }
0x89: {  	s3 =	sld [smem:$0x3FFE];
	_ =	sdelay $0x1  }
0x8a: {  	s1 =	srdreg.scid  }
0x8b: {  	s0 =	sand.u32 $0x1, s1  }
0x8c: {  	s17 =	sshll.u32 s0, $0xA;
	s2 =	sadd.s32 s3, s2  }
0x8d: {  	s2 =	sadd.s32 s2, s17  }
0x8e: {  	[smem:$0x3FC1] =	sst s2  }
0x8f: {  	_ = 	snop  }
0x90: {  	s2 =	sld [smem:$0x3FD0];
	(tm) =	ssettm $0x1  }
0x91: {  	s18 =	sld [smem:$0x3FFB];
	_ =	sdelay $0x3  }
0x92: {  	_ =	strace s18  }
0x93: {  	s3 =	sld [smem:$0x3FFC];
	_ =	sdelay $0x3  }
0x94: {  	_ =	strace s3  }
0x95: {  	s3 =	sld [smem:$0x3FFD];
	_ =	sdelay $0x3  }
0x96: {  	_ =	strace s3  }
0x97: {  	_ =	strace $0x8FFFFFFF  }
0x98: {  	s19 =	sld [smem:$0x3FDB];
	_ =	sdelay $0x1  }
0x99: {  	s4 =	simm.s32 $_scs_section_size  }
0x9a: {  	s5 =	simm.s32 $_size__tile_overlayer_lowered;
	s6 =	simm.s32 $_tile_overlayer_lowered  }
0x9b: {  	s22 =	simm.s32 $0x1BFF;
	s21 =	sshll.u32 s6, $0x1;
	s3 =	sadd.s32 s4, s19  }
0x9c: {  	s7 =	simm.s32 $0x0;
	s20 =	sshll.u32 s5, $0x1;
	s5 =	sadd.s32 s21, s3  }
0x9d: {  	[timem:s7], [sflag:s22] =	dma.local [hbm:s5], s20  }
0x9e: {  	_ =	swait.ge [sflag:s22], s20  }
0x9f: {  	s4 =	ssub.s32 $0x0, s20;
	[sflag:s22] =	ssyncset.done $0x0  }
0xa0: {  	[sflag:s22] =	ssyncadd.s32 s4;
	_ =	sdelay $0x1  }
0xa1: {  	s23 =	simm.s32 $0x1B8B  }
0xa2: {  	_ =	swait.ge [sflag:s23], $0x1  }
0xa3: {  	[sflag:s23] =	ssyncset.done $0x0  }
0xa4: {  	s25 =	simm.s32 $0x1B8E;
	s24 =	sld [smem:$0x3FFE];
	[sflag:s23] =	ssyncadd.s32 $0xFFFFFFFF  }
0xa5: {  	s26 =	simm.s32 $execute0_lowered;
	[smem:$0x3FD2] =	sst s25  }
0xa6: {  	s5 =	sshll.u32 s26, $0x1;
	_ =	strace $0x8000004C;
	[dreg:$0x1] =	wrdreg $0xFFFFFFFF  }
0xa7: {  	s28 =	simm.s32 $_size_execute0_lowered;
	s3 =	sadd.s32 s3, s5;
	[dreg:$0x0] =	wrdreg $0x0  }
0xa8: {  	s5 =	sshll.u32 s28, $0x1;
	[dreg:$0x2] =	wrdreg s3  }
0xa9: {  	[dreg:$0x3] =	wrdreg s5  }
0xaa: {  	[dreg:$0x4] =	wrdreg $0xC0  }
0xab: {  	_ =	task [dreg:s7], $0x5FFFF  }
0xac: {  	[dreg:$0x1] =	wrdreg $0xFFFFFFFF  }
0xad: {  	[dreg:$0x0] =	wrdreg $0x60  }
0xae: {  	[dreg:$0x2] =	wrdreg s2  }
0xaf: {  	[dreg:$0x3] =	wrdreg s24  }
0xb0: {  	[dreg:$0x4] =	wrdreg $0x0  }
0xb1: {  	[dreg:$0x5] =	wrdreg $0x9  }
0xb2: {  	_ =	task.clear_ibuf [dreg:s7], $0x6FFFF;
	_ =	strace $0x9000004C  }
0xb3: {  	s29 =	simm.s32 $0x9;
	_ =	strace $0x8000004E  }
0xb4: {  	_ =	swait.ge [sflag:s29], $0x1  }
0xb5: {  	[sflag:s29] =	ssyncadd.s32 $0xFFFFFFFF  }
0xb6: {  	_ =	strace $0x9000004E  }
0xb7: {  	_ =	sfence  }
0xb8: {  	s30 =	sld [smem:$0x0];
	_ =	sdelay $0x2  }
0xb9: {  	s31 =	sshll.u32 s1, $0xD;
	s1 =	sshrl.u32 s1, $0x2  }
0xba: {  	s3 =	sand.u32 $0x4000, s31;
	s1 =	sadd.s32 s1, s30  }
0xbb: {  	s0 =	sor.u32 s3, s0;
	s1 =	sshll.u32 s1, $0x11  }
0xbc: {  	s0 =	sor.u32 s1, s0  }
0xbd: {  	s0 =	sadd.s32 $0x8F2B, s0  }
0xbe: {  	[sflag:s0] =	ssyncadd.remote.s32 $0x1  }
0xbf: {  	_ =	sfence.sel $0xFFFF  }
0xc0: {  	[dreg:$0x0] =	wrdreg $0xFFFFFFFF;
	(pc) =	sbr.abs _section_cstart, $3  }
0xc1: {  	[dreg:$0x1] =	wrdreg $0xFFFFFFFF  }
0xc2: {  	_ =	task.clear_ibuf [dreg:s7], $0x2FFFF;
	_ =	strace $0x9FFFFFFF  }
0xc3: {  	(tm) =	ssettm $0x7FFFFFFF  }
tec
execute0_lowered:
.L_overlay_start_1:
0x0: {  	(tag) =	ssettag $0x1  }
0x1: {  	s1 =	rddreg [dreg:$0x0]  }
0x2: {  	s0 =	rddreg [dreg:$0x1]  }
0x3: {  	s3 =	rddreg [dreg:$0x2];
	s2 =	simm.s32 $0x0  }
0x4: {  	s12 =	stileid.u32;
	s16 =	srdreg.scid;
	s25 =	simm.s32 $0x14880  }
0x5: {  	s11 =	simm.s32 $0x14100;
	s13 =	simm.s32 $0x14A00;
	s14 =	simm.s32 $0x14180  }
0x6: {  	s15 =	simm.s32 $0x14A80;
	s28 =	simm.s32 $0x14E80;
	s29 =	simm.s32 $0x14600  }
0x7: {  	s30 =	simm.s32 $0x14F00;
	s31 =	simm.s32 $0x14680;
	[smem:$0x7FF] =	sst s2  }
0x8: {  	s4 =	smul.u32 $0x14000, s12;
	s2 =	sand.u32 $0x1, s16;
	s5 =	sadd.s32 $0x2000, s0  }
0x9: {  	s18 =	smul.u32 $0x2800, s12;
	_ =	strace $0x8000004D;
	[dreg:$0x6] =	wrdreg s25  }
0xa: {  	s6 =	sadd.s32 $0xC000, s0;
	s23 =	smul.u32 $0x50000, s12;
	[dreg:$0xa] =	wrdreg s11  }
0xb: {  	s16 =	simm.s32 $0x14200;
	s7 =	smul.u32 $0x140000, s2;
	[dreg:$0xb] =	wrdreg s13  }
0xc: {  	s9 =	sshll.u32 s2, $0x4;
	s10 =	smul.u32 $0x28000, s2;
	[dreg:$0xc] =	wrdreg s14  }
0xd: {  	s2 =	ssub.s32 $0x2, s2;
	s11 =	simm.s32 $0x5;
	[dreg:$0xd] =	wrdreg s15  }
0xe: {  	s13 =	simm.s32 $0x7D;
	[dreg:$0xe] =	wrdreg s16;
	s14 =	simm.s32 $0x15000  }
0xf: {  	s25 =	simm.s32 $0x14400;
	s8 =	sshrl.u32 s4, $0x3;
	s17 =	sor.u32 s12, s9  }
0x10: {  	s20 =	sshrl.u32 s2, $0x1;
	s26 =	sshrl.u32 s23, $0x2;
	s23 =	simm.s32 $0x14380  }
0x11: {  	[dreg:$0x16] =	wrdreg s25;
	s25 =	simm.s32 $0x14E00;
	s4 =	sadd.s32 s4, s7  }
0x12: {  	s8 =	sadd.s32 s8, s0;
	s7 =	smul.u32 $0x2800, s17;
	s19 =	sadd.s32 s18, s10  }
0x13: {  	s2 =	ssub.s32 s2, s20;
	s10 =	simm.s32 $0x14980;
	[dreg:$0x14] =	wrdreg s23  }
0x14: {  	s17 =	simm.s32 $0x14B00;
	s18 =	simm.s32 $0x14280;
	[dreg:$0x9] =	wrdreg s10  }
0x15: {  	s20 =	simm.s32 $0x14B80;
	s23 =	simm.s32 $0x14D80;
	[dreg:$0xf] =	wrdreg s17  }
0x16: {  	s4 =	sshrl.u32 s4, $0x3;
	s9 =	sadd.s32 $0x16000, s8;
	[dreg:$0x10] =	wrdreg s18  }
0x17: {  	s2 =	smax.u32 s2, $0x1;
	s10 =	simm.s32 $0x14000;
	[dreg:$0x11] =	wrdreg s20  }
0x18: {  	s0 =	sadd.s32 s4, s0;
	s7 =	sshrl.u32 s7, $0x3;
	[dreg:$0x1a] =	wrdreg s9  }
0x19: {  	s4 =	sshrl.u32 s19, $0x3;
	[dreg:$0x1c] =	wrdreg s2;
	s21 =	sadd.s32 s5, s7  }
0x1a: {  	s17 =	simm.s32 $0x1;
	s22 =	sadd.s32 s4, s6;
	[dreg:$0x18] =	wrdreg s21  }
0x1b: {  	s18 =	simm.s32 $0x19000;
	s24 =	sadd.s32 s6, s7;
	[dreg:$0x4] =	wrdreg s22  }
0x1c: {  	s20 =	simm.s32 $0x3;
	s4 =	sadd.s32 s4, s5;
	[dreg:$0x19] =	wrdreg s24  }
0x1d: {  	s19 =	sshll.u32 s12, $0x6;
	s6 =	simm.s32 $0x14900;
	[dreg:$0x5] =	wrdreg s4  }
0x1e: {  	s2 =	simm.s32 $0x14700;
	s7 =	simm.s32 $0x14080;
	[dreg:$0x7] =	wrdreg s6  }
0x1f: {  	s5 =	sadd.s32 s26, s3;
	s0 =	sadd.s32 $0x3E000, s0;
	[dreg:$0x8] =	wrdreg s7  }
0x20: {  	s9 =	sor.u32 $0x1C05, s19;
	s26 =	simm.s32 $0x14D00;
	[dreg:$0x1b] =	wrdreg s0  }
0x21: {  	s19 =	simm.s32 $0x2;
	s21 =	simm.s32 $0x14300;
	[dreg:$0x17] =	wrdreg s26  }
0x22: {  	s12 =	sshrl.u32 s5, $0x3;
	s22 =	simm.s32 $0x14C00;
	[dreg:$0x1d] =	wrdreg s9  }
0x23: {  	s24 =	simm.s32 $0x14C80;
	s26 =	simm.s32 $0x14580;
	[dreg:$0x12] =	wrdreg s21  }
0x24: {  	s0 =	simm.s32 $0x14F80;
	s4 =	simm.s32 $0x14780;
	[dreg:$0x13] =	wrdreg s22  }
0x25: {  	s5 =	simm.s32 $0x0;
	[dreg:$0x15] =	wrdreg s24;
	s21 =	simm.s32 $0x4  }
0x26: {  	s22 =	simm.s32 $0x14480;
	s24 =	simm.s32 $0x14500;
	[dreg:$0x1e] =	wrdreg s12  }
.LBB2_1:
0x27: {  	s6 =	simm.s32 $0x0;
	s7 =	rddreg [dreg:$0x18]  }
0x28: {  	[tilespmem:s10], [sflag:$0x5] =	stream.linear.gather [hbm4b:s7+s6], $0x800, $0x38;
	[tilespmem:$0x1D000] =	vst v63  }
0x29: {  	_ =	swait.ge [sflag:s11], $0x800  }
0x2a: {  	[sflag:s11] =	ssyncset.done $0x0  }
0x2b: {  	s8 =	simm.s32 $0x14800;
	s16 =	rddreg [dreg:$0x19];
	[sflag:s11] =	ssyncadd.s32 $0xFFFFF800  }
0x2c: {  	[tilespmem:s8], [sflag:$0x5] =	stream.linear.gather [hbm4b:s16+s6], $0x800, $0x38;
	[tilespmem:$0x1D000] =	vst v63  }
0x2d: {  	_ =	swait.ge [sflag:s11], $0x800  }
0x2e: {  	[sflag:s11] =	ssyncset.done $0x0  }
0x2f: {  	s15 =	rddreg [dreg:$0x1a];
	[sflag:s11] =	ssyncadd.s32 $0xFFFFF800  }
0x30: {  	[tilespmem:s14], [sflag:$0x1] =	stream.indirect.gather [hbm4b:s1+s13], $0x80, s8, s13, $0xb8;
	[tilespmem:$0x1D000] =	vst v63  }
0x31: {  	[spmem:s12], [sflag:s9] =	dma.local [hbm:s15], $0x2800  }
0x32: {  	_ =	swait.ge [sflag:s11], $0x2800  }
0x33: {  	[sflag:s11] =	ssyncset.done $0x0  }
0x34: {  	[sflag:s11] =	ssyncadd.s32 $0xFFFFD800  }
0x35: {  	p0 =	por $0x1, $0x1;
	[bflag:$0x0] =	sbarrier.arrive $0xFFFF  }
0x36: {  	s7 =	simm.s32 @!p0 $0x0;
	s6 =	rddreg [dreg:$0x5]  }
0x37: {  	s8 =	simm.s32 @!p0 $0x14000;
	s12 =	simm.s32 @!p0 $0x5;
	s6 =	sadd.s32 @!p0 $0x0, s6  }
0x38: {  	[tilespmem:s8], [sflag:$0x5] =	stream.linear.gather @!p0 [hbm4b:s6+s7], $0x800, $0x38;
	[tilespmem:$0x1D000] =	vst v63  }
0x39: {  	_ =	swait.ge @!p0 [sflag:s12], $0x800  }
0x3a: {  	s6 =	rddreg [dreg:$0x4];
	[sflag:s12] =	ssyncset.done @!p0 $0x0  }
0x3b: {  	s8 =	simm.s32 @!p0 $0x14800;
	[sflag:s12] =	ssyncadd.s32 @!p0 $0xFFFFF800;
	s6 =	sadd.s32 @!p0 $0x0, s6  }
0x3c: {  	[tilespmem:s8], [sflag:$0x5] =	stream.linear.gather @!p0 [hbm4b:s6+s7], $0x800, $0x38;
	[tilespmem:$0x1D000] =	vst v63  }
0x3d: {  	_ =	swait.ge @!p0 [sflag:s12], $0x800  }
0x3e: {  	[sflag:s12] =	ssyncset.done @!p0 $0x0  }
0x3f: {  	s6 =	simm.s32 @!p0 $0x7D;
	s7 =	simm.s32 @!p0 $0x15000;
	[sflag:s12] =	ssyncadd.s32 @!p0 $0xFFFFF800  }
0x40: {  	[tilespmem:s7], [sflag:$0x1] =	stream.indirect.gather @!p0 [hbm4b:s1+s6], $0x80, s8, s6, $0xb8;
	[tilespmem:$0x1D000] =	vst v63  }
0x41: {  	_ =	swait.ge [sflag:s17], $0x3E80  }
0x42: {  	[sflag:s17] =	ssyncset.done $0x0  }
0x43: {  	s16 =	rddreg [dreg:$0x6];
	[sflag:s17] =	ssyncadd.s32 $0xFFFFC180  }
0x44: {  	[tilespmem:s18], [sflag:$0x2] =	stream.indirect.gather [hbm4b:s1+s13], $0x80, s16, s13, $0xb8;
	[tilespmem:$0x1D000] =	vst v63  }
0x45: {  	_ = 	snop  }
0x46: {  	[spmem:s3] =	stream.indirect.scatter.add.f32 [tilespmem:s14], [sflag:$0x3], $0x80, s10, s13, $0xb8;
	[tilespmem:$0x1D000] =	vst v63  }
0x47: {  	_ =	swait.ge [sflag:s19], $0x3E80  }
0x48: {  	[sflag:s19] =	ssyncset.done $0x0  }
0x49: {  	[sflag:s19] =	ssyncadd.s32 $0xFFFFC180  }
0x4a: {  	_ =	swait.ge [sflag:s20], $0x3E80  }
0x4b: {  	[sflag:s20] =	ssyncset.done $0x0  }
0x4c: {  	s7 =	rddreg [dreg:$0x7];
	[sflag:s20] =	ssyncadd.s32 $0xFFFFC180  }
0x4d: {  	[tilespmem:s14], [sflag:$0x1] =	stream.indirect.gather [hbm4b:s1+s13], $0x80, s7, s13, $0xb8;
	[tilespmem:$0x1D000] =	vst v63  }
0x4e: {  	s8 =	rddreg [dreg:$0x8]  }
0x4f: {  	[spmem:s3] =	stream.indirect.scatter.add.f32 [tilespmem:s18], [sflag:$0x4], $0x80, s8, s13, $0xb8;
	[tilespmem:$0x1D000] =	vst v63  }
0x50: {  	_ =	swait.ge [sflag:s17], $0x3E80  }
0x51: {  	[sflag:s17] =	ssyncset.done $0x0  }
0x52: {  	[sflag:s17] =	ssyncadd.s32 $0xFFFFC180  }
0x53: {  	_ =	swait.ge [sflag:s21], $0x3E80  }
0x54: {  	[sflag:s21] =	ssyncset.done $0x0  }
0x55: {  	s9 =	rddreg [dreg:$0x9];
	[sflag:s21] =	ssyncadd.s32 $0xFFFFC180  }
0x56: {  	[tilespmem:s18], [sflag:$0x2] =	stream.indirect.gather [hbm4b:s1+s13], $0x80, s9, s13, $0xb8;
	[tilespmem:$0x1D000] =	vst v63  }
0x57: {  	s12 =	rddreg [dreg:$0xa]  }
0x58: {  	[spmem:s3] =	stream.indirect.scatter.add.f32 [tilespmem:s14], [sflag:$0x3], $0x80, s12, s13, $0xb8;
	[tilespmem:$0x1D000] =	vst v63  }
0x59: {  	_ =	swait.ge [sflag:s19], $0x3E80  }
0x5a: {  	[sflag:s19] =	ssyncset.done $0x0  }
0x5b: {  	[sflag:s19] =	ssyncadd.s32 $0xFFFFC180  }
0x5c: {  	_ =	swait.ge [sflag:s20], $0x3E80  }
0x5d: {  	[sflag:s20] =	ssyncset.done $0x0  }
0x5e: {  	s15 =	rddreg [dreg:$0xb];
	[sflag:s20] =	ssyncadd.s32 $0xFFFFC180  }
0x5f: {  	[tilespmem:s14], [sflag:$0x1] =	stream.indirect.gather [hbm4b:s1+s13], $0x80, s15, s13, $0xb8;
	[tilespmem:$0x1D000] =	vst v63  }
0x60: {  	s16 =	rddreg [dreg:$0xc]  }
0x61: {  	[spmem:s3] =	stream.indirect.scatter.add.f32 [tilespmem:s18], [sflag:$0x4], $0x80, s16, s13, $0xb8;
	[tilespmem:$0x1D000] =	vst v63  }
0x62: {  	_ =	swait.ge [sflag:s17], $0x3E80  }
0x63: {  	[sflag:s17] =	ssyncset.done $0x0  }
0x64: {  	[sflag:s17] =	ssyncadd.s32 $0xFFFFC180  }
0x65: {  	_ =	swait.ge [sflag:s21], $0x3E80  }
0x66: {  	[sflag:s21] =	ssyncset.done $0x0  }
0x67: {  	s7 =	rddreg [dreg:$0xd];
	[sflag:s21] =	ssyncadd.s32 $0xFFFFC180  }
0x68: {  	[tilespmem:s18], [sflag:$0x2] =	stream.indirect.gather [hbm4b:s1+s13], $0x80, s7, s13, $0xb8;
	[tilespmem:$0x1D000] =	vst v63  }
0x69: {  	s8 =	rddreg [dreg:$0xe]  }
0x6a: {  	[spmem:s3] =	stream.indirect.scatter.add.f32 [tilespmem:s14], [sflag:$0x3], $0x80, s8, s13, $0xb8;
	[tilespmem:$0x1D000] =	vst v63  }
0x6b: {  	_ =	swait.ge [sflag:s19], $0x3E80  }
0x6c: {  	[sflag:s19] =	ssyncset.done $0x0  }
0x6d: {  	[sflag:s19] =	ssyncadd.s32 $0xFFFFC180  }
0x6e: {  	_ =	swait.ge [sflag:s20], $0x3E80  }
0x6f: {  	[sflag:s20] =	ssyncset.done $0x0  }
0x70: {  	s9 =	rddreg [dreg:$0xf];
	[sflag:s20] =	ssyncadd.s32 $0xFFFFC180  }
0x71: {  	[tilespmem:s14], [sflag:$0x1] =	stream.indirect.gather [hbm4b:s1+s13], $0x80, s9, s13, $0xb8;
	[tilespmem:$0x1D000] =	vst v63  }
0x72: {  	s12 =	rddreg [dreg:$0x10]  }
0x73: {  	[spmem:s3] =	stream.indirect.scatter.add.f32 [tilespmem:s18], [sflag:$0x4], $0x80, s12, s13, $0xb8;
	[tilespmem:$0x1D000] =	vst v63  }
0x74: {  	_ =	swait.ge [sflag:s17], $0x3E80  }
0x75: {  	[sflag:s17] =	ssyncset.done $0x0  }
0x76: {  	[sflag:s17] =	ssyncadd.s32 $0xFFFFC180  }
0x77: {  	_ =	swait.ge [sflag:s21], $0x3E80  }
0x78: {  	[sflag:s21] =	ssyncset.done $0x0  }
0x79: {  	s15 =	rddreg [dreg:$0x11];
	[sflag:s21] =	ssyncadd.s32 $0xFFFFC180  }
0x7a: {  	[tilespmem:s18], [sflag:$0x2] =	stream.indirect.gather [hbm4b:s1+s13], $0x80, s15, s13, $0xb8;
	[tilespmem:$0x1D000] =	vst v63  }
0x7b: {  	s16 =	rddreg [dreg:$0x12]  }
0x7c: {  	[spmem:s3] =	stream.indirect.scatter.add.f32 [tilespmem:s14], [sflag:$0x3], $0x80, s16, s13, $0xb8;
	[tilespmem:$0x1D000] =	vst v63  }
0x7d: {  	_ =	swait.ge [sflag:s19], $0x3E80  }
0x7e: {  	[sflag:s19] =	ssyncset.done $0x0  }
0x7f: {  	[sflag:s19] =	ssyncadd.s32 $0xFFFFC180  }
0x80: {  	_ =	swait.ge [sflag:s20], $0x3E80  }
0x81: {  	[sflag:s20] =	ssyncset.done $0x0  }
0x82: {  	s8 =	rddreg [dreg:$0x13];
	[sflag:s20] =	ssyncadd.s32 $0xFFFFC180  }
0x83: {  	[tilespmem:s14], [sflag:$0x1] =	stream.indirect.gather [hbm4b:s1+s13], $0x80, s8, s13, $0xb8;
	[tilespmem:$0x1D000] =	vst v63  }
0x84: {  	s9 =	rddreg [dreg:$0x14]  }
0x85: {  	[spmem:s3] =	stream.indirect.scatter.add.f32 [tilespmem:s18], [sflag:$0x4], $0x80, s9, s13, $0xb8;
	[tilespmem:$0x1D000] =	vst v63  }
0x86: {  	_ =	swait.ge [sflag:s17], $0x3E80  }
0x87: {  	[sflag:s17] =	ssyncset.done $0x0  }
0x88: {  	[sflag:s17] =	ssyncadd.s32 $0xFFFFC180  }
0x89: {  	_ =	swait.ge [sflag:s21], $0x3E80  }
0x8a: {  	[sflag:s21] =	ssyncset.done $0x0  }
0x8b: {  	s12 =	rddreg [dreg:$0x15];
	[sflag:s21] =	ssyncadd.s32 $0xFFFFC180  }
0x8c: {  	[tilespmem:s18], [sflag:$0x2] =	stream.indirect.gather [hbm4b:s1+s13], $0x80, s12, s13, $0xb8;
	[tilespmem:$0x1D000] =	vst v63  }
0x8d: {  	s15 =	rddreg [dreg:$0x16]  }
0x8e: {  	[spmem:s3] =	stream.indirect.scatter.add.f32 [tilespmem:s14], [sflag:$0x3], $0x80, s15, s13, $0xb8;
	[tilespmem:$0x1D000] =	vst v63  }
0x8f: {  	_ =	swait.ge [sflag:s19], $0x3E80  }
0x90: {  	[sflag:s19] =	ssyncset.done $0x0  }
0x91: {  	[sflag:s19] =	ssyncadd.s32 $0xFFFFC180  }
0x92: {  	_ =	swait.ge [sflag:s20], $0x3E80  }
0x93: {  	[sflag:s20] =	ssyncset.done $0x0  }
0x94: {  	s16 =	rddreg [dreg:$0x17];
	[sflag:s20] =	ssyncadd.s32 $0xFFFFC180  }
0x95: {  	[tilespmem:s14], [sflag:$0x1] =	stream.indirect.gather [hbm4b:s1+s13], $0x80, s16, s13, $0xb8;
	[tilespmem:$0x1D000] =	vst v63  }
0x96: {  	_ = 	snop  }
0x97: {  	[spmem:s3] =	stream.indirect.scatter.add.f32 [tilespmem:s18], [sflag:$0x4], $0x80, s22, s13, $0xb8;
	[tilespmem:$0x1D000] =	vst v63  }
0x98: {  	_ =	swait.ge [sflag:s17], $0x3E80  }
0x99: {  	[sflag:s17] =	ssyncset.done $0x0  }
0x9a: {  	[sflag:s17] =	ssyncadd.s32 $0xFFFFC180  }
0x9b: {  	_ =	swait.ge [sflag:s21], $0x3E80  }
0x9c: {  	[sflag:s21] =	ssyncset.done $0x0  }
0x9d: {  	[sflag:s21] =	ssyncadd.s32 $0xFFFFC180  }
0x9e: {  	[tilespmem:s18], [sflag:$0x2] =	stream.indirect.gather [hbm4b:s1+s13], $0x80, s23, s13, $0xb8;
	[tilespmem:$0x1D000] =	vst v63  }
0x9f: {  	_ = 	snop  }
0xa0: {  	[spmem:s3] =	stream.indirect.scatter.add.f32 [tilespmem:s14], [sflag:$0x3], $0x80, s24, s13, $0xb8;
	[tilespmem:$0x1D000] =	vst v63  }
0xa1: {  	_ =	swait.ge [sflag:s19], $0x3E80  }
0xa2: {  	[sflag:s19] =	ssyncset.done $0x0  }
0xa3: {  	[sflag:s19] =	ssyncadd.s32 $0xFFFFC180  }
0xa4: {  	_ =	swait.ge [sflag:s20], $0x3E80  }
0xa5: {  	[sflag:s20] =	ssyncset.done $0x0  }
0xa6: {  	[sflag:s20] =	ssyncadd.s32 $0xFFFFC180  }
0xa7: {  	[tilespmem:s14], [sflag:$0x1] =	stream.indirect.gather [hbm4b:s1+s13], $0x80, s25, s13, $0xb8;
	[tilespmem:$0x1D000] =	vst v63  }
0xa8: {  	_ = 	snop  }
0xa9: {  	[spmem:s3] =	stream.indirect.scatter.add.f32 [tilespmem:s18], [sflag:$0x4], $0x80, s26, s13, $0xb8;
	[tilespmem:$0x1D000] =	vst v63  }
0xaa: {  	_ =	swait.ge [sflag:s17], $0x3E80  }
0xab: {  	[sflag:s17] =	ssyncset.done $0x0  }
0xac: {  	[sflag:s17] =	ssyncadd.s32 $0xFFFFC180  }
0xad: {  	_ =	swait.ge [sflag:s21], $0x3E80  }
0xae: {  	[sflag:s21] =	ssyncset.done $0x0  }
0xaf: {  	[sflag:s21] =	ssyncadd.s32 $0xFFFFC180  }
0xb0: {  	[tilespmem:s18], [sflag:$0x2] =	stream.indirect.gather [hbm4b:s1+s13], $0x80, s28, s13, $0xb8;
	[tilespmem:$0x1D000] =	vst v63  }
0xb1: {  	_ = 	snop  }
0xb2: {  	[spmem:s3] =	stream.indirect.scatter.add.f32 [tilespmem:s14], [sflag:$0x3], $0x80, s29, s13, $0xb8;
	[tilespmem:$0x1D000] =	vst v63  }
0xb3: {  	_ =	swait.ge [sflag:s19], $0x3E80  }
0xb4: {  	[sflag:s19] =	ssyncset.done $0x0  }
0xb5: {  	[sflag:s19] =	ssyncadd.s32 $0xFFFFC180  }
0xb6: {  	_ =	swait.ge [sflag:s20], $0x3E80  }
0xb7: {  	[sflag:s20] =	ssyncset.done $0x0  }
0xb8: {  	[sflag:s20] =	ssyncadd.s32 $0xFFFFC180  }
0xb9: {  	[tilespmem:s14], [sflag:$0x1] =	stream.indirect.gather [hbm4b:s1+s13], $0x80, s30, s13, $0xb8;
	[tilespmem:$0x1D000] =	vst v63  }
0xba: {  	_ = 	snop  }
0xbb: {  	[spmem:s3] =	stream.indirect.scatter.add.f32 [tilespmem:s18], [sflag:$0x4], $0x80, s31, s13, $0xb8;
	[tilespmem:$0x1D000] =	vst v63  }
0xbc: {  	_ =	swait.ge [sflag:s17], $0x3E80  }
0xbd: {  	[sflag:s17] =	ssyncset.done $0x0  }
0xbe: {  	[sflag:s17] =	ssyncadd.s32 $0xFFFFC180  }
0xbf: {  	_ =	swait.ge [sflag:s21], $0x3E80  }
0xc0: {  	[sflag:s21] =	ssyncset.done $0x0  }
0xc1: {  	[sflag:s21] =	ssyncadd.s32 $0xFFFFC180  }
0xc2: {  	[tilespmem:s18], [sflag:$0x2] =	stream.indirect.gather [hbm4b:s1+s13], $0x80, s0, s13, $0xb8;
	[tilespmem:$0x1D000] =	vst v63  }
0xc3: {  	_ = 	snop  }
0xc4: {  	[spmem:s3] =	stream.indirect.scatter.add.f32 [tilespmem:s14], [sflag:$0x3], $0x80, s2, s13, $0xb8;
	[tilespmem:$0x1D000] =	vst v63  }
0xc5: {  	_ =	swait.ge [sflag:s19], $0x3E80  }
0xc6: {  	[sflag:s19] =	ssyncset.done $0x0  }
0xc7: {  	[sflag:s19] =	ssyncadd.s32 $0xFFFFC180  }
0xc8: {  	_ =	swait.ge [sflag:s20], $0x3E80  }
0xc9: {  	[sflag:s20] =	ssyncset.done $0x0  }
0xca: {  	[sflag:s20] =	ssyncadd.s32 $0xFFFFC180  }
0xcb: {  	[spmem:s3] =	stream.indirect.scatter.add.f32 [tilespmem:s18], [sflag:$0x4], $0x80, s4, s13, $0xb8;
	[tilespmem:$0x1D000] =	vst v63  }
0xcc: {  	s6 =	simm.s32 $0x100;
	s7 =	simm.s32 $0x200;
	_ =	swait.ge [sflag:s21], $0x3E80  }
.LBB2_2:
0xcd: {  	[sflag:s21] =	ssyncset.done $0x0;
	p1 =	seq.s32 s6, $0x0  }
0xce: {  	s8 =	rddreg [dreg:$0x5];
	[sflag:s21] =	ssyncadd.s32 $0xFFFFC180;
	s9 =	simm.s32 @!p1 $0x0  }
0xcf: {  	s15 =	simm.s32 @!p1 $0x14000;
	s8 =	sadd.s32 @!p1 s6, s8;
	s16 =	simm.s32 @!p1 $0x5  }
0xd0: {  	[tilespmem:s15], [sflag:$0x5] =	stream.linear.gather @!p1 [hbm4b:s8+s9], $0x800, $0x38;
	[tilespmem:$0x1D000] =	vst v63  }
0xd1: {  	_ =	swait.ge @!p1 [sflag:s16], $0x800  }
0xd2: {  	[sflag:s16] =	ssyncset.done @!p1 $0x0;
	s8 =	rddreg [dreg:$0x4]  }
0xd3: {  	s15 =	simm.s32 @!p1 $0x14800;
	[sflag:s16] =	ssyncadd.s32 @!p1 $0xFFFFF800;
	s8 =	sadd.s32 @!p1 s6, s8  }
0xd4: {  	[tilespmem:s15], [sflag:$0x5] =	stream.linear.gather @!p1 [hbm4b:s8+s9], $0x800, $0x38;
	[tilespmem:$0x1D000] =	vst v63  }
0xd5: {  	_ =	swait.ge @!p1 [sflag:s16], $0x800  }
0xd6: {  	[sflag:s16] =	ssyncset.done @!p1 $0x0  }
0xd7: {  	s8 =	simm.s32 @!p1 $0x7D;
	s9 =	simm.s32 @!p1 $0x15000;
	[sflag:s16] =	ssyncadd.s32 @!p1 $0xFFFFF800  }
0xd8: {  	[tilespmem:s9], [sflag:$0x1] =	stream.indirect.gather @!p1 [hbm4b:s1+s8], $0x80, s15, s8, $0xb8;
	[tilespmem:$0x1D000] =	vst v63  }
0xd9: {  	_ =	swait.ge [sflag:s17], $0x3E80  }
0xda: {  	s12 =	smov.u32 s7;
	[sflag:s17] =	ssyncset.done $0x0  }
0xdb: {  	s6 =	smov.u32 s12;
	s12 =	rddreg [dreg:$0x6];
	[sflag:s17] =	ssyncadd.s32 $0xFFFFC180  }
0xdc: {  	[tilespmem:s18], [sflag:$0x2] =	stream.indirect.gather [hbm4b:s1+s13], $0x80, s12, s13, $0xb8;
	[tilespmem:$0x1D000] =	vst v63  }
0xdd: {  	_ = 	snop  }
0xde: {  	[spmem:s3] =	stream.indirect.scatter.add.f32 [tilespmem:s14], [sflag:$0x3], $0x80, s10, s13, $0xb8;
	[tilespmem:$0x1D000] =	vst v63  }
0xdf: {  	_ =	swait.ge [sflag:s19], $0x3E80  }
0xe0: {  	[sflag:s19] =	ssyncset.done $0x0  }
0xe1: {  	[sflag:s19] =	ssyncadd.s32 $0xFFFFC180  }
0xe2: {  	_ =	swait.ge [sflag:s20], $0x3E80  }
0xe3: {  	[sflag:s20] =	ssyncset.done $0x0  }
0xe4: {  	s15 =	rddreg [dreg:$0x7];
	[sflag:s20] =	ssyncadd.s32 $0xFFFFC180  }
0xe5: {  	[tilespmem:s14], [sflag:$0x1] =	stream.indirect.gather [hbm4b:s1+s13], $0x80, s15, s13, $0xb8;
	[tilespmem:$0x1D000] =	vst v63  }
0xe6: {  	s16 =	rddreg [dreg:$0x8]  }
0xe7: {  	[spmem:s3] =	stream.indirect.scatter.add.f32 [tilespmem:s18], [sflag:$0x4], $0x80, s16, s13, $0xb8;
	[tilespmem:$0x1D000] =	vst v63  }
0xe8: {  	_ =	swait.ge [sflag:s17], $0x3E80  }
0xe9: {  	[sflag:s17] =	ssyncset.done $0x0  }
0xea: {  	[sflag:s17] =	ssyncadd.s32 $0xFFFFC180  }
0xeb: {  	_ =	swait.ge [sflag:s21], $0x3E80  }
0xec: {  	[sflag:s21] =	ssyncset.done $0x0  }
0xed: {  	s9 =	rddreg [dreg:$0x9];
	[sflag:s21] =	ssyncadd.s32 $0xFFFFC180  }
0xee: {  	[tilespmem:s18], [sflag:$0x2] =	stream.indirect.gather [hbm4b:s1+s13], $0x80, s9, s13, $0xb8;
	[tilespmem:$0x1D000] =	vst v63  }
0xef: {  	s12 =	rddreg [dreg:$0xa]  }
0xf0: {  	[spmem:s3] =	stream.indirect.scatter.add.f32 [tilespmem:s14], [sflag:$0x3], $0x80, s12, s13, $0xb8;
	[tilespmem:$0x1D000] =	vst v63  }
0xf1: {  	_ =	swait.ge [sflag:s19], $0x3E80  }
0xf2: {  	[sflag:s19] =	ssyncset.done $0x0  }
0xf3: {  	[sflag:s19] =	ssyncadd.s32 $0xFFFFC180  }
0xf4: {  	_ =	swait.ge [sflag:s20], $0x3E80  }
0xf5: {  	[sflag:s20] =	ssyncset.done $0x0  }
0xf6: {  	s15 =	rddreg [dreg:$0xb];
	[sflag:s20] =	ssyncadd.s32 $0xFFFFC180  }
0xf7: {  	[tilespmem:s14], [sflag:$0x1] =	stream.indirect.gather [hbm4b:s1+s13], $0x80, s15, s13, $0xb8;
	[tilespmem:$0x1D000] =	vst v63  }
0xf8: {  	s16 =	rddreg [dreg:$0xc]  }
0xf9: {  	[spmem:s3] =	stream.indirect.scatter.add.f32 [tilespmem:s18], [sflag:$0x4], $0x80, s16, s13, $0xb8;
	[tilespmem:$0x1D000] =	vst v63  }
0xfa: {  	_ =	swait.ge [sflag:s17], $0x3E80  }
0xfb: {  	[sflag:s17] =	ssyncset.done $0x0  }
0xfc: {  	[sflag:s17] =	ssyncadd.s32 $0xFFFFC180  }
0xfd: {  	_ =	swait.ge [sflag:s21], $0x3E80  }
0xfe: {  	[sflag:s21] =	ssyncset.done $0x0  }
0xff: {  	s9 =	rddreg [dreg:$0xd];
	[sflag:s21] =	ssyncadd.s32 $0xFFFFC180  }
0x100: {  	[tilespmem:s18], [sflag:$0x2] =	stream.indirect.gather [hbm4b:s1+s13], $0x80, s9, s13, $0xb8;
	[tilespmem:$0x1D000] =	vst v63  }
0x101: {  	s12 =	rddreg [dreg:$0xe]  }
0x102: {  	[spmem:s3] =	stream.indirect.scatter.add.f32 [tilespmem:s14], [sflag:$0x3], $0x80, s12, s13, $0xb8;
	[tilespmem:$0x1D000] =	vst v63  }
0x103: {  	_ =	swait.ge [sflag:s19], $0x3E80  }
0x104: {  	[sflag:s19] =	ssyncset.done $0x0  }
0x105: {  	[sflag:s19] =	ssyncadd.s32 $0xFFFFC180  }
0x106: {  	_ =	swait.ge [sflag:s20], $0x3E80  }
0x107: {  	[sflag:s20] =	ssyncset.done $0x0  }
0x108: {  	s15 =	rddreg [dreg:$0xf];
	[sflag:s20] =	ssyncadd.s32 $0xFFFFC180  }
0x109: {  	[tilespmem:s14], [sflag:$0x1] =	stream.indirect.gather [hbm4b:s1+s13], $0x80, s15, s13, $0xb8;
	[tilespmem:$0x1D000] =	vst v63  }
0x10a: {  	s16 =	rddreg [dreg:$0x10]  }
0x10b: {  	[spmem:s3] =	stream.indirect.scatter.add.f32 [tilespmem:s18], [sflag:$0x4], $0x80, s16, s13, $0xb8;
	[tilespmem:$0x1D000] =	vst v63  }
0x10c: {  	_ =	swait.ge [sflag:s17], $0x3E80  }
0x10d: {  	[sflag:s17] =	ssyncset.done $0x0  }
0x10e: {  	[sflag:s17] =	ssyncadd.s32 $0xFFFFC180  }
0x10f: {  	_ =	swait.ge [sflag:s21], $0x3E80  }
0x110: {  	[sflag:s21] =	ssyncset.done $0x0  }
0x111: {  	s9 =	rddreg [dreg:$0x11];
	[sflag:s21] =	ssyncadd.s32 $0xFFFFC180  }
0x112: {  	[tilespmem:s18], [sflag:$0x2] =	stream.indirect.gather [hbm4b:s1+s13], $0x80, s9, s13, $0xb8;
	[tilespmem:$0x1D000] =	vst v63  }
0x113: {  	s12 =	rddreg [dreg:$0x12]  }
0x114: {  	[spmem:s3] =	stream.indirect.scatter.add.f32 [tilespmem:s14], [sflag:$0x3], $0x80, s12, s13, $0xb8;
	[tilespmem:$0x1D000] =	vst v63  }
0x115: {  	_ =	swait.ge [sflag:s19], $0x3E80  }
0x116: {  	[sflag:s19] =	ssyncset.done $0x0  }
0x117: {  	[sflag:s19] =	ssyncadd.s32 $0xFFFFC180  }
0x118: {  	_ =	swait.ge [sflag:s20], $0x3E80  }
0x119: {  	[sflag:s20] =	ssyncset.done $0x0  }
0x11a: {  	s15 =	rddreg [dreg:$0x13];
	[sflag:s20] =	ssyncadd.s32 $0xFFFFC180  }
0x11b: {  	[tilespmem:s14], [sflag:$0x1] =	stream.indirect.gather [hbm4b:s1+s13], $0x80, s15, s13, $0xb8;
	[tilespmem:$0x1D000] =	vst v63  }
0x11c: {  	s16 =	rddreg [dreg:$0x14]  }
0x11d: {  	[spmem:s3] =	stream.indirect.scatter.add.f32 [tilespmem:s18], [sflag:$0x4], $0x80, s16, s13, $0xb8;
	[tilespmem:$0x1D000] =	vst v63  }
0x11e: {  	_ =	swait.ge [sflag:s17], $0x3E80  }
0x11f: {  	[sflag:s17] =	ssyncset.done $0x0  }
0x120: {  	[sflag:s17] =	ssyncadd.s32 $0xFFFFC180  }
0x121: {  	_ =	swait.ge [sflag:s21], $0x3E80  }
0x122: {  	[sflag:s21] =	ssyncset.done $0x0  }
0x123: {  	s12 =	rddreg [dreg:$0x15];
	[sflag:s21] =	ssyncadd.s32 $0xFFFFC180  }
0x124: {  	[tilespmem:s18], [sflag:$0x2] =	stream.indirect.gather [hbm4b:s1+s13], $0x80, s12, s13, $0xb8;
	[tilespmem:$0x1D000] =	vst v63  }
0x125: {  	s15 =	rddreg [dreg:$0x16]  }
0x126: {  	[spmem:s3] =	stream.indirect.scatter.add.f32 [tilespmem:s14], [sflag:$0x3], $0x80, s15, s13, $0xb8;
	[tilespmem:$0x1D000] =	vst v63  }
0x127: {  	_ =	swait.ge [sflag:s19], $0x3E80  }
0x128: {  	[sflag:s19] =	ssyncset.done $0x0  }
0x129: {  	[sflag:s19] =	ssyncadd.s32 $0xFFFFC180  }
0x12a: {  	_ =	swait.ge [sflag:s20], $0x3E80  }
0x12b: {  	[sflag:s20] =	ssyncset.done $0x0  }
0x12c: {  	s16 =	rddreg [dreg:$0x17];
	[sflag:s20] =	ssyncadd.s32 $0xFFFFC180  }
0x12d: {  	[tilespmem:s14], [sflag:$0x1] =	stream.indirect.gather [hbm4b:s1+s13], $0x80, s16, s13, $0xb8;
	[tilespmem:$0x1D000] =	vst v63  }
0x12e: {  	_ = 	snop  }
0x12f: {  	[spmem:s3] =	stream.indirect.scatter.add.f32 [tilespmem:s18], [sflag:$0x4], $0x80, s22, s13, $0xb8;
	[tilespmem:$0x1D000] =	vst v63  }
0x130: {  	_ =	swait.ge [sflag:s17], $0x3E80  }
0x131: {  	[sflag:s17] =	ssyncset.done $0x0  }
0x132: {  	[sflag:s17] =	ssyncadd.s32 $0xFFFFC180  }
0x133: {  	_ =	swait.ge [sflag:s21], $0x3E80  }
0x134: {  	[sflag:s21] =	ssyncset.done $0x0  }
0x135: {  	[sflag:s21] =	ssyncadd.s32 $0xFFFFC180  }
0x136: {  	[tilespmem:s18], [sflag:$0x2] =	stream.indirect.gather [hbm4b:s1+s13], $0x80, s23, s13, $0xb8;
	[tilespmem:$0x1D000] =	vst v63  }
0x137: {  	_ = 	snop  }
0x138: {  	[spmem:s3] =	stream.indirect.scatter.add.f32 [tilespmem:s14], [sflag:$0x3], $0x80, s24, s13, $0xb8;
	[tilespmem:$0x1D000] =	vst v63  }
0x139: {  	_ =	swait.ge [sflag:s19], $0x3E80  }
0x13a: {  	[sflag:s19] =	ssyncset.done $0x0  }
0x13b: {  	[sflag:s19] =	ssyncadd.s32 $0xFFFFC180  }
0x13c: {  	_ =	swait.ge [sflag:s20], $0x3E80  }
0x13d: {  	[sflag:s20] =	ssyncset.done $0x0  }
0x13e: {  	[sflag:s20] =	ssyncadd.s32 $0xFFFFC180  }
0x13f: {  	[tilespmem:s14], [sflag:$0x1] =	stream.indirect.gather [hbm4b:s1+s13], $0x80, s25, s13, $0xb8;
	[tilespmem:$0x1D000] =	vst v63  }
0x140: {  	_ = 	snop  }
0x141: {  	[spmem:s3] =	stream.indirect.scatter.add.f32 [tilespmem:s18], [sflag:$0x4], $0x80, s26, s13, $0xb8;
	[tilespmem:$0x1D000] =	vst v63  }
0x142: {  	_ =	swait.ge [sflag:s17], $0x3E80  }
0x143: {  	[sflag:s17] =	ssyncset.done $0x0  }
0x144: {  	[sflag:s17] =	ssyncadd.s32 $0xFFFFC180  }
0x145: {  	_ =	swait.ge [sflag:s21], $0x3E80  }
0x146: {  	[sflag:s21] =	ssyncset.done $0x0  }
0x147: {  	[sflag:s21] =	ssyncadd.s32 $0xFFFFC180  }
0x148: {  	[tilespmem:s18], [sflag:$0x2] =	stream.indirect.gather [hbm4b:s1+s13], $0x80, s28, s13, $0xb8;
	[tilespmem:$0x1D000] =	vst v63  }
0x149: {  	_ = 	snop  }
0x14a: {  	[spmem:s3] =	stream.indirect.scatter.add.f32 [tilespmem:s14], [sflag:$0x3], $0x80, s29, s13, $0xb8;
	[tilespmem:$0x1D000] =	vst v63  }
0x14b: {  	_ =	swait.ge [sflag:s19], $0x3E80  }
0x14c: {  	[sflag:s19] =	ssyncset.done $0x0  }
0x14d: {  	[sflag:s19] =	ssyncadd.s32 $0xFFFFC180  }
0x14e: {  	_ =	swait.ge [sflag:s20], $0x3E80  }
0x14f: {  	[sflag:s20] =	ssyncset.done $0x0  }
0x150: {  	[sflag:s20] =	ssyncadd.s32 $0xFFFFC180  }
0x151: {  	[tilespmem:s14], [sflag:$0x1] =	stream.indirect.gather [hbm4b:s1+s13], $0x80, s30, s13, $0xb8;
	[tilespmem:$0x1D000] =	vst v63  }
0x152: {  	_ = 	snop  }
0x153: {  	[spmem:s3] =	stream.indirect.scatter.add.f32 [tilespmem:s18], [sflag:$0x4], $0x80, s31, s13, $0xb8;
	[tilespmem:$0x1D000] =	vst v63  }
0x154: {  	_ =	swait.ge [sflag:s17], $0x3E80  }
0x155: {  	[sflag:s17] =	ssyncset.done $0x0  }
0x156: {  	[sflag:s17] =	ssyncadd.s32 $0xFFFFC180  }
0x157: {  	_ =	swait.ge [sflag:s21], $0x3E80  }
0x158: {  	[sflag:s21] =	ssyncset.done $0x0  }
0x159: {  	[sflag:s21] =	ssyncadd.s32 $0xFFFFC180  }
0x15a: {  	[tilespmem:s18], [sflag:$0x2] =	stream.indirect.gather [hbm4b:s1+s13], $0x80, s0, s13, $0xb8;
	[tilespmem:$0x1D000] =	vst v63  }
0x15b: {  	_ = 	snop  }
0x15c: {  	[spmem:s3] =	stream.indirect.scatter.add.f32 [tilespmem:s14], [sflag:$0x3], $0x80, s2, s13, $0xb8;
	[tilespmem:$0x1D000] =	vst v63  }
0x15d: {  	_ =	swait.ge [sflag:s19], $0x3E80  }
0x15e: {  	s7 =	sadd.s32 $0x100, s7;
	[sflag:s19] =	ssyncset.done $0x0  }
0x15f: {  	p0 =	sne.s32 s7, $0x500;
	[sflag:s19] =	ssyncadd.s32 $0xFFFFC180  }
.Ltmp0:
0x160: {  	_ =	swait.ge [sflag:s20], $0x3E80;
	(pc) =	sbr.rel @p0 .LBB2_2-.Ltmp0, $4  }
0x161: {  	[sflag:s20] =	ssyncset.done $0x0  }
0x162: {  	[sflag:s20] =	ssyncadd.s32 $0xFFFFC180  }
0x163: {  	[spmem:s3] =	stream.indirect.scatter.add.f32 [tilespmem:s18], [sflag:$0x4], $0x80, s4, s13, $0xb8;
	[tilespmem:$0x1D000] =	vst v63  }
0x164: {  	_ =	swait.ge [sflag:s21], $0x3E80  }
0x165: {  	[sflag:s21] =	ssyncset.done $0x0  }
0x166: {  	s7 =	rddreg [dreg:$0x5];
	p0 =	seq.s32 s6, $0x0;
	[sflag:s21] =	ssyncadd.s32 $0xFFFFC180  }
0x167: {  	s8 =	simm.s32 @!p0 $0x0;
	s9 =	simm.s32 @!p0 $0x14000;
	s7 =	sadd.s32 @!p0 s6, s7  }
0x168: {  	[tilespmem:s9], [sflag:$0x5] =	stream.linear.gather @!p0 [hbm4b:s7+s8], $0x800, $0x38;
	[tilespmem:$0x1D000] =	vst v63  }
0x169: {  	s7 =	simm.s32 @!p0 $0x5  }
0x16a: {  	_ =	swait.ge @!p0 [sflag:s7], $0x800  }
0x16b: {  	s9 =	rddreg [dreg:$0x4];
	[sflag:s7] =	ssyncset.done @!p0 $0x0  }
0x16c: {  	[sflag:s7] =	ssyncadd.s32 @!p0 $0xFFFFF800;
	s6 =	sadd.s32 @!p0 s6, s9;
	s9 =	simm.s32 @!p0 $0x14800  }
0x16d: {  	[tilespmem:s9], [sflag:$0x5] =	stream.linear.gather @!p0 [hbm4b:s6+s8], $0x800, $0x38;
	[tilespmem:$0x1D000] =	vst v63  }
0x16e: {  	_ =	swait.ge @!p0 [sflag:s7], $0x800  }
0x16f: {  	[sflag:s7] =	ssyncset.done @!p0 $0x0  }
0x170: {  	s6 =	simm.s32 @!p0 $0x7D;
	[sflag:s7] =	ssyncadd.s32 @!p0 $0xFFFFF800;
	s7 =	simm.s32 @!p0 $0x15000  }
0x171: {  	[tilespmem:s7], [sflag:$0x1] =	stream.indirect.gather @!p0 [hbm4b:s1+s6], $0x80, s9, s6, $0xb8;
	[tilespmem:$0x1D000] =	vst v63  }
0x172: {  	_ =	swait.ge [sflag:s17], $0x3E80  }
0x173: {  	[sflag:s17] =	ssyncset.done $0x0  }
0x174: {  	s12 =	rddreg [dreg:$0x6];
	[sflag:s17] =	ssyncadd.s32 $0xFFFFC180  }
0x175: {  	[tilespmem:s18], [sflag:$0x2] =	stream.indirect.gather [hbm4b:s1+s13], $0x80, s12, s13, $0xb8;
	[tilespmem:$0x1D000] =	vst v63  }
0x176: {  	_ = 	snop  }
0x177: {  	[spmem:s3] =	stream.indirect.scatter.add.f32 [tilespmem:s14], [sflag:$0x3], $0x80, s10, s13, $0xb8;
	[tilespmem:$0x1D000] =	vst v63  }
0x178: {  	_ =	swait.ge [sflag:s19], $0x3E80  }
0x179: {  	[sflag:s19] =	ssyncset.done $0x0  }
0x17a: {  	[sflag:s19] =	ssyncadd.s32 $0xFFFFC180  }
0x17b: {  	_ =	swait.ge [sflag:s20], $0x3E80  }
0x17c: {  	[sflag:s20] =	ssyncset.done $0x0  }
0x17d: {  	s15 =	rddreg [dreg:$0x7];
	[sflag:s20] =	ssyncadd.s32 $0xFFFFC180  }
0x17e: {  	[tilespmem:s14], [sflag:$0x1] =	stream.indirect.gather [hbm4b:s1+s13], $0x80, s15, s13, $0xb8;
	[tilespmem:$0x1D000] =	vst v63  }
0x17f: {  	s16 =	rddreg [dreg:$0x8]  }
0x180: {  	[spmem:s3] =	stream.indirect.scatter.add.f32 [tilespmem:s18], [sflag:$0x4], $0x80, s16, s13, $0xb8;
	[tilespmem:$0x1D000] =	vst v63  }
0x181: {  	_ =	swait.ge [sflag:s17], $0x3E80  }
0x182: {  	[sflag:s17] =	ssyncset.done $0x0  }
0x183: {  	[sflag:s17] =	ssyncadd.s32 $0xFFFFC180  }
0x184: {  	_ =	swait.ge [sflag:s21], $0x3E80  }
0x185: {  	[sflag:s21] =	ssyncset.done $0x0  }
0x186: {  	s7 =	rddreg [dreg:$0x9];
	[sflag:s21] =	ssyncadd.s32 $0xFFFFC180  }
0x187: {  	[tilespmem:s18], [sflag:$0x2] =	stream.indirect.gather [hbm4b:s1+s13], $0x80, s7, s13, $0xb8;
	[tilespmem:$0x1D000] =	vst v63  }
0x188: {  	s8 =	rddreg [dreg:$0xa]  }
0x189: {  	[spmem:s3] =	stream.indirect.scatter.add.f32 [tilespmem:s14], [sflag:$0x3], $0x80, s8, s13, $0xb8;
	[tilespmem:$0x1D000] =	vst v63  }
0x18a: {  	_ =	swait.ge [sflag:s19], $0x3E80  }
0x18b: {  	[sflag:s19] =	ssyncset.done $0x0  }
0x18c: {  	[sflag:s19] =	ssyncadd.s32 $0xFFFFC180  }
0x18d: {  	_ =	swait.ge [sflag:s20], $0x3E80  }
0x18e: {  	[sflag:s20] =	ssyncset.done $0x0  }
0x18f: {  	s9 =	rddreg [dreg:$0xb];
	[sflag:s20] =	ssyncadd.s32 $0xFFFFC180  }
0x190: {  	[tilespmem:s14], [sflag:$0x1] =	stream.indirect.gather [hbm4b:s1+s13], $0x80, s9, s13, $0xb8;
	[tilespmem:$0x1D000] =	vst v63  }
0x191: {  	s12 =	rddreg [dreg:$0xc]  }
0x192: {  	[spmem:s3] =	stream.indirect.scatter.add.f32 [tilespmem:s18], [sflag:$0x4], $0x80, s12, s13, $0xb8;
	[tilespmem:$0x1D000] =	vst v63  }
0x193: {  	_ =	swait.ge [sflag:s17], $0x3E80  }
0x194: {  	[sflag:s17] =	ssyncset.done $0x0  }
0x195: {  	[sflag:s17] =	ssyncadd.s32 $0xFFFFC180  }
0x196: {  	_ =	swait.ge [sflag:s21], $0x3E80  }
0x197: {  	[sflag:s21] =	ssyncset.done $0x0  }
0x198: {  	s15 =	rddreg [dreg:$0xd];
	[sflag:s21] =	ssyncadd.s32 $0xFFFFC180  }
0x199: {  	[tilespmem:s18], [sflag:$0x2] =	stream.indirect.gather [hbm4b:s1+s13], $0x80, s15, s13, $0xb8;
	[tilespmem:$0x1D000] =	vst v63  }
0x19a: {  	s16 =	rddreg [dreg:$0xe]  }
0x19b: {  	[spmem:s3] =	stream.indirect.scatter.add.f32 [tilespmem:s14], [sflag:$0x3], $0x80, s16, s13, $0xb8;
	[tilespmem:$0x1D000] =	vst v63  }
0x19c: {  	_ =	swait.ge [sflag:s19], $0x3E80  }
0x19d: {  	[sflag:s19] =	ssyncset.done $0x0  }
0x19e: {  	[sflag:s19] =	ssyncadd.s32 $0xFFFFC180  }
0x19f: {  	_ =	swait.ge [sflag:s20], $0x3E80  }
0x1a0: {  	[sflag:s20] =	ssyncset.done $0x0  }
0x1a1: {  	s7 =	rddreg [dreg:$0xf];
	[sflag:s20] =	ssyncadd.s32 $0xFFFFC180  }
0x1a2: {  	[tilespmem:s14], [sflag:$0x1] =	stream.indirect.gather [hbm4b:s1+s13], $0x80, s7, s13, $0xb8;
	[tilespmem:$0x1D000] =	vst v63  }
0x1a3: {  	s8 =	rddreg [dreg:$0x10]  }
0x1a4: {  	[spmem:s3] =	stream.indirect.scatter.add.f32 [tilespmem:s18], [sflag:$0x4], $0x80, s8, s13, $0xb8;
	[tilespmem:$0x1D000] =	vst v63  }
0x1a5: {  	_ =	swait.ge [sflag:s17], $0x3E80  }
0x1a6: {  	[sflag:s17] =	ssyncset.done $0x0  }
0x1a7: {  	[sflag:s17] =	ssyncadd.s32 $0xFFFFC180  }
0x1a8: {  	_ =	swait.ge [sflag:s21], $0x3E80  }
0x1a9: {  	[sflag:s21] =	ssyncset.done $0x0  }
0x1aa: {  	s9 =	rddreg [dreg:$0x11];
	[sflag:s21] =	ssyncadd.s32 $0xFFFFC180  }
0x1ab: {  	[tilespmem:s18], [sflag:$0x2] =	stream.indirect.gather [hbm4b:s1+s13], $0x80, s9, s13, $0xb8;
	[tilespmem:$0x1D000] =	vst v63  }
0x1ac: {  	s12 =	rddreg [dreg:$0x12]  }
0x1ad: {  	[spmem:s3] =	stream.indirect.scatter.add.f32 [tilespmem:s14], [sflag:$0x3], $0x80, s12, s13, $0xb8;
	[tilespmem:$0x1D000] =	vst v63  }
0x1ae: {  	_ =	swait.ge [sflag:s19], $0x3E80  }
0x1af: {  	[sflag:s19] =	ssyncset.done $0x0  }
0x1b0: {  	[sflag:s19] =	ssyncadd.s32 $0xFFFFC180  }
0x1b1: {  	_ =	swait.ge [sflag:s20], $0x3E80  }
0x1b2: {  	[sflag:s20] =	ssyncset.done $0x0  }
0x1b3: {  	s15 =	rddreg [dreg:$0x13];
	[sflag:s20] =	ssyncadd.s32 $0xFFFFC180  }
0x1b4: {  	[tilespmem:s14], [sflag:$0x1] =	stream.indirect.gather [hbm4b:s1+s13], $0x80, s15, s13, $0xb8;
	[tilespmem:$0x1D000] =	vst v63  }
0x1b5: {  	s16 =	rddreg [dreg:$0x14]  }
0x1b6: {  	[spmem:s3] =	stream.indirect.scatter.add.f32 [tilespmem:s18], [sflag:$0x4], $0x80, s16, s13, $0xb8;
	[tilespmem:$0x1D000] =	vst v63  }
0x1b7: {  	_ =	swait.ge [sflag:s17], $0x3E80  }
0x1b8: {  	[sflag:s17] =	ssyncset.done $0x0  }
0x1b9: {  	[sflag:s17] =	ssyncadd.s32 $0xFFFFC180  }
0x1ba: {  	_ =	swait.ge [sflag:s21], $0x3E80  }
0x1bb: {  	[sflag:s21] =	ssyncset.done $0x0  }
0x1bc: {  	s8 =	rddreg [dreg:$0x15];
	[sflag:s21] =	ssyncadd.s32 $0xFFFFC180  }
0x1bd: {  	[tilespmem:s18], [sflag:$0x2] =	stream.indirect.gather [hbm4b:s1+s13], $0x80, s8, s13, $0xb8;
	[tilespmem:$0x1D000] =	vst v63  }
0x1be: {  	s9 =	rddreg [dreg:$0x16]  }
0x1bf: {  	[spmem:s3] =	stream.indirect.scatter.add.f32 [tilespmem:s14], [sflag:$0x3], $0x80, s9, s13, $0xb8;
	[tilespmem:$0x1D000] =	vst v63  }
0x1c0: {  	_ =	swait.ge [sflag:s19], $0x3E80  }
0x1c1: {  	[sflag:s19] =	ssyncset.done $0x0  }
0x1c2: {  	[sflag:s19] =	ssyncadd.s32 $0xFFFFC180  }
0x1c3: {  	_ =	swait.ge [sflag:s20], $0x3E80  }
0x1c4: {  	[sflag:s20] =	ssyncset.done $0x0  }
0x1c5: {  	s12 =	rddreg [dreg:$0x17];
	[sflag:s20] =	ssyncadd.s32 $0xFFFFC180  }
0x1c6: {  	[tilespmem:s14], [sflag:$0x1] =	stream.indirect.gather [hbm4b:s1+s13], $0x80, s12, s13, $0xb8;
	[tilespmem:$0x1D000] =	vst v63  }
0x1c7: {  	_ = 	snop  }
0x1c8: {  	[spmem:s3] =	stream.indirect.scatter.add.f32 [tilespmem:s18], [sflag:$0x4], $0x80, s22, s13, $0xb8;
	[tilespmem:$0x1D000] =	vst v63  }
0x1c9: {  	_ =	swait.ge [sflag:s17], $0x3E80  }
0x1ca: {  	[sflag:s17] =	ssyncset.done $0x0  }
0x1cb: {  	[sflag:s17] =	ssyncadd.s32 $0xFFFFC180  }
0x1cc: {  	_ =	swait.ge [sflag:s21], $0x3E80  }
0x1cd: {  	[sflag:s21] =	ssyncset.done $0x0  }
0x1ce: {  	[sflag:s21] =	ssyncadd.s32 $0xFFFFC180  }
0x1cf: {  	[tilespmem:s18], [sflag:$0x2] =	stream.indirect.gather [hbm4b:s1+s13], $0x80, s23, s13, $0xb8;
	[tilespmem:$0x1D000] =	vst v63  }
0x1d0: {  	_ = 	snop  }
0x1d1: {  	[spmem:s3] =	stream.indirect.scatter.add.f32 [tilespmem:s14], [sflag:$0x3], $0x80, s24, s13, $0xb8;
	[tilespmem:$0x1D000] =	vst v63  }
0x1d2: {  	_ =	swait.ge [sflag:s19], $0x3E80  }
0x1d3: {  	[sflag:s19] =	ssyncset.done $0x0  }
0x1d4: {  	[sflag:s19] =	ssyncadd.s32 $0xFFFFC180  }
0x1d5: {  	_ =	swait.ge [sflag:s20], $0x3E80  }
0x1d6: {  	[sflag:s20] =	ssyncset.done $0x0  }
0x1d7: {  	[sflag:s20] =	ssyncadd.s32 $0xFFFFC180  }
0x1d8: {  	[tilespmem:s14], [sflag:$0x1] =	stream.indirect.gather [hbm4b:s1+s13], $0x80, s25, s13, $0xb8;
	[tilespmem:$0x1D000] =	vst v63  }
0x1d9: {  	_ = 	snop  }
0x1da: {  	[spmem:s3] =	stream.indirect.scatter.add.f32 [tilespmem:s18], [sflag:$0x4], $0x80, s26, s13, $0xb8;
	[tilespmem:$0x1D000] =	vst v63  }
0x1db: {  	_ =	swait.ge [sflag:s17], $0x3E80  }
0x1dc: {  	[sflag:s17] =	ssyncset.done $0x0  }
0x1dd: {  	[sflag:s17] =	ssyncadd.s32 $0xFFFFC180  }
0x1de: {  	_ =	swait.ge [sflag:s21], $0x3E80  }
0x1df: {  	[sflag:s21] =	ssyncset.done $0x0  }
0x1e0: {  	[sflag:s21] =	ssyncadd.s32 $0xFFFFC180  }
0x1e1: {  	[tilespmem:s18], [sflag:$0x2] =	stream.indirect.gather [hbm4b:s1+s13], $0x80, s28, s13, $0xb8;
	[tilespmem:$0x1D000] =	vst v63  }
0x1e2: {  	_ = 	snop  }
0x1e3: {  	[spmem:s3] =	stream.indirect.scatter.add.f32 [tilespmem:s14], [sflag:$0x3], $0x80, s29, s13, $0xb8;
	[tilespmem:$0x1D000] =	vst v63  }
0x1e4: {  	_ =	swait.ge [sflag:s19], $0x3E80  }
0x1e5: {  	[sflag:s19] =	ssyncset.done $0x0  }
0x1e6: {  	[sflag:s19] =	ssyncadd.s32 $0xFFFFC180  }
0x1e7: {  	_ =	swait.ge [sflag:s20], $0x3E80  }
0x1e8: {  	[sflag:s20] =	ssyncset.done $0x0  }
0x1e9: {  	[sflag:s20] =	ssyncadd.s32 $0xFFFFC180  }
0x1ea: {  	[tilespmem:s14], [sflag:$0x1] =	stream.indirect.gather [hbm4b:s1+s13], $0x80, s30, s13, $0xb8;
	[tilespmem:$0x1D000] =	vst v63  }
0x1eb: {  	_ = 	snop  }
0x1ec: {  	[spmem:s3] =	stream.indirect.scatter.add.f32 [tilespmem:s18], [sflag:$0x4], $0x80, s31, s13, $0xb8;
	[tilespmem:$0x1D000] =	vst v63  }
0x1ed: {  	_ =	swait.ge [sflag:s17], $0x3E80  }
0x1ee: {  	[sflag:s17] =	ssyncset.done $0x0  }
0x1ef: {  	[sflag:s17] =	ssyncadd.s32 $0xFFFFC180  }
0x1f0: {  	_ =	swait.ge [sflag:s21], $0x3E80  }
0x1f1: {  	[sflag:s21] =	ssyncset.done $0x0  }
0x1f2: {  	[sflag:s21] =	ssyncadd.s32 $0xFFFFC180  }
0x1f3: {  	[tilespmem:s18], [sflag:$0x2] =	stream.indirect.gather [hbm4b:s1+s13], $0x80, s0, s13, $0xb8;
	[tilespmem:$0x1D000] =	vst v63  }
0x1f4: {  	_ = 	snop  }
0x1f5: {  	[spmem:s3] =	stream.indirect.scatter.add.f32 [tilespmem:s14], [sflag:$0x3], $0x80, s2, s13, $0xb8;
	[tilespmem:$0x1D000] =	vst v63  }
0x1f6: {  	_ =	swait.ge [sflag:s19], $0x3E80  }
0x1f7: {  	[sflag:s19] =	ssyncset.done $0x0  }
0x1f8: {  	[sflag:s19] =	ssyncadd.s32 $0xFFFFC180  }
0x1f9: {  	_ =	swait.ge [sflag:s20], $0x3E80  }
0x1fa: {  	[sflag:s20] =	ssyncset.done $0x0  }
0x1fb: {  	[sflag:s20] =	ssyncadd.s32 $0xFFFFC180  }
0x1fc: {  	[spmem:s3] =	stream.indirect.scatter.add.f32 [tilespmem:s18], [sflag:$0x4], $0x80, s4, s13, $0xb8;
	[tilespmem:$0x1D000] =	vst v63  }
0x1fd: {  	_ =	swait.ge [sflag:s21], $0x3E80  }
0x1fe: {  	[sflag:s21] =	ssyncset.done $0x0  }
0x1ff: {  	[sflag:s21] =	ssyncadd.s32 $0xFFFFC180  }
0x200: {  	[bflag:$0x0] =	sbarrier.arrive $0xFFFF  }
0x201: {  	s15 =	rddreg [dreg:$0x1b]  }
0x202: {  	s9 =	rddreg [dreg:$0x1d]  }
0x203: {  	s12 =	rddreg [dreg:$0x1e]  }
0x204: {  	[hbm:s15], [sflag:s9] =	dma.local [spmem:s12], $0x2800  }
0x205: {  	_ =	swait.ge [sflag:s11], $0x2800  }
0x206: {  	s5 =	sadd.s32 $0x1, s5;
	s16 =	rddreg [dreg:$0x1c]  }
0x207: {  	p0 =	sne.s32 s5, s16  }
.Ltmp1:
0x208: {  	_ = 	snop;
	(pc) =	sbr.rel @p0 .LBB2_1-.Ltmp1, $3  }
0x209: {  	_ =	sdelay $0x1  }
0x20a: {  	[sflag:s11] =	ssyncset.done $0x0  }
0x20b: {  	[sflag:s11] =	ssyncadd.s32 $0xFFFFD800  }
0x20c: {  	_ =	sfence.sel $0x180000  }
0x20d: {  	[bflag:$0x0] =	sbarrier.arrive $0xFFFF  }
0x20e: {  	_ =	strace $0x9000004D  }
0x20f: {  	s0 =	stileid.u32;
	[bflag:$0x2] =	sbarrier.arrive $0xFFFF  }
0x210: {  	p0 =	sne.s32 s0, $0x0;
	s0 =	rddreg [dreg:$0x3]  }
0x211: {  	s0 =	sadd.s32 @!p0 $0x100000, s0  }
0x212: {  	[sflag:s0] =	ssyncadd.tile.s32 @!p0 $0x1;
	_ =	shalt  }
.Lfunc_end2:
_tile_overlayer_lowered:
.L_overlay_start_2:
0x213: {  	(tag) =	ssettag $0x2  }
0x214: {  	s0 =	rddreg [dreg:$0x0];
	s2 =	stileid.u32  }
0x215: {  	s1 =	rddreg [dreg:$0x1];
	p0 =	sne.s32 s2, $0x0  }
0x216: {  	s3 =	rddreg [dreg:$0x2];
	[bflag:$0x3] =	sbarrier.arrive $0xFFFF;
	s2 =	simm.s32 @!p0 $0x1C05  }
0x217: {  	[timem:s3], [sflag:s2] =	dma.local @!p0 [hbm:s0], s1  }
0x218: {  	s0 =	simm.s32 @!p0 $0x5  }
0x219: {  	_ =	swait.ge @!p0 [sflag:s0], s1  }
0x21a: {  	s1 =	ssub.s32 @!p0 $0x0, s1;
	[sflag:s0] =	ssyncset.done @!p0 $0x0  }
0x21b: {  	[sflag:s0] =	ssyncadd.s32 @!p0 s1  }
0x21c: {  	[bflag:$0x3] =	sbarrier.arrive $0xFFFF  }
0x21d: {  	_ =	shalt  }

// kernel: kernel.6.cloned.1.call-start
scs
__scs_entry_jumppad:
0x0: {  	(pc) =	sbr.rel $0x88, $3  }
0x1: {  	(tag) =	ssettag $0x0;
	lr =	simm.s32 $0x1  }
0x2: {  	[smem:$0x3F9A] =	sst lr;
	_ =	strace $0xD0000000  }
0x3: {  	_ = 	snop  }
0x4: {  	_ = 	snop  }
0x5: {  	_ = 	snop  }
0x6: {  	_ = 	snop  }
0x7: {  	_ = 	snop  }
__scs_overlays_trampoline_lowered:
0x8: {  	[smem:$0x3FA9] =	sst s0  }
0x9: {  	[smem:$0x3FAA] =	sst s1  }
0xa: {  	[smem:$0x3FAB] =	sst s2  }
0xb: {  	[smem:$0x3FAC] =	sst s3  }
0xc: {  	[smem:$0x3FAD] =	sst s4  }
0xd: {  	[smem:$0x3FAE] =	sst s5  }
0xe: {  	[smem:$0x3FAF] =	sst s6  }
0xf: {  	[smem:$0x3FB0] =	sst s7  }
0x10: {  	[smem:$0x3FB1] =	sst s8  }
0x11: {  	[smem:$0x3FB2] =	sst s9;
	s0 =	simm.s32 @!p0 $0x0  }
0x12: {  	s1 =	sld [smem:$0x3F98];
	s0 =	simm.s32 @p0 $0x1  }
0x13: {  	[smem:$0x3FB3] =	sst s0;
	s0 =	simm.s32 @!p1 $0x0  }
0x14: {  	s2 =	sld [smem:$0x3F97];
	s0 =	simm.s32 @p1 $0x1  }
0x15: {  	[smem:$0x3FB4] =	sst s0;
	s0 =	simm.s32 @!p2 $0x0  }
0x16: {  	s3 =	sld [smem:$0x3FDB];
	s0 =	simm.s32 @p2 $0x1  }
0x17: {  	s4 =	simm.s32 $0x1BF5;
	[smem:$0x3FB6] =	sst s0  }
0x18: {  	s0 =	sld [smem:$0x3F99];
	_ =	swait.ge [sflag:s4], $0x0  }
0x19: {  	s7 =	sld [smem:$0x3F9A]  }
0x1a: {  	s8 =	sadd.s32 $0xFFFFE003, lr  }
0x1b: {  	s9 =	sadd.s32 $0xFFFFFEF7, lr;
	s5 =	simm.s32 $0xFFFFFFFF;
	p2 =	slt.u32 s8, $0xFFFFF086  }
0x1c: {  	p1 =	slt.u32 s9, $0xF7A;
	s5 =	simm.s32 @!p2 $0x0  }
0x1d: {  	s5 =	simm.s32 @p1 $0x1;
	p0 =	seq.s32 s7, s2  }
0x1e: {  	s7 =	smul.u32 @!p0 $0xF7A, s2;
	p2 =	seq.s32 @!p0 s5, $0x0  }
0x1f: {  	s9 =	smul.u32 $0xF7A, s1;
	s8 =	simm.s32 @!p0 $0x1BF5;
	p2 =	por !p2, p0  }
0x20: {  	[sflag:s8] =	ssyncset.s32 @!p0 $0xFFFFF086;
	s6 =	sadd.s32 @!p0 s3, s7;
	s7 =	simm.s32 @!p0 $0x108  }
0x21: {  	s3 =	sadd.s32 s3, s9;
	s6 =	sadd.s32 @!p0 $0x88, s6;
	s7 =	simm.s32 @p2 $0x1082  }
0x22: {  	[simem:s7], [sflag:s8] =	dma.local @!p0 [hbm:s6], $0xF7A  }
0x23: {  	s9 =	sor.u32 $0xD0000000, s2;
	s6 =	simm.s32 $0x108;
	_ =	swait.ge @!p0 [sflag:s8], $0x0  }
0x24: {  	s3 =	sadd.s32 $0x88, s3;
	s6 =	simm.s32 @!p1 $0x1082;
	[sflag:s4] =	ssyncset.s32 $0xFFFFF086  }
0x25: {  	[simem:s6], [sflag:s4] =	dma.local [hbm:s3], $0xF7A  }
0x26: {  	[smem:$0x3F9A] =	sst s1;
	(tag) =	ssettag s2;
	_ =	strace s9  }
0x27: {  	s1 =	sld [smem:$0x3FAA]  }
0x28: {  	s2 =	sld [smem:$0x3FAB]  }
0x29: {  	s4 =	sld [smem:$0x3FAD]  }
0x2a: {  	p0 =	seq.s32 s5, $0x0;
	s5 =	sld [smem:$0x3FAE]  }
0x2b: {  	s6 =	sld [smem:$0x3FAF]  }
0x2c: {  	s7 =	sld [smem:$0x3FB0]  }
0x2d: {  	s3 =	simm.s32 $0x108;
	s8 =	sld [smem:$0x3FB1]  }
0x2e: {  	s3 =	simm.s32 @!p0 $0x1082;
	s9 =	sld [smem:$0x3FB2]  }
0x2f: {  	lr =	sadd.s32 s0, s3;
	s0 =	sld [smem:$0x3FA9]  }
0x30: {  	s3 =	sld [smem:$0x3FAC]  }
0x31: {  	[smem:$0x3FB5] =	sst s10  }
0x32: {  	s10 =	sld [smem:$0x3FB3];
	_ =	sdelay $0x3  }
0x33: {  	p0 =	seq.s32 s10, $0x1;
	s10 =	sld [smem:$0x3FB5];
	_ =	sdelay $0x3  }
0x34: {  	[smem:$0x3FB5] =	sst s10  }
0x35: {  	s10 =	sld [smem:$0x3FB4];
	_ =	sdelay $0x3  }
0x36: {  	p1 =	seq.s32 s10, $0x1;
	s10 =	sld [smem:$0x3FB5];
	_ =	sdelay $0x3  }
0x37: {  	[smem:$0x3FB5] =	sst s10  }
0x38: {  	s10 =	sld [smem:$0x3FB6]  }
0x39: {  	_ = 	snop;
	(pc) =	sbr.ind lr, $3  }
0x3a: {  	_ = 	snop  }
0x3b: {  	_ = 	snop  }
0x3c: {  	p2 =	seq.s32 s10, $0x1;
	s10 =	sld [smem:$0x3FB5]  }
0x3d: {  	_ =	shalt  }
0x3e: {  	_ =	shalt  }
0x3f: {  	_ =	shalt  }
0x40: {  	_ =	shalt  }
0x41: {  	_ =	shalt  }
0x42: {  	_ =	shalt  }
0x43: {  	_ =	shalt  }
0x44: {  	_ =	shalt  }
0x45: {  	_ =	shalt  }
0x46: {  	_ =	shalt  }
0x47: {  	_ =	shalt  }
0x48: {  	_ =	shalt  }
0x49: {  	_ =	shalt  }
0x4a: {  	_ =	shalt  }
0x4b: {  	_ =	shalt  }
0x4c: {  	_ =	shalt  }
0x4d: {  	_ =	shalt  }
0x4e: {  	_ =	shalt  }
0x4f: {  	_ =	shalt  }
0x50: {  	_ =	shalt  }
0x51: {  	_ =	shalt  }
0x52: {  	_ =	shalt  }
0x53: {  	_ =	shalt  }
0x54: {  	_ =	shalt  }
0x55: {  	_ =	shalt  }
0x56: {  	_ =	shalt  }
0x57: {  	_ =	shalt  }
0x58: {  	_ =	shalt  }
0x59: {  	_ =	shalt  }
0x5a: {  	_ =	shalt  }
0x5b: {  	_ =	shalt  }
0x5c: {  	_ =	shalt  }
0x5d: {  	_ =	shalt  }
0x5e: {  	_ =	shalt  }
0x5f: {  	_ =	shalt  }
0x60: {  	_ =	shalt  }
0x61: {  	_ =	shalt  }
0x62: {  	_ =	shalt  }
0x63: {  	_ =	shalt  }
0x64: {  	_ =	shalt  }
0x65: {  	_ =	shalt  }
0x66: {  	_ =	shalt  }
0x67: {  	_ =	shalt  }
0x68: {  	_ =	shalt  }
0x69: {  	_ =	shalt  }
0x6a: {  	_ =	shalt  }
0x6b: {  	_ =	shalt  }
0x6c: {  	_ =	shalt  }
0x6d: {  	_ =	shalt  }
0x6e: {  	_ =	shalt  }
0x6f: {  	_ =	shalt  }
0x70: {  	_ =	shalt  }
0x71: {  	_ =	shalt  }
0x72: {  	_ =	shalt  }
0x73: {  	_ =	shalt  }
0x74: {  	_ =	shalt  }
0x75: {  	_ =	shalt  }
0x76: {  	_ =	shalt  }
0x77: {  	_ =	shalt  }
0x78: {  	_ =	shalt  }
0x79: {  	_ =	shalt  }
0x7a: {  	_ =	shalt  }
0x7b: {  	_ =	shalt  }
0x7c: {  	_ =	shalt  }
0x7d: {  	_ =	shalt  }
0x7e: {  	_ =	shalt  }
0x7f: {  	_ =	shalt  }
0x80: {  	_ =	shalt  }
0x81: {  	_ =	shalt  }
0x82: {  	_ =	shalt  }
0x83: {  	_ =	shalt  }
0x84: {  	_ =	shalt  }
0x85: {  	_ =	shalt  }
0x86: {  	_ =	shalt  }
0x87: {  	_ =	shalt  }
.Lfunc_end0:
.L_simem_size_0:
called_computation_lowered:
.L_overlay_start_0:
0x88: {  	s2 =	sld [smem:$0x3FD9]  }
0x89: {  	s3 =	sld [smem:$0x3FFE];
	_ =	sdelay $0x1  }
0x8a: {  	s1 =	srdreg.scid  }
0x8b: {  	s0 =	sand.u32 $0x1, s1  }
0x8c: {  	s17 =	sshll.u32 s0, $0xA;
	s2 =	sadd.s32 s3, s2  }
0x8d: {  	s2 =	sadd.s32 s2, s17  }
0x8e: {  	[smem:$0x3FC1] =	sst s2  }
0x8f: {  	_ = 	snop  }
0x90: {  	s2 =	sld [smem:$0x3FC9]  }
0x91: {  	s18 =	sld [smem:$0x3FD0];
	(tm) =	ssettm $0x1  }
0x92: {  	s4 =	sld [smem:$0x3FFB];
	_ =	sdelay $0x3  }
0x93: {  	_ =	strace s4  }
0x94: {  	s4 =	sld [smem:$0x3FFC];
	_ =	sdelay $0x3  }
0x95: {  	_ =	strace s4  }
0x96: {  	s4 =	sld [smem:$0x3FFD];
	_ =	sdelay $0x3  }
0x97: {  	_ =	strace s4  }
0x98: {  	_ =	strace $0x8FFFFFFF  }
0x99: {  	s19 =	sld [smem:$0x3FDB];
	_ =	sdelay $0x1  }
0x9a: {  	s5 =	simm.s32 $_scs_section_size  }
0x9b: {  	s6 =	simm.s32 $_size__tile_overlayer_lowered;
	s7 =	simm.s32 $_tile_overlayer_lowered  }
0x9c: {  	s22 =	simm.s32 $0x1BFF;
	s21 =	sshll.u32 s7, $0x1;
	s4 =	sadd.s32 s5, s19  }
0x9d: {  	s8 =	simm.s32 $0x0;
	s20 =	sshll.u32 s6, $0x1;
	s6 =	sadd.s32 s21, s4  }
0x9e: {  	[timem:s8], [sflag:s22] =	dma.local [hbm:s6], s20  }
0x9f: {  	_ =	swait.ge [sflag:s22], s20  }
0xa0: {  	s5 =	ssub.s32 $0x0, s20;
	[sflag:s22] =	ssyncset.done $0x0  }
0xa1: {  	[sflag:s22] =	ssyncadd.s32 s5;
	_ =	sdelay $0x1  }
0xa2: {  	s23 =	simm.s32 $0x1B8B  }
0xa3: {  	_ =	swait.ge [sflag:s23], $0x1  }
0xa4: {  	[sflag:s23] =	ssyncset.done $0x0  }
0xa5: {  	s25 =	simm.s32 $0x1B8E;
	s24 =	sld [smem:$0x3FFE];
	[sflag:s23] =	ssyncadd.s32 $0xFFFFFFFF  }
0xa6: {  	s26 =	simm.s32 $execute0_lowered;
	[smem:$0x3FD2] =	sst s25  }
0xa7: {  	s6 =	sshll.u32 s26, $0x1;
	_ =	strace $0x80000046;
	[dreg:$0x1] =	wrdreg $0xFFFFFFFF  }
0xa8: {  	s28 =	simm.s32 $_size_execute0_lowered;
	s4 =	sadd.s32 s4, s6;
	[dreg:$0x0] =	wrdreg $0x0  }
0xa9: {  	s6 =	sshll.u32 s28, $0x1;
	[dreg:$0x2] =	wrdreg s4  }
0xaa: {  	[dreg:$0x3] =	wrdreg s6  }
0xab: {  	[dreg:$0x4] =	wrdreg $0xC0  }
0xac: {  	_ =	task [dreg:s8], $0x5FFFF  }
0xad: {  	[dreg:$0x1] =	wrdreg $0xFFFFFFFF  }
0xae: {  	[dreg:$0x0] =	wrdreg $0x60  }
0xaf: {  	[dreg:$0x2] =	wrdreg s2  }
0xb0: {  	[dreg:$0x3] =	wrdreg s24  }
0xb1: {  	[dreg:$0x4] =	wrdreg s18  }
0xb2: {  	[dreg:$0x5] =	wrdreg $0x0  }
0xb3: {  	[dreg:$0x6] =	wrdreg $0x100000  }
0xb4: {  	[dreg:$0x7] =	wrdreg $0x9  }
0xb5: {  	_ =	task.clear_ibuf [dreg:s8], $0x8FFFF;
	_ =	strace $0x90000046  }
0xb6: {  	s29 =	simm.s32 $0x9;
	_ =	strace $0x80000048  }
0xb7: {  	_ =	swait.ge [sflag:s29], $0x1  }
0xb8: {  	[sflag:s29] =	ssyncadd.s32 $0xFFFFFFFF  }
0xb9: {  	_ =	strace $0x90000048  }
0xba: {  	_ =	sfence  }
0xbb: {  	s30 =	sld [smem:$0x0];
	_ =	sdelay $0x2  }
0xbc: {  	s31 =	sshll.u32 s1, $0xD;
	s1 =	sshrl.u32 s1, $0x2  }
0xbd: {  	s3 =	sand.u32 $0x4000, s31;
	s1 =	sadd.s32 s1, s30  }
0xbe: {  	s0 =	sor.u32 s3, s0;
	s1 =	sshll.u32 s1, $0x11  }
0xbf: {  	s0 =	sor.u32 s1, s0  }
0xc0: {  	s0 =	sadd.s32 $0x8F2B, s0  }
0xc1: {  	[sflag:s0] =	ssyncadd.remote.s32 $0x1  }
0xc2: {  	_ =	sfence.sel $0xFFFF  }
0xc3: {  	[dreg:$0x0] =	wrdreg $0xFFFFFFFF;
	(pc) =	sbr.abs _section_cstart, $3  }
0xc4: {  	[dreg:$0x1] =	wrdreg $0xFFFFFFFF  }
0xc5: {  	_ =	task.clear_ibuf [dreg:s8], $0x2FFFF;
	_ =	strace $0x9FFFFFFF  }
0xc6: {  	(tm) =	ssettm $0x7FFFFFFF  }
0xc7: {  	_ =	shalt  }
tec
execute0_lowered:
.L_overlay_start_1:
0x0: {  	(tag) =	ssettag $0x1  }
0x1: {  	s1 =	rddreg [dreg:$0x0]  }
0x2: {  	s0 =	rddreg [dreg:$0x1]  }
0x3: {  	s14 =	rddreg [dreg:$0x2]  }
0x4: {  	s3 =	rddreg [dreg:$0x3]  }
0x5: {  	s15 =	rddreg [dreg:$0x4];
	s5 =	simm.s32 $0x0;
	s2 =	srdreg.scid  }
0x6: {  	s6 =	stileid.u32;
	s16 =	simm.s32 $0x11600;
	s17 =	simm.s32 $0x7D  }
0x7: {  	s18 =	simm.s32 $0x12A00;
	s21 =	simm.s32 $0x1AA00;
	s28 =	simm.s32 $0x10300  }
0x8: {  	s29 =	simm.s32 $0x11680;
	s30 =	simm.s32 $0x4;
	s31 =	simm.s32 $0x11580  }
0x9: {  	[smem:$0x7FF] =	sst s5;
	s2 =	sand.u32 $0x1, s2;
	s4 =	sadd.s32 $0x2000, s0  }
0xa: {  	s10 =	sadd.s32 $0xC000, s0;
	s8 =	sshll.u32 s6, $0xD;
	s23 =	sshll.u32 s6, $0x10  }
0xb: {  	p0 =	sne.s32 s6, $0x0;
	s26 =	sshll.u32 s6, $0x6;
	_ =	strace $0x80000047  }
0xc: {  	s7 =	sshll.u32 s2, $0x4;
	s9 =	sshll.u32 s2, $0xA;
	s11 =	ssub.s32 $0x2, s2  }
0xd: {  	s12 =	sadd.s32 s8, s0;
	s20 =	sadd.s32 s23, s3;
	s8 =	sadd.s32 s14, s8  }
0xe: {  	s2 =	sshll.u32 s2, $0x11;
	s19 =	sor.u32 $0x1C05, s26;
	s23 =	simm.s32 $0x10280  }
0xf: {  	s26 =	simm.s32 $0x3;
	s7 =	sor.u32 s6, s7;
	s0 =	sadd.s32 s9, s0  }
0x10: {  	s22 =	sshrl.u32 s11, $0x1;
	[dreg:$0x8] =	wrdreg s8;
	s8 =	smov.u32 s15  }
0x11: {  	s2 =	sadd.s32 s2, s12;
	s15 =	simm.s32 $0x5;
	s20 =	sshrl.u32 s20, $0x3  }
0x12: {  	s7 =	smul.u32 $0x2800, s7;
	s13 =	ssub.s32 s11, s22;
	s2 =	sadd.s32 $0x16000, s2  }
0x13: {  	s0 =	sadd.s32 $0x56000, s0;
	s22 =	simm.s32 $0x1;
	[dreg:$0x9] =	wrdreg s2  }
0x14: {  	[dreg:$0xa] =	wrdreg s0;
	s13 =	smax.u32 s13, $0x1;
	s7 =	sshrl.u32 s7, $0x3  }
0x15: {  	s0 =	simm.s32 $0x12900;
	s2 =	simm.s32 $0x0;
	s24 =	sadd.s32 s4, s7  }
0x16: {  	s25 =	sadd.s32 s10, s7;
	s7 =	sadd.s32 $0x280, s7;
	[dreg:$0x6] =	wrdreg s24  }
0x17: {  	v0 =	vlaneseq.u32;
	v4 =	vimm.f32 $1.000000000e+00;
	vm0 =	vcmask $0x3F0C;
	[dreg:$0x7] =	wrdreg s25;
	s9 =	sadd.s32 s4, s7;
	s10 =	sadd.s32 s10, s7  }
0x18: {  	v1 =	vor.u32 $0x10, v0;
	v2 =	vor.u32 $0x20, v0;
	v3 =	vor.u32 $0x30, v0;
	s24 =	simm.s32 $0x16A00;
	s25 =	simm.s32 $0x2;
	s4 =	simm.s32 $0x12980  }
.LBB2_1:
0x19: {  	s6 =	rddreg [dreg:$0x6];
	s7 =	simm.s32 $0x10200  }
0x1a: {  	[tilespmem:s7], [sflag:$0x5] =	stream.linear.gather [hbm4b:s6+s5], $0x1400, $0x38;
	[tilespmem:$0x1CA80] =	vst v63  }
0x1b: {  	_ =	swait.ge [sflag:s15], $0x1400  }
0x1c: {  	[sflag:s15] =	ssyncset.done $0x0  }
0x1d: {  	s12 =	rddreg [dreg:$0x7];
	[sflag:s15] =	ssyncadd.s32 $0xFFFFEC00  }
0x1e: {  	[tilespmem:s16], [sflag:$0x5] =	stream.linear.gather [hbm4b:s12+s5], $0x1400, $0x38;
	[tilespmem:$0x1CA80] =	vst v63  }
0x1f: {  	_ =	swait.ge [sflag:s15], $0x1400  }
0x20: {  	[sflag:s15] =	ssyncset.done $0x0  }
0x21: {  	s14 =	rddreg [dreg:$0x8];
	[sflag:s15] =	ssyncadd.s32 $0xFFFFEC00  }
0x22: {  	[tilespmem:s18], [sflag:$0x1] =	stream.indirect.gather [hbm4b:s1+s17], $0x80, s7, s17, $0xb8;
	[tilespmem:$0x1CA80] =	vst v63  }
0x23: {  	[spmem:s20], [sflag:s19] =	dma.local [hbm:s14], $0x2000  }
0x24: {  	_ =	swait.ge [sflag:s15], $0x2000  }
0x25: {  	[sflag:s15] =	ssyncset.done $0x0  }
0x26: {  	[sflag:s15] =	ssyncadd.s32 $0xFFFFE000  }
0x27: {  	s7 =	rddreg [dreg:$0x2]  }
0x28: {  	[tilespmem:s21], [sflag:$0x5] =	stream.linear.gather [hbm4b:s7+s5], $0x2000, $0x38;
	[tilespmem:$0x1CA80] =	vst v63  }
0x29: {  	_ =	swait.ge [sflag:s15], $0x2000  }
0x2a: {  	[sflag:s15] =	ssyncset.done $0x0  }
0x2b: {  	s6 =	sshrl.u32 @!p0 s8, $0x3;
	[sflag:s15] =	ssyncadd.s32 $0xFFFFE000  }
0x2c: {  	[spmem:s6], [sflag:s19] =	dma.local @!p0 [hbm:s7], $0x400  }
0x2d: {  	s7 =	simm.s32 @!p0 $0x5  }
0x2e: {  	_ =	swait.ge @!p0 [sflag:s7], $0x400  }
0x2f: {  	[sflag:s7] =	ssyncset.done @!p0 $0x0  }
0x30: {  	[sflag:s7] =	ssyncadd.s32 @!p0 $0xFFFFFC00  }
0x31: {  	[tilespmem:$0x1CA00] =	vst v0  }
0x32: {  	[tilespmem:$0x1CA10] =	vst v1  }
0x33: {  	[tilespmem:$0x1CA20] =	vst v2  }
0x34: {  	p2 =	por $0x1, $0x1;
	[tilespmem:$0x1CA30] =	vst v3  }
0x35: {  	p3 =	por $0x0, $0x0;
	s12 =	smov.u32 s8;
	[bflag:$0x0] =	sbarrier.arrive $0xFFFF  }
.LBB2_2:
0x36: {  	s7 =	simm.s32 @p3 $0x0;
	s8 =	simm.s32 @p3 $0x10200;
	s14 =	simm.s32 @p3 $0x5  }
0x37: {  	[tilespmem:s8], [sflag:$0x5] =	stream.linear.gather @p3 [hbm4b:s9+s7], $0x1400, $0x38;
	[tilespmem:$0x1CA80] =	vst v63  }
0x38: {  	_ =	swait.ge @p3 [sflag:s14], $0x1400  }
0x39: {  	[sflag:s14] =	ssyncset.done @p3 $0x0  }
0x3a: {  	s11 =	simm.s32 @p3 $0x11600;
	[sflag:s14] =	ssyncadd.s32 @p3 $0xFFFFEC00  }
0x3b: {  	[tilespmem:s11], [sflag:$0x5] =	stream.linear.gather @p3 [hbm4b:s10+s7], $0x1400, $0x38;
	[tilespmem:$0x1CA80] =	vst v63  }
0x3c: {  	_ =	swait.ge @p3 [sflag:s14], $0x1400  }
0x3d: {  	[sflag:s14] =	ssyncset.done @p3 $0x0  }
0x3e: {  	s7 =	simm.s32 @p3 $0x7D;
	s11 =	simm.s32 @p3 $0x12A00;
	[sflag:s14] =	ssyncadd.s32 @p3 $0xFFFFEC00  }
0x3f: {  	[tilespmem:s11], [sflag:$0x1] =	stream.indirect.gather @p3 [hbm4b:s1+s7], $0x80, s8, s7, $0xb8;
	[tilespmem:$0x1CA80] =	vst v63  }
0x40: {  	_ =	swait.ge [sflag:s22], $0x3E80  }
0x41: {  	[sflag:s22] =	ssyncset.done $0x0  }
0x42: {  	[sflag:s22] =	ssyncadd.s32 $0xFFFFC180  }
0x43: {  	[tilespmem:s24], [sflag:$0x2] =	stream.indirect.gather [hbm4b:s1+s17], $0x80, s23, s17, $0xb8;
	[tilespmem:$0x1CA80] =	vst v63  }
0x44: {  	_ = 	snop  }
0x45: {  	[spmem:s3] =	stream.indirect.scatter.add.f32 [tilespmem:s18], [sflag:$0x3], $0x80, s16, s17, $0xb8;
	[tilespmem:$0x1CA80] =	vst v63  }
0x46: {  	v5 =	vld [tilespmem:$0x11600];
	_ =	sdelay $0x7  }
0x47: {  	[tilespmem:v5+s21+$0x0] =	vst.idx.add.f32.msk $0xffff, v4  }
0x48: {  	v5 =	vld [tilespmem:$0x11610];
	_ =	sdelay $0x7  }
0x49: {  	[tilespmem:v5+s21+$0x0] =	vst.idx.add.f32.msk $0xffff, v4  }
0x4a: {  	v5 =	vld [tilespmem:$0x11620];
	_ =	sdelay $0x7  }
0x4b: {  	[tilespmem:v5+s21+$0x0] =	vst.idx.add.f32.msk $0xffff, v4  }
0x4c: {  	v5 =	vld [tilespmem:$0x11630];
	_ =	sdelay $0x7  }
0x4d: {  	[tilespmem:v5+s21+$0x0] =	vst.idx.add.f32.msk $0xffff, v4  }
0x4e: {  	v5 =	vld [tilespmem:$0x11640];
	_ =	sdelay $0x7  }
0x4f: {  	[tilespmem:v5+s21+$0x0] =	vst.idx.add.f32.msk $0xffff, v4  }
0x50: {  	v5 =	vld [tilespmem:$0x11650];
	_ =	sdelay $0x7  }
0x51: {  	[tilespmem:v5+s21+$0x0] =	vst.idx.add.f32.msk $0xffff, v4  }
0x52: {  	v5 =	vld [tilespmem:$0x11660];
	_ =	sdelay $0x7  }
0x53: {  	[tilespmem:v5+s21+$0x0] =	vst.idx.add.f32.msk $0xffff, v4  }
0x54: {  	v5 =	vld [tilespmem:$0x1166D];
	_ =	sdelay $0x7  }
0x55: {  	[tilespmem:v5+s21+$0x0] =	vst.idx.add.f32.msk vm0, v4  }
0x56: {  	_ =	swait.ge [sflag:s25], $0x3E80  }
0x57: {  	[sflag:s25] =	ssyncset.done $0x0  }
0x58: {  	[sflag:s25] =	ssyncadd.s32 $0xFFFFC180  }
0x59: {  	_ =	swait.ge [sflag:s26], $0x3E80  }
0x5a: {  	[sflag:s26] =	ssyncset.done $0x0  }
0x5b: {  	[sflag:s26] =	ssyncadd.s32 $0xFFFFC180  }
0x5c: {  	[tilespmem:s18], [sflag:$0x1] =	stream.indirect.gather [hbm4b:s1+s17], $0x80, s28, s17, $0xb8;
	[tilespmem:$0x1CA80] =	vst v63  }
0x5d: {  	_ = 	snop  }
0x5e: {  	[spmem:s3] =	stream.indirect.scatter.add.f32 [tilespmem:s24], [sflag:$0x4], $0x80, s29, s17, $0xb8;
	[tilespmem:$0x1CA80] =	vst v63  }
0x5f: {  	v5 =	vld [tilespmem:$0x11680];
	_ =	sdelay $0x7  }
0x60: {  	[tilespmem:v5+s21+$0x0] =	vst.idx.add.f32.msk $0xffff, v4  }
0x61: {  	v5 =	vld [tilespmem:$0x11690];
	_ =	sdelay $0x7  }
0x62: {  	[tilespmem:v5+s21+$0x0] =	vst.idx.add.f32.msk $0xffff, v4  }
0x63: {  	v5 =	vld [tilespmem:$0x116A0];
	_ =	sdelay $0x7  }
0x64: {  	[tilespmem:v5+s21+$0x0] =	vst.idx.add.f32.msk $0xffff, v4  }
0x65: {  	v5 =	vld [tilespmem:$0x116B0];
	_ =	sdelay $0x7  }
0x66: {  	[tilespmem:v5+s21+$0x0] =	vst.idx.add.f32.msk $0xffff, v4  }
0x67: {  	v5 =	vld [tilespmem:$0x116C0];
	_ =	sdelay $0x7  }
0x68: {  	[tilespmem:v5+s21+$0x0] =	vst.idx.add.f32.msk $0xffff, v4  }
0x69: {  	v5 =	vld [tilespmem:$0x116D0];
	_ =	sdelay $0x7  }
0x6a: {  	[tilespmem:v5+s21+$0x0] =	vst.idx.add.f32.msk $0xffff, v4  }
0x6b: {  	v5 =	vld [tilespmem:$0x116E0];
	_ =	sdelay $0x7  }
0x6c: {  	[tilespmem:v5+s21+$0x0] =	vst.idx.add.f32.msk $0xffff, v4  }
0x6d: {  	v5 =	vld [tilespmem:$0x116ED];
	_ =	sdelay $0x7  }
0x6e: {  	p1 =	por p2, p2;
	s7 =	simm.s32 $0x0;
	[tilespmem:v5+s21+$0x0] =	vst.idx.add.f32.msk vm0, v4  }
.LBB2_3:
0x6f: {  	_ =	swait.ge [sflag:s22], $0x3E80  }
0x70: {  	[sflag:s22] =	ssyncset.done $0x0  }
0x71: {  	[sflag:s22] =	ssyncadd.s32 $0xFFFFC180  }
0x72: {  	_ =	swait.ge [sflag:s30], $0x3E80  }
0x73: {  	s8 =	sshra.s32 s7, $0x2;
	[sflag:s30] =	ssyncset.done $0x0  }
0x74: {  	s11 =	sadd.s32 $0x10380, s8;
	[sflag:s30] =	ssyncadd.s32 $0xFFFFC180  }
0x75: {  	[tilespmem:s24], [sflag:$0x2] =	stream.indirect.gather [hbm4b:s1+s17], $0x80, s11, s17, $0xb8;
	[tilespmem:$0x1CA80] =	vst v63  }
0x76: {  	s14 =	sadd.s32 $0x11700, s8  }
0x77: {  	[spmem:s3] =	stream.indirect.scatter.add.f32 [tilespmem:s18], [sflag:$0x3], $0x80, s14, s17, $0xb8;
	[tilespmem:$0x1CA80] =	vst v63  }
0x78: {  	v5 =	vld [tilespmem:s8+$0x11700];
	_ =	sdelay $0x7  }
0x79: {  	[tilespmem:v5+s21+$0x0] =	vst.idx.add.f32.msk $0xffff, v4  }
0x7a: {  	v5 =	vld [tilespmem:s8+$0x11710];
	_ =	sdelay $0x7  }
0x7b: {  	[tilespmem:v5+s21+$0x0] =	vst.idx.add.f32.msk $0xffff, v4  }
0x7c: {  	v5 =	vld [tilespmem:s8+$0x11720];
	_ =	sdelay $0x7  }
0x7d: {  	[tilespmem:v5+s21+$0x0] =	vst.idx.add.f32.msk $0xffff, v4  }
0x7e: {  	v5 =	vld [tilespmem:s8+$0x11730];
	_ =	sdelay $0x7  }
0x7f: {  	[tilespmem:v5+s21+$0x0] =	vst.idx.add.f32.msk $0xffff, v4  }
0x80: {  	v5 =	vld [tilespmem:s8+$0x11740];
	_ =	sdelay $0x7  }
0x81: {  	[tilespmem:v5+s21+$0x0] =	vst.idx.add.f32.msk $0xffff, v4  }
0x82: {  	v5 =	vld [tilespmem:s8+$0x11750];
	_ =	sdelay $0x7  }
0x83: {  	[tilespmem:v5+s21+$0x0] =	vst.idx.add.f32.msk $0xffff, v4  }
0x84: {  	v5 =	vld [tilespmem:s8+$0x11760];
	_ =	sdelay $0x7  }
0x85: {  	[tilespmem:v5+s21+$0x0] =	vst.idx.add.f32.msk $0xffff, v4  }
0x86: {  	v5 =	vld [tilespmem:s8+$0x1176D];
	_ =	sdelay $0x7  }
0x87: {  	[tilespmem:v5+s21+$0x0] =	vst.idx.add.f32.msk vm0, v4  }
0x88: {  	_ =	swait.ge [sflag:s25], $0x3E80  }
0x89: {  	[sflag:s25] =	ssyncset.done $0x0  }
0x8a: {  	[sflag:s25] =	ssyncadd.s32 $0xFFFFC180  }
0x8b: {  	_ =	swait.ge [sflag:s26], $0x3E80  }
0x8c: {  	[sflag:s26] =	ssyncset.done $0x0  }
0x8d: {  	s14 =	sadd.s32 $0x10400, s8;
	[sflag:s26] =	ssyncadd.s32 $0xFFFFC180  }
0x8e: {  	[tilespmem:s18], [sflag:$0x1] =	stream.indirect.gather [hbm4b:s1+s17], $0x80, s14, s17, $0xb8;
	[tilespmem:$0x1CA80] =	vst v63  }
0x8f: {  	s14 =	sadd.s32 $0x11780, s8  }
0x90: {  	[spmem:s3] =	stream.indirect.scatter.add.f32 [tilespmem:s24], [sflag:$0x4], $0x80, s14, s17, $0xb8;
	[tilespmem:$0x1CA80] =	vst v63  }
0x91: {  	v5 =	vld [tilespmem:s8+$0x11780];
	_ =	sdelay $0x7  }
0x92: {  	[tilespmem:v5+s21+$0x0] =	vst.idx.add.f32.msk $0xffff, v4  }
0x93: {  	v5 =	vld [tilespmem:s8+$0x11790];
	_ =	sdelay $0x7  }
0x94: {  	[tilespmem:v5+s21+$0x0] =	vst.idx.add.f32.msk $0xffff, v4  }
0x95: {  	v5 =	vld [tilespmem:s8+$0x117A0];
	_ =	sdelay $0x7  }
0x96: {  	[tilespmem:v5+s21+$0x0] =	vst.idx.add.f32.msk $0xffff, v4  }
0x97: {  	v5 =	vld [tilespmem:s8+$0x117B0];
	_ =	sdelay $0x7  }
0x98: {  	[tilespmem:v5+s21+$0x0] =	vst.idx.add.f32.msk $0xffff, v4  }
0x99: {  	v5 =	vld [tilespmem:s8+$0x117C0];
	_ =	sdelay $0x7  }
0x9a: {  	[tilespmem:v5+s21+$0x0] =	vst.idx.add.f32.msk $0xffff, v4  }
0x9b: {  	v5 =	vld [tilespmem:s8+$0x117D0];
	_ =	sdelay $0x7  }
0x9c: {  	[tilespmem:v5+s21+$0x0] =	vst.idx.add.f32.msk $0xffff, v4  }
0x9d: {  	v5 =	vld [tilespmem:s8+$0x117E0];
	_ =	sdelay $0x7  }
0x9e: {  	[tilespmem:v5+s21+$0x0] =	vst.idx.add.f32.msk $0xffff, v4  }
0x9f: {  	v5 =	vld [tilespmem:s8+$0x117ED];
	_ =	sdelay $0x2  }
0xa0: {  	p2 =	sne.s32 s7, $0x4400  }
.Ltmp0:
0xa1: {  	_ = 	snop;
	(pc) =	sbr.rel @p2 .LBB2_3-.Ltmp0, $2  }
0xa2: {  	_ =	sdelay $0x2  }
0xa3: {  	s7 =	sadd.s32 $0x400, s7;
	[tilespmem:v5+s21+$0x0] =	vst.idx.add.f32.msk vm0, v4  }
0xa4: {  	_ =	swait.ge [sflag:s22], $0x3E80  }
0xa5: {  	[sflag:s22] =	ssyncset.done $0x0  }
0xa6: {  	[sflag:s22] =	ssyncadd.s32 $0xFFFFC180  }
0xa7: {  	_ =	swait.ge [sflag:s30], $0x3E80  }
0xa8: {  	[sflag:s30] =	ssyncset.done $0x0  }
0xa9: {  	[sflag:s30] =	ssyncadd.s32 $0xFFFFC180  }
0xaa: {  	[tilespmem:s24], [sflag:$0x2] =	stream.indirect.gather [hbm4b:s1+s17], $0x80, s31, s17, $0xb8;
	[tilespmem:$0x1CA80] =	vst v63  }
0xab: {  	_ = 	snop  }
0xac: {  	[spmem:s3] =	stream.indirect.scatter.add.f32 [tilespmem:s18], [sflag:$0x3], $0x80, s0, s17, $0xb8;
	[tilespmem:$0x1CA80] =	vst v63  }
0xad: {  	v5 =	vld [tilespmem:$0x12900];
	_ =	sdelay $0x7  }
0xae: {  	[tilespmem:v5+s21+$0x0] =	vst.idx.add.f32.msk $0xffff, v4  }
0xaf: {  	v5 =	vld [tilespmem:$0x12910];
	_ =	sdelay $0x7  }
0xb0: {  	[tilespmem:v5+s21+$0x0] =	vst.idx.add.f32.msk $0xffff, v4  }
0xb1: {  	v5 =	vld [tilespmem:$0x12920];
	_ =	sdelay $0x7  }
0xb2: {  	[tilespmem:v5+s21+$0x0] =	vst.idx.add.f32.msk $0xffff, v4  }
0xb3: {  	v5 =	vld [tilespmem:$0x12930];
	_ =	sdelay $0x7  }
0xb4: {  	[tilespmem:v5+s21+$0x0] =	vst.idx.add.f32.msk $0xffff, v4  }
0xb5: {  	v5 =	vld [tilespmem:$0x12940];
	_ =	sdelay $0x7  }
0xb6: {  	[tilespmem:v5+s21+$0x0] =	vst.idx.add.f32.msk $0xffff, v4  }
0xb7: {  	v5 =	vld [tilespmem:$0x12950];
	_ =	sdelay $0x7  }
0xb8: {  	[tilespmem:v5+s21+$0x0] =	vst.idx.add.f32.msk $0xffff, v4  }
0xb9: {  	v5 =	vld [tilespmem:$0x12960];
	_ =	sdelay $0x7  }
0xba: {  	[tilespmem:v5+s21+$0x0] =	vst.idx.add.f32.msk $0xffff, v4  }
0xbb: {  	v5 =	vld [tilespmem:$0x1296D];
	_ =	sdelay $0x7  }
0xbc: {  	[tilespmem:v5+s21+$0x0] =	vst.idx.add.f32.msk vm0, v4  }
0xbd: {  	_ =	swait.ge [sflag:s25], $0x3E80  }
0xbe: {  	[sflag:s25] =	ssyncset.done $0x0  }
0xbf: {  	[sflag:s25] =	ssyncadd.s32 $0xFFFFC180  }
0xc0: {  	_ =	swait.ge [sflag:s26], $0x3E80  }
0xc1: {  	[sflag:s26] =	ssyncset.done $0x0  }
0xc2: {  	[sflag:s26] =	ssyncadd.s32 $0xFFFFC180  }
0xc3: {  	[spmem:s3] =	stream.indirect.scatter.add.f32 [tilespmem:s24], [sflag:$0x4], $0x80, s4, s17, $0xb8;
	[tilespmem:$0x1CA80] =	vst v63  }
0xc4: {  	v5 =	vld [tilespmem:$0x12980];
	_ =	sdelay $0x7  }
0xc5: {  	[tilespmem:v5+s21+$0x0] =	vst.idx.add.f32.msk $0xffff, v4  }
0xc6: {  	v5 =	vld [tilespmem:$0x12990];
	_ =	sdelay $0x7  }
0xc7: {  	[tilespmem:v5+s21+$0x0] =	vst.idx.add.f32.msk $0xffff, v4  }
0xc8: {  	v5 =	vld [tilespmem:$0x129A0];
	_ =	sdelay $0x7  }
0xc9: {  	[tilespmem:v5+s21+$0x0] =	vst.idx.add.f32.msk $0xffff, v4  }
0xca: {  	v5 =	vld [tilespmem:$0x129B0];
	_ =	sdelay $0x7  }
0xcb: {  	[tilespmem:v5+s21+$0x0] =	vst.idx.add.f32.msk $0xffff, v4  }
0xcc: {  	v5 =	vld [tilespmem:$0x129C0];
	_ =	sdelay $0x7  }
0xcd: {  	[tilespmem:v5+s21+$0x0] =	vst.idx.add.f32.msk $0xffff, v4  }
0xce: {  	v5 =	vld [tilespmem:$0x129D0];
	_ =	sdelay $0x7  }
0xcf: {  	[tilespmem:v5+s21+$0x0] =	vst.idx.add.f32.msk $0xffff, v4  }
0xd0: {  	v5 =	vld [tilespmem:$0x129E0];
	_ =	sdelay $0x7  }
0xd1: {  	[tilespmem:v5+s21+$0x0] =	vst.idx.add.f32.msk $0xffff, v4  }
0xd2: {  	v5 =	vld [tilespmem:$0x129ED];
	_ =	sdelay $0x6  }
.Ltmp1:
0xd3: {  	_ = 	snop;
	(pc) =	sbr.rel @p1 .LBB2_2-.Ltmp1, $4  }
0xd4: {  	[tilespmem:v5+s21+$0x0] =	vst.idx.add.f32.msk vm0, v4  }
0xd5: {  	_ =	swait.ge [sflag:s30], $0x3E80  }
0xd6: {  	[sflag:s30] =	ssyncset.done $0x0  }
0xd7: {  	p2 =	por $0x0, $0x0;
	p3 =	por $0x1, $0x1;
	[sflag:s30] =	ssyncadd.s32 $0xFFFFC180  }
0xd8: {  	s7 =	simm.s32 $0x40;
	s11 =	simm.s32 $0x1CA00  }
0xd9: {  	[spmem:s12] =	stream.indirect.scatter.add.f32 [tilespmem:s21], [sflag:$0x5], $0x80, s11, s7, $0xb8;
	[tilespmem:$0x1CA80] =	vst v63  }
0xda: {  	_ =	swait.ge [sflag:s15], $0x2000  }
0xdb: {  	[sflag:s15] =	ssyncset.done $0x0  }
0xdc: {  	[sflag:s15] =	ssyncadd.s32 $0xFFFFE000  }
0xdd: {  	[bflag:$0x0] =	sbarrier.arrive $0xFFFF  }
0xde: {  	s14 =	rddreg [dreg:$0x9]  }
0xdf: {  	[hbm:s14], [sflag:s19] =	dma.local [spmem:s20], $0x2000  }
0xe0: {  	_ =	swait.ge [sflag:s15], $0x2000  }
0xe1: {  	s2 =	sadd.s32 $0x1, s2;
	[sflag:s15] =	ssyncset.done $0x0  }
0xe2: {  	p1 =	sne.s32 s2, s13;
	s7 =	rddreg [dreg:$0xa];
	[sflag:s15] =	ssyncadd.s32 $0xFFFFE000  }
0xe3: {  	[hbm:s7], [sflag:s19] =	dma.local @!p0 [spmem:s6], $0x400  }
.Ltmp2:
0xe4: {  	_ = 	snop;
	(pc) =	sbr.rel @p1 .LBB2_1-.Ltmp2, $4  }
0xe5: {  	s6 =	simm.s32 @!p0 $0x5  }
0xe6: {  	_ =	swait.ge @!p0 [sflag:s6], $0x400  }
0xe7: {  	[sflag:s6] =	ssyncset.done @!p0 $0x0  }
0xe8: {  	s8 =	smov.u32 s12;
	[sflag:s6] =	ssyncadd.s32 @!p0 $0xFFFFFC00  }
0xe9: {  	_ =	sfence.sel $0x180000  }
0xea: {  	[bflag:$0x0] =	sbarrier.arrive $0xFFFF  }
0xeb: {  	_ =	strace $0x90000047  }
0xec: {  	[bflag:$0x2] =	sbarrier.arrive $0xFFFF  }
0xed: {  	s0 =	rddreg [dreg:$0x5]  }
0xee: {  	s0 =	sadd.s32 @!p0 $0x100000, s0  }
0xef: {  	[sflag:s0] =	ssyncadd.tile.s32 @!p0 $0x1;
	_ =	shalt  }
.Lfunc_end2:
_tile_overlayer_lowered:
.L_overlay_start_2:
0xf0: {  	(tag) =	ssettag $0x2  }
0xf1: {  	s0 =	rddreg [dreg:$0x0];
	s2 =	stileid.u32  }
0xf2: {  	s1 =	rddreg [dreg:$0x1];
	p0 =	sne.s32 s2, $0x0  }
0xf3: {  	s3 =	rddreg [dreg:$0x2];
	[bflag:$0x3] =	sbarrier.arrive $0xFFFF;
	s2 =	simm.s32 @!p0 $0x1C05  }
0xf4: {  	[timem:s3], [sflag:s2] =	dma.local @!p0 [hbm:s0], s1  }
0xf5: {  	s0 =	simm.s32 @!p0 $0x5  }
0xf6: {  	_ =	swait.ge @!p0 [sflag:s0], s1  }
0xf7: {  	s1 =	ssub.s32 @!p0 $0x0, s1;
	[sflag:s0] =	ssyncset.done @!p0 $0x0  }
0xf8: {  	[sflag:s0] =	ssyncadd.s32 @!p0 s1  }
0xf9: {  	[bflag:$0x3] =	sbarrier.arrive $0xFFFF  }
0xfa: {  	_ =	shalt  }

// kernel: kernel.9.cloned.1.call-start
scs
__scs_entry_jumppad:
0x0: {  	(pc) =	sbr.rel $0x88, $3  }
0x1: {  	(tag) =	ssettag $0x0;
	lr =	simm.s32 $0x1  }
0x2: {  	[smem:$0x3F9A] =	sst lr;
	_ =	strace $0xD0000000  }
0x3: {  	_ = 	snop  }
0x4: {  	_ = 	snop  }
0x5: {  	_ = 	snop  }
0x6: {  	_ = 	snop  }
0x7: {  	_ = 	snop  }
__scs_overlays_trampoline_lowered:
0x8: {  	[smem:$0x3FA9] =	sst s0  }
0x9: {  	[smem:$0x3FAA] =	sst s1  }
0xa: {  	[smem:$0x3FAB] =	sst s2  }
0xb: {  	[smem:$0x3FAC] =	sst s3  }
0xc: {  	[smem:$0x3FAD] =	sst s4  }
0xd: {  	[smem:$0x3FAE] =	sst s5  }
0xe: {  	[smem:$0x3FAF] =	sst s6  }
0xf: {  	[smem:$0x3FB0] =	sst s7  }
0x10: {  	[smem:$0x3FB1] =	sst s8  }
0x11: {  	[smem:$0x3FB2] =	sst s9;
	s0 =	simm.s32 @!p0 $0x0  }
0x12: {  	s1 =	sld [smem:$0x3F98];
	s0 =	simm.s32 @p0 $0x1  }
0x13: {  	[smem:$0x3FB3] =	sst s0;
	s0 =	simm.s32 @!p1 $0x0  }
0x14: {  	s2 =	sld [smem:$0x3F97];
	s0 =	simm.s32 @p1 $0x1  }
0x15: {  	[smem:$0x3FB4] =	sst s0;
	s0 =	simm.s32 @!p2 $0x0  }
0x16: {  	s3 =	sld [smem:$0x3FDB];
	s0 =	simm.s32 @p2 $0x1  }
0x17: {  	s4 =	simm.s32 $0x1BF5;
	[smem:$0x3FB6] =	sst s0  }
0x18: {  	s0 =	sld [smem:$0x3F99];
	_ =	swait.ge [sflag:s4], $0x0  }
0x19: {  	s7 =	sld [smem:$0x3F9A]  }
0x1a: {  	s8 =	sadd.s32 $0xFFFFE003, lr  }
0x1b: {  	s9 =	sadd.s32 $0xFFFFFEF7, lr;
	s5 =	simm.s32 $0xFFFFFFFF;
	p2 =	slt.u32 s8, $0xFFFFF086  }
0x1c: {  	p1 =	slt.u32 s9, $0xF7A;
	s5 =	simm.s32 @!p2 $0x0  }
0x1d: {  	s5 =	simm.s32 @p1 $0x1;
	p0 =	seq.s32 s7, s2  }
0x1e: {  	s7 =	smul.u32 @!p0 $0xF7A, s2;
	p2 =	seq.s32 @!p0 s5, $0x0  }
0x1f: {  	s9 =	smul.u32 $0xF7A, s1;
	s8 =	simm.s32 @!p0 $0x1BF5;
	p2 =	por !p2, p0  }
0x20: {  	[sflag:s8] =	ssyncset.s32 @!p0 $0xFFFFF086;
	s6 =	sadd.s32 @!p0 s3, s7;
	s7 =	simm.s32 @!p0 $0x108  }
0x21: {  	s3 =	sadd.s32 s3, s9;
	s6 =	sadd.s32 @!p0 $0x88, s6;
	s7 =	simm.s32 @p2 $0x1082  }
0x22: {  	[simem:s7], [sflag:s8] =	dma.local @!p0 [hbm:s6], $0xF7A  }
0x23: {  	s9 =	sor.u32 $0xD0000000, s2;
	s6 =	simm.s32 $0x108;
	_ =	swait.ge @!p0 [sflag:s8], $0x0  }
0x24: {  	s3 =	sadd.s32 $0x88, s3;
	s6 =	simm.s32 @!p1 $0x1082;
	[sflag:s4] =	ssyncset.s32 $0xFFFFF086  }
0x25: {  	[simem:s6], [sflag:s4] =	dma.local [hbm:s3], $0xF7A  }
0x26: {  	[smem:$0x3F9A] =	sst s1;
	(tag) =	ssettag s2;
	_ =	strace s9  }
0x27: {  	s1 =	sld [smem:$0x3FAA]  }
0x28: {  	s2 =	sld [smem:$0x3FAB]  }
0x29: {  	s4 =	sld [smem:$0x3FAD]  }
0x2a: {  	p0 =	seq.s32 s5, $0x0;
	s5 =	sld [smem:$0x3FAE]  }
0x2b: {  	s6 =	sld [smem:$0x3FAF]  }
0x2c: {  	s7 =	sld [smem:$0x3FB0]  }
0x2d: {  	s3 =	simm.s32 $0x108;
	s8 =	sld [smem:$0x3FB1]  }
0x2e: {  	s3 =	simm.s32 @!p0 $0x1082;
	s9 =	sld [smem:$0x3FB2]  }
0x2f: {  	lr =	sadd.s32 s0, s3;
	s0 =	sld [smem:$0x3FA9]  }
0x30: {  	s3 =	sld [smem:$0x3FAC]  }
0x31: {  	[smem:$0x3FB5] =	sst s10  }
0x32: {  	s10 =	sld [smem:$0x3FB3];
	_ =	sdelay $0x3  }
0x33: {  	p0 =	seq.s32 s10, $0x1;
	s10 =	sld [smem:$0x3FB5];
	_ =	sdelay $0x3  }
0x34: {  	[smem:$0x3FB5] =	sst s10  }
0x35: {  	s10 =	sld [smem:$0x3FB4];
	_ =	sdelay $0x3  }
0x36: {  	p1 =	seq.s32 s10, $0x1;
	s10 =	sld [smem:$0x3FB5];
	_ =	sdelay $0x3  }
0x37: {  	[smem:$0x3FB5] =	sst s10  }
0x38: {  	s10 =	sld [smem:$0x3FB6]  }
0x39: {  	_ = 	snop;
	(pc) =	sbr.ind lr, $3  }
0x3a: {  	_ = 	snop  }
0x3b: {  	_ = 	snop  }
0x3c: {  	p2 =	seq.s32 s10, $0x1;
	s10 =	sld [smem:$0x3FB5]  }
0x3d: {  	_ =	shalt  }
0x3e: {  	_ =	shalt  }
0x3f: {  	_ =	shalt  }
0x40: {  	_ =	shalt  }
0x41: {  	_ =	shalt  }
0x42: {  	_ =	shalt  }
0x43: {  	_ =	shalt  }
0x44: {  	_ =	shalt  }
0x45: {  	_ =	shalt  }
0x46: {  	_ =	shalt  }
0x47: {  	_ =	shalt  }
0x48: {  	_ =	shalt  }
0x49: {  	_ =	shalt  }
0x4a: {  	_ =	shalt  }
0x4b: {  	_ =	shalt  }
0x4c: {  	_ =	shalt  }
0x4d: {  	_ =	shalt  }
0x4e: {  	_ =	shalt  }
0x4f: {  	_ =	shalt  }
0x50: {  	_ =	shalt  }
0x51: {  	_ =	shalt  }
0x52: {  	_ =	shalt  }
0x53: {  	_ =	shalt  }
0x54: {  	_ =	shalt  }
0x55: {  	_ =	shalt  }
0x56: {  	_ =	shalt  }
0x57: {  	_ =	shalt  }
0x58: {  	_ =	shalt  }
0x59: {  	_ =	shalt  }
0x5a: {  	_ =	shalt  }
0x5b: {  	_ =	shalt  }
0x5c: {  	_ =	shalt  }
0x5d: {  	_ =	shalt  }
0x5e: {  	_ =	shalt  }
0x5f: {  	_ =	shalt  }
0x60: {  	_ =	shalt  }
0x61: {  	_ =	shalt  }
0x62: {  	_ =	shalt  }
0x63: {  	_ =	shalt  }
0x64: {  	_ =	shalt  }
0x65: {  	_ =	shalt  }
0x66: {  	_ =	shalt  }
0x67: {  	_ =	shalt  }
0x68: {  	_ =	shalt  }
0x69: {  	_ =	shalt  }
0x6a: {  	_ =	shalt  }
0x6b: {  	_ =	shalt  }
0x6c: {  	_ =	shalt  }
0x6d: {  	_ =	shalt  }
0x6e: {  	_ =	shalt  }
0x6f: {  	_ =	shalt  }
0x70: {  	_ =	shalt  }
0x71: {  	_ =	shalt  }
0x72: {  	_ =	shalt  }
0x73: {  	_ =	shalt  }
0x74: {  	_ =	shalt  }
0x75: {  	_ =	shalt  }
0x76: {  	_ =	shalt  }
0x77: {  	_ =	shalt  }
0x78: {  	_ =	shalt  }
0x79: {  	_ =	shalt  }
0x7a: {  	_ =	shalt  }
0x7b: {  	_ =	shalt  }
0x7c: {  	_ =	shalt  }
0x7d: {  	_ =	shalt  }
0x7e: {  	_ =	shalt  }
0x7f: {  	_ =	shalt  }
0x80: {  	_ =	shalt  }
0x81: {  	_ =	shalt  }
0x82: {  	_ =	shalt  }
0x83: {  	_ =	shalt  }
0x84: {  	_ =	shalt  }
0x85: {  	_ =	shalt  }
0x86: {  	_ =	shalt  }
0x87: {  	_ =	shalt  }
.Lfunc_end0:
.L_simem_size_0:
called_computation.1_lowered:
.L_overlay_start_0:
0x88: {  	s2 =	sld [smem:$0x3FD9]  }
0x89: {  	s3 =	sld [smem:$0x3FFE];
	_ =	sdelay $0x1  }
0x8a: {  	s1 =	srdreg.scid  }
0x8b: {  	s0 =	sand.u32 $0x1, s1  }
0x8c: {  	s17 =	sshll.u32 s0, $0xA;
	s2 =	sadd.s32 s3, s2  }
0x8d: {  	s2 =	sadd.s32 s2, s17  }
0x8e: {  	[smem:$0x3FC1] =	sst s2  }
0x8f: {  	_ = 	snop  }
0x90: {  	s2 =	sld [smem:$0x3FD0];
	(tm) =	ssettm $0x1  }
0x91: {  	s18 =	sld [smem:$0x3FFB];
	_ =	sdelay $0x3  }
0x92: {  	_ =	strace s18  }
0x93: {  	s3 =	sld [smem:$0x3FFC];
	_ =	sdelay $0x3  }
0x94: {  	_ =	strace s3  }
0x95: {  	s3 =	sld [smem:$0x3FFD];
	_ =	sdelay $0x3  }
0x96: {  	_ =	strace s3  }
0x97: {  	_ =	strace $0x8FFFFFFF  }
0x98: {  	s19 =	sld [smem:$0x3FDB];
	_ =	sdelay $0x1  }
0x99: {  	s4 =	simm.s32 $_scs_section_size  }
0x9a: {  	s5 =	simm.s32 $_size__tile_overlayer_lowered;
	s6 =	simm.s32 $_tile_overlayer_lowered  }
0x9b: {  	s22 =	simm.s32 $0x1BFF;
	s21 =	sshll.u32 s6, $0x1;
	s3 =	sadd.s32 s4, s19  }
0x9c: {  	s7 =	simm.s32 $0x0;
	s20 =	sshll.u32 s5, $0x1;
	s5 =	sadd.s32 s21, s3  }
0x9d: {  	[timem:s7], [sflag:s22] =	dma.local [hbm:s5], s20  }
0x9e: {  	_ =	swait.ge [sflag:s22], s20  }
0x9f: {  	s4 =	ssub.s32 $0x0, s20;
	[sflag:s22] =	ssyncset.done $0x0  }
0xa0: {  	[sflag:s22] =	ssyncadd.s32 s4;
	_ =	sdelay $0x1  }
0xa1: {  	s23 =	simm.s32 $0x1B8B  }
0xa2: {  	_ =	swait.ge [sflag:s23], $0x1  }
0xa3: {  	[sflag:s23] =	ssyncset.done $0x0  }
0xa4: {  	s25 =	simm.s32 $0x1B8E;
	s24 =	sld [smem:$0x3FFE];
	[sflag:s23] =	ssyncadd.s32 $0xFFFFFFFF  }
0xa5: {  	s26 =	simm.s32 $execute0_lowered;
	[smem:$0x3FD2] =	sst s25  }
0xa6: {  	s5 =	sshll.u32 s26, $0x1;
	_ =	strace $0x80000049;
	[dreg:$0x1] =	wrdreg $0xFFFFFFFF  }
0xa7: {  	s28 =	simm.s32 $_size_execute0_lowered;
	s3 =	sadd.s32 s3, s5;
	[dreg:$0x0] =	wrdreg $0x0  }
0xa8: {  	s5 =	sshll.u32 s28, $0x1;
	[dreg:$0x2] =	wrdreg s3  }
0xa9: {  	[dreg:$0x3] =	wrdreg s5  }
0xaa: {  	[dreg:$0x4] =	wrdreg $0xC0  }
0xab: {  	_ =	task [dreg:s7], $0x5FFFF  }
0xac: {  	[dreg:$0x1] =	wrdreg $0xFFFFFFFF  }
0xad: {  	[dreg:$0x0] =	wrdreg $0x60  }
0xae: {  	[dreg:$0x2] =	wrdreg s24  }
0xaf: {  	[dreg:$0x3] =	wrdreg s2  }
0xb0: {  	[dreg:$0x4] =	wrdreg $0x9  }
0xb1: {  	_ =	task.clear_ibuf [dreg:s7], $0x5FFFF;
	_ =	strace $0x90000049  }
0xb2: {  	s29 =	simm.s32 $0x9;
	_ =	strace $0x8000004B  }
0xb3: {  	_ =	swait.ge [sflag:s29], $0x1  }
0xb4: {  	[sflag:s29] =	ssyncadd.s32 $0xFFFFFFFF  }
0xb5: {  	_ =	strace $0x9000004B  }
0xb6: {  	_ =	sfence  }
0xb7: {  	s30 =	sld [smem:$0x0];
	_ =	sdelay $0x2  }
0xb8: {  	s31 =	sshll.u32 s1, $0xD;
	s1 =	sshrl.u32 s1, $0x2  }
0xb9: {  	s3 =	sand.u32 $0x4000, s31;
	s1 =	sadd.s32 s1, s30  }
0xba: {  	s0 =	sor.u32 s3, s0;
	s1 =	sshll.u32 s1, $0x11  }
0xbb: {  	s0 =	sor.u32 s1, s0  }
0xbc: {  	s0 =	sadd.s32 $0x8F2B, s0  }
0xbd: {  	[sflag:s0] =	ssyncadd.remote.s32 $0x1  }
0xbe: {  	_ =	sfence.sel $0xFFFF  }
0xbf: {  	[dreg:$0x0] =	wrdreg $0xFFFFFFFF;
	(pc) =	sbr.abs _section_cstart, $3  }
0xc0: {  	[dreg:$0x1] =	wrdreg $0xFFFFFFFF  }
0xc1: {  	_ =	task.clear_ibuf [dreg:s7], $0x2FFFF;
	_ =	strace $0x9FFFFFFF  }
0xc2: {  	(tm) =	ssettm $0x7FFFFFFF  }
0xc3: {  	_ =	shalt  }
tec
execute0_lowered:
.L_overlay_start_1:
0x0: {  	(tag) =	ssettag $0x1  }
0x1: {  	s6 =	rddreg [dreg:$0x0]  }
0x2: {  	s7 =	rddreg [dreg:$0x1];
	s2 =	srdreg.scid  }
0x3: {  	s0 =	rddreg [dreg:$0x2];
	s1 =	stileid.u32;
	s11 =	simm.s32 $0x12000  }
0x4: {  	s12 =	simm.s32 $0x1;
	s13 =	simm.s32 $0x2;
	s14 =	simm.s32 $0x3  }
0x5: {  	s15 =	simm.s32 $0x4;
	s16 =	simm.s32 $0x14000;
	s17 =	simm.s32 $0x5  }
0x6: {  	s3 =	sand.u32 $0x1, s2;
	s2 =	simm.s32 $0x0;
	s5 =	sshll.u32 s1, $0x8  }
0x7: {  	s4 =	sshll.u32 s3, $0xC;
	[smem:$0x7FF] =	sst s2;
	s30 =	ssub.s32 $0x2, s3  }
0x8: {  	s3 =	sadd.s32 $0x56000, s6;
	s18 =	sor.u32 s5, s4;
	s31 =	sshrl.u32 s30, $0x1  }
0x9: {  	_ =	strace $0x8000004A;
	s8 =	sshll.u32 s18, $0x4;
	s10 =	ssub.s32 s30, s31  }
0xa: {  	v0 =	vmov s18;
	s18 =	simm.s32 $0x0;
	s9 =	sadd.s32 s8, s6;
	s6 =	sadd.s32 $0x56400, s6  }
0xb: {  	s7 =	sadd.s32 s7, s8;
	s8 =	smax.u32 s10, $0x1;
	s10 =	simm.s32 $0x10000  }
0xc: {  	[tilespmem:$0x1FFF0] =	vst v0;
	s4 =	sadd.s32 $0x16000, s9;
	s5 =	sadd.s32 $0x36000, s9;
	s9 =	simm.s32 $0x8000  }
.LBB2_1:
0xd: {  	[tilespmem:s2], [sflag:$0x1] =	stream.linear.gather [hbm4b:s4+s2], $0x8000, $0x38;
	[tilespmem:$0x1C000] =	vst v63  }
0xe: {  	_ = 	snop  }
0xf: {  	[tilespmem:s9], [sflag:$0x2] =	stream.linear.gather [hbm4b:s5+s2], $0x8000, $0x38;
	[tilespmem:$0x1C000] =	vst v63  }
0x10: {  	_ = 	snop  }
0x11: {  	[tilespmem:s10], [sflag:$0x3] =	stream.linear.gather [hbm4b:s3+s2], $0x2000, $0x38;
	[tilespmem:$0x1C000] =	vst v63  }
0x12: {  	_ = 	snop  }
0x13: {  	[tilespmem:s11], [sflag:$0x4] =	stream.linear.gather [hbm4b:s6+s2], $0x2000, $0x38;
	[tilespmem:$0x1C000] =	vst v63  }
0x14: {  	_ =	swait.ge [sflag:s12], $0x8000  }
0x15: {  	[sflag:s12] =	ssyncset.done $0x0  }
0x16: {  	[sflag:s12] =	ssyncadd.s32 $0xFFFF8000  }
0x17: {  	_ =	swait.ge [sflag:s13], $0x8000  }
0x18: {  	[sflag:s13] =	ssyncset.done $0x0  }
0x19: {  	[sflag:s13] =	ssyncadd.s32 $0xFFFF8000  }
0x1a: {  	_ =	swait.ge [sflag:s14], $0x2000  }
0x1b: {  	[sflag:s14] =	ssyncset.done $0x0  }
0x1c: {  	[sflag:s14] =	ssyncadd.s32 $0xFFFFE000  }
0x1d: {  	_ =	swait.ge [sflag:s15], $0x2000  }
0x1e: {  	[sflag:s15] =	ssyncset.done $0x0  }
0x1f: {  	s19 =	simm.s32 $0x0;
	[sflag:s15] =	ssyncadd.s32 $0xFFFFE000  }
0x20: {  	v28 =	vld [tilespmem:s19+$0x340];
	_ =	sdelay $0x4  }
0x21: {  	[tilespmem:$0x1FBF0] =	vst v28;
	v28 =	vld [tilespmem:s19+$0x8340];
	_ =	sdelay $0x4  }
0x22: {  	[tilespmem:$0x1FC00] =	vst v28;
	v28 =	vld [tilespmem:s19+$0x350];
	_ =	sdelay $0x4  }
0x23: {  	[tilespmem:$0x1FC10] =	vst v28;
	v28 =	vld [tilespmem:s19+$0x8350];
	_ =	sdelay $0x4  }
0x24: {  	[tilespmem:$0x1FC20] =	vst v28;
	v28 =	vld [tilespmem:s19+$0x360];
	_ =	sdelay $0x4  }
0x25: {  	[tilespmem:$0x1FC30] =	vst v28;
	v28 =	vld [tilespmem:s19+$0x8360];
	_ =	sdelay $0x4  }
0x26: {  	[tilespmem:$0x1FC40] =	vst v28;
	v28 =	vld [tilespmem:s19+$0x370];
	_ =	sdelay $0x4  }
0x27: {  	[tilespmem:$0x1FC50] =	vst v28;
	v28 =	vld [tilespmem:s19+$0x8370];
	_ =	sdelay $0x4  }
0x28: {  	[tilespmem:$0x1FC60] =	vst v28;
	v28 =	vld [tilespmem:s19+$0x380];
	_ =	sdelay $0x4  }
0x29: {  	[tilespmem:$0x1FC70] =	vst v28;
	v28 =	vld [tilespmem:s19+$0x8380];
	_ =	sdelay $0x3  }
0x2a: {  	v0 =	vld [tilespmem:s19+$0x8030]  }
0x2b: {  	[tilespmem:$0x1FC80] =	vst v28;
	v28 =	vld [tilespmem:s19+$0x390];
	_ =	sdelay $0x3  }
0x2c: {  	[tilespmem:$0x1FF20] =	vst v0;
	v0 =	vld [tilespmem:s19+$0x60]  }
0x2d: {  	[tilespmem:$0x1FC90] =	vst v28;
	v28 =	vld [tilespmem:s19+$0x8390];
	_ =	sdelay $0x3  }
0x2e: {  	[tilespmem:$0x1FF30] =	vst v0;
	v0 =	vld [tilespmem:s19+$0x70]  }
0x2f: {  	[tilespmem:$0x1FCA0] =	vst v28;
	v28 =	vld [tilespmem:s19+$0x3A0];
	_ =	sdelay $0x3  }
0x30: {  	[tilespmem:$0x1FF40] =	vst v0;
	v0 =	vld [tilespmem:s19+$0x80]  }
0x31: {  	[tilespmem:$0x1FCB0] =	vst v28;
	v28 =	vld [tilespmem:s19+$0x83A0];
	_ =	sdelay $0x3  }
0x32: {  	[tilespmem:$0x1FF50] =	vst v0;
	v0 =	vld [tilespmem:s19+$0x90]  }
0x33: {  	[tilespmem:$0x1FCC0] =	vst v28;
	v28 =	vld [tilespmem:s19+$0x3B0];
	_ =	sdelay $0x3  }
0x34: {  	[tilespmem:$0x1FF70] =	vst v0;
	v0 =	vld [tilespmem:s19+$0xA0]  }
0x35: {  	[tilespmem:$0x1FCD0] =	vst v28;
	v28 =	vld [tilespmem:s19+$0x83B0];
	_ =	sdelay $0x3  }
0x36: {  	[tilespmem:$0x1FF80] =	vst v0;
	v0 =	vld [tilespmem:s19+$0xB0]  }
0x37: {  	[tilespmem:$0x1FCE0] =	vst v28;
	v28 =	vld [tilespmem:s19+$0x3C0];
	_ =	sdelay $0x3  }
0x38: {  	[tilespmem:$0x1FF90] =	vst v0;
	v0 =	vld [tilespmem:s19+$0xD0]  }
0x39: {  	[tilespmem:$0x1FCF0] =	vst v28;
	v28 =	vld [tilespmem:s19+$0x83C0];
	_ =	sdelay $0x3  }
0x3a: {  	[tilespmem:$0x1FFB0] =	vst v0;
	v0 =	vld [tilespmem:s19+$0xE0]  }
0x3b: {  	[tilespmem:$0x1FD00] =	vst v28;
	v28 =	vld [tilespmem:s19+$0x3D0];
	_ =	sdelay $0x3  }
0x3c: {  	[tilespmem:$0x1FFC0] =	vst v0;
	v0 =	vld [tilespmem:s19+$0xF0]  }
0x3d: {  	[tilespmem:$0x1FD10] =	vst v28;
	v28 =	vld [tilespmem:s19+$0x83D0];
	_ =	sdelay $0x3  }
0x3e: {  	[tilespmem:$0x1FFE0] =	vst v0;
	v0 =	vld [tilespmem:s19+$0x140]  }
0x3f: {  	[tilespmem:$0x1FD20] =	vst v28;
	v28 =	vld [tilespmem:s19+$0x3E0];
	_ =	sdelay $0x3  }
0x40: {  	[tilespmem:$0x1F980] =	vst v0;
	v0 =	vld [tilespmem:s19+$0x8140]  }
0x41: {  	[tilespmem:$0x1FD30] =	vst v28;
	v28 =	vld [tilespmem:s19+$0x83E0];
	_ =	sdelay $0x1  }
0x42: {  	v49 =	vld [tilespmem:s19+$0x0]  }
0x43: {  	v33 =	vld [tilespmem:s19+$0x8000]  }
0x44: {  	[tilespmem:$0x1F990] =	vst v0;
	v0 =	vld [tilespmem:s19+$0x150]  }
0x45: {  	[tilespmem:$0x1FD40] =	vst v28;
	v28 =	vld [tilespmem:s19+$0x3F0]  }
0x46: {  	v39 =	vld [tilespmem:s19+$0x10]  }
0x47: {  	v32 =	vld [tilespmem:s19+$0x8010]  }
0x48: {  	v55 =	vld [tilespmem:s19+$0x20]  }
0x49: {  	[tilespmem:$0x1F9A0] =	vst v0;
	v0 =	vld [tilespmem:s19+$0x8150]  }
0x4a: {  	[tilespmem:$0x1FD50] =	vst v28;
	v28 =	vld [tilespmem:s19+$0x83F0]  }
0x4b: {  	v38 =	vld [tilespmem:s19+$0x8020]  }
0x4c: {  	v60 =	vld [tilespmem:s19+$0x30]  }
0x4d: {  	v36 =	vld [tilespmem:s19+$0x40]  }
0x4e: {  	[tilespmem:$0x1F9B0] =	vst v0;
	v0 =	vld [tilespmem:s19+$0x160]  }
0x4f: {  	[tilespmem:$0x1FD60] =	vst v28;
	v28 =	vld [tilespmem:s19+$0x400]  }
0x50: {  	v34 =	vld [tilespmem:s19+$0x8040]  }
0x51: {  	v37 =	vld [tilespmem:s19+$0x50]  }
0x52: {  	v35 =	vld [tilespmem:s19+$0x8050]  }
0x53: {  	[tilespmem:$0x1F9C0] =	vst v0;
	v0 =	vld [tilespmem:s19+$0x8160]  }
0x54: {  	[tilespmem:$0x1FD70] =	vst v28;
	v28 =	vld [tilespmem:s19+$0x8400]  }
0x55: {  	v30 =	vld [tilespmem:s19+$0x8060]  }
0x56: {  	v31 =	vld [tilespmem:s19+$0x8070]  }
0x57: {  	v26 =	vld [tilespmem:s19+$0x8080]  }
0x58: {  	[tilespmem:$0x1F9D0] =	vst v0;
	v0 =	vld [tilespmem:s19+$0x170]  }
0x59: {  	[tilespmem:$0x1FD80] =	vst v28;
	v28 =	vld [tilespmem:s19+$0x410]  }
0x5a: {  	v25 =	vld [tilespmem:s19+$0x8090]  }
0x5b: {  	v63 =	vld [tilespmem:s19+$0x80A0]  }
0x5c: {  	v18 =	vld [tilespmem:s19+$0x80B0]  }
0x5d: {  	[tilespmem:$0x1F9E0] =	vst v0;
	v0 =	vld [tilespmem:s19+$0x8170]  }
0x5e: {  	[tilespmem:$0x1FD90] =	vst v28;
	v28 =	vld [tilespmem:s19+$0x8410]  }
0x5f: {  	v6 =	vld [tilespmem:s19+$0xC0]  }
0x60: {  	v21 =	vld [tilespmem:s19+$0x80C0]  }
0x61: {  	v20 =	vld [tilespmem:s19+$0x80D0]  }
0x62: {  	[tilespmem:$0x1F9F0] =	vst v0;
	v0 =	vld [tilespmem:s19+$0x180]  }
0x63: {  	[tilespmem:$0x1FDA0] =	vst v28;
	v28 =	vld [tilespmem:s19+$0x420]  }
0x64: {  	v17 =	vld [tilespmem:s19+$0x80E0]  }
0x65: {  	v19 =	vld [tilespmem:s19+$0x80F0]  }
0x66: {  	v43 =	vld [tilespmem:s19+$0x100]  }
0x67: {  	[tilespmem:$0x1FA00] =	vst v0;
	v0 =	vld [tilespmem:s19+$0x8180]  }
0x68: {  	[tilespmem:$0x1FDB0] =	vst v28;
	v28 =	vld [tilespmem:s19+$0x8420]  }
0x69: {  	v15 =	vld [tilespmem:s19+$0x8100]  }
0x6a: {  	v9 =	vld [tilespmem:s19+$0x110]  }
0x6b: {  	v12 =	vld [tilespmem:s19+$0x8110]  }
0x6c: {  	[tilespmem:$0x1FA10] =	vst v0;
	v0 =	vld [tilespmem:s19+$0x190]  }
0x6d: {  	[tilespmem:$0x1FDC0] =	vst v28;
	v28 =	vld [tilespmem:s19+$0x430]  }
0x6e: {  	v11 =	vld [tilespmem:s19+$0x120]  }
0x6f: {  	v45 =	vld [tilespmem:s19+$0x8120]  }
0x70: {  	v24 =	vld [tilespmem:s19+$0x130]  }
0x71: {  	[tilespmem:$0x1FA20] =	vst v0;
	v0 =	vld [tilespmem:s19+$0x8190]  }
0x72: {  	[tilespmem:$0x1FDD0] =	vst v28;
	v28 =	vld [tilespmem:s19+$0x8430]  }
0x73: {  	v1 =	vld [tilespmem:s19+$0x8130]  }
0x74: {  	v41 =	vld [tilespmem:s19+$0x81C0]  }
0x75: {  	v27 =	vld [tilespmem:s19+$0x81D0]  }
0x76: {  	[tilespmem:$0x1FA30] =	vst v0;
	v0 =	vld [tilespmem:s19+$0x1A0]  }
0x77: {  	[tilespmem:$0x1FDE0] =	vst v28;
	v28 =	vld [tilespmem:s19+$0x440]  }
0x78: {  	v23 =	vld [tilespmem:s19+$0x81E0]  }
0x79: {  	v52 =	vld [tilespmem:s19+$0x81F0]  }
0x7a: {  	v53 =	vld [tilespmem:s19+$0x8200]  }
0x7b: {  	[tilespmem:$0x1FA40] =	vst v0;
	v0 =	vld [tilespmem:s19+$0x81A0]  }
0x7c: {  	[tilespmem:$0x1FDF0] =	vst v28;
	v28 =	vld [tilespmem:s19+$0x8440]  }
0x7d: {  	v40 =	vld [tilespmem:s19+$0x210]  }
0x7e: {  	v44 =	vld [tilespmem:s19+$0x8210]  }
0x7f: {  	v50 =	vld [tilespmem:s19+$0x220]  }
0x80: {  	[tilespmem:$0x1FA50] =	vst v0;
	v0 =	vld [tilespmem:s19+$0x1B0]  }
0x81: {  	[tilespmem:$0x1FE00] =	vst v28;
	v28 =	vld [tilespmem:s19+$0x450]  }
0x82: {  	v22 =	vld [tilespmem:s19+$0x8220]  }
0x83: {  	v57 =	vld [tilespmem:s19+$0x230]  }
0x84: {  	v29 =	vld [tilespmem:s19+$0x8230]  }
0x85: {  	[tilespmem:$0x1FA60] =	vst v0;
	v0 =	vld [tilespmem:s19+$0x81B0]  }
0x86: {  	[tilespmem:$0x1FE10] =	vst v28;
	v28 =	vld [tilespmem:s19+$0x8450]  }
0x87: {  	v48 =	vld [tilespmem:s19+$0x8240]  }
0x88: {  	v8 =	vld [tilespmem:s19+$0x8250]  }
0x89: {  	v61 =	vld [tilespmem:s19+$0x8260]  }
0x8a: {  	[tilespmem:$0x1FA70] =	vst v0;
	v0 =	vld [tilespmem:s19+$0x1C0]  }
0x8b: {  	[tilespmem:$0x1FE20] =	vst v28;
	v28 =	vld [tilespmem:s19+$0x460]  }
0x8c: {  	v3 =	vld [tilespmem:s19+$0x8270]  }
0x8d: {  	v13 =	vld [tilespmem:s19+$0x8280]  }
0x8e: {  	v39 =	vadd.f32 v32, v39;
	v32 =	vadd.f32 v38, v55;
	v55 =	vld [tilespmem:$0x1FF20]  }
0x8f: {  	[tilespmem:$0x1FA80] =	vst v0;
	v0 =	vld [tilespmem:s19+$0x1D0]  }
0x90: {  	[tilespmem:$0x1FE30] =	vst v28;
	v28 =	vld [tilespmem:s19+$0x8460]  }
0x91: {  	v42 =	vld [tilespmem:s19+$0x8290]  }
0x92: {  	v2 =	vld [tilespmem:s19+$0x82A0]  }
0x93: {  	v38 =	vadd.f32 v55, v60;
	v55 =	vld [tilespmem:$0x1FF30]  }
0x94: {  	[tilespmem:$0x1FA90] =	vst v0;
	v0 =	vld [tilespmem:s19+$0x1E0]  }
0x95: {  	[tilespmem:$0x1FE40] =	vst v28;
	v28 =	vld [tilespmem:s19+$0x470]  }
0x96: {  	v10 =	vld [tilespmem:s19+$0x82B0]  }
0x97: {  	v4 =	vld [tilespmem:s19+$0x82C0]  }
0x98: {  	v36 =	vadd.f32 v34, v36;
	v34 =	vadd.f32 v30, v55;
	v30 =	vld [tilespmem:$0x1FF40]  }
0x99: {  	[tilespmem:$0x1FAA0] =	vst v0;
	v0 =	vld [tilespmem:s19+$0x1F0]  }
0x9a: {  	[tilespmem:$0x1FE50] =	vst v28;
	v28 =	vld [tilespmem:s19+$0x8470]  }
0x9b: {  	v5 =	vld [tilespmem:s19+$0x2E0]  }
0x9c: {  	v16 =	vld [tilespmem:s19+$0x82E0]  }
0x9d: {  	v37 =	vadd.f32 v35, v37;
	v35 =	vadd.f32 v31, v30;
	v30 =	vld [tilespmem:$0x1FF50]  }
0x9e: {  	[tilespmem:$0x1FAB0] =	vst v0;
	v0 =	vld [tilespmem:s19+$0x200]  }
0x9f: {  	[tilespmem:$0x1FE60] =	vst v28;
	v28 =	vld [tilespmem:s19+$0x480]  }
0xa0: {  	v14 =	vld [tilespmem:s19+$0x82F0]  }
0xa1: {  	v7 =	vld [tilespmem:s19+$0x310]  }
0xa2: {  	v30 =	vadd.f32 v26, v30;
	v26 =	vld [tilespmem:s19+$0x8530]  }
0xa3: {  	[tilespmem:$0x1FAC0] =	vst v0;
	v0 =	vld [tilespmem:s19+$0x240]  }
0xa4: {  	[tilespmem:$0x1FE70] =	vst v28;
	v28 =	vld [tilespmem:s19+$0x8480]  }
0xa5: {  	v62 =	vld [tilespmem:s19+$0x4D0]  }
0xa6: {  	v56 =	vld [tilespmem:s19+$0x4E0]  }
0xa7: {  	[tilespmem:$0x1FF60] =	vst v26;
	v26 =	vld [tilespmem:$0x1FF70]  }
0xa8: {  	[tilespmem:$0x1FAD0] =	vst v0;
	v0 =	vld [tilespmem:s19+$0x250]  }
0xa9: {  	[tilespmem:$0x1FE80] =	vst v28;
	v28 =	vld [tilespmem:s19+$0x490]  }
0xaa: {  	v59 =	vld [tilespmem:s19+$0x84E0]  }
0xab: {  	v51 =	vld [tilespmem:s19+$0x4F0]  }
0xac: {  	v31 =	vadd.f32 v25, v26;
	v26 =	vld [tilespmem:$0x1FF90]  }
0xad: {  	[tilespmem:$0x1FAE0] =	vst v0;
	v0 =	vld [tilespmem:s19+$0x260]  }
0xae: {  	[tilespmem:$0x1FE90] =	vst v28;
	v28 =	vld [tilespmem:s19+$0x8490]  }
0xaf: {  	v58 =	vld [tilespmem:s19+$0x84F0]  }
0xb0: {  	v46 =	vld [tilespmem:s19+$0x500]  }
0xb1: {  	v26 =	vadd.f32 v18, v26;
	v18 =	vadd.f32 v21, v6;
	v6 =	vld [tilespmem:s19+$0x8540]  }
0xb2: {  	[tilespmem:$0x1FAF0] =	vst v0;
	v0 =	vld [tilespmem:s19+$0x270]  }
0xb3: {  	[tilespmem:$0x1FEA0] =	vst v28;
	v28 =	vld [tilespmem:s19+$0x4A0]  }
0xb4: {  	v54 =	vld [tilespmem:s19+$0x8500]  }
0xb5: {  	v47 =	vld [tilespmem:s19+$0x510]  }
0xb6: {  	[tilespmem:$0x1FFA0] =	vst v6;
	v6 =	vld [tilespmem:$0x1FFB0]  }
0xb7: {  	[tilespmem:$0x1FB00] =	vst v0;
	v0 =	vld [tilespmem:s19+$0x280]  }
0xb8: {  	[tilespmem:$0x1FEB0] =	vst v28;
	v28 =	vld [tilespmem:s19+$0x84A0]  }
0xb9: {  	[tilespmem:$0x1FB70] =	vst v5;
	v5 =	vld [tilespmem:s19+$0x2F0]  }
0xba: {  	[tilespmem:$0x1FBA0] =	vst v7;
	v7 =	vld [tilespmem:s19+$0x8310]  }
0xbb: {  	v20 =	vadd.f32 v20, v6;
	v6 =	vld [tilespmem:$0x1FFC0]  }
0xbc: {  	[tilespmem:$0x1FB10] =	vst v0;
	v0 =	vld [tilespmem:s19+$0x290]  }
0xbd: {  	[tilespmem:$0x1FEC0] =	vst v28;
	v28 =	vld [tilespmem:s19+$0x4B0]  }
0xbe: {  	v33 =	vadd.f32 v33, v49;
	v49 =	vld [tilespmem:s19+$0x8510]  }
0xbf: {  	[tilespmem:$0x1FB80] =	vst v5;
	v5 =	vld [tilespmem:s19+$0x300]  }
0xc0: {  	v17 =	vadd.f32 v17, v6;
	v6 =	vld [tilespmem:s19+$0x550]  }
0xc1: {  	[tilespmem:$0x1FB20] =	vst v0;
	v0 =	vld [tilespmem:s19+$0x2A0]  }
0xc2: {  	[tilespmem:$0x1FED0] =	vst v28;
	v28 =	vld [tilespmem:s19+$0x84B0]  }
0xc3: {  	[tilespmem:$0x1FBB0] =	vst v7;
	v7 =	vld [tilespmem:s19+$0x320]  }
0xc4: {  	v60 =	vld [tilespmem:s19+$0x8520]  }
0xc5: {  	[tilespmem:$0x1FFD0] =	vst v6;
	v6 =	vmov v1;
	v1 =	vld [tilespmem:$0x1FFE0]  }
0xc6: {  	[tilespmem:$0x1FB30] =	vst v0;
	v0 =	vld [tilespmem:s19+$0x2B0]  }
0xc7: {  	[tilespmem:$0x1FEE0] =	vst v28;
	v28 =	vld [tilespmem:s19+$0x4C0]  }
0xc8: {  	[tilespmem:$0x1FBC0] =	vst v7;
	v7 =	vld [tilespmem:s19+$0x8320]  }
0xc9: {  	[tilespmem:$0x1FB90] =	vst v5;
	v5 =	vld [tilespmem:s19+$0x8300]  }
0xca: {  	v19 =	vadd.f32 v19, v1;
	v1 =	vld [tilespmem:$0x1FFF0]  }
0xcb: {  	[tilespmem:$0x1FB40] =	vst v0;
	v0 =	vld [tilespmem:s19+$0x2C0]  }
0xcc: {  	[tilespmem:$0x1FEF0] =	vst v28;
	v28 =	vld [tilespmem:s19+$0x84C0]  }
0xcd: {  	[tilespmem:$0x1FBD0] =	vst v7;
	v7 =	vld [tilespmem:s19+$0x330]  }
0xce: {  	v25 =	vld [tilespmem:$0x1FF80]  }
0xcf: {  	v55 =	vld [tilespmem:s19+$0x530]  }
0xd0: {  	[tilespmem:$0x1FB50] =	vst v0;
	v0 =	vld [tilespmem:s19+$0x2D0]  }
0xd1: {  	[tilespmem:$0x1FF00] =	vst v28;
	v28 =	vld [tilespmem:s19+$0x84D0]  }
0xd2: {  	[tilespmem:$0x1FBE0] =	vst v7;
	v7 =	vld [tilespmem:s19+$0x8330]  }
0xd3: {  	s21 =	simm.s32 $0x0;
	v25 =	vadd.f32 v63, v25;
	v63 =	vld [tilespmem:s19+$0x540]  }
0xd4: {  	v43 =	vadd.f32 v15, v43;
	v15 =	vld.idx.msk [tilespmem:v1+s21+$0x12000 ss:$0x1], $0xffff  }
0xd5: {  	[tilespmem:$0x1FB60] =	vst v0;
	v0 =	vld [tilespmem:s19+$0x82D0]  }
0xd6: {  	s20 =	simm.s32 $0x1;
	[tilespmem:$0x1FF10] =	vst v28;
	v28 =	vmov v45;
	v45 =	vld [tilespmem:s19+$0x520]  }
.LBB2_2:
0xd7: {  	v1 =	vld [tilespmem:$0x1FFF0];
	_ =	sdelay $0x6  }
0xd8: {  	[tilespmem:$0x1F0C0] =	vst v59;
	v59 =	vmov v62;
	v62 =	vadd.f32 v12, v9;
	v9 =	vadd.f32 v28, v11;
	v11 =	vld [tilespmem:$0x1F990]  }
0xd9: {  	v21 =	vld.idx.msk [tilespmem:v1+s21+$0x10000 ss:$0x1], $0xffff  }
0xda: {  	v1 =	vld [tilespmem:$0x1F980];
	_ =	sdelay $0x4  }
0xdb: {  	[tilespmem:$0x1F0D0] =	vst v51;
	v51 =	vadd.f32 v11, v1;
	v1 =	vld [tilespmem:s19+$0x8550];
	_ =	sdelay $0x3  }
0xdc: {  	v11 =	vld [tilespmem:$0x1F9B0]  }
0xdd: {  	[tilespmem:$0x1F170] =	vst v1;
	v1 =	vld [tilespmem:$0x1F9A0];
	_ =	sdelay $0x3  }
0xde: {  	v12 =	vld [tilespmem:$0x1F9D0]  }
0xdf: {  	v11 =	vadd.f32 v11, v1;
	v1 =	vld [tilespmem:$0x1F9C0];
	_ =	sdelay $0x4  }
0xe0: {  	[tilespmem:$0x1F110] =	vst v55;
	v55 =	vmov v58;
	v58 =	vmov v56;
	v56 =	vadd.f32 v12, v1;
	v1 =	vld [tilespmem:s19+$0x560];
	_ =	sdelay $0x2  }
0xe1: {  	v15 =	vadd.f32 v15, v21;
	v21 =	vld [tilespmem:$0x1FA90]  }
0xe2: {  	v12 =	vld [tilespmem:$0x1F9F0]  }
0xe3: {  	[tilespmem:$0x1F1A0] =	vst v1;
	v1 =	vld [tilespmem:$0x1F9E0];
	_ =	sdelay $0x3  }
0xe4: {  	v21 =	vadd.f32 v27, v21;
	v27 =	vld [tilespmem:s19+$0x580]  }
0xe5: {  	v6 =	vadd.f32 v6, v24;
	v24 =	vadd.f32 v12, v1;
	v1 =	vld [tilespmem:$0x1FA00]  }
0xe6: {  	v12 =	vld [tilespmem:$0x1FA10];
	_ =	sdelay $0x3  }
0xe7: {  	[tilespmem:$0x1F220] =	vst v27;
	v27 =	vld [tilespmem:$0x1FAA0]  }
0xe8: {  	v12 =	vadd.f32 v12, v1;
	v1 =	vld [tilespmem:s19+$0x8560];
	_ =	sdelay $0x2  }
0xe9: {  	v28 =	vld [tilespmem:$0x1FA30]  }
0xea: {  	v23 =	vadd.f32 v23, v27;
	v27 =	vld [tilespmem:$0x1FAB0]  }
0xeb: {  	[tilespmem:$0x1F1B0] =	vst v1;
	v1 =	vld [tilespmem:$0x1FA20];
	_ =	sdelay $0x3  }
0xec: {  	v27 =	vadd.f32 v52, v27;
	v52 =	vld [tilespmem:s19+$0x8580]  }
0xed: {  	[tilespmem:$0x1F140] =	vst v63;
	v63 =	vadd.f32 v28, v1;
	v1 =	vld [tilespmem:$0x1FA40]  }
0xee: {  	v28 =	vld [tilespmem:$0x1FA50];
	_ =	sdelay $0x3  }
0xef: {  	[tilespmem:$0x1F230] =	vst v52;
	v52 =	vmov v49;
	v49 =	vmov v47;
	v47 =	vadd.f32 v22, v50;
	v22 =	vld [tilespmem:s19+$0x8590]  }
0xf0: {  	v1 =	vadd.f32 v28, v1;
	v28 =	vld [tilespmem:s19+$0x570];
	_ =	sdelay $0x2  }
0xf1: {  	[tilespmem:$0x1F0E0] =	vst v46;
	v46 =	vld [tilespmem:$0x1FA70]  }
0xf2: {  	[tilespmem:$0x1F270] =	vst v22;
	v22 =	vld [tilespmem:$0x1FAD0]  }
0xf3: {  	[tilespmem:$0x1F1E0] =	vst v28;
	v28 =	vld [tilespmem:$0x1FA60];
	_ =	sdelay $0x3  }
0xf4: {  	v50 =	vadd.f32 v48, v22;
	v22 =	vld [tilespmem:$0x1FAE0]  }
0xf5: {  	v46 =	vadd.f32 v46, v28;
	v28 =	vld [tilespmem:$0x1FA80];
	_ =	sdelay $0x3  }
0xf6: {  	v48 =	vadd.f32 v8, v22;
	v8 =	vld [tilespmem:s19+$0x5A0]  }
0xf7: {  	v28 =	vadd.f32 v41, v28;
	v41 =	vmax.f32 v15, $1.000000000e+00;
	v15 =	vld [tilespmem:$0x1FAC0];
	_ =	sdelay $0x3  }
0xf8: {  	[tilespmem:$0x1F2A0] =	vst v8;
	v8 =	vld [tilespmem:$0x1FAF0]  }
0xf9: {  	v15 =	vadd.f32 v53, v15;
	v53 =	vld [tilespmem:s19+$0x590];
	_ =	sdelay $0x4  }
0xfa: {  	[tilespmem:$0x1F260] =	vst v53;
	v53 =	vadd.f32 v61, v8;
	v8 =	vld [tilespmem:$0x1FB00];
	_ =	sdelay $0x4  }
0xfb: {  	v40 =	vadd.f32 v44, v40;
	v44 =	vadd.f32 v3, v8;
	v3 =	vld [tilespmem:s19+$0x85A0];
	_ =	sdelay $0x3  }
0xfc: {  	[tilespmem:$0x1F0F0] =	vst v45;
	v45 =	vld [tilespmem:s19+$0x8570]  }
0xfd: {  	[tilespmem:$0x1F2B0] =	vst v3;
	v3 =	vld [tilespmem:$0x1FB10];
	_ =	sdelay $0x4  }
0xfe: {  	[tilespmem:$0x1F1F0] =	vst v45;
	v45 =	vadd.f32 v29, v57;
	v57 =	vadd.f32 v13, v3;
	v3 =	vld [tilespmem:$0x1FB20];
	_ =	sdelay $0x4  }
0xff: {  	(erf) = vrcp.f32 v41;
	v41 =	vadd.f32 v42, v3;
	v3 =	vld [tilespmem:s19+$0x5B0];
	_ =	sdelay $0x4  }
0x100: {  	[tilespmem:$0x1F2E0] =	vst v3;
	v3 =	vld [tilespmem:$0x1FB30];
	_ =	sdelay $0x4  }
0x101: {  	v61 =	vadd.f32 v2, v3;
	v2 =	vld [tilespmem:$0x1FB40];
	_ =	sdelay $0x4  }
0x102: {  	v2 =	vadd.f32 v10, v2;
	_ =	sdelay $0x1  }
0x103: {  	[tilespmem:$0x1F100] =	vst v2;
	v2 =	vld [tilespmem:s19+$0x85B0];
	_ =	sdelay $0x4  }
0x104: {  	[tilespmem:$0x1F2F0] =	vst v2;
	v2 =	vld [tilespmem:$0x1FB50];
	_ =	sdelay $0x4  }
0x105: {  	v2 =	vadd.f32 v4, v2;
	_ =	sdelay $0x1  }
0x106: {  	[tilespmem:$0x1F120] =	vst v2;
	v2 =	vld [tilespmem:$0x1FB60];
	_ =	sdelay $0x4  }
0x107: {  	v0 =	vadd.f32 v0, v2;
	_ =	sdelay $0x1  }
0x108: {  	[tilespmem:$0x1F130] =	vst v0;
	v0 =	vld [tilespmem:s19+$0x5C0];
	_ =	sdelay $0x4  }
0x109: {  	[tilespmem:$0x1F320] =	vst v0;
	v0 =	vld [tilespmem:$0x1FB70];
	_ =	sdelay $0x4  }
0x10a: {  	v0 =	vadd.f32 v16, v0;
	_ =	sdelay $0x1  }
0x10b: {  	[tilespmem:$0x1F150] =	vst v0;
	v0 =	vld [tilespmem:$0x1FB80];
	_ =	sdelay $0x4  }
0x10c: {  	v0 =	vadd.f32 v14, v0;
	_ =	sdelay $0x1  }
0x10d: {  	[tilespmem:$0x1F160] =	vst v0;
	v0 =	vld [tilespmem:s19+$0x85C0];
	_ =	sdelay $0x4  }
0x10e: {  	[tilespmem:$0x1F330] =	vst v0;
	v0 =	vld [tilespmem:$0x1FB90];
	_ =	sdelay $0x4  }
0x10f: {  	v0 =	vadd.f32 v5, v0  }
0x110: {  	v2 =	vld [tilespmem:$0x1FBB0]  }
0x111: {  	[tilespmem:$0x1F180] =	vst v0;
	v0 =	vld [tilespmem:$0x1FBA0];
	_ =	sdelay $0x4  }
0x112: {  	v0 =	vadd.f32 v2, v0;
	_ =	sdelay $0x1  }
0x113: {  	[tilespmem:$0x1F190] =	vst v0;
	v0 =	vld [tilespmem:s19+$0x5D0];
	_ =	sdelay $0x3  }
0x114: {  	v2 =	vld [tilespmem:$0x1FBD0]  }
0x115: {  	[tilespmem:$0x1F360] =	vst v0;
	v0 =	vld [tilespmem:$0x1FBC0];
	_ =	sdelay $0x4  }
0x116: {  	v0 =	vadd.f32 v2, v0;
	_ =	sdelay $0x1  }
0x117: {  	[tilespmem:$0x1F1C0] =	vst v0;
	v0 =	vld [tilespmem:$0x1FBE0];
	_ =	sdelay $0x4  }
0x118: {  	v0 =	vadd.f32 v7, v0;
	_ =	sdelay $0x1  }
0x119: {  	[tilespmem:$0x1F1D0] =	vst v0;
	v0 =	vld [tilespmem:s19+$0x85D0];
	_ =	sdelay $0x3  }
0x11a: {  	v2 =	vld [tilespmem:$0x1FC00]  }
0x11b: {  	[tilespmem:$0x1F370] =	vst v0;
	v0 =	vld [tilespmem:$0x1FBF0];
	_ =	sdelay $0x4  }
0x11c: {  	v0 =	vadd.f32 v2, v0  }
0x11d: {  	v2 =	vld [tilespmem:$0x1FC20]  }
0x11e: {  	[tilespmem:$0x1F200] =	vst v0;
	v0 =	vld [tilespmem:$0x1FC10];
	_ =	sdelay $0x4  }
0x11f: {  	v0 =	vadd.f32 v2, v0;
	_ =	sdelay $0x1  }
0x120: {  	[tilespmem:$0x1F210] =	vst v0;
	v0 =	vld [tilespmem:s19+$0x5E0];
	_ =	sdelay $0x4  }
0x121: {  	v2 =	vld [tilespmem:$0x1FC40];
	[tilespmem:$0x1F380] =	vst v0;
	v0 =	vpop (erf)  }
0x122: {  	v3 =	vmul.f32 $5.000000000e-01, v0;
	v0 =	vld [tilespmem:$0x1FC30];
	_ =	sdelay $0x4  }
0x123: {  	v0 =	vadd.f32 v2, v0  }
0x124: {  	v2 =	vld [tilespmem:$0x1FC60]  }
0x125: {  	[tilespmem:$0x1F240] =	vst v0;
	v0 =	vld [tilespmem:$0x1FC50];
	_ =	sdelay $0x4  }
0x126: {  	v0 =	vadd.f32 v2, v0;
	_ =	sdelay $0x1  }
0x127: {  	[tilespmem:$0x1F250] =	vst v0;
	v0 =	vld [tilespmem:s19+$0x85E0];
	_ =	sdelay $0x3  }
0x128: {  	v2 =	vld [tilespmem:$0x1FC80]  }
0x129: {  	[tilespmem:$0x1F390] =	vst v0;
	v0 =	vld [tilespmem:$0x1FC70];
	_ =	sdelay $0x4  }
0x12a: {  	v0 =	vadd.f32 v2, v0  }
0x12b: {  	v2 =	vld [tilespmem:$0x1FCA0]  }
0x12c: {  	[tilespmem:$0x1F280] =	vst v0;
	v0 =	vld [tilespmem:$0x1FC90];
	_ =	sdelay $0x4  }
0x12d: {  	v0 =	vadd.f32 v2, v0;
	_ =	sdelay $0x1  }
0x12e: {  	[tilespmem:$0x1F290] =	vst v0;
	v0 =	vld [tilespmem:s19+$0x5F0];
	_ =	sdelay $0x3  }
0x12f: {  	v2 =	vld [tilespmem:$0x1FCC0]  }
0x130: {  	[tilespmem:$0x1F3A0] =	vst v0;
	v0 =	vld [tilespmem:$0x1FCB0];
	_ =	sdelay $0x4  }
0x131: {  	v0 =	vadd.f32 v2, v0;
	_ =	sdelay $0x1  }
0x132: {  	[tilespmem:$0x1F2C0] =	vst v0;
	v0 =	vld [tilespmem:s19+$0x85F0];
	_ =	sdelay $0x3  }
0x133: {  	v2 =	vld [tilespmem:$0x1FCE0]  }
0x134: {  	[tilespmem:$0x1F3B0] =	vst v0;
	v0 =	vld [tilespmem:$0x1FCD0];
	_ =	sdelay $0x4  }
0x135: {  	v0 =	vadd.f32 v2, v0;
	_ =	sdelay $0x1  }
0x136: {  	[tilespmem:$0x1F2D0] =	vst v0;
	v0 =	vld [tilespmem:s19+$0x600];
	_ =	sdelay $0x3  }
0x137: {  	v2 =	vld [tilespmem:$0x1FD00]  }
0x138: {  	[tilespmem:$0x1F3E0] =	vst v0;
	v0 =	vld [tilespmem:$0x1FCF0];
	_ =	sdelay $0x4  }
0x139: {  	v0 =	vadd.f32 v2, v0;
	_ =	sdelay $0x1  }
0x13a: {  	[tilespmem:$0x1F300] =	vst v0;
	v0 =	vld [tilespmem:s19+$0x8600];
	_ =	sdelay $0x3  }
0x13b: {  	v2 =	vld [tilespmem:$0x1FD20]  }
0x13c: {  	[tilespmem:$0x1F3F0] =	vst v0;
	v0 =	vld [tilespmem:$0x1FD10];
	_ =	sdelay $0x4  }
0x13d: {  	v0 =	vadd.f32 v2, v0;
	_ =	sdelay $0x1  }
0x13e: {  	[tilespmem:$0x1F310] =	vst v0;
	v0 =	vld [tilespmem:s19+$0x610];
	_ =	sdelay $0x3  }
0x13f: {  	v2 =	vld [tilespmem:$0x1FD40]  }
0x140: {  	[tilespmem:$0x1F420] =	vst v0;
	v0 =	vld [tilespmem:$0x1FD30];
	_ =	sdelay $0x4  }
0x141: {  	v0 =	vadd.f32 v2, v0;
	_ =	sdelay $0x1  }
0x142: {  	[tilespmem:$0x1F340] =	vst v0;
	v0 =	vld [tilespmem:s19+$0x8610];
	_ =	sdelay $0x3  }
0x143: {  	v2 =	vld [tilespmem:$0x1FD60]  }
0x144: {  	[tilespmem:$0x1F430] =	vst v0;
	v0 =	vld [tilespmem:$0x1FD50];
	_ =	sdelay $0x4  }
0x145: {  	v0 =	vadd.f32 v2, v0;
	_ =	sdelay $0x1  }
0x146: {  	[tilespmem:$0x1F350] =	vst v0;
	v0 =	vld [tilespmem:s19+$0x620];
	_ =	sdelay $0x3  }
0x147: {  	v2 =	vld [tilespmem:$0x1FD80]  }
0x148: {  	[tilespmem:$0x1F460] =	vst v0;
	v0 =	vld [tilespmem:$0x1FD70];
	_ =	sdelay $0x4  }
0x149: {  	v0 =	vadd.f32 v2, v0;
	_ =	sdelay $0x1  }
0x14a: {  	[tilespmem:$0x1F3C0] =	vst v0;
	v0 =	vld [tilespmem:s19+$0x8620];
	_ =	sdelay $0x3  }
0x14b: {  	v2 =	vld [tilespmem:$0x1FDA0]  }
0x14c: {  	[tilespmem:$0x1F470] =	vst v0;
	v0 =	vld [tilespmem:$0x1FD90];
	_ =	sdelay $0x4  }
0x14d: {  	v0 =	vadd.f32 v2, v0;
	_ =	sdelay $0x1  }
0x14e: {  	[tilespmem:$0x1F3D0] =	vst v0;
	v0 =	vld [tilespmem:s19+$0x630];
	_ =	sdelay $0x3  }
0x14f: {  	v2 =	vld [tilespmem:$0x1FDC0]  }
0x150: {  	[tilespmem:$0x1F4A0] =	vst v0;
	v0 =	vld [tilespmem:$0x1FDB0];
	_ =	sdelay $0x4  }
0x151: {  	v0 =	vadd.f32 v2, v0;
	_ =	sdelay $0x1  }
0x152: {  	[tilespmem:$0x1F400] =	vst v0;
	v0 =	vld [tilespmem:s19+$0x8630];
	_ =	sdelay $0x3  }
0x153: {  	v2 =	vld [tilespmem:$0x1FDE0]  }
0x154: {  	[tilespmem:$0x1F4B0] =	vst v0;
	v0 =	vld [tilespmem:$0x1FDD0];
	_ =	sdelay $0x4  }
0x155: {  	v0 =	vadd.f32 v2, v0;
	_ =	sdelay $0x1  }
0x156: {  	[tilespmem:$0x1F410] =	vst v0;
	v0 =	vld [tilespmem:s19+$0x640];
	_ =	sdelay $0x3  }
0x157: {  	v4 =	vld [tilespmem:$0x1FE00]  }
0x158: {  	[tilespmem:$0x1F4E0] =	vst v0;
	v0 =	vld [tilespmem:$0x1FDF0];
	_ =	sdelay $0x4  }
0x159: {  	v0 =	vadd.f32 v4, v0;
	_ =	sdelay $0x1  }
0x15a: {  	[tilespmem:$0x1F440] =	vst v0;
	v0 =	vld [tilespmem:s19+$0x8640];
	_ =	sdelay $0x3  }
0x15b: {  	v4 =	vld [tilespmem:$0x1FE20]  }
0x15c: {  	[tilespmem:$0x1F4F0] =	vst v0;
	v0 =	vld [tilespmem:$0x1FE10];
	_ =	sdelay $0x4  }
0x15d: {  	v0 =	vadd.f32 v4, v0;
	_ =	sdelay $0x1  }
0x15e: {  	[tilespmem:$0x1F450] =	vst v0;
	v0 =	vld [tilespmem:s19+$0x650];
	_ =	sdelay $0x1  }
0x15f: {  	v29 =	vbroadcast v3, $0x2;
	_ =	sdelay $0x1  }
0x160: {  	v5 =	vld [tilespmem:$0x1FE40];
	v2 =	vmul.f32 v62, v29  }
0x161: {  	[tilespmem:$0x1F520] =	vst v0;
	v0 =	vld [tilespmem:$0x1FE30]  }
0x162: {  	[tilespmem:s19+$0x14110] =	vst v2;
	v2 =	vld [tilespmem:$0x1F0D0];
	_ =	sdelay $0x3  }
0x163: {  	v0 =	vadd.f32 v5, v0  }
0x164: {  	v55 =	vadd.f32 v55, v2;
	v2 =	vld [tilespmem:s19+$0x6A0]  }
0x165: {  	[tilespmem:$0x1F480] =	vst v0;
	v0 =	vld [tilespmem:s19+$0x8650];
	_ =	sdelay $0x2  }
0x166: {  	v8 =	vld [tilespmem:$0x1FE60]  }
0x167: {  	[tilespmem:$0x1F5D0] =	vst v2;
	v2 =	vld [tilespmem:$0x1F0E0]  }
0x168: {  	[tilespmem:$0x1F530] =	vst v0;
	v0 =	vld [tilespmem:$0x1FE50];
	_ =	sdelay $0x4  }
0x169: {  	v4 =	vmul.f32 v51, v29;
	v51 =	vadd.f32 v54, v2;
	v2 =	vld [tilespmem:s19+$0x86A0];
	v0 =	vadd.f32 v8, v0;
	_ =	sdelay $0x1  }
0x16a: {  	[tilespmem:$0x1F490] =	vst v0;
	v0 =	vld [tilespmem:s19+$0x660];
	_ =	sdelay $0x1  }
0x16b: {  	v16 =	vbroadcast v3, $0x3  }
0x16c: {  	[tilespmem:$0x1F5E0] =	vst v2;
	v2 =	vld [tilespmem:s19+$0x6B0]  }
0x16d: {  	v8 =	vmul.f32 v12, v16;
	v12 =	vld [tilespmem:$0x1FE80]  }
0x16e: {  	[tilespmem:$0x1F550] =	vst v0;
	v0 =	vld [tilespmem:$0x1FE70];
	_ =	sdelay $0x3  }
0x16f: {  	v14 =	vbroadcast v3, $0x0  }
0x170: {  	v22 =	vbroadcast v3, $0x1;
	[tilespmem:$0x1F5F0] =	vst v2;
	v2 =	vld [tilespmem:$0x1F0F0];
	v0 =	vadd.f32 v12, v0  }
0x171: {  	v42 =	vmul.f32 v37, v14  }
0x172: {  	v19 =	vmul.f32 v19, v22;
	[tilespmem:$0x1F4C0] =	vst v0;
	v0 =	vld [tilespmem:s19+$0x8660]  }
0x173: {  	[tilespmem:s19+$0x14050] =	vst v42;
	v42 =	vmul.f32 v21, v16;
	v21 =	vbroadcast v3, $0x4;
	_ =	sdelay $0x1  }
0x174: {  	[tilespmem:s19+$0x140F0] =	vst v19;
	v19 =	vmul.f32 v45, v21;
	v45 =	vadd.f32 v60, v2;
	v2 =	vld [tilespmem:$0x1F100]  }
0x175: {  	v12 =	vmul.f32 v1, v16;
	v1 =	vld [tilespmem:$0x1FEA0]  }
0x176: {  	v18 =	vmul.f32 v18, v22;
	[tilespmem:$0x1F560] =	vst v0;
	v0 =	vld [tilespmem:$0x1FE90]  }
0x177: {  	v17 =	vmul.f32 v17, v22  }
0x178: {  	v38 =	vmul.f32 v38, v14;
	[tilespmem:s19+$0x140C0] =	vst v18  }
0x179: {  	v18 =	vmul.f32 v23, v16;
	[tilespmem:s19+$0x140E0] =	vst v17;
	v23 =	vbroadcast v3, $0x5;
	v17 =	vld [tilespmem:$0x1F0C0]  }
0x17a: {  	[tilespmem:s19+$0x14140] =	vst v4;
	v4 =	vld [tilespmem:$0x1F110]  }
0x17b: {  	[tilespmem:s19+$0x14030] =	vst v38;
	v38 =	vmul.f32 v2, v23;
	v2 =	vld [tilespmem:$0x1FF60];
	v0 =	vadd.f32 v1, v0;
	_ =	sdelay $0x1  }
0x17c: {  	[tilespmem:$0x1F4D0] =	vst v0;
	v0 =	vld [tilespmem:s19+$0x670]  }
0x17d: {  	v32 =	vmul.f32 v32, v14  }
0x17e: {  	v58 =	vadd.f32 v17, v58;
	v17 =	vld [tilespmem:s19+$0x8690]  }
0x17f: {  	[tilespmem:s19+$0x14020] =	vst v32;
	v32 =	vmul.f32 v41, v23;
	v41 =	vadd.f32 v2, v4;
	v2 =	vld [tilespmem:$0x1F120]  }
0x180: {  	v1 =	vld [tilespmem:$0x1FEC0]  }
0x181: {  	[tilespmem:$0x1F570] =	vst v0;
	v0 =	vld [tilespmem:$0x1FEB0];
	_ =	sdelay $0x4  }
0x182: {  	[tilespmem:$0x1F5C0] =	vst v17;
	v17 =	vmul.f32 v47, v21;
	v47 =	vmul.f32 v2, v23;
	v2 =	vld [tilespmem:$0x1F130];
	v0 =	vadd.f32 v1, v0;
	_ =	sdelay $0x1  }
0x183: {  	[tilespmem:$0x1F500] =	vst v0;
	v0 =	vld [tilespmem:s19+$0x8670]  }
0x184: {  	v25 =	vmul.f32 v25, v22  }
0x185: {  	v4 =	vld [tilespmem:$0x1F140]  }
0x186: {  	[tilespmem:s19+$0x140A0] =	vst v25;
	v25 =	vmul.f32 v44, v21;
	v44 =	vmul.f32 v2, v23;
	v2 =	vld [tilespmem:$0x1FFA0]  }
0x187: {  	v1 =	vld [tilespmem:$0x1FEE0]  }
0x188: {  	[tilespmem:$0x1F580] =	vst v0;
	v0 =	vld [tilespmem:$0x1FED0];
	_ =	sdelay $0x2  }
0x189: {  	v39 =	vmul.f32 v39, v14;
	_ =	sdelay $0x1  }
0x18a: {  	[tilespmem:s19+$0x14010] =	vst v39;
	v39 =	vadd.f32 v2, v4;
	v2 =	vld [tilespmem:$0x1F150];
	v0 =	vadd.f32 v1, v0  }
0x18b: {  	v30 =	vmul.f32 v30, v22  }
0x18c: {  	v31 =	vmul.f32 v31, v22;
	v26 =	vmul.f32 v26, v22;
	[tilespmem:$0x1F510] =	vst v0;
	v0 =	vld [tilespmem:s19+$0x680]  }
0x18d: {  	v20 =	vmul.f32 v20, v22;
	v22 =	vmul.f32 v43, v29;
	_ =	sdelay $0x1  }
0x18e: {  	[tilespmem:s19+$0x14100] =	vst v22;
	v22 =	vmul.f32 v48, v21;
	v48 =	vmul.f32 v2, v23;
	v2 =	vld [tilespmem:$0x1F160]  }
0x18f: {  	v1 =	vld [tilespmem:$0x1FF00]  }
0x190: {  	[tilespmem:$0x1F590] =	vst v0;
	v0 =	vld [tilespmem:$0x1FEF0];
	_ =	sdelay $0x2  }
0x191: {  	v4 =	vld [tilespmem:$0x1F170]  }
0x192: {  	[tilespmem:s19+$0x14080] =	vst v30;
	v30 =	vmul.f32 v57, v23;
	v57 =	vmul.f32 v2, v23;
	v2 =	vld [tilespmem:$0x1FFD0]  }
0x193: {  	v0 =	vadd.f32 v1, v0;
	_ =	sdelay $0x1  }
0x194: {  	v33 =	vmul.f32 v14, v33;
	[tilespmem:$0x1F540] =	vst v0;
	v0 =	vld [tilespmem:s19+$0x8680]  }
0x195: {  	v34 =	vmul.f32 v34, v14  }
0x196: {  	[tilespmem:s19+$0x14000] =	vst v33;
	v33 =	vmul.f32 v36, v14;
	v14 =	vmul.f32 v35, v14;
	v35 =	vadd.f32 v4, v2;
	v2 =	vld [tilespmem:$0x1F180];
	_ =	sdelay $0x2  }
0x197: {  	[tilespmem:$0x1F5A0] =	vst v0;
	v0 =	vbroadcast v3, $0x6  }
0x198: {  	v7 =	vmul.f32 v24, v29  }
0x199: {  	v24 =	vmul.f32 v53, v21;
	v53 =	vmul.f32 v2, v0;
	v2 =	vld [tilespmem:$0x1F190];
	_ =	sdelay $0x3  }
0x19a: {  	v4 =	vld [tilespmem:$0x1F1B0]  }
0x19b: {  	v5 =	vmul.f32 v56, v29;
	v56 =	vmul.f32 v2, v0;
	v2 =	vld [tilespmem:$0x1F1A0];
	_ =	sdelay $0x4  }
0x19c: {  	[tilespmem:s19+$0x14040] =	vst v33;
	v33 =	vadd.f32 v4, v2;
	v2 =	vld [tilespmem:$0x1F1C0];
	_ =	sdelay $0x4  }
0x19d: {  	v62 =	vmul.f32 v2, v0;
	v2 =	vld [tilespmem:$0x1F1D0];
	_ =	sdelay $0x3  }
0x19e: {  	v4 =	vld [tilespmem:$0x1F1F0]  }
0x19f: {  	v10 =	vmul.f32 v63, v16;
	v63 =	vmul.f32 v2, v0;
	v2 =	vld [tilespmem:$0x1F1E0];
	_ =	sdelay $0x3  }
0x1a0: {  	v9 =	vmul.f32 v9, v29  }
0x1a1: {  	v6 =	vmul.f32 v6, v29;
	v11 =	vmul.f32 v11, v29;
	v29 =	vadd.f32 v4, v2;
	v2 =	vld [tilespmem:$0x1F200];
	_ =	sdelay $0x4  }
0x1a2: {  	v2 =	vmul.f32 v2, v0;
	_ =	sdelay $0x1  }
0x1a3: {  	[tilespmem:$0x1F600] =	vst v2;
	v2 =	vld [tilespmem:$0x1F210];
	_ =	sdelay $0x4  }
0x1a4: {  	v2 =	vmul.f32 v2, v0  }
0x1a5: {  	v4 =	vld [tilespmem:$0x1F230]  }
0x1a6: {  	[tilespmem:$0x1F610] =	vst v2;
	v2 =	vld [tilespmem:$0x1F220];
	_ =	sdelay $0x4  }
0x1a7: {  	[tilespmem:s19+$0x14070] =	vst v14;
	v14 =	vmul.f32 v28, v16;
	v28 =	vadd.f32 v4, v2;
	v2 =	vld [tilespmem:$0x1F240];
	_ =	sdelay $0x4  }
0x1a8: {  	v2 =	vmul.f32 v2, v0;
	_ =	sdelay $0x1  }
0x1a9: {  	[tilespmem:$0x1F620] =	vst v2;
	v2 =	vld [tilespmem:$0x1F250];
	_ =	sdelay $0x4  }
0x1aa: {  	v0 =	vmul.f32 v2, v0  }
0x1ab: {  	v2 =	vld [tilespmem:$0x1F270]  }
0x1ac: {  	[tilespmem:$0x1F630] =	vst v0;
	v0 =	vld [tilespmem:$0x1F260];
	_ =	sdelay $0x4  }
0x1ad: {  	[tilespmem:s19+$0x140B0] =	vst v26;
	v26 =	vadd.f32 v2, v0;
	v0 =	vld [tilespmem:$0x1F280];
	_ =	sdelay $0x2  }
0x1ae: {  	v1 =	vbroadcast v3, $0x7;
	_ =	sdelay $0x1  }
0x1af: {  	v0 =	vmul.f32 v0, v1;
	_ =	sdelay $0x1  }
0x1b0: {  	[tilespmem:$0x1F640] =	vst v0;
	v0 =	vld [tilespmem:$0x1F290];
	_ =	sdelay $0x4  }
0x1b1: {  	[tilespmem:s19+$0x14160] =	vst v5;
	v5 =	vld [tilespmem:$0x1F3B0];
	v0 =	vmul.f32 v0, v1  }
0x1b2: {  	v2 =	vld [tilespmem:$0x1F2B0]  }
0x1b3: {  	[tilespmem:$0x1F650] =	vst v0;
	v0 =	vld [tilespmem:$0x1F2A0]  }
0x1b4: {  	v4 =	vld [tilespmem:$0x1F3A0];
	_ =	sdelay $0x3  }
0x1b5: {  	[tilespmem:s19+$0x14060] =	vst v34;
	v34 =	vmul.f32 v61, v23;
	v23 =	vadd.f32 v2, v0;
	v0 =	vld [tilespmem:$0x1F2C0]  }
0x1b6: {  	v4 =	vadd.f32 v5, v4;
	v5 =	vld [tilespmem:$0x1F3C0]  }
0x1b7: {  	v15 =	vmul.f32 v15, v21  }
0x1b8: {  	v13 =	vmul.f32 v46, v16;
	[tilespmem:s19+$0x140D0] =	vst v20  }
0x1b9: {  	v20 =	vmul.f32 v27, v16;
	[tilespmem:s19+$0x14200] =	vst v15;
	v15 =	vbroadcast v3, $0x8;
	v16 =	vld [tilespmem:$0x1FF10]  }
0x1ba: {  	[tilespmem:s19+$0x141D0] =	vst v42;
	v42 =	vmul.f32 v0, v1;
	v0 =	vld [tilespmem:$0x1F2D0]  }
0x1bb: {  	[tilespmem:s19+$0x14220] =	vst v17;
	v17 =	vmul.f32 v5, v15;
	v5 =	vld [tilespmem:$0x1F3D0];
	_ =	sdelay $0x2  }
0x1bc: {  	[tilespmem:s19+$0x14130] =	vst v6;
	v6 =	vld [tilespmem:$0x1F3F0]  }
0x1bd: {  	v59 =	vadd.f32 v16, v59;
	v16 =	vld [tilespmem:s19+$0x690];
	v0 =	vmul.f32 v0, v1  }
0x1be: {  	v5 =	vmul.f32 v5, v15;
	v2 =	vld [tilespmem:$0x1F2F0]  }
0x1bf: {  	[tilespmem:$0x1F660] =	vst v0;
	v0 =	vld [tilespmem:$0x1F2E0]  }
0x1c0: {  	[tilespmem:$0x1F6B0] =	vst v5;
	v5 =	vld [tilespmem:$0x1F3E0];
	_ =	sdelay $0x2  }
0x1c1: {  	[tilespmem:s19+$0x14120] =	vst v9  }
0x1c2: {  	v9 =	vmul.f32 v50, v21;
	[tilespmem:$0x1F5B0] =	vst v16;
	v16 =	vmul.f32 v40, v21;
	v21 =	vadd.f32 v2, v0;
	v0 =	vld [tilespmem:$0x1F300]  }
0x1c3: {  	[tilespmem:s19+$0x141B0] =	vst v13;
	v13 =	vadd.f32 v6, v5;
	v5 =	vld [tilespmem:$0x1F400];
	_ =	sdelay $0x3  }
0x1c4: {  	v0 =	vmul.f32 v0, v1  }
0x1c5: {  	v49 =	vadd.f32 v52, v49;
	v52 =	vld [tilespmem:s19+$0x86C0];
	v5 =	vmul.f32 v5, v15  }
0x1c6: {  	[tilespmem:$0x1F670] =	vst v0;
	v0 =	vld [tilespmem:$0x1F310]  }
0x1c7: {  	[tilespmem:$0x1F6C0] =	vst v5;
	v5 =	vld [tilespmem:$0x1F410]  }
0x1c8: {  	v46 =	vld [tilespmem:s19+$0x86D0]  }
0x1c9: {  	v43 =	vld [tilespmem:s19+$0x6F0]  }
0x1ca: {  	v37 =	vld [tilespmem:s19+$0x86F0]  }
0x1cb: {  	v6 =	vld [tilespmem:$0x1F430];
	v0 =	vmul.f32 v0, v1  }
0x1cc: {  	v5 =	vmul.f32 v5, v15;
	v2 =	vld [tilespmem:$0x1F330]  }
0x1cd: {  	[tilespmem:$0x1F680] =	vst v0;
	v0 =	vld [tilespmem:$0x1F320]  }
0x1ce: {  	[tilespmem:$0x1F6D0] =	vst v5;
	v5 =	vld [tilespmem:$0x1F420]  }
0x1cf: {  	v36 =	vld [tilespmem:s19+$0x700]  }
0x1d0: {  	[tilespmem:s19+$0x14090] =	vst v31;
	v31 =	vld [tilespmem:s19+$0x8700]  }
0x1d1: {  	v27 =	vld [tilespmem:s19+$0x710]  }
0x1d2: {  	[tilespmem:s19+$0x141A0] =	vst v12;
	v12 =	vadd.f32 v2, v0;
	v0 =	vld [tilespmem:$0x1F340]  }
0x1d3: {  	[tilespmem:s19+$0x14230] =	vst v19;
	v19 =	vadd.f32 v6, v5;
	v5 =	vld [tilespmem:$0x1F440]  }
0x1d4: {  	v61 =	vld [tilespmem:s19+$0x6C0]  }
0x1d5: {  	v50 =	vld [tilespmem:s19+$0x6E0]  }
0x1d6: {  	[tilespmem:s19+$0x14150] =	vst v11;
	v11 =	vld [tilespmem:s19+$0x8730]  }
0x1d7: {  	[tilespmem:s19+$0x141C0] =	vst v14;
	v14 =	vld [tilespmem:s19+$0x8720];
	v0 =	vmul.f32 v0, v1  }
0x1d8: {  	[tilespmem:s19+$0x141E0] =	vst v18;
	v18 =	vld [tilespmem:s19+$0x8710];
	v5 =	vmul.f32 v5, v15  }
0x1d9: {  	[tilespmem:$0x1F690] =	vst v0;
	v0 =	vld [tilespmem:$0x1F350]  }
0x1da: {  	[tilespmem:$0x1F6E0] =	vst v5;
	v5 =	vld [tilespmem:$0x1F450]  }
0x1db: {  	[tilespmem:s19+$0x141F0] =	vst v20;
	v20 =	vld [tilespmem:s19+$0x720]  }
0x1dc: {  	v54 =	vld [tilespmem:s19+$0x6D0]  }
0x1dd: {  	v60 =	vld [tilespmem:s19+$0x86B0]  }
0x1de: {  	[tilespmem:s19+$0x14170] =	vst v7;
	v6 =	vld [tilespmem:$0x1F470];
	v0 =	vmul.f32 v0, v1  }
0x1df: {  	[tilespmem:s19+$0x14190] =	vst v10;
	v5 =	vmul.f32 v5, v15;
	v1 =	vld [tilespmem:$0x1F370]  }
0x1e0: {  	[tilespmem:$0x1F6A0] =	vst v0;
	v0 =	vld [tilespmem:$0x1F360]  }
0x1e1: {  	[tilespmem:$0x1F6F0] =	vst v5;
	v5 =	vld [tilespmem:$0x1F460]  }
0x1e2: {  	[tilespmem:s19+$0x14240] =	vst v9;
	v40 =	vld [tilespmem:s19+$0x86E0]  }
0x1e3: {  	[tilespmem:s19+$0x14210] =	vst v16;
	v16 =	vld [tilespmem:s19+$0x730]  }
0x1e4: {  	[tilespmem:s19+$0x14250] =	vst v22;
	v2 =	vld [tilespmem:$0x1F390]  }
0x1e5: {  	[tilespmem:s19+$0x14180] =	vst v8;
	v10 =	vadd.f32 v1, v0;
	v1 =	vld [tilespmem:$0x1F380]  }
0x1e6: {  	v9 =	vadd.f32 v6, v5;
	v5 =	vld [tilespmem:$0x1F480];
	_ =	sdelay $0x4  }
0x1e7: {  	v5 =	vmul.f32 v5, v15;
	_ =	sdelay $0x1  }
0x1e8: {  	[tilespmem:$0x1F700] =	vst v5;
	v5 =	vld [tilespmem:$0x1F490];
	_ =	sdelay $0x4  }
0x1e9: {  	v5 =	vmul.f32 v5, v15  }
0x1ea: {  	v6 =	vld [tilespmem:$0x1F4B0]  }
0x1eb: {  	[tilespmem:$0x1F710] =	vst v5;
	v5 =	vld [tilespmem:$0x1F4A0];
	_ =	sdelay $0x4  }
0x1ec: {  	v15 =	vadd.f32 v6, v5;
	v5 =	vld [tilespmem:$0x1F4C0];
	_ =	sdelay $0x2  }
0x1ed: {  	v0 =	vbroadcast v3, $0x9;
	_ =	sdelay $0x1  }
0x1ee: {  	v5 =	vmul.f32 v5, v0;
	_ =	sdelay $0x1  }
0x1ef: {  	[tilespmem:$0x1F720] =	vst v5;
	v5 =	vld [tilespmem:$0x1F4D0];
	_ =	sdelay $0x4  }
0x1f0: {  	v5 =	vmul.f32 v5, v0  }
0x1f1: {  	v6 =	vld [tilespmem:$0x1F4F0]  }
0x1f2: {  	[tilespmem:$0x1F730] =	vst v5;
	v5 =	vld [tilespmem:$0x1F4E0];
	_ =	sdelay $0x4  }
0x1f3: {  	[tilespmem:s19+$0x14260] =	vst v24;
	v24 =	vadd.f32 v6, v5;
	v6 =	vld [tilespmem:$0x1F500];
	_ =	sdelay $0x1  }
0x1f4: {  	[tilespmem:s19+$0x14280] =	vst v30;
	v30 =	vld [tilespmem:$0x1F540];
	_ =	sdelay $0x2  }
0x1f5: {  	v22 =	vmul.f32 v6, v0;
	v6 =	vld [tilespmem:$0x1F510];
	_ =	sdelay $0x1  }
0x1f6: {  	v30 =	vmul.f32 v30, v0;
	_ =	sdelay $0x1  }
0x1f7: {  	v58 =	vmul.f32 v58, v0;
	[tilespmem:$0x1F750] =	vst v30;
	v30 =	vmul.f32 v59, v0  }
0x1f8: {  	v6 =	vmul.f32 v6, v0;
	v0 =	vmul.f32 v55, v0  }
0x1f9: {  	[tilespmem:$0x1F770] =	vst v58;
	v58 =	vld [tilespmem:$0x1F580]  }
0x1fa: {  	[tilespmem:$0x1F780] =	vst v0;
	v0 =	vld [tilespmem:$0x1F570];
	_ =	sdelay $0x2  }
0x1fb: {  	v7 =	vadd.f32 v2, v1;
	v1 =	vbroadcast v3, $0xA;
	_ =	sdelay $0x1  }
0x1fc: {  	v58 =	vadd.f32 v58, v0;
	v0 =	vmul.f32 v51, v1;
	_ =	sdelay $0x1  }
0x1fd: {  	[tilespmem:$0x1F790] =	vst v0;
	v0 =	vmul.f32 v49, v1  }
0x1fe: {  	v51 =	vld [tilespmem:$0x1F5A0]  }
0x1ff: {  	[tilespmem:$0x1F7A0] =	vst v0;
	v0 =	vld [tilespmem:$0x1F590];
	_ =	sdelay $0x4  }
0x200: {  	v49 =	vadd.f32 v51, v0;
	v0 =	vmul.f32 v45, v1;
	_ =	sdelay $0x1  }
0x201: {  	[tilespmem:$0x1F7B0] =	vst v0;
	v0 =	vmul.f32 v41, v1  }
0x202: {  	v41 =	vld [tilespmem:$0x1F5C0]  }
0x203: {  	[tilespmem:$0x1F7C0] =	vst v0;
	v0 =	vld [tilespmem:$0x1F5B0];
	_ =	sdelay $0x4  }
0x204: {  	[tilespmem:s19+$0x142B0] =	vst v38;
	v38 =	vadd.f32 v41, v0;
	v0 =	vmul.f32 v35, v1  }
0x205: {  	v45 =	vld [tilespmem:$0x1F5E0]  }
0x206: {  	[tilespmem:$0x1F7D0] =	vst v0;
	v0 =	vld [tilespmem:$0x1F5D0];
	_ =	sdelay $0x3  }
0x207: {  	[tilespmem:s19+$0x142C0] =	vst v47;
	v47 =	vmul.f32 v39, v1  }
0x208: {  	[tilespmem:s19+$0x142D0] =	vst v44;
	v44 =	vmul.f32 v33, v1;
	v35 =	vadd.f32 v45, v0;
	v0 =	vmul.f32 v29, v1;
	v1 =	vld [tilespmem:$0x1F600];
	_ =	sdelay $0x4  }
0x209: {  	[tilespmem:s19+$0x14340] =	vst v1;
	v1 =	vld [tilespmem:$0x1F610]  }
0x20a: {  	[tilespmem:s19+$0x14270] =	vst v25;
	v25 =	vld [tilespmem:$0x1F530]  }
0x20b: {  	[tilespmem:$0x1F7E0] =	vst v0;
	v0 =	vld [tilespmem:$0x1F5F0]  }
0x20c: {  	[tilespmem:s19+$0x142E0] =	vst v48;
	v2 =	vbroadcast v3, $0xB;
	v59 =	vld [tilespmem:$0x1F560]  }
0x20d: {  	v18 =	vadd.f32 v18, v27;
	v27 =	vbroadcast v3, $0xF;
	[tilespmem:$0x1F760] =	vst v30;
	v30 =	vld [tilespmem:$0x1F550]  }
0x20e: {  	v28 =	vmul.f32 v28, v2;
	v48 =	vmul.f32 v21, v2;
	[tilespmem:s19+$0x14350] =	vst v1;
	v1 =	vld [tilespmem:$0x1F620]  }
0x20f: {  	v21 =	vmul.f32 v10, v2;
	v10 =	vmul.f32 v7, v2;
	[tilespmem:$0x1F740] =	vst v6;
	v6 =	vld [tilespmem:$0x1F520]  }
0x210: {  	[tilespmem:s19+$0x14290] =	vst v32;
	v29 =	vmul.f32 v23, v2;
	v33 =	vadd.f32 v60, v0;
	v0 =	vmul.f32 v26, v2  }
0x211: {  	[tilespmem:s19+$0x14310] =	vst v56;
	v26 =	vadd.f32 v52, v61;
	v52 =	vmul.f32 v12, v2;
	v12 =	vmul.f32 v4, v2  }
0x212: {  	[tilespmem:s19+$0x14330] =	vst v63;
	v55 =	vld [tilespmem:s19+$0x760];
	v4 =	vadd.f32 v37, v43;
	v2 =	vbroadcast v3, $0xC;
	v43 =	vbroadcast v3, $0xD  }
0x213: {  	v56 =	vadd.f32 v31, v36;
	v63 =	vbroadcast v3, $0xE;
	v59 =	vadd.f32 v59, v30;
	[tilespmem:s19+$0x14360] =	vst v1;
	v1 =	vld [tilespmem:$0x1F630]  }
0x214: {  	[tilespmem:s19+$0x143A0] =	vst v42;
	v25 =	vadd.f32 v25, v6;
	v7 =	vmul.f32 v13, v2;
	v42 =	vmul.f32 v4, v43;
	v4 =	vld [tilespmem:$0x1F670]  }
0x215: {  	[tilespmem:s19+$0x142A0] =	vst v34;
	v51 =	vld [tilespmem:s19+$0x8760];
	v23 =	vadd.f32 v46, v54;
	v13 =	vmul.f32 v19, v2;
	v45 =	vmul.f32 v9, v2  }
0x216: {  	[tilespmem:s19+$0x142F0] =	vst v57;
	v3 =	vadd.f32 v14, v20;
	v20 =	vld [tilespmem:$0x1F650];
	v31 =	vmul.f32 v15, v2;
	v46 =	vmul.f32 v24, v2  }
0x217: {  	[tilespmem:s19+$0x14300] =	vst v53;
	v53 =	vadd.f32 v40, v50;
	v32 =	vmul.f32 v25, v2;
	v50 =	vmul.f32 v26, v43;
	v26 =	vld [tilespmem:$0x1F660]  }
0x218: {  	v34 =	vmul.f32 v58, v2;
	[tilespmem:s19+$0x14370] =	vst v1;
	v1 =	vmul.f32 v59, v2;
	v2 =	vld [tilespmem:$0x1F640]  }
0x219: {  	[tilespmem:s19+$0x143C0] =	vst v4;
	v4 =	vld [tilespmem:$0x1F680]  }
0x21a: {  	[tilespmem:s19+$0x14320] =	vst v62  }
0x21b: {  	v8 =	vld [tilespmem:s19+$0x740];
	[tilespmem:s19+$0x14390] =	vst v20  }
0x21c: {  	v62 =	vld [tilespmem:s19+$0x87A0];
	[tilespmem:s19+$0x143B0] =	vst v26  }
0x21d: {  	s31 =	sshll.u32 s20, $0xB;
	v39 =	vld [tilespmem:s19+$0x8770];
	[tilespmem:s19+$0x14380] =	vst v2  }
0x21e: {  	v15 =	vadd.f32 v51, v55;
	v55 =	vld [tilespmem:s31+$0x0];
	[tilespmem:s19+$0x143D0] =	vst v4  }
0x21f: {  	v4 =	vld [tilespmem:s31+$0x8000]  }
0x220: {  	v30 =	vld [tilespmem:s19+$0x8750]  }
0x221: {  	v5 =	vld [tilespmem:s19+$0x8740]  }
0x222: {  	v6 =	vld [tilespmem:s19+$0x750]  }
0x223: {  	v41 =	vld [tilespmem:s19+$0x770]  }
0x224: {  	[tilespmem:$0x1F800] =	vst v4;
	v4 =	vld [tilespmem:$0x1F690]  }
0x225: {  	v37 =	vld [tilespmem:s19+$0x7A0]  }
0x226: {  	v57 =	vld [tilespmem:s19+$0x8790];
	v5 =	vadd.f32 v5, v8  }
0x227: {  	v8 =	vld [tilespmem:s19+$0x87C0];
	v6 =	vadd.f32 v30, v6;
	v36 =	vmul.f32 v38, v43;
	v40 =	vmul.f32 v33, v43  }
0x228: {  	v30 =	vld [tilespmem:s19+$0x7F0];
	v51 =	vmul.f32 v53, v43;
	v20 =	vadd.f32 v39, v41;
	v41 =	vmul.f32 v23, v43  }
0x229: {  	v60 =	vld [tilespmem:s19+$0x780];
	v2 =	vmul.f32 v49, v43;
	v49 =	vmul.f32 v35, v43;
	[tilespmem:s19+$0x143E0] =	vst v4  }
0x22a: {  	v43 =	vmul.f32 v18, v63;
	v18 =	vadd.f32 v62, v37;
	v37 =	vmul.f32 v6, v63;
	v6 =	vld [tilespmem:s31+$0x10]  }
0x22b: {  	v61 =	vld [tilespmem:s19+$0x8780]  }
0x22c: {  	v14 =	vld [tilespmem:s19+$0x87B0]  }
0x22d: {  	[tilespmem:$0x1F7F0] =	vst v0;
	v0 =	vld [tilespmem:s19+$0x7B0]  }
0x22e: {  	v9 =	vadd.f32 v11, v16;
	v16 =	vld [tilespmem:s19+$0x7D0]  }
0x22f: {  	[tilespmem:$0x1F810] =	vst v6;
	v6 =	vld [tilespmem:$0x1F6A0]  }
0x230: {  	v19 =	vld [tilespmem:s19+$0x87D0]  }
0x231: {  	v11 =	vld [tilespmem:s19+$0x7C0]  }
0x232: {  	v38 =	vmul.f32 v9, v63;
	v9 =	vld [tilespmem:$0x1F6B0]  }
0x233: {  	v62 =	vld [tilespmem:s19+$0x87F0]  }
0x234: {  	v24 =	vld [tilespmem:s19+$0x7E0];
	[tilespmem:s19+$0x143F0] =	vst v6  }
0x235: {  	v6 =	vadd.f32 v19, v16;
	v19 =	vld [tilespmem:s31+$0x8010];
	[tilespmem:s19+$0x14400] =	vst v17  }
0x236: {  	v0 =	vadd.f32 v14, v0;
	v4 =	vmul.f32 v5, v63;
	v5 =	vadd.f32 v8, v11;
	v17 =	vld [tilespmem:s31+$0x20]  }
0x237: {  	v23 =	vadd.f32 v61, v60;
	[tilespmem:s19+$0x14410] =	vst v9;
	v9 =	vld [tilespmem:$0x1F6C0]  }
0x238: {  	v35 =	vmul.f32 v0, v27;
	v0 =	vadd.f32 v62, v30;
	v60 =	vmul.f32 v5, v27;
	v5 =	vld [tilespmem:$0x1F6D0]  }
0x239: {  	v25 =	vld [tilespmem:s19+$0x87E0]  }
0x23a: {  	v16 =	vmul.f32 v0, v27;
	v0 =	vld [tilespmem:$0x1F6E0]  }
0x23b: {  	v54 =	vld [tilespmem:s19+$0x790]  }
0x23c: {  	v53 =	vmul.f32 v56, v63;
	v59 =	vmul.f32 v18, v27;
	v18 =	vld [tilespmem:s31+$0x8020];
	[tilespmem:s19+$0x14420] =	vst v9  }
0x23d: {  	v56 =	vmul.f32 v15, v63;
	v15 =	vmul.f32 v20, v63;
	v20 =	vld [tilespmem:s31+$0x30];
	[tilespmem:s19+$0x14430] =	vst v5  }
0x23e: {  	v8 =	vadd.f32 v25, v24;
	v25 =	vld [tilespmem:s31+$0x8030]  }
0x23f: {  	[tilespmem:s19+$0x14440] =	vst v0;
	v0 =	vld [tilespmem:$0x1F6F0];
	_ =	sdelay $0x1  }
0x240: {  	v26 =	vadd.f32 v57, v54;
	_ =	sdelay $0x1  }
0x241: {  	v39 =	vmul.f32 v26, v27;
	v26 =	vld [tilespmem:s31+$0x40]  }
0x242: {  	[tilespmem:s19+$0x14450] =	vst v0;
	v0 =	vld [tilespmem:$0x1F700];
	_ =	sdelay $0x3  }
0x243: {  	v30 =	vld [tilespmem:s31+$0x8040]  }
0x244: {  	[tilespmem:s19+$0x14460] =	vst v0;
	v0 =	vld [tilespmem:$0x1F710];
	_ =	sdelay $0x4  }
0x245: {  	v3 =	vmul.f32 v3, v63;
	v63 =	vld [tilespmem:s31+$0x50];
	[tilespmem:s19+$0x14470] =	vst v0  }
0x246: {  	v0 =	vld [tilespmem:s31+$0x8050];
	_ =	sdelay $0x4  }
0x247: {  	[tilespmem:$0x1F820] =	vst v0;
	v0 =	vld [tilespmem:$0x1F720];
	_ =	sdelay $0x4  }
0x248: {  	[tilespmem:s19+$0x14480] =	vst v0  }
0x249: {  	v0 =	vld [tilespmem:s31+$0x60];
	_ =	sdelay $0x4  }
0x24a: {  	[tilespmem:$0x1F830] =	vst v0;
	v0 =	vld [tilespmem:$0x1F730];
	_ =	sdelay $0x4  }
0x24b: {  	[tilespmem:s19+$0x14490] =	vst v0  }
0x24c: {  	v0 =	vld [tilespmem:s31+$0x8060];
	_ =	sdelay $0x3  }
0x24d: {  	[tilespmem:s19+$0x144A0] =	vst v22  }
0x24e: {  	[tilespmem:$0x1F840] =	vst v0;
	v0 =	vld [tilespmem:s31+$0x70];
	_ =	sdelay $0x4  }
0x24f: {  	[tilespmem:$0x1F850] =	vst v0;
	v0 =	vld [tilespmem:$0x1F740];
	_ =	sdelay $0x4  }
0x250: {  	[tilespmem:s19+$0x144B0] =	vst v0  }
0x251: {  	v0 =	vld [tilespmem:s31+$0x8070];
	_ =	sdelay $0x4  }
0x252: {  	[tilespmem:$0x1F860] =	vst v0;
	v0 =	vld [tilespmem:$0x1F750];
	_ =	sdelay $0x4  }
0x253: {  	[tilespmem:s19+$0x144C0] =	vst v0  }
0x254: {  	v0 =	vld [tilespmem:s31+$0x80];
	_ =	sdelay $0x4  }
0x255: {  	[tilespmem:$0x1F870] =	vst v0;
	v0 =	vld [tilespmem:$0x1F760];
	_ =	sdelay $0x4  }
0x256: {  	[tilespmem:s19+$0x144D0] =	vst v0  }
0x257: {  	v0 =	vld [tilespmem:s31+$0x8080];
	_ =	sdelay $0x4  }
0x258: {  	[tilespmem:$0x1F880] =	vst v0;
	v0 =	vld [tilespmem:$0x1F770];
	_ =	sdelay $0x4  }
0x259: {  	[tilespmem:s19+$0x144E0] =	vst v0  }
0x25a: {  	v0 =	vld [tilespmem:s31+$0x90];
	_ =	sdelay $0x4  }
0x25b: {  	[tilespmem:$0x1F890] =	vst v0;
	v0 =	vld [tilespmem:$0x1F780];
	_ =	sdelay $0x4  }
0x25c: {  	[tilespmem:s19+$0x144F0] =	vst v0  }
0x25d: {  	v0 =	vld [tilespmem:s31+$0x8090];
	_ =	sdelay $0x4  }
0x25e: {  	[tilespmem:$0x1F8A0] =	vst v0;
	v0 =	vld [tilespmem:$0x1F790];
	_ =	sdelay $0x4  }
0x25f: {  	[tilespmem:s19+$0x14500] =	vst v0  }
0x260: {  	v0 =	vld [tilespmem:s31+$0xA0];
	_ =	sdelay $0x4  }
0x261: {  	[tilespmem:$0x1F8B0] =	vst v0;
	v0 =	vld [tilespmem:$0x1F7A0];
	_ =	sdelay $0x4  }
0x262: {  	[tilespmem:s19+$0x14510] =	vst v0  }
0x263: {  	v0 =	vld [tilespmem:s31+$0x80A0];
	_ =	sdelay $0x4  }
0x264: {  	[tilespmem:$0x1F8C0] =	vst v0;
	v0 =	vld [tilespmem:$0x1F7B0];
	_ =	sdelay $0x4  }
0x265: {  	[tilespmem:s19+$0x14520] =	vst v0  }
0x266: {  	v0 =	vld [tilespmem:s31+$0xB0];
	_ =	sdelay $0x4  }
0x267: {  	[tilespmem:$0x1F8D0] =	vst v0;
	v0 =	vld [tilespmem:$0x1F7C0];
	_ =	sdelay $0x4  }
0x268: {  	[tilespmem:s19+$0x14530] =	vst v0  }
0x269: {  	v0 =	vld [tilespmem:s31+$0x80B0];
	_ =	sdelay $0x3  }
0x26a: {  	[tilespmem:s19+$0x14540] =	vst v47  }
0x26b: {  	[tilespmem:$0x1F8E0] =	vst v0;
	v0 =	vld [tilespmem:s31+$0xC0];
	_ =	sdelay $0x4  }
0x26c: {  	[tilespmem:$0x1F8F0] =	vst v0;
	v0 =	vld [tilespmem:$0x1F7D0];
	_ =	sdelay $0x4  }
0x26d: {  	[tilespmem:s19+$0x14550] =	vst v0  }
0x26e: {  	v0 =	vld [tilespmem:s31+$0x80C0];
	_ =	sdelay $0x3  }
0x26f: {  	[tilespmem:s19+$0x14560] =	vst v44  }
0x270: {  	[tilespmem:$0x1F900] =	vst v0;
	v0 =	vld [tilespmem:s31+$0xD0];
	_ =	sdelay $0x4  }
0x271: {  	[tilespmem:$0x1F910] =	vst v0;
	v0 =	vld [tilespmem:$0x1F7E0];
	_ =	sdelay $0x4  }
0x272: {  	[tilespmem:s19+$0x14570] =	vst v0  }
0x273: {  	v0 =	vld [tilespmem:s31+$0x80D0];
	_ =	sdelay $0x3  }
0x274: {  	[tilespmem:s19+$0x14580] =	vst v28  }
0x275: {  	[tilespmem:$0x1F920] =	vst v0;
	v0 =	vld [tilespmem:s31+$0xE0];
	_ =	sdelay $0x4  }
0x276: {  	[tilespmem:$0x1F930] =	vst v0;
	v0 =	vld [tilespmem:$0x1F7F0];
	_ =	sdelay $0x4  }
0x277: {  	[tilespmem:s19+$0x14590] =	vst v0  }
0x278: {  	v0 =	vld [tilespmem:s31+$0x80E0];
	_ =	sdelay $0x3  }
0x279: {  	[tilespmem:s19+$0x145A0] =	vst v29  }
0x27a: {  	[tilespmem:$0x1F940] =	vst v0;
	v0 =	vld [tilespmem:s31+$0xF0];
	_ =	sdelay $0x3  }
0x27b: {  	[tilespmem:s19+$0x145B0] =	vst v48  }
0x27c: {  	[tilespmem:$0x1F950] =	vst v0;
	v0 =	vld [tilespmem:s31+$0x80F0];
	_ =	sdelay $0x3  }
0x27d: {  	[tilespmem:s19+$0x145C0] =	vst v52  }
0x27e: {  	[tilespmem:$0x1F960] =	vst v0  }
0x27f: {  	v0 =	vld [tilespmem:s31+$0x100];
	[tilespmem:s19+$0x145D0] =	vst v21  }
0x280: {  	v21 =	vld [tilespmem:s31+$0x8100];
	[tilespmem:s19+$0x145E0] =	vst v10  }
0x281: {  	v9 =	vld [tilespmem:s31+$0x110];
	[tilespmem:s19+$0x145F0] =	vst v12  }
0x282: {  	v12 =	vld [tilespmem:s31+$0x8110];
	[tilespmem:s19+$0x14600] =	vst v7  }
0x283: {  	v11 =	vld [tilespmem:s31+$0x120];
	[tilespmem:s19+$0x14610] =	vst v13  }
0x284: {  	v28 =	vld [tilespmem:s31+$0x8120];
	[tilespmem:s19+$0x14620] =	vst v45  }
0x285: {  	v24 =	vld [tilespmem:s31+$0x130];
	[tilespmem:s19+$0x14630] =	vst v31  }
0x286: {  	v33 =	vmul.f32 v6, v27;
	v6 =	vld [tilespmem:s31+$0x8130];
	[tilespmem:s19+$0x14640] =	vst v46  }
0x287: {  	[tilespmem:$0x1F970] =	vst v0;
	v0 =	vld [tilespmem:s31+$0x140];
	_ =	sdelay $0x3  }
0x288: {  	[tilespmem:s19+$0x14650] =	vst v32  }
0x289: {  	[tilespmem:$0x1F980] =	vst v0;
	v0 =	vld [tilespmem:s31+$0x8140];
	_ =	sdelay $0x3  }
0x28a: {  	[tilespmem:s19+$0x14660] =	vst v1  }
0x28b: {  	[tilespmem:$0x1F990] =	vst v0;
	v0 =	vld [tilespmem:s31+$0x150];
	_ =	sdelay $0x3  }
0x28c: {  	[tilespmem:s19+$0x14670] =	vst v34  }
0x28d: {  	[tilespmem:$0x1F9A0] =	vst v0;
	v0 =	vld [tilespmem:s31+$0x8150];
	_ =	sdelay $0x3  }
0x28e: {  	[tilespmem:s19+$0x14680] =	vst v2  }
0x28f: {  	[tilespmem:$0x1F9B0] =	vst v0;
	v0 =	vld [tilespmem:s31+$0x160];
	_ =	sdelay $0x3  }
0x290: {  	[tilespmem:s19+$0x14690] =	vst v36  }
0x291: {  	[tilespmem:$0x1F9C0] =	vst v0;
	v0 =	vld [tilespmem:s31+$0x8160];
	_ =	sdelay $0x3  }
0x292: {  	[tilespmem:s19+$0x146A0] =	vst v49  }
0x293: {  	[tilespmem:$0x1F9D0] =	vst v0;
	v0 =	vld [tilespmem:s31+$0x170];
	_ =	sdelay $0x3  }
0x294: {  	[tilespmem:s19+$0x146B0] =	vst v40  }
0x295: {  	[tilespmem:$0x1F9E0] =	vst v0;
	v0 =	vld [tilespmem:s31+$0x8170];
	_ =	sdelay $0x3  }
0x296: {  	[tilespmem:s19+$0x146C0] =	vst v50  }
0x297: {  	[tilespmem:$0x1F9F0] =	vst v0;
	v0 =	vld [tilespmem:s31+$0x180];
	_ =	sdelay $0x3  }
0x298: {  	[tilespmem:s19+$0x146D0] =	vst v41  }
0x299: {  	[tilespmem:$0x1FA00] =	vst v0;
	v0 =	vld [tilespmem:s31+$0x8180];
	_ =	sdelay $0x3  }
0x29a: {  	[tilespmem:s19+$0x146E0] =	vst v51  }
0x29b: {  	[tilespmem:$0x1FA10] =	vst v0;
	v0 =	vld [tilespmem:s31+$0x190];
	_ =	sdelay $0x3  }
0x29c: {  	[tilespmem:s19+$0x146F0] =	vst v42  }
0x29d: {  	[tilespmem:$0x1FA20] =	vst v0;
	v0 =	vld [tilespmem:s31+$0x8190];
	_ =	sdelay $0x3  }
0x29e: {  	[tilespmem:s19+$0x14700] =	vst v53  }
0x29f: {  	[tilespmem:$0x1FA30] =	vst v0;
	v0 =	vld [tilespmem:s31+$0x1A0];
	_ =	sdelay $0x3  }
0x2a0: {  	[tilespmem:s19+$0x14710] =	vst v43  }
0x2a1: {  	[tilespmem:$0x1FA40] =	vst v0;
	v0 =	vld [tilespmem:s31+$0x81A0];
	_ =	sdelay $0x3  }
0x2a2: {  	[tilespmem:s19+$0x14720] =	vst v3  }
0x2a3: {  	[tilespmem:$0x1FA50] =	vst v0;
	v0 =	vld [tilespmem:s31+$0x1B0];
	_ =	sdelay $0x3  }
0x2a4: {  	[tilespmem:s19+$0x14730] =	vst v38  }
0x2a5: {  	[tilespmem:$0x1FA60] =	vst v0;
	v0 =	vld [tilespmem:s31+$0x81B0];
	_ =	sdelay $0x3  }
0x2a6: {  	[tilespmem:s19+$0x14740] =	vst v4  }
0x2a7: {  	[tilespmem:$0x1FA70] =	vst v0;
	v0 =	vld [tilespmem:s31+$0x1C0];
	_ =	sdelay $0x2  }
0x2a8: {  	[tilespmem:s19+$0x14750] =	vst v37  }
0x2a9: {  	v41 =	vld [tilespmem:s31+$0x81C0];
	[tilespmem:s19+$0x14760] =	vst v56  }
0x2aa: {  	[tilespmem:$0x1FA80] =	vst v0;
	v0 =	vld [tilespmem:s31+$0x1D0];
	_ =	sdelay $0x1  }
0x2ab: {  	v58 =	vmul.f32 v23, v27  }
0x2ac: {  	[tilespmem:s19+$0x14770] =	vst v15  }
0x2ad: {  	v57 =	vmul.f32 v8, v27;
	v27 =	vld [tilespmem:s31+$0x81D0];
	[tilespmem:s19+$0x14780] =	vst v58  }
0x2ae: {  	[tilespmem:$0x1FA90] =	vst v0;
	v0 =	vld [tilespmem:s31+$0x1E0];
	_ =	sdelay $0x2  }
0x2af: {  	[tilespmem:s19+$0x14790] =	vst v39  }
0x2b0: {  	v23 =	vld [tilespmem:s31+$0x81E0];
	[tilespmem:s19+$0x147A0] =	vst v59  }
0x2b1: {  	[tilespmem:$0x1FAA0] =	vst v0;
	v0 =	vld [tilespmem:s31+$0x1F0];
	_ =	sdelay $0x2  }
0x2b2: {  	[tilespmem:s19+$0x147B0] =	vst v35  }
0x2b3: {  	v52 =	vld [tilespmem:s31+$0x81F0];
	[tilespmem:s19+$0x147C0] =	vst v60  }
0x2b4: {  	[tilespmem:$0x1FAB0] =	vst v0  }
0x2b5: {  	v0 =	vld [tilespmem:s31+$0x200];
	[tilespmem:s19+$0x147D0] =	vst v33  }
0x2b6: {  	v53 =	vld [tilespmem:s31+$0x8200];
	[tilespmem:s19+$0x147E0] =	vst v57  }
0x2b7: {  	v40 =	vld [tilespmem:s31+$0x210];
	[tilespmem:s19+$0x147F0] =	vst v16;
	s19 =	smov.u32 s31  }
0x2b8: {  	v1 =	vld [tilespmem:s19+$0x2E0];
	_ =	sdelay $0x4  }
0x2b9: {  	[tilespmem:$0x1FB70] =	vst v1;
	v1 =	vld [tilespmem:s19+$0x2F0];
	_ =	sdelay $0x4  }
0x2ba: {  	[tilespmem:$0x1FB80] =	vst v1;
	v1 =	vld [tilespmem:s19+$0x300];
	_ =	sdelay $0x4  }
0x2bb: {  	[tilespmem:$0x1FB90] =	vst v1;
	v1 =	vld [tilespmem:s19+$0x310];
	_ =	sdelay $0x4  }
0x2bc: {  	[tilespmem:$0x1FBA0] =	vst v1;
	v1 =	vld [tilespmem:s19+$0x8310];
	_ =	sdelay $0x4  }
0x2bd: {  	[tilespmem:$0x1FBB0] =	vst v1;
	v1 =	vld [tilespmem:s19+$0x320];
	_ =	sdelay $0x4  }
0x2be: {  	[tilespmem:$0x1FBC0] =	vst v1;
	v1 =	vld [tilespmem:s19+$0x8320];
	_ =	sdelay $0x4  }
0x2bf: {  	[tilespmem:$0x1FBD0] =	vst v1;
	v1 =	vld [tilespmem:s19+$0x330];
	_ =	sdelay $0x4  }
0x2c0: {  	[tilespmem:$0x1FBE0] =	vst v1;
	v1 =	vld [tilespmem:s19+$0x340];
	_ =	sdelay $0x4  }
0x2c1: {  	[tilespmem:$0x1FBF0] =	vst v1;
	v1 =	vld [tilespmem:s19+$0x8340];
	_ =	sdelay $0x4  }
0x2c2: {  	[tilespmem:$0x1FC00] =	vst v1;
	v1 =	vld [tilespmem:s19+$0x350];
	_ =	sdelay $0x4  }
0x2c3: {  	[tilespmem:$0x1FC10] =	vst v1;
	v1 =	vld [tilespmem:s19+$0x8350];
	_ =	sdelay $0x4  }
0x2c4: {  	[tilespmem:$0x1FC20] =	vst v1;
	v1 =	vld [tilespmem:s19+$0x360];
	_ =	sdelay $0x4  }
0x2c5: {  	[tilespmem:$0x1FC30] =	vst v1;
	v1 =	vld [tilespmem:s19+$0x8360];
	_ =	sdelay $0x4  }
0x2c6: {  	[tilespmem:$0x1FC40] =	vst v1;
	v1 =	vld [tilespmem:s19+$0x370];
	_ =	sdelay $0x4  }
0x2c7: {  	[tilespmem:$0x1FC50] =	vst v1;
	v1 =	vld [tilespmem:s19+$0x8370];
	_ =	sdelay $0x4  }
0x2c8: {  	[tilespmem:$0x1FC60] =	vst v1;
	v1 =	vld [tilespmem:s19+$0x380];
	_ =	sdelay $0x4  }
0x2c9: {  	[tilespmem:$0x1FC70] =	vst v1;
	v1 =	vld [tilespmem:s19+$0x8380];
	_ =	sdelay $0x4  }
0x2ca: {  	[tilespmem:$0x1FC80] =	vst v1;
	v1 =	vld [tilespmem:s19+$0x390];
	_ =	sdelay $0x4  }
0x2cb: {  	[tilespmem:$0x1FC90] =	vst v1;
	v1 =	vld [tilespmem:s19+$0x8390];
	_ =	sdelay $0x4  }
0x2cc: {  	[tilespmem:$0x1FCA0] =	vst v1;
	v1 =	vld [tilespmem:s19+$0x3A0];
	_ =	sdelay $0x4  }
0x2cd: {  	[tilespmem:$0x1FCB0] =	vst v1;
	v1 =	vld [tilespmem:s19+$0x83A0];
	_ =	sdelay $0x4  }
0x2ce: {  	[tilespmem:$0x1FCC0] =	vst v1;
	v1 =	vld [tilespmem:s19+$0x3B0];
	_ =	sdelay $0x4  }
0x2cf: {  	[tilespmem:$0x1FCD0] =	vst v1;
	v1 =	vld [tilespmem:s19+$0x83B0];
	_ =	sdelay $0x4  }
0x2d0: {  	[tilespmem:$0x1FCE0] =	vst v1;
	v1 =	vld [tilespmem:s19+$0x3C0];
	_ =	sdelay $0x4  }
0x2d1: {  	[tilespmem:$0x1FCF0] =	vst v1;
	v1 =	vld [tilespmem:s19+$0x83C0];
	_ =	sdelay $0x4  }
0x2d2: {  	[tilespmem:$0x1FD00] =	vst v1;
	v1 =	vld [tilespmem:s19+$0x3D0];
	_ =	sdelay $0x4  }
0x2d3: {  	[tilespmem:$0x1FD10] =	vst v1;
	v1 =	vld [tilespmem:s19+$0x83D0];
	_ =	sdelay $0x4  }
0x2d4: {  	[tilespmem:$0x1FD20] =	vst v1;
	v1 =	vld [tilespmem:s19+$0x3E0];
	_ =	sdelay $0x4  }
0x2d5: {  	[tilespmem:$0x1FD30] =	vst v1;
	v1 =	vld [tilespmem:s19+$0x83E0];
	_ =	sdelay $0x4  }
0x2d6: {  	[tilespmem:$0x1FD40] =	vst v1;
	v1 =	vld [tilespmem:s19+$0x3F0];
	_ =	sdelay $0x4  }
0x2d7: {  	[tilespmem:$0x1FD50] =	vst v1;
	v1 =	vld [tilespmem:s19+$0x83F0];
	_ =	sdelay $0x4  }
0x2d8: {  	[tilespmem:$0x1FD60] =	vst v1;
	v1 =	vld [tilespmem:s19+$0x400];
	_ =	sdelay $0x4  }
0x2d9: {  	[tilespmem:$0x1FD70] =	vst v1;
	v1 =	vld [tilespmem:s19+$0x8400];
	_ =	sdelay $0x4  }
0x2da: {  	[tilespmem:$0x1FD80] =	vst v1;
	v1 =	vld [tilespmem:s19+$0x410];
	_ =	sdelay $0x4  }
0x2db: {  	[tilespmem:$0x1FD90] =	vst v1;
	v1 =	vld [tilespmem:s19+$0x8410];
	_ =	sdelay $0x4  }
0x2dc: {  	[tilespmem:$0x1FDA0] =	vst v1;
	v1 =	vld [tilespmem:s19+$0x420];
	_ =	sdelay $0x4  }
0x2dd: {  	[tilespmem:$0x1FDB0] =	vst v1;
	v1 =	vld [tilespmem:s19+$0x8420];
	_ =	sdelay $0x4  }
0x2de: {  	[tilespmem:$0x1FDC0] =	vst v1;
	v1 =	vld [tilespmem:s19+$0x430];
	_ =	sdelay $0x4  }
0x2df: {  	[tilespmem:$0x1FDD0] =	vst v1;
	v1 =	vld [tilespmem:s19+$0x8430];
	_ =	sdelay $0x4  }
0x2e0: {  	[tilespmem:$0x1FDE0] =	vst v1;
	v1 =	vld [tilespmem:s19+$0x440];
	_ =	sdelay $0x4  }
0x2e1: {  	[tilespmem:$0x1FDF0] =	vst v1;
	v1 =	vld [tilespmem:s19+$0x8440];
	_ =	sdelay $0x4  }
0x2e2: {  	[tilespmem:$0x1FE00] =	vst v1;
	v1 =	vld [tilespmem:s19+$0x450];
	_ =	sdelay $0x4  }
0x2e3: {  	[tilespmem:$0x1FE10] =	vst v1;
	v1 =	vld [tilespmem:s19+$0x8450];
	_ =	sdelay $0x4  }
0x2e4: {  	[tilespmem:$0x1FE20] =	vst v1;
	v1 =	vld [tilespmem:s19+$0x460];
	_ =	sdelay $0x4  }
0x2e5: {  	[tilespmem:$0x1FE30] =	vst v1;
	v1 =	vld [tilespmem:s19+$0x8460];
	_ =	sdelay $0x4  }
0x2e6: {  	[tilespmem:$0x1FE40] =	vst v1;
	v1 =	vld [tilespmem:s19+$0x470];
	_ =	sdelay $0x4  }
0x2e7: {  	[tilespmem:$0x1FE50] =	vst v1;
	v1 =	vld [tilespmem:s19+$0x8470];
	_ =	sdelay $0x4  }
0x2e8: {  	[tilespmem:$0x1FE60] =	vst v1;
	v1 =	vld [tilespmem:s19+$0x480];
	_ =	sdelay $0x4  }
0x2e9: {  	[tilespmem:$0x1FE70] =	vst v1;
	v1 =	vld [tilespmem:s19+$0x8480];
	_ =	sdelay $0x4  }
0x2ea: {  	[tilespmem:$0x1FE80] =	vst v1;
	v1 =	vld [tilespmem:s19+$0x490];
	_ =	sdelay $0x4  }
0x2eb: {  	[tilespmem:$0x1FE90] =	vst v1;
	v1 =	vld [tilespmem:s19+$0x8490];
	_ =	sdelay $0x4  }
0x2ec: {  	[tilespmem:$0x1FEA0] =	vst v1;
	v1 =	vld [tilespmem:s19+$0x4A0];
	_ =	sdelay $0x4  }
0x2ed: {  	[tilespmem:$0x1FEB0] =	vst v1;
	v1 =	vld [tilespmem:s19+$0x84A0];
	_ =	sdelay $0x4  }
0x2ee: {  	[tilespmem:$0x1FEC0] =	vst v1;
	v1 =	vld [tilespmem:s19+$0x4B0];
	_ =	sdelay $0x4  }
0x2ef: {  	[tilespmem:$0x1FED0] =	vst v1;
	v1 =	vld [tilespmem:s19+$0x84B0];
	_ =	sdelay $0x4  }
0x2f0: {  	[tilespmem:$0x1FEE0] =	vst v1;
	v1 =	vld [tilespmem:s19+$0x4C0];
	_ =	sdelay $0x4  }
0x2f1: {  	[tilespmem:$0x1FEF0] =	vst v1;
	v1 =	vld [tilespmem:s19+$0x84C0];
	_ =	sdelay $0x4  }
0x2f2: {  	[tilespmem:$0x1FF00] =	vst v1;
	v1 =	vld [tilespmem:s19+$0x84D0];
	_ =	sdelay $0x4  }
0x2f3: {  	[tilespmem:$0x1FF10] =	vst v1;
	v1 =	vld [tilespmem:$0x1F800];
	_ =	sdelay $0x4  }
0x2f4: {  	v33 =	vadd.f32 v1, v55;
	v1 =	vld [tilespmem:$0x1F810];
	_ =	sdelay $0x4  }
0x2f5: {  	v39 =	vadd.f32 v19, v1;
	v1 =	vld [tilespmem:$0x1F820];
	_ =	sdelay $0x3  }
0x2f6: {  	v15 =	vld [tilespmem:$0x1F840]  }
0x2f7: {  	v37 =	vadd.f32 v1, v63;
	v1 =	vld [tilespmem:$0x1F830];
	_ =	sdelay $0x4  }
0x2f8: {  	v34 =	vadd.f32 v15, v1;
	v1 =	vld [tilespmem:$0x1F850]  }
0x2f9: {  	v15 =	vld [tilespmem:$0x1F860];
	_ =	sdelay $0x4  }
0x2fa: {  	v35 =	vadd.f32 v15, v1;
	v1 =	vld [tilespmem:$0x1F870]  }
0x2fb: {  	v15 =	vld [tilespmem:$0x1F880];
	_ =	sdelay $0x4  }
0x2fc: {  	v36 =	vadd.f32 v30, v26;
	v30 =	vadd.f32 v15, v1;
	v1 =	vld [tilespmem:s19+$0x8530];
	_ =	sdelay $0x3  }
0x2fd: {  	v15 =	vld [tilespmem:$0x1F8A0]  }
0x2fe: {  	[tilespmem:$0x1FF60] =	vst v1;
	v1 =	vld [tilespmem:$0x1F890];
	_ =	sdelay $0x4  }
0x2ff: {  	v31 =	vadd.f32 v15, v1;
	v1 =	vld [tilespmem:$0x1F8B0]  }
0x300: {  	v15 =	vld [tilespmem:$0x1F8C0]  }
0x301: {  	v44 =	vld [tilespmem:s19+$0x8210]  }
0x302: {  	v50 =	vld [tilespmem:s19+$0x220]  }
0x303: {  	v22 =	vld [tilespmem:s19+$0x8220]  }
0x304: {  	[tilespmem:$0x1FAC0] =	vst v0;
	v0 =	vld [tilespmem:s19+$0x240]  }
0x305: {  	v38 =	vadd.f32 v25, v20;
	v25 =	vadd.f32 v15, v1;
	v1 =	vld [tilespmem:$0x1F8D0]  }
0x306: {  	v15 =	vld [tilespmem:$0x1F8E0]  }
0x307: {  	v57 =	vld [tilespmem:s19+$0x230]  }
0x308: {  	v29 =	vld [tilespmem:s19+$0x8230]  }
0x309: {  	[tilespmem:$0x1FAD0] =	vst v0;
	v0 =	vld [tilespmem:s19+$0x250]  }
0x30a: {  	v48 =	vld [tilespmem:s19+$0x8240]  }
0x30b: {  	v26 =	vadd.f32 v15, v1;
	v1 =	vld [tilespmem:$0x1F8F0]  }
0x30c: {  	v15 =	vld [tilespmem:$0x1F900]  }
0x30d: {  	v8 =	vld [tilespmem:s19+$0x8250]  }
0x30e: {  	[tilespmem:$0x1FAE0] =	vst v0;
	v0 =	vld [tilespmem:s19+$0x260]  }
0x30f: {  	v61 =	vld [tilespmem:s19+$0x8260]  }
0x310: {  	v3 =	vld [tilespmem:s19+$0x8270]  }
0x311: {  	v32 =	vadd.f32 v18, v17;
	v18 =	vadd.f32 v15, v1;
	v1 =	vld [tilespmem:s19+$0x8540]  }
0x312: {  	v13 =	vld [tilespmem:s19+$0x8280]  }
0x313: {  	[tilespmem:$0x1FAF0] =	vst v0;
	v0 =	vld [tilespmem:s19+$0x270]  }
0x314: {  	v42 =	vld [tilespmem:s19+$0x8290]  }
0x315: {  	v15 =	vld [tilespmem:$0x1F920]  }
0x316: {  	[tilespmem:$0x1FFA0] =	vst v1;
	v1 =	vld [tilespmem:$0x1F910]  }
0x317: {  	v2 =	vld [tilespmem:s19+$0x82A0]  }
0x318: {  	[tilespmem:$0x1FB00] =	vst v0;
	v0 =	vld [tilespmem:s19+$0x280]  }
0x319: {  	v10 =	vld [tilespmem:s19+$0x82B0]  }
0x31a: {  	v4 =	vld [tilespmem:s19+$0x82C0]  }
0x31b: {  	v20 =	vadd.f32 v15, v1;
	v1 =	vld [tilespmem:$0x1F930]  }
0x31c: {  	v15 =	vld [tilespmem:$0x1F940]  }
0x31d: {  	[tilespmem:$0x1FB10] =	vst v0;
	v0 =	vld [tilespmem:s19+$0x290]  }
0x31e: {  	v16 =	vld [tilespmem:s19+$0x82E0]  }
0x31f: {  	v14 =	vld [tilespmem:s19+$0x82F0]  }
0x320: {  	v5 =	vld [tilespmem:s19+$0x8300]  }
0x321: {  	v17 =	vadd.f32 v15, v1;
	v1 =	vld [tilespmem:s19+$0x550]  }
0x322: {  	[tilespmem:$0x1FB20] =	vst v0;
	v0 =	vld [tilespmem:s19+$0x2A0]  }
0x323: {  	v7 =	vld [tilespmem:s19+$0x8330]  }
0x324: {  	v62 =	vld [tilespmem:s19+$0x4D0]  }
0x325: {  	v56 =	vld [tilespmem:s19+$0x4E0]  }
0x326: {  	[tilespmem:$0x1FFD0] =	vst v1;
	v1 =	vld [tilespmem:$0x1FFF0]  }
0x327: {  	[tilespmem:$0x1FB30] =	vst v0;
	v0 =	vld [tilespmem:s19+$0x2B0]  }
0x328: {  	v59 =	vld [tilespmem:s19+$0x84E0]  }
0x329: {  	v51 =	vld [tilespmem:s19+$0x4F0]  }
0x32a: {  	v58 =	vld [tilespmem:s19+$0x84F0]  }
0x32b: {  	v46 =	vld [tilespmem:s19+$0x500]  }
0x32c: {  	[tilespmem:$0x1FB40] =	vst v0;
	v0 =	vld [tilespmem:s19+$0x2C0]  }
0x32d: {  	s21 =	sshll.u32 s20, $0x4;
	v19 =	vld [tilespmem:$0x1F960]  }
0x32e: {  	v15 =	vld.idx.msk [tilespmem:v1+s21+$0x12000 ss:$0x1], $0xffff  }
0x32f: {  	v1 =	vld [tilespmem:$0x1F950]  }
0x330: {  	v54 =	vld [tilespmem:s19+$0x8500]  }
0x331: {  	v47 =	vld [tilespmem:s19+$0x510]  }
0x332: {  	[tilespmem:$0x1FB50] =	vst v0;
	v0 =	vld [tilespmem:s19+$0x2D0]  }
0x333: {  	v49 =	vld [tilespmem:s19+$0x8510]  }
0x334: {  	p0 =	sne.s32 s20, $0xF;
	v19 =	vadd.f32 v19, v1;
	v1 =	vld [tilespmem:$0x1F970]  }
.Ltmp0:
0x335: {  	v45 =	vld [tilespmem:s19+$0x520];
	(pc) =	sbr.rel @p0 .LBB2_2-.Ltmp0, $4  }
0x336: {  	v60 =	vld [tilespmem:s19+$0x8520]  }
0x337: {  	[tilespmem:$0x1FB60] =	vst v0;
	v0 =	vld [tilespmem:s19+$0x82D0]  }
0x338: {  	v55 =	vld [tilespmem:s19+$0x530]  }
0x339: {  	s20 =	sadd.s32 $0x1, s20;
	v63 =	vld [tilespmem:s19+$0x540];
	v43 =	vadd.f32 v21, v1  }
0x33a: {  	v21 =	vld [tilespmem:s19+$0x8550];
	_ =	sdelay $0x4  }
0x33b: {  	[tilespmem:$0x1EDB0] =	vst v21;
	v21 =	vld [tilespmem:s19+$0x560];
	_ =	sdelay $0x4  }
0x33c: {  	[tilespmem:$0x1EDC0] =	vst v21;
	v21 =	vld [tilespmem:s19+$0x8560]  }
0x33d: {  	v1 =	vld [tilespmem:$0x1FFF0];
	_ =	sdelay $0x3  }
0x33e: {  	[tilespmem:$0x1EDD0] =	vst v21;
	v21 =	vld [tilespmem:s19+$0x570];
	_ =	sdelay $0x3  }
0x33f: {  	v1 =	vld.idx.msk [tilespmem:v1+s21+$0x10000 ss:$0x1], $0xffff  }
0x340: {  	[tilespmem:$0x1EDE0] =	vst v21;
	v21 =	vld [tilespmem:s19+$0x8570];
	_ =	sdelay $0x3  }
0x341: {  	v1 =	vadd.f32 v15, v1;
	v15 =	vld [tilespmem:s19+$0x5A0]  }
0x342: {  	[tilespmem:$0x1EDF0] =	vst v21;
	v21 =	vld [tilespmem:s19+$0x580];
	_ =	sdelay $0x3  }
0x343: {  	[tilespmem:$0x1EE40] =	vst v15;
	v15 =	vld [tilespmem:s19+$0x5B0]  }
0x344: {  	[tilespmem:$0x1EE00] =	vst v21;
	v21 =	vld [tilespmem:s19+$0x8580];
	_ =	sdelay $0x3  }
0x345: {  	[tilespmem:$0x1EE60] =	vst v15;
	v15 =	vld [tilespmem:s19+$0x5C0]  }
0x346: {  	[tilespmem:$0x1EE10] =	vst v21;
	v21 =	vld [tilespmem:s19+$0x590];
	_ =	sdelay $0x3  }
0x347: {  	[tilespmem:$0x1EE80] =	vst v15;
	v15 =	vld [tilespmem:s19+$0x5D0]  }
0x348: {  	[tilespmem:$0x1EE20] =	vst v21;
	v21 =	vld [tilespmem:s19+$0x8590];
	_ =	sdelay $0x3  }
0x349: {  	[tilespmem:$0x1EEA0] =	vst v15;
	v15 =	vld [tilespmem:s19+$0x5E0]  }
0x34a: {  	[tilespmem:$0x1EE30] =	vst v21;
	v21 =	vld [tilespmem:s19+$0x85A0];
	_ =	sdelay $0x3  }
0x34b: {  	[tilespmem:$0x1EEC0] =	vst v15;
	v15 =	vld [tilespmem:s19+$0x85E0]  }
0x34c: {  	[tilespmem:$0x1EE50] =	vst v21;
	v21 =	vld [tilespmem:s19+$0x85B0];
	_ =	sdelay $0x3  }
0x34d: {  	[tilespmem:$0x1EED0] =	vst v15;
	v15 =	vld [tilespmem:s19+$0x5F0]  }
0x34e: {  	v1 =	vmax.f32 v1, $1.000000000e+00;
	[tilespmem:$0x1EE70] =	vst v21;
	v21 =	vld [tilespmem:s19+$0x85C0]  }
0x34f: {  	(erf) = vrcp.f32 v1;
	_ =	sdelay $0x2  }
0x350: {  	[tilespmem:$0x1EEE0] =	vst v15;
	v15 =	vld [tilespmem:s19+$0x85F0]  }
0x351: {  	[tilespmem:$0x1EE90] =	vst v21;
	v21 =	vld [tilespmem:s19+$0x85D0];
	_ =	sdelay $0x3  }
0x352: {  	[tilespmem:$0x1EEF0] =	vst v15  }
0x353: {  	v15 =	vld [tilespmem:s19+$0x600];
	[tilespmem:$0x1EEB0] =	vst v21;
	v21 =	vpop (erf)  }
0x354: {  	v21 =	vmul.f32 $5.000000000e-01, v21;
	_ =	sdelay $0x1  }
0x355: {  	v1 =	vbroadcast v21, $0x0;
	_ =	sdelay $0x1  }
0x356: {  	[tilespmem:$0x1EF00] =	vst v15;
	v15 =	vmov v6;
	v6 =	vmul.f32 v1, v33  }
0x357: {  	v33 =	vld [tilespmem:s19+$0x8600];
	v38 =	vmul.f32 v38, v1  }
0x358: {  	v36 =	vmul.f32 v36, v1;
	[tilespmem:s19+$0x14000] =	vst v6  }
0x359: {  	v6 =	vmul.f32 v39, v1;
	v39 =	vld [tilespmem:s19+$0x8610];
	[tilespmem:s19+$0x14030] =	vst v38  }
0x35a: {  	v38 =	vld [tilespmem:s19+$0x630];
	[tilespmem:s19+$0x14040] =	vst v36  }
0x35b: {  	v36 =	vld [tilespmem:s19+$0x8630];
	[tilespmem:s19+$0x14010] =	vst v6;
	v6 =	vmul.f32 v32, v1  }
0x35c: {  	[tilespmem:$0x1EF10] =	vst v33;
	v33 =	vld [tilespmem:s19+$0x610]  }
0x35d: {  	[tilespmem:s19+$0x14020] =	vst v6  }
0x35e: {  	v6 =	vbroadcast v21, $0x1;
	[tilespmem:$0x1EF30] =	vst v39  }
0x35f: {  	v39 =	vld [tilespmem:s19+$0x620];
	[tilespmem:$0x1EF60] =	vst v38  }
0x360: {  	[tilespmem:$0x1EF70] =	vst v36;
	v38 =	vld [tilespmem:s19+$0x640];
	v36 =	vmul.f32 v30, v6  }
0x361: {  	v30 =	vmul.f32 v25, v6;
	v32 =	vmul.f32 v26, v6;
	v26 =	vld [tilespmem:s19+$0x690];
	[tilespmem:$0x1EF20] =	vst v33  }
0x362: {  	[tilespmem:s19+$0x14080] =	vst v36;
	v33 =	vld [tilespmem:s19+$0x8660]  }
0x363: {  	[tilespmem:s19+$0x140A0] =	vst v30;
	v36 =	vmul.f32 v20, v6;
	v20 =	vld [tilespmem:s19+$0x8680]  }
0x364: {  	v30 =	vld [tilespmem:s19+$0x8690];
	[tilespmem:$0x1EF40] =	vst v39  }
0x365: {  	v39 =	vld [tilespmem:s19+$0x8620];
	[tilespmem:$0x1EF80] =	vst v38;
	v38 =	vmul.f32 v31, v6  }
0x366: {  	v31 =	vld [tilespmem:s19+$0x660];
	[tilespmem:$0x1F020] =	vst v26  }
0x367: {  	v26 =	vld [tilespmem:$0x1F9F0];
	[tilespmem:s19+$0x14090] =	vst v38  }
0x368: {  	v38 =	vmul.f32 v17, v6;
	v17 =	vld [tilespmem:s19+$0x6B0];
	[tilespmem:$0x1EFD0] =	vst v33  }
0x369: {  	[tilespmem:$0x1F030] =	vst v30;
	v33 =	vld [tilespmem:s19+$0x6A0]  }
0x36a: {  	v30 =	vld [tilespmem:s19+$0x6C0];
	[tilespmem:s19+$0x140E0] =	vst v38  }
0x36b: {  	v38 =	vld [tilespmem:$0x1F9A0];
	[tilespmem:$0x1EF50] =	vst v39;
	v39 =	vmul.f32 v37, v1  }
0x36c: {  	v37 =	vmul.f32 v34, v1;
	v1 =	vmul.f32 v35, v1;
	v35 =	vld [tilespmem:s19+$0x670]  }
0x36d: {  	v34 =	vmul.f32 v18, v6;
	v18 =	vld [tilespmem:$0x1F9C0]  }
0x36e: {  	[tilespmem:s19+$0x140B0] =	vst v32;
	v6 =	vmul.f32 v19, v6;
	v19 =	vld [tilespmem:$0x1F9D0]  }
0x36f: {  	[tilespmem:$0x1EFC0] =	vst v31;
	v31 =	vadd.f32 v15, v24;
	v24 =	vld [tilespmem:s19+$0x86B0]  }
0x370: {  	v15 =	vld [tilespmem:s19+$0x86D0];
	[tilespmem:s19+$0x14050] =	vst v39  }
0x371: {  	[tilespmem:s19+$0x14060] =	vst v37;
	v39 =	vld [tilespmem:s19+$0x8640]  }
0x372: {  	[tilespmem:s19+$0x14070] =	vst v1;
	v37 =	vld [tilespmem:s19+$0x650]  }
0x373: {  	[tilespmem:s19+$0x140C0] =	vst v34;
	v34 =	vld [tilespmem:$0x1F980]  }
0x374: {  	[tilespmem:$0x1F060] =	vst v17;
	v17 =	vld [tilespmem:$0x1FA60]  }
0x375: {  	v1 =	vbroadcast v21, $0x2;
	[tilespmem:$0x1F040] =	vst v33;
	v33 =	vld [tilespmem:s19+$0x86C0]  }
0x376: {  	[tilespmem:$0x1F080] =	vst v30;
	v30 =	vld [tilespmem:$0x1FAB0]  }
0x377: {  	[tilespmem:s19+$0x140D0] =	vst v36;
	v36 =	vmul.f32 v31, v1;
	v31 =	vld [tilespmem:$0x1FA00]  }
0x378: {  	v11 =	vadd.f32 v28, v11;
	v25 =	vmul.f32 v43, v1;
	[tilespmem:$0x1EFE0] =	vst v35;
	v35 =	vld [tilespmem:$0x1F990]  }
0x379: {  	[tilespmem:$0x1EF90] =	vst v39;
	v39 =	vld [tilespmem:s19+$0x8650]  }
0x37a: {  	v32 =	vmul.f32 v11, v1;
	[tilespmem:s19+$0x14100] =	vst v25;
	v25 =	vld [tilespmem:$0x1F9E0]  }
0x37b: {  	[tilespmem:$0x1EFA0] =	vst v37;
	v37 =	vld [tilespmem:s19+$0x8670]  }
0x37c: {  	[tilespmem:s19+$0x14120] =	vst v32;
	v32 =	vld [tilespmem:$0x1FA10]  }
0x37d: {  	v11 =	vadd.f32 v35, v34;
	v34 =	vld [tilespmem:$0x1FA20]  }
0x37e: {  	v9 =	vadd.f32 v12, v9;
	[tilespmem:$0x1EFB0] =	vst v39;
	v39 =	vld [tilespmem:s19+$0x680]  }
0x37f: {  	v35 =	vld [tilespmem:$0x1FA30]  }
0x380: {  	v28 =	vmul.f32 v9, v1;
	[tilespmem:$0x1EFF0] =	vst v37;
	v37 =	vld [tilespmem:s19+$0x86A0];
	v43 =	vmul.f32 v11, v1;
	v11 =	vadd.f32 v19, v18  }
0x381: {  	v18 =	vld [tilespmem:$0x1FA70]  }
0x382: {  	[tilespmem:s19+$0x14110] =	vst v28;
	v28 =	vmul.f32 v11, v1;
	v11 =	vadd.f32 v32, v31;
	v31 =	vld [tilespmem:s19+$0x86F0]  }
0x383: {  	[tilespmem:$0x1F000] =	vst v39;
	v39 =	vld [tilespmem:$0x1F9B0]  }
0x384: {  	[tilespmem:s19+$0x14160] =	vst v28;
	v28 =	vld [tilespmem:$0x1FAA0]  }
0x385: {  	[tilespmem:$0x1F050] =	vst v37;
	v37 =	vld [tilespmem:s19+$0x6D0]  }
0x386: {  	v32 =	vadd.f32 v52, v30;
	v52 =	vld [tilespmem:$0x1FAE0]  }
0x387: {  	v30 =	vld [tilespmem:s19+$0x790]  }
0x388: {  	[tilespmem:$0x1F010] =	vst v20;
	v9 =	vadd.f32 v39, v38;
	v38 =	vld [tilespmem:$0x1FA40]  }
0x389: {  	[tilespmem:s19+$0x140F0] =	vst v6;
	v6 =	vbroadcast v21, $0x3;
	v12 =	vadd.f32 v23, v28;
	v39 =	vld [tilespmem:$0x1FA50]  }
0x38a: {  	[tilespmem:$0x1F0A0] =	vst v37;
	v37 =	vld [tilespmem:s19+$0x750]  }
0x38b: {  	[tilespmem:$0x1F090] =	vst v33;
	v33 =	vmul.f32 v12, v6;
	v20 =	vmul.f32 v9, v1;
	v9 =	vadd.f32 v26, v25;
	v26 =	vld [tilespmem:s19+$0x6E0]  }
0x38c: {  	v25 =	vld [tilespmem:$0x1FA90]  }
0x38d: {  	[tilespmem:s19+$0x141E0] =	vst v33;
	v33 =	vld [tilespmem:$0x1FB20]  }
0x38e: {  	[tilespmem:s19+$0x14150] =	vst v20;
	v20 =	vld [tilespmem:$0x1FA80]  }
0x38f: {  	v1 =	vmul.f32 v9, v1;
	v9 =	vadd.f32 v35, v34;
	v34 =	vld [tilespmem:$0x1FAC0]  }
0x390: {  	[tilespmem:s19+$0x14130] =	vst v36;
	v36 =	vmul.f32 v11, v6;
	v11 =	vadd.f32 v39, v38;
	v39 =	vadd.f32 v22, v50;
	v50 =	vld [tilespmem:$0x1FAD0]  }
0x391: {  	v22 =	vld [tilespmem:$0x1FB00]  }
0x392: {  	[tilespmem:$0x1F0B0] =	vst v15;
	v38 =	vadd.f32 v44, v40;
	v40 =	vld [tilespmem:$0x1FB30]  }
0x393: {  	[tilespmem:s19+$0x14140] =	vst v43;
	v15 =	vmul.f32 v32, v6;
	v35 =	vbroadcast v21, $0x4;
	v44 =	vadd.f32 v29, v57;
	v29 =	vld [tilespmem:s19+$0x8770]  }
0x394: {  	[tilespmem:s19+$0x14170] =	vst v1;
	v43 =	vmul.f32 v9, v6;
	v9 =	vadd.f32 v18, v17;
	v1 =	vld [tilespmem:s19+$0x6F0]  }
0x395: {  	[tilespmem:s19+$0x141F0] =	vst v15;
	v15 =	vmul.f32 v39, v35;
	v39 =	vld [tilespmem:s19+$0x740]  }
0x396: {  	[tilespmem:$0x1F070] =	vst v24;
	v24 =	vmul.f32 v9, v6;
	v9 =	vadd.f32 v27, v25;
	v27 =	vld [tilespmem:s19+$0x710]  }
0x397: {  	[tilespmem:s19+$0x14190] =	vst v43;
	v43 =	vld [tilespmem:s19+$0x8710]  }
0x398: {  	v17 =	vadd.f32 v42, v33;
	v33 =	vld [tilespmem:$0x1FBF0]  }
0x399: {  	v19 =	vmul.f32 v11, v6;
	v11 =	vadd.f32 v41, v20;
	v41 =	vld [tilespmem:s19+$0x86E0]  }
0x39a: {  	v12 =	vadd.f32 v53, v34;
	v53 =	vld [tilespmem:$0x1FAF0]  }
0x39b: {  	v34 =	vld [tilespmem:s19+$0x8740]  }
0x39c: {  	[tilespmem:s19+$0x14220] =	vst v15;
	v15 =	vadd.f32 v8, v52;
	v52 =	vld [tilespmem:$0x1FB50]  }
0x39d: {  	[tilespmem:s19+$0x141A0] =	vst v19;
	v19 =	vld [tilespmem:$0x1FB90]  }
0x39e: {  	v20 =	vld [tilespmem:$0x1FBA0]  }
0x39f: {  	v25 =	vbroadcast v21, $0x5;
	[tilespmem:s19+$0x141B0] =	vst v24;
	v24 =	vld [tilespmem:$0x1FB10]  }
0x3a0: {  	v18 =	vadd.f32 v48, v50;
	v48 =	vld [tilespmem:$0x1FB40]  }
0x3a1: {  	v42 =	vmul.f32 v17, v25;
	v17 =	vld [tilespmem:$0x1FB80]  }
0x3a2: {  	v9 =	vmul.f32 v9, v6;
	v3 =	vadd.f32 v3, v22;
	v22 =	vld [tilespmem:$0x1FBB0]  }
0x3a3: {  	v11 =	vmul.f32 v11, v6;
	v6 =	vld [tilespmem:s19+$0x8700]  }
0x3a4: {  	[tilespmem:s19+$0x141D0] =	vst v9;
	v9 =	vmul.f32 v38, v35;
	v38 =	vld [tilespmem:s19+$0x8750]  }
0x3a5: {  	v12 =	vmul.f32 v12, v35;
	[tilespmem:s19+$0x14290] =	vst v42;
	v42 =	vld [tilespmem:$0x1FC20]  }
0x3a6: {  	[tilespmem:s19+$0x141C0] =	vst v11;
	v11 =	vld [tilespmem:s19+$0x700]  }
0x3a7: {  	[tilespmem:s19+$0x14200] =	vst v12;
	v12 =	vmul.f32 v44, v35;
	v44 =	vld [tilespmem:s19+$0x8720]  }
0x3a8: {  	v3 =	vmul.f32 v3, v35;
	[tilespmem:s19+$0x14210] =	vst v9;
	v9 =	vld [tilespmem:s19+$0x720]  }
0x3a9: {  	v57 =	vadd.f32 v61, v53;
	v61 =	vmul.f32 v15, v35;
	v15 =	vld [tilespmem:s19+$0x8730]  }
0x3aa: {  	[tilespmem:s19+$0x14270] =	vst v3;
	v3 =	vld [tilespmem:s19+$0x770]  }
0x3ab: {  	v5 =	vadd.f32 v5, v19;
	v19 =	vld [tilespmem:s19+$0x87B0]  }
0x3ac: {  	v4 =	vadd.f32 v4, v52;
	v52 =	vld [tilespmem:$0x1FC50]  }
0x3ad: {  	[tilespmem:s19+$0x14230] =	vst v12;
	v12 =	vld [tilespmem:s19+$0x730]  }
0x3ae: {  	v13 =	vadd.f32 v13, v24;
	v24 =	vld [tilespmem:$0x1FBD0]  }
0x3af: {  	v14 =	vadd.f32 v14, v17;
	v17 =	vld [tilespmem:s19+$0x8790]  }
0x3b0: {  	v10 =	vadd.f32 v10, v48;
	v48 =	vld [tilespmem:$0x1FC30]  }
0x3b1: {  	v23 =	vmul.f32 v57, v35;
	v57 =	vld [tilespmem:$0x1FB60]  }
0x3b2: {  	[tilespmem:s19+$0x14250] =	vst v61;
	v61 =	vld [tilespmem:$0x1FB70]  }
0x3b3: {  	v53 =	vmul.f32 v10, v25;
	v10 =	vld [tilespmem:s19+$0x8760]  }
0x3b4: {  	v18 =	vmul.f32 v18, v35;
	v35 =	vmul.f32 v13, v25;
	v13 =	vadd.f32 v2, v40;
	v40 =	vld [tilespmem:$0x1FC10]  }
0x3b5: {  	v2 =	vadd.f32 v58, v51;
	v58 =	vld [tilespmem:$0x1FFA0]  }
0x3b6: {  	v4 =	vmul.f32 v4, v25;
	v51 =	vadd.f32 v49, v47;
	v47 =	vld [tilespmem:$0x1EDF0]  }
0x3b7: {  	v49 =	vld [tilespmem:$0x1EE10]  }
0x3b8: {  	[tilespmem:s19+$0x142C0] =	vst v4;
	v4 =	vld [tilespmem:s19+$0x780]  }
0x3b9: {  	[tilespmem:s19+$0x14260] =	vst v23;
	v23 =	vld [tilespmem:$0x1FBC0]  }
0x3ba: {  	v50 =	vmul.f32 v13, v25;
	v13 =	vld [tilespmem:s19+$0x760]  }
0x3bb: {  	v8 =	vmul.f32 v14, v25;
	v14 =	vbroadcast v21, $0x6;
	[tilespmem:s19+$0x14280] =	vst v35;
	v35 =	vld [tilespmem:$0x1FC00]  }
0x3bc: {  	[tilespmem:s19+$0x142B0] =	vst v53;
	v53 =	vld [tilespmem:$0x1FC60]  }
0x3bd: {  	v5 =	vmul.f32 v5, v14;
	[tilespmem:s19+$0x142A0] =	vst v50;
	v50 =	vld [tilespmem:$0x1FC40]  }
0x3be: {  	v16 =	vadd.f32 v16, v61;
	v61 =	vld [tilespmem:$0x1FC70]  }
0x3bf: {  	v0 =	vadd.f32 v0, v57;
	[tilespmem:s19+$0x14300] =	vst v5;
	v5 =	vadd.f32 v42, v40;
	v40 =	vld [tilespmem:$0x1FCE0]  }
0x3c0: {  	[tilespmem:s19+$0x14240] =	vst v18;
	v18 =	vmul.f32 v16, v25;
	v16 =	vld [tilespmem:s19+$0x8780]  }
0x3c1: {  	v0 =	vmul.f32 v0, v25;
	v25 =	vld [tilespmem:$0x1FBE0]  }
0x3c2: {  	[tilespmem:s19+$0x142F0] =	vst v8;
	v8 =	vadd.f32 v24, v23;
	v23 =	vld [tilespmem:$0x1FC90]  }
0x3c3: {  	v24 =	vld [tilespmem:$0x1FCA0]  }
0x3c4: {  	[tilespmem:s19+$0x142E0] =	vst v18;
	v18 =	vld [tilespmem:s19+$0x87A0]  }
0x3c5: {  	[tilespmem:s19+$0x142D0] =	vst v0;
	v0 =	vadd.f32 v22, v20;
	v20 =	vld [tilespmem:s19+$0x7C0]  }
0x3c6: {  	v22 =	vld [tilespmem:$0x1FC80]  }
0x3c7: {  	v32 =	vmul.f32 v8, v14;
	v8 =	vadd.f32 v50, v48;
	v48 =	vld [tilespmem:$0x1FCF0]  }
0x3c8: {  	v50 =	vld [tilespmem:$0x1FD00]  }
0x3c9: {  	v5 =	vmul.f32 v5, v14;
	[tilespmem:s19+$0x14320] =	vst v32;
	v32 =	vld [tilespmem:$0x1FCB0]  }
0x3ca: {  	[tilespmem:s19+$0x14180] =	vst v36;
	v0 =	vmul.f32 v0, v14;
	v28 =	vadd.f32 v7, v25;
	v25 =	vld [tilespmem:s19+$0x7A0]  }
0x3cb: {  	[tilespmem:s19+$0x14350] =	vst v5;
	v7 =	vadd.f32 v35, v33;
	v57 =	vmul.f32 v8, v14;
	v33 =	vld [tilespmem:$0x1FCC0]  }
0x3cc: {  	[tilespmem:s19+$0x14310] =	vst v0;
	v0 =	vld [tilespmem:s19+$0x7B0];
	v36 =	vmul.f32 v28, v14  }
0x3cd: {  	v7 =	vmul.f32 v7, v14;
	v8 =	vadd.f32 v22, v61;
	[tilespmem:s19+$0x14360] =	vst v57;
	v22 =	vld [tilespmem:s19+$0x87C0]  }
0x3ce: {  	v5 =	vbroadcast v21, $0x7;
	[tilespmem:s19+$0x14330] =	vst v36;
	v36 =	vld [tilespmem:$0x1FCD0]  }
0x3cf: {  	v57 =	vld [tilespmem:$0x1FD20];
	[tilespmem:s19+$0x14340] =	vst v7;
	v7 =	vadd.f32 v53, v52  }
0x3d0: {  	v28 =	vmul.f32 v8, v5;
	v53 =	vld [tilespmem:$0x1FD10];
	v8 =	vadd.f32 v33, v32  }
0x3d1: {  	v32 =	vld [tilespmem:s19+$0x7E0];
	v7 =	vmul.f32 v7, v14;
	v14 =	vadd.f32 v24, v23  }
0x3d2: {  	v42 =	vmul.f32 v8, v5;
	v8 =	vadd.f32 v50, v48;
	v48 =	vld [tilespmem:$0x1FD60]  }
0x3d3: {  	v35 =	vmul.f32 v14, v5;
	v14 =	vadd.f32 v40, v36;
	v36 =	vld [tilespmem:$0x1FD30]  }
0x3d4: {  	v40 =	vld [tilespmem:$0x1FD40]  }
0x3d5: {  	[tilespmem:s19+$0x143A0] =	vst v42;
	v42 =	vld [tilespmem:$0x1FD50]  }
0x3d6: {  	v61 =	vmul.f32 v8, v5;
	v52 =	vmul.f32 v14, v5;
	v14 =	vadd.f32 v57, v53;
	v53 =	vld [tilespmem:$0x1FD80]  }
0x3d7: {  	v57 =	vld [tilespmem:$0x1FD90]  }
0x3d8: {  	[tilespmem:s19+$0x143C0] =	vst v61;
	v61 =	vld [tilespmem:$0x1FDA0]  }
0x3d9: {  	[tilespmem:s19+$0x143B0] =	vst v52;
	v50 =	vmul.f32 v14, v5;
	v52 =	vld [tilespmem:$0x1FD70]  }
0x3da: {  	[tilespmem:s19+$0x14380] =	vst v28;
	v28 =	vadd.f32 v48, v42;
	v48 =	vld [tilespmem:$0x1FDB0]  }
0x3db: {  	[tilespmem:s19+$0x143D0] =	vst v50;
	v50 =	vld [tilespmem:$0x1FDC0]  }
0x3dc: {  	v33 =	vld [tilespmem:s19+$0x87E0]  }
0x3dd: {  	v8 =	vadd.f32 v40, v36;
	v40 =	vbroadcast v21, $0x8;
	v42 =	vadd.f32 v61, v57;
	v57 =	vld [tilespmem:$0x1FDE0]  }
0x3de: {  	v14 =	vadd.f32 v53, v52;
	v53 =	vld [tilespmem:$0x1FDD0]  }
0x3df: {  	v61 =	vmul.f32 v42, v40;
	v42 =	vld [tilespmem:$0x1FDF0]  }
0x3e0: {  	[tilespmem:s19+$0x14370] =	vst v7;
	v7 =	vadd.f32 v50, v48;
	v52 =	vmul.f32 v14, v40;
	v48 =	vld [tilespmem:$0x1FE00]  }
0x3e1: {  	v50 =	vld [tilespmem:$0x1FE10]  }
0x3e2: {  	[tilespmem:s19+$0x14400] =	vst v52;
	v52 =	vld [tilespmem:$0x1FE20]  }
0x3e3: {  	v23 =	vld [tilespmem:s19+$0x7D0]  }
0x3e4: {  	[tilespmem:s19+$0x14410] =	vst v61;
	v61 =	vld [tilespmem:$0x1FE40]  }
0x3e5: {  	v8 =	vmul.f32 v8, v5;
	v14 =	vadd.f32 v57, v53;
	v57 =	vld [tilespmem:$0x1FE30]  }
0x3e6: {  	v5 =	vmul.f32 v28, v5;
	v28 =	vadd.f32 v48, v42;
	v48 =	vld [tilespmem:$0x1FE50]  }
0x3e7: {  	[tilespmem:s19+$0x143E0] =	vst v8;
	v53 =	vmul.f32 v14, v40;
	v8 =	vadd.f32 v52, v50;
	v50 =	vld [tilespmem:$0x1FE60]  }
0x3e8: {  	v24 =	vld [tilespmem:s19+$0x87D0]  }
0x3e9: {  	[tilespmem:s19+$0x14430] =	vst v53;
	v53 =	vld [tilespmem:$0x1FE70];
	v52 =	vmul.f32 v8, v40  }
0x3ea: {  	v14 =	vadd.f32 v61, v57;
	v57 =	vld [tilespmem:$0x1FE80]  }
0x3eb: {  	[tilespmem:s19+$0x14450] =	vst v52;
	v52 =	vld [tilespmem:$0x1FEB0]  }
0x3ec: {  	v42 =	vmul.f32 v28, v40;
	v61 =	vmul.f32 v14, v40;
	v28 =	vadd.f32 v50, v48;
	v48 =	vld [tilespmem:$0x1FE90]  }
0x3ed: {  	v50 =	vld [tilespmem:$0x1FEA0]  }
0x3ee: {  	[tilespmem:s19+$0x14460] =	vst v61;
	v61 =	vld [tilespmem:$0x1FED0]  }
0x3ef: {  	v8 =	vadd.f32 v57, v53;
	v53 =	vld [tilespmem:$0x1FEC0]  }
0x3f0: {  	v7 =	vmul.f32 v7, v40;
	v28 =	vmul.f32 v28, v40;
	v40 =	vld [tilespmem:$0x1FEE0]  }
0x3f1: {  	[tilespmem:s19+$0x14390] =	vst v35;
	v35 =	vld [tilespmem:s19+$0x7F0]  }
0x3f2: {  	v36 =	vld [tilespmem:s19+$0x87F0]  }
0x3f3: {  	[tilespmem:s19+$0x14440] =	vst v42;
	v14 =	vbroadcast v21, $0x9;
	v42 =	vadd.f32 v50, v48;
	v50 =	vld [tilespmem:$0x1FEF0]  }
0x3f4: {  	[tilespmem:s19+$0x143F0] =	vst v5;
	v5 =	vadd.f32 v53, v52;
	v52 =	vld [tilespmem:$0x1FF00]  }
0x3f5: {  	v57 =	vmul.f32 v8, v14;
	v53 =	vld [tilespmem:$0x1FF10];
	v8 =	vadd.f32 v40, v61  }
0x3f6: {  	v48 =	vmul.f32 v42, v14;
	v61 =	vadd.f32 v59, v56;
	v59 =	vadd.f32 v58, v63;
	v63 =	vld [tilespmem:$0x1EDC0]  }
0x3f7: {  	v42 =	vld [tilespmem:$0x1EDD0]  }
0x3f8: {  	[tilespmem:s19+$0x14490] =	vst v48;
	v48 =	vadd.f32 v54, v46;
	v54 =	vld [tilespmem:$0x1FF60]  }
0x3f9: {  	[tilespmem:s19+$0x14470] =	vst v28;
	v28 =	vbroadcast v21, $0xA;
	v46 =	vld [tilespmem:$0x1EDE0]  }
0x3fa: {  	v40 =	vadd.f32 v52, v50;
	v50 =	vmul.f32 v61, v14;
	v61 =	vld [tilespmem:$0x1FFD0]  }
0x3fb: {  	[tilespmem:s19+$0x14480] =	vst v57;
	v57 =	vadd.f32 v53, v62;
	v53 =	vmul.f32 v48, v28;
	v48 =	vld [tilespmem:$0x1EE00]  }
0x3fc: {  	v52 =	vadd.f32 v60, v45;
	v45 =	vmul.f32 v59, v28;
	v59 =	vld [tilespmem:$0x1EE80]  }
0x3fd: {  	[tilespmem:s19+$0x14420] =	vst v7;
	v7 =	vmul.f32 v57, v14;
	v57 =	vmul.f32 v51, v28;
	v51 =	vld [tilespmem:$0x1EE20]  }
0x3fe: {  	v60 =	vmul.f32 v52, v28;
	v52 =	vld [tilespmem:$0x1EE30]  }
0x3ff: {  	[tilespmem:s19+$0x14500] =	vst v53;
	v53 =	vld [tilespmem:$0x1EE40]  }
0x400: {  	v8 =	vmul.f32 v8, v14;
	[tilespmem:s19+$0x14540] =	vst v45;
	v45 =	vld [tilespmem:$0x1EED0]  }
0x401: {  	v62 =	vmul.f32 v40, v14;
	v56 =	vadd.f32 v54, v55;
	v54 =	vld [tilespmem:$0x1EE50]  }
0x402: {  	[tilespmem:s19+$0x144B0] =	vst v8;
	v40 =	vadd.f32 v47, v46;
	v47 =	vld [tilespmem:$0x1EEE0]  }
0x403: {  	[tilespmem:s19+$0x144C0] =	vst v62;
	v62 =	vld [tilespmem:$0x1EDB0]  }
0x404: {  	v5 =	vmul.f32 v5, v14;
	v14 =	vmul.f32 v2, v14;
	[tilespmem:s19+$0x14510] =	vst v57;
	v57 =	vld [tilespmem:$0x1EE70]  }
0x405: {  	[tilespmem:s19+$0x14520] =	vst v60;
	v60 =	vld [tilespmem:$0x1EE90]  }
0x406: {  	[tilespmem:s19+$0x144F0] =	vst v14;
	v14 =	vadd.f32 v42, v63;
	v63 =	vld [tilespmem:$0x1EEB0];
	v8 =	vmul.f32 v56, v28  }
0x407: {  	v56 =	vld [tilespmem:$0x1EE60]  }
0x408: {  	[tilespmem:s19+$0x14530] =	vst v8;
	v8 =	vadd.f32 v49, v48;
	v48 =	vld [tilespmem:$0x1EEF0]  }
0x409: {  	[tilespmem:s19+$0x144E0] =	vst v50;
	v50 =	vmul.f32 v14, v28;
	v49 =	vld [tilespmem:$0x1EF00]  }
0x40a: {  	v42 =	vadd.f32 v52, v51;
	v52 =	vld [tilespmem:$0x1EF20]  }
0x40b: {  	v14 =	vbroadcast v21, $0xB;
	[tilespmem:s19+$0x14560] =	vst v50;
	v50 =	vld [tilespmem:$0x1EF10]  }
0x40c: {  	v26 =	vadd.f32 v41, v26;
	v41 =	vbroadcast v21, $0xE;
	[tilespmem:s19+$0x144D0] =	vst v7;
	v7 =	vadd.f32 v62, v61;
	v62 =	vld [tilespmem:$0x1EEA0]  }
0x40d: {  	v6 =	vadd.f32 v6, v11;
	v55 =	vmul.f32 v8, v14;
	v58 =	vmul.f32 v42, v14;
	v42 =	vld [tilespmem:$0x1EEC0]  }
0x40e: {  	v8 =	vadd.f32 v57, v56;
	v57 =	vld [tilespmem:$0x1EF60]  }
0x40f: {  	v3 =	vadd.f32 v29, v3;
	v6 =	vmul.f32 v6, v41;
	[tilespmem:s19+$0x14580] =	vst v55;
	v55 =	vld [tilespmem:$0x1EF50]  }
0x410: {  	v7 =	vmul.f32 v7, v28;
	[tilespmem:s19+$0x14590] =	vst v58;
	v58 =	vld [tilespmem:$0x1EF70]  }
0x411: {  	v3 =	vmul.f32 v3, v41;
	[tilespmem:s19+$0x14700] =	vst v6;
	v28 =	vmul.f32 v40, v28;
	v40 =	vadd.f32 v60, v59;
	v60 =	vld [tilespmem:$0x1EF80]  }
0x412: {  	[tilespmem:s19+$0x14550] =	vst v7;
	v7 =	vadd.f32 v54, v53;
	v53 =	vld [tilespmem:$0x1EF30]  }
0x413: {  	v44 =	vadd.f32 v44, v9;
	[tilespmem:s19+$0x14770] =	vst v3;
	v54 =	vld [tilespmem:$0x1EF40]  }
0x414: {  	[tilespmem:s19+$0x144A0] =	vst v5;
	v8 =	vmul.f32 v8, v14;
	v46 =	vmul.f32 v40, v14;
	v40 =	vadd.f32 v48, v47;
	v48 =	vld [tilespmem:$0x1EFE0]  }
0x415: {  	v5 =	vmul.f32 v44, v41;
	[tilespmem:s19+$0x14570] =	vst v28;
	v28 =	vadd.f32 v45, v42;
	v45 =	vld [tilespmem:$0x1EFC0]  }
0x416: {  	[tilespmem:s19+$0x145B0] =	vst v8;
	v8 =	vadd.f32 v50, v49;
	v49 =	vld [tilespmem:$0x1EFF0]  }
0x417: {  	[tilespmem:s19+$0x14720] =	vst v5;
	v50 =	vld [tilespmem:$0x1F000];
	v61 =	vmul.f32 v7, v14;
	v7 =	vadd.f32 v63, v62  }
0x418: {  	[tilespmem:s19+$0x145C0] =	vst v46;
	v63 =	vld [tilespmem:$0x1EFA0];
	v51 =	vmul.f32 v28, v14  }
0x419: {  	v46 =	vld [tilespmem:$0x1EFD0];
	v28 =	vbroadcast v21, $0xC;
	[tilespmem:s19+$0x145A0] =	vst v61;
	v7 =	vmul.f32 v7, v14  }
0x41a: {  	v14 =	vmul.f32 v40, v14;
	v61 =	vld [tilespmem:$0x1EF90];
	v42 =	vadd.f32 v53, v52;
	[tilespmem:s19+$0x145E0] =	vst v51  }
0x41b: {  	v56 =	vmul.f32 v8, v28;
	v8 =	vadd.f32 v58, v57;
	v51 =	vld [tilespmem:$0x1F010];
	[tilespmem:s19+$0x145D0] =	vst v7  }
0x41c: {  	v1 =	vadd.f32 v31, v1;
	v52 =	vbroadcast v21, $0xD;
	v53 =	vld [tilespmem:$0x1F020];
	[tilespmem:s19+$0x145F0] =	vst v14;
	v59 =	vmul.f32 v42, v28  }
0x41d: {  	v43 =	vadd.f32 v43, v27;
	v57 =	vld [tilespmem:$0x1F060];
	[tilespmem:s19+$0x14600] =	vst v56;
	v8 =	vmul.f32 v8, v28  }
0x41e: {  	v58 =	vld [tilespmem:$0x1F070];
	v7 =	vadd.f32 v55, v54;
	v1 =	vmul.f32 v1, v52;
	[tilespmem:s19+$0x14610] =	vst v59  }
0x41f: {  	v54 =	vld [tilespmem:$0x1F030];
	v14 =	vadd.f32 v46, v45;
	v46 =	vmul.f32 v43, v41;
	[tilespmem:s19+$0x14630] =	vst v8  }
0x420: {  	v42 =	vld [tilespmem:$0x1EFB0];
	v62 =	vmul.f32 v7, v28;
	v40 =	vadd.f32 v61, v60;
	[tilespmem:s19+$0x146F0] =	vst v1  }
0x421: {  	v45 =	vadd.f32 v15, v12;
	v14 =	vmul.f32 v14, v28;
	[tilespmem:s19+$0x14710] =	vst v46  }
0x422: {  	v55 =	vld [tilespmem:$0x1F040];
	[tilespmem:s19+$0x14620] =	vst v62;
	v8 =	vadd.f32 v51, v50;
	v47 =	vmul.f32 v40, v28  }
0x423: {  	v56 =	vld [tilespmem:$0x1F050];
	v50 =	vadd.f32 v10, v13;
	v40 =	vadd.f32 v49, v48;
	[tilespmem:s19+$0x14660] =	vst v14;
	v49 =	vmul.f32 v45, v41  }
0x424: {  	v60 =	vld [tilespmem:$0x1F080];
	v14 =	vadd.f32 v58, v57;
	v48 =	vadd.f32 v38, v37;
	v8 =	vmul.f32 v8, v52;
	[tilespmem:s19+$0x14640] =	vst v47  }
0x425: {  	v61 =	vld [tilespmem:$0x1F090];
	v7 =	vadd.f32 v42, v63;
	v42 =	vadd.f32 v54, v53;
	v53 =	vmul.f32 v50, v41;
	[tilespmem:s19+$0x14730] =	vst v49  }
0x426: {  	v62 =	vld [tilespmem:$0x1F0A0];
	v14 =	vmul.f32 v14, v52;
	[tilespmem:s19+$0x14680] =	vst v8  }
0x427: {  	v63 =	vld [tilespmem:$0x1F0B0];
	v51 =	vmul.f32 v48, v41;
	[tilespmem:s19+$0x14760] =	vst v53  }
0x428: {  	v7 =	vmul.f32 v7, v28;
	[tilespmem:s19+$0x146B0] =	vst v14  }
0x429: {  	v28 =	vmul.f32 v40, v28;
	[tilespmem:s19+$0x14750] =	vst v51  }
0x42a: {  	v47 =	vadd.f32 v34, v39;
	v59 =	vmul.f32 v42, v52;
	[tilespmem:s19+$0x14650] =	vst v7  }
0x42b: {  	v40 =	vadd.f32 v61, v60;
	v42 =	vmul.f32 v26, v52;
	v7 =	vadd.f32 v56, v55;
	[tilespmem:s19+$0x14670] =	vst v28  }
0x42c: {  	v2 =	vmul.f32 v47, v41;
	[tilespmem:s19+$0x14690] =	vst v59;
	v8 =	vadd.f32 v63, v62  }
0x42d: {  	v40 =	vmul.f32 v40, v52;
	[tilespmem:s19+$0x146E0] =	vst v42;
	v7 =	vmul.f32 v7, v52  }
0x42e: {  	v4 =	vadd.f32 v16, v4;
	[tilespmem:s19+$0x14740] =	vst v2;
	v8 =	vmul.f32 v8, v52;
	v52 =	vbroadcast v21, $0xF  }
0x42f: {  	v54 =	vadd.f32 v17, v30;
	[tilespmem:s19+$0x146C0] =	vst v40  }
0x430: {  	v55 =	vadd.f32 v18, v25;
	[tilespmem:s19+$0x146A0] =	vst v7;
	v4 =	vmul.f32 v4, v52  }
0x431: {  	v0 =	vadd.f32 v19, v0;
	[tilespmem:s19+$0x146D0] =	vst v8;
	v56 =	vmul.f32 v54, v52  }
0x432: {  	v57 =	vadd.f32 v22, v20;
	v1 =	vmul.f32 v55, v52;
	[tilespmem:s19+$0x14780] =	vst v4  }
0x433: {  	v58 =	vadd.f32 v24, v23;
	v0 =	vmul.f32 v0, v52;
	[tilespmem:s19+$0x14790] =	vst v56  }
0x434: {  	v59 =	vadd.f32 v33, v32;
	v60 =	vmul.f32 v57, v52;
	[tilespmem:s19+$0x147A0] =	vst v1  }
0x435: {  	v61 =	vadd.f32 v36, v35;
	v62 =	vmul.f32 v58, v52;
	[tilespmem:s19+$0x147B0] =	vst v0  }
0x436: {  	v63 =	vmul.f32 v59, v52;
	[tilespmem:s19+$0x147C0] =	vst v60  }
0x437: {  	s18 =	sadd.s32 $0x1, s18;
	v2 =	vmul.f32 v61, v52;
	[tilespmem:s19+$0x147D0] =	vst v62  }
0x438: {  	p0 =	sne.s32 s18, s8;
	[tilespmem:s19+$0x147E0] =	vst v63  }
.Ltmp1:
0x439: {  	[tilespmem:s19+$0x147F0] =	vst v2;
	(pc) =	sbr.rel @p0 .LBB2_1-.Ltmp1, $4  }
0x43a: {  	[hbm4b:s7+s2] =	stream.linear.scatter [tilespmem:s16], [sflag:$0x5], $0x8000, $0x38;
	[tilespmem:$0x1C000] =	vst v63  }
0x43b: {  	_ =	swait.ge [sflag:s17], $0x8000  }
0x43c: {  	[sflag:s17] =	ssyncset.done $0x0  }
0x43d: {  	[sflag:s17] =	ssyncadd.s32 $0xFFFF8000  }
0x43e: {  	_ =	sfence.sel $0x180000  }
0x43f: {  	[bflag:$0x0] =	sbarrier.arrive $0xFFFF  }
0x440: {  	p0 =	sne.s32 s1, $0x0;
	_ =	strace $0x9000004A  }
0x441: {  	s0 =	sadd.s32 @!p0 $0x100000, s0;
	[bflag:$0x2] =	sbarrier.arrive $0xFFFF  }
0x442: {  	[sflag:s0] =	ssyncadd.tile.s32 @!p0 $0x1;
	_ =	shalt  }
.Lfunc_end2:
_tile_overlayer_lowered:
.L_overlay_start_2:
0x443: {  	(tag) =	ssettag $0x2  }
0x444: {  	s0 =	rddreg [dreg:$0x0];
	s2 =	stileid.u32  }
0x445: {  	s1 =	rddreg [dreg:$0x1];
	p0 =	sne.s32 s2, $0x0  }
0x446: {  	s3 =	rddreg [dreg:$0x2];
	[bflag:$0x3] =	sbarrier.arrive $0xFFFF;
	s2 =	simm.s32 @!p0 $0x1C05  }
0x447: {  	[timem:s3], [sflag:s2] =	dma.local @!p0 [hbm:s0], s1  }
0x448: {  	s0 =	simm.s32 @!p0 $0x5  }
0x449: {  	_ =	swait.ge @!p0 [sflag:s0], s1  }
0x44a: {  	s1 =	ssub.s32 @!p0 $0x0, s1;
	[sflag:s0] =	ssyncset.done @!p0 $0x0  }
0x44b: {  	[sflag:s0] =	ssyncadd.s32 @!p0 s1  }
0x44c: {  	[bflag:$0x3] =	sbarrier.arrive $0xFFFF  }
0x44d: {  	_ =	shalt  }

</sc_bundles>
